<compile_context>
chip_gen: v7x
topology: tpu7x:2x2x1
jax: 0.10.2.dev20260603
libtpu: 0.0.44.dev20260713+nightly
codegen_flags: <defaults>
</compile_context>

<pallas_src>
import functools

import jax
import jax.numpy as jnp
from jax import lax
from jax.experimental import pallas as pl
from jax.experimental.pallas import tpu as pltpu
from jax.experimental.pallas import tpu_sc as plsc

B = 16384
F = 100
D = 32
BPW = 512
TCW = BPW // 128
TBLK = TCW * 8 * 128
FPLANE = (D // 8) * (B // 128) * 8 * 128


NROW = 1000000
NTILE = NROW // 128
KFULL = 2 * NTILE // 64


def _build_detile(num_cores, num_subcores):
    mesh = plsc.VectorSubcoreMesh(core_axis_name="c", subcore_axis_name="s")

    @functools.partial(
        pl.kernel,
        mesh=mesh,
        out_type=jax.ShapeDtypeStruct((NROW * D,), jnp.float32),
        scratch_types=[
            pltpu.VMEM((D, 128), jnp.float32),
            pltpu.VMEM((D, 128), jnp.float32),
            pltpu.VMEM((128 * D,), jnp.float32),
            pltpu.VMEM((128 * D,), jnp.float32),
            pltpu.VMEM((D, 64), jnp.float32),
            pltpu.VMEM((64 * D,), jnp.float32),
            pltpu.SemaphoreType.DMA,
            pltpu.SemaphoreType.DMA,
            pltpu.SemaphoreType.DMA,
            pltpu.SemaphoreType.DMA,
        ],
        compiler_params=pltpu.CompilerParams(
            use_tc_tiling_on_sc=True, needs_layout_passes=False
        ),
    )
    def k(tabt_hbm, out_hbm, s0, s1, d0, d1, s64, d64, is0, is1, os0, os1):
        wid = lax.axis_index("s") * num_cores + lax.axis_index("c")
        S = (s0, s1)
        DD = (d0, d1)
        isem = (is0, is1)
        osem = (os0, os1)
        nw = num_cores * num_subcores

        iota16 = lax.iota(jnp.int32, 16)

        def chunk(kk):
            return wid + kk * nw

        def start_in(kk, p):
            c0 = pl.multiple_of(chunk(kk) * 128, 128)
            pltpu.async_copy(tabt_hbm.at[:, pl.ds(c0, 128)], S[p], isem[p])

        def wait_in(p):
            pltpu.make_async_copy(
                tabt_hbm.at[:, pl.ds(0, 128)], S[p], isem[p]
            ).wait()

        def start_out(kk, p):
            off = pl.multiple_of(chunk(kk) * (128 * D), 128 * D)
            pltpu.async_copy(DD[p], out_hbm.at[pl.ds(off, 128 * D)], osem[p])

        def wait_out(p):
            pltpu.make_async_copy(
                DD[p], out_hbm.at[pl.ds(0, 128 * D)], osem[p]
            ).wait()

        def transpose(src, dst, ncol):
            nblk = (D // 16) * (ncol // 16) * 16

            @plsc.parallel_loop(0, nblk, unroll=4)
            def body(i):
                s = i & 15
                cb = (i >> 4) & (ncol // 16 - 1)
                db = i >> 4 >> (ncol // 16).bit_length() - 1
                dvec = ((iota16 + s) & 15) + db * 16
                colv = cb * 16 + iota16
                v = plsc.load_gather(src, [dvec, colv])
                plsc.store_scatter(dst, [colv * D + dvec], v)

        def step(kk, p, *, prefetch):
            wait_in(p)
            wait_out(p)
            transpose(S[p], DD[p], 128)
            start_out(kk, p)
            if prefetch:
                start_in(kk + 2, p)

        start_in(0, 0)
        start_in(1, 1)
        wait_in(0)
        transpose(S[0], DD[0], 128)
        start_out(0, 0)
        start_in(2, 0)
        wait_in(1)
        transpose(S[1], DD[1], 128)
        start_out(1, 1)
        start_in(3, 1)

        def body(h, carry):
            step(2 * h, 0, prefetch=True)
            step(2 * h + 1, 1, prefetch=True)
            return carry

        lax.fori_loop(1, KFULL // 2 - 1, body, 0)

        step(KFULL - 2, 0, prefetch=False)
        step(KFULL - 1, 1, prefetch=False)
        wait_out(0)
        wait_out(1)

        @pl.when(wid < (NTILE - KFULL * nw))
        def _():
            c0 = pl.multiple_of((KFULL * nw + wid) * 128, 128)
            pltpu.sync_copy(tabt_hbm.at[:, pl.ds(c0, 128)], S[0])
            transpose(S[0], DD[0], 128)
            pltpu.sync_copy(DD[0], out_hbm.at[pl.ds(c0 * D, 128 * D)])

        @pl.when(wid == (NTILE - KFULL * nw))
        def _():
            pltpu.sync_copy(tabt_hbm.at[:, pl.ds(NTILE * 128, 64)], s64)
            transpose(s64, d64, 64)
            pltpu.sync_copy(d64, out_hbm.at[pl.ds(NTILE * 128 * D, 64 * D)])

    return k


def _build_call(num_cores, num_subcores):
    mesh = plsc.VectorSubcoreMesh(core_axis_name="c", subcore_axis_name="s")

    @functools.partial(
        pl.kernel,
        mesh=mesh,
        out_type=jax.ShapeDtypeStruct((F * FPLANE,), jnp.float32),
        scratch_types=[
            pltpu.VMEM((BPW, F), jnp.int32),
            pltpu.VMEM((BPW,), jnp.int32),
            pltpu.VMEM((BPW,), jnp.int32),
            pltpu.VMEM((BPW, D), jnp.float32),
            pltpu.VMEM((BPW, D), jnp.float32),
            pltpu.VMEM(((D // 8) * TBLK,), jnp.float32),
            pltpu.VMEM(((D // 8) * TBLK,), jnp.float32),
            pltpu.SemaphoreType.DMA,
            pltpu.SemaphoreType.DMA,
            pltpu.SemaphoreType.DMA,
            pltpu.SemaphoreType.DMA,
        ],
        compiler_params=pltpu.CompilerParams(
            use_tc_tiling_on_sc=False, needs_layout_passes=False
        ),
    )
    def k(x_hbm, tab_hbm, out_hbm, xblk, if0, if1, g0, g1, t0, t1, gs0, gs1, ws0, ws1):
        wid = lax.axis_index("s") * num_cores + lax.axis_index("c")
        b0 = pl.multiple_of(wid * BPW, BPW)
        tc0 = wid * TCW
        IF = (if0, if1)
        G = (g0, g1)
        T = (t0, t1)
        gsem = (gs0, gs1)
        wsem = (ws0, ws1)

        iota16 = lax.iota(jnp.int32, 16)

        def extract(f, p):
            dst = IF[p]
            fvec = iota16 * 0 + f

            for j in range(BPW // 16):
                rows = j * 16 + iota16
                v = plsc.load_gather(xblk, [rows, fvec])
                plsc.store_scatter(dst, [rows], v)

        def start_gather(p):
            pltpu.async_copy(tab_hbm.at[IF[p]], G[p], gsem[p])

        def wait_gather(p):
            pltpu.make_async_copy(tab_hbm.at[IF[p]], G[p], gsem[p]).wait()

        def start_write(f, p):
            for tr in range(D // 8):
                off = f * FPLANE + tr * (B // 128) * 1024 + tc0 * 1024
                pltpu.async_copy(
                    T[p].at[pl.ds(tr * TBLK, TBLK)],
                    out_hbm.at[pl.ds(off, TBLK)],
                    wsem[p],
                )

        def wait_write(p):
            for tr in range(D // 8):
                pltpu.make_async_copy(
                    T[p].at[pl.ds(tr * TBLK, TBLK)],
                    out_hbm.at[pl.ds(0, TBLK)],
                    wsem[p],
                ).wait()

        def transpose(p):
            g, t = G[p], T[p]

            @plsc.parallel_loop(0, 512, unroll=4)
            def body(i):
                s = i & 15
                r0 = i >> 4 << 4
                dp = (iota16 + s) & 15
                tb = (dp >> 3) * TBLK + (dp & 7) * 128 + iota16
                rows = r0 + iota16
                off = (r0 >> 7) * 1024 + (r0 & 127)
                lo = plsc.load_gather(g, [rows, dp])
                hi = plsc.load_gather(g, [rows, dp + 16])
                plsc.store_scatter(t, [tb + off], lo)
                plsc.store_scatter(t, [tb + (off + 2 * TBLK)], hi)

        def step(f, p, *, do_next_gather, do_wait_write):
            if do_next_gather:
                extract(f + 1, 1 - p)
                start_gather(1 - p)
            wait_gather(p)
            if do_wait_write:
                wait_write(p)
            transpose(p)
            start_write(f, p)

        pltpu.sync_copy(x_hbm.at[pl.ds(b0, BPW), :], xblk)
        extract(0, 0)
        start_gather(0)

        step(0, 0, do_next_gather=True, do_wait_write=False)
        step(1, 1, do_next_gather=True, do_wait_write=False)

        def body(h, carry):
            f = h * 2
            step(f, 0, do_next_gather=True, do_wait_write=True)
            step(f + 1, 1, do_next_gather=True, do_wait_write=True)
            return carry

        lax.fori_loop(1, F // 2 - 1, body, 0)

        step(F - 2, 0, do_next_gather=True, do_wait_write=True)
        step(F - 1, 1, do_next_gather=False, do_wait_write=True)

        wait_write(0)
        wait_write(1)

    return k


def kernel(x, table):
    info = plsc.get_sparse_core_info()
    tab_lin = _build_detile(info.num_cores, info.num_subcores)(
        jnp.transpose(table)
    )
    out1 = _build_call(info.num_cores, info.num_subcores)(
        x.astype(jnp.int32), jnp.reshape(tab_lin, (NROW, D))
    )
    out5 = jnp.reshape(out1, (F, D // 8, B // 128, 8, 128))
    return jnp.reshape(jnp.transpose(out5, (2, 4, 0, 1, 3)), (B, F, D))

# --- scband reference (transcript-rebuilt; emitter-appended) ---
"""Pipeline reference for scband-space-embedding-2525440770134 (READ-ONLY COPY).

The authoritative reference and input builder live on the scoring server;
editing this copy changes nothing except your own understanding.
"""

import jax, jax.numpy as jnp
import numpy as np

NUM_EMBEDDINGS = 1000000
EMBEDDING_DIM = 32
BATCH = 16384
FIELDS = 100

def setup_inputs(seed: int = 0) -> dict:
    key = jax.random.key(seed)
    k_idx, k_tab = jax.random.split(key)
    x = jax.random.randint(k_idx, (BATCH, FIELDS), 0, NUM_EMBEDDINGS, dtype=jnp.int64 if jax.config.jax_enable_x64 else jnp.int32)
    table = jax.random.normal(k_tab, (NUM_EMBEDDINGS, EMBEDDING_DIM), dtype=jnp.float32)
    return {"x": x, "table": table}

def reference(x, table):
    # nn.Embedding forward: gather rows of the table by index
    return jnp.take(table, x, axis=0)

if __name__ == "__main__":
    import jax
    _d = setup_inputs()
    print(jax.jit(kernel)(*tuple(_d.values())))

</pallas_src>

<mosaic_0001>
#map = affine_map<(d0, d1) -> (0, 0)>
#map1 = affine_map<(d0, d1) -> (0)>
module attributes {stable_mosaic.version = 14 : i64} {
  func.func @k(%arg0: i32, %arg1: i32, %arg2: memref<32x1000000xf32, #tpu.memory_space<hbm>>, %arg3: memref<32000000xf32, #tpu.memory_space<hbm>>, %arg4: memref<32x128xf32, #tpu.memory_space<vmem>>, %arg5: memref<32x128xf32, #tpu.memory_space<vmem>>, %arg6: memref<4096xf32, #tpu.memory_space<vmem>>, %arg7: memref<4096xf32, #tpu.memory_space<vmem>>, %arg8: memref<32x64xf32, #tpu.memory_space<vmem>>, %arg9: memref<2048xf32, #tpu.memory_space<vmem>>, %arg10: memref<!tpu.dma_semaphore, #tpu.memory_space<semaphore_mem>>, %arg11: memref<!tpu.dma_semaphore, #tpu.memory_space<semaphore_mem>>, %arg12: memref<!tpu.dma_semaphore, #tpu.memory_space<semaphore_mem>>, %arg13: memref<!tpu.dma_semaphore, #tpu.memory_space<semaphore_mem>>) attributes {dimension_semantics = [#tpu.dimension_semantics<core_parallel>, #tpu.dimension_semantics<subcore_parallel>], iteration_bounds = array<i64: 2, 16>, scalar_prefetch = 0 : i64, scratch_operands = 10 : i64, tpu.core_type = #tpu.core_type<sc_vector_subcore>, window_params = [{transform_indices = #map}, {transform_indices = #map1}]} {
    %mul3A = arith.constant 2 : i32
    %mul3A_0 = arith.muli %arg1, %mul3A : i32
    %add3A = arith.addi %mul3A_0, %arg0 : i32
    %iota3A = tpu.iota {dimensions = array<i32: 0>} : vector<16xi32>
    %add3A_1 = arith.constant 0 : i32
    %add3A_2 = arith.addi %add3A, %add3A_1 : i32
    %mul3A_3 = arith.constant 128 : i32
    %mul3A_4 = arith.muli %add3A_2, %mul3A_3 : i32
    %multiple_of3A = tpu.assume_multiple %mul3A_4, 128 : i32
    %dma_start3A = arith.constant 0 : i32
    %dma_start3A_5 = tpu.memref_slice %arg2[%dma_start3A, %multiple_of3A] : memref<32x1000000xf32, #tpu.memory_space<hbm>> -> memref<32x128xf32, #tpu.memory_space<hbm>>
    %dma_start3A_6 = arith.constant 0 : i32
    %dma_start3A_7 = tpu.memref_slice %arg2[%dma_start3A_6, %multiple_of3A] : memref<32x1000000xf32, #tpu.memory_space<hbm>> -> memref<32x128xf32, #tpu.memory_space<hbm>>
    tpu.enqueue_dma source(%dma_start3A_7 : memref<32x128xf32, #tpu.memory_space<hbm>>) target(%arg4 : memref<32x128xf32, #tpu.memory_space<vmem>>) target_semaphore(%arg10 : memref<!tpu.dma_semaphore, #tpu.memory_space<semaphore_mem>>)
    %add3A_8 = arith.constant 32 : i32
    %add3A_9 = arith.addi %add3A, %add3A_8 : i32
    %mul3A_10 = arith.constant 128 : i32
    %mul3A_11 = arith.muli %add3A_9, %mul3A_10 : i32
    %multiple_of3A_12 = tpu.assume_multiple %mul3A_11, 128 : i32
    %dma_start3A_13 = arith.constant 0 : i32
    %dma_start3A_14 = tpu.memref_slice %arg2[%dma_start3A_13, %multiple_of3A_12] : memref<32x1000000xf32, #tpu.memory_space<hbm>> -> memref<32x128xf32, #tpu.memory_space<hbm>>
    %dma_start3A_15 = arith.constant 0 : i32
    %dma_start3A_16 = tpu.memref_slice %arg2[%dma_start3A_15, %multiple_of3A_12] : memref<32x1000000xf32, #tpu.memory_space<hbm>> -> memref<32x128xf32, #tpu.memory_space<hbm>>
    tpu.enqueue_dma source(%dma_start3A_16 : memref<32x128xf32, #tpu.memory_space<hbm>>) target(%arg5 : memref<32x128xf32, #tpu.memory_space<vmem>>) target_semaphore(%arg11 : memref<!tpu.dma_semaphore, #tpu.memory_space<semaphore_mem>>)
    %dma_wait3A = arith.constant 0 : i32
    %dma_wait3A_17 = arith.constant 0 : i32
    %dma_wait3A_18 = tpu.memref_slice %arg2[%dma_wait3A, %dma_wait3A_17] : memref<32x1000000xf32, #tpu.memory_space<hbm>> -> memref<32x128xf32, #tpu.memory_space<hbm>>
    %dma_wait3A_19 = arith.constant 0 : i32
    %dma_wait3A_20 = arith.constant 0 : i32
    %dma_wait3A_21 = tpu.memref_slice %arg2[%dma_wait3A_19, %dma_wait3A_20] : memref<32x1000000xf32, #tpu.memory_space<hbm>> -> memref<32x128xf32, #tpu.memory_space<hbm>>
    tpu.wait_dma2 semaphore(%arg10 : memref<!tpu.dma_semaphore, #tpu.memory_space<semaphore_mem>>) src(%dma_wait3A_21 : memref<32x128xf32, #tpu.memory_space<hbm>>) dst(%arg4 : memref<32x128xf32, #tpu.memory_space<vmem>>)
    %parallel_loop3A = arith.constant 0 : i32
    %parallel_loop3A_22 = arith.constant 256 : i32
    %parallel_loop3A_23 = arith.constant 1 : i32
    scf.for %parallel_loop3A_124 = %parallel_loop3A to %parallel_loop3A_22 step %parallel_loop3A_23  : i32 {
      %parallel_loop3A_125 = arith.constant 15 : i32
      %parallel_loop3A_126 = arith.andi %parallel_loop3A_124, %parallel_loop3A_125 : i32
      %parallel_loop3A_127 = arith.constant 4 : i32
      %parallel_loop3A_128 = arith.shrsi %parallel_loop3A_124, %parallel_loop3A_127 : i32
      %parallel_loop3A_129 = arith.constant 7 : i32
      %parallel_loop3A_130 = arith.andi %parallel_loop3A_128, %parallel_loop3A_129 : i32
      %parallel_loop3A_131 = arith.constant 4 : i32
      %parallel_loop3A_132 = arith.shrsi %parallel_loop3A_124, %parallel_loop3A_131 : i32
      %parallel_loop3A_133 = arith.constant 3 : i32
      %parallel_loop3A_134 = arith.shrsi %parallel_loop3A_132, %parallel_loop3A_133 : i32
      %parallel_loop3A_135 = vector.broadcast %parallel_loop3A_126 : i32 to vector<16xi32>
      %parallel_loop3A_136 = arith.addi %iota3A, %parallel_loop3A_135 : vector<16xi32>
      %parallel_loop3A_137 = arith.constant 15 : i32
      %parallel_loop3A_138 = vector.broadcast %parallel_loop3A_137 : i32 to vector<16xi32>
      %parallel_loop3A_139 = arith.andi %parallel_loop3A_136, %parallel_loop3A_138 : vector<16xi32>
      %parallel_loop3A_140 = arith.constant 16 : i32
      %parallel_loop3A_141 = arith.muli %parallel_loop3A_134, %parallel_loop3A_140 : i32
      %parallel_loop3A_142 = vector.broadcast %parallel_loop3A_141 : i32 to vector<16xi32>
      %parallel_loop3A_143 = arith.addi %parallel_loop3A_139, %parallel_loop3A_142 : vector<16xi32>
      %parallel_loop3A_144 = arith.constant 16 : i32
      %parallel_loop3A_145 = arith.muli %parallel_loop3A_130, %parallel_loop3A_144 : i32
      %parallel_loop3A_146 = vector.broadcast %parallel_loop3A_145 : i32 to vector<16xi32>
      %parallel_loop3A_147 = arith.addi %parallel_loop3A_146, %iota3A : vector<16xi32>
      %parallel_loop3A_148 = tpu.vector_load_idx %arg4[%parallel_loop3A_143, %parallel_loop3A_147] : memref<32x128xf32, #tpu.memory_space<vmem>>[vector<16xi32>, vector<16xi32>], vector<16xf32>,
      %parallel_loop3A_149 = arith.constant 32 : i32
      %parallel_loop3A_150 = vector.broadcast %parallel_loop3A_149 : i32 to vector<16xi32>
      %parallel_loop3A_151 = arith.muli %parallel_loop3A_147, %parallel_loop3A_150 : vector<16xi32>
      %parallel_loop3A_152 = arith.addi %parallel_loop3A_151, %parallel_loop3A_143 : vector<16xi32>
      tpu.vector_store_idx %arg6[%parallel_loop3A_152], %parallel_loop3A_148 : memref<4096xf32, #tpu.memory_space<vmem>>[vector<16xi32>], vector<16xf32>,
    } {sc.loop_unroll_factor = 4 : i64, sc.parallel_access}
    %add3A_24 = arith.constant 0 : i32
    %add3A_25 = arith.addi %add3A, %add3A_24 : i32
    %mul3A_26 = arith.constant 4096 : i32
    %mul3A_27 = arith.muli %add3A_25, %mul3A_26 : i32
    %multiple_of3A_28 = tpu.assume_multiple %mul3A_27, 4096 : i32
    %dma_start3A_29 = tpu.memref_slice %arg3[%multiple_of3A_28] : memref<32000000xf32, #tpu.memory_space<hbm>> -> memref<4096xf32, #tpu.memory_space<hbm>>
    %dma_start3A_30 = tpu.memref_slice %arg3[%multiple_of3A_28] : memref<32000000xf32, #tpu.memory_space<hbm>> -> memref<4096xf32, #tpu.memory_space<hbm>>
    tpu.enqueue_dma source(%arg6 : memref<4096xf32, #tpu.memory_space<vmem>>) target(%dma_start3A_30 : memref<4096xf32, #tpu.memory_space<hbm>>) target_semaphore(%arg12 : memref<!tpu.dma_semaphore, #tpu.memory_space<semaphore_mem>>)
    %add3A_31 = arith.constant 64 : i32
    %add3A_32 = arith.addi %add3A, %add3A_31 : i32
    %mul3A_33 = arith.constant 128 : i32
    %mul3A_34 = arith.muli %add3A_32, %mul3A_33 : i32
    %multiple_of3A_35 = tpu.assume_multiple %mul3A_34, 128 : i32
    %dma_start3A_36 = arith.constant 0 : i32
    %dma_start3A_37 = tpu.memref_slice %arg2[%dma_start3A_36, %multiple_of3A_35] : memref<32x1000000xf32, #tpu.memory_space<hbm>> -> memref<32x128xf32, #tpu.memory_space<hbm>>
    %dma_start3A_38 = arith.constant 0 : i32
    %dma_start3A_39 = tpu.memref_slice %arg2[%dma_start3A_38, %multiple_of3A_35] : memref<32x1000000xf32, #tpu.memory_space<hbm>> -> memref<32x128xf32, #tpu.memory_space<hbm>>
    tpu.enqueue_dma source(%dma_start3A_39 : memref<32x128xf32, #tpu.memory_space<hbm>>) target(%arg4 : memref<32x128xf32, #tpu.memory_space<vmem>>) target_semaphore(%arg10 : memref<!tpu.dma_semaphore, #tpu.memory_space<semaphore_mem>>)
    %dma_wait3A_40 = arith.constant 0 : i32
    %dma_wait3A_41 = arith.constant 0 : i32
    %dma_wait3A_42 = tpu.memref_slice %arg2[%dma_wait3A_40, %dma_wait3A_41] : memref<32x1000000xf32, #tpu.memory_space<hbm>> -> memref<32x128xf32, #tpu.memory_space<hbm>>
    %dma_wait3A_43 = arith.constant 0 : i32
    %dma_wait3A_44 = arith.constant 0 : i32
    %dma_wait3A_45 = tpu.memref_slice %arg2[%dma_wait3A_43, %dma_wait3A_44] : memref<32x1000000xf32, #tpu.memory_space<hbm>> -> memref<32x128xf32, #tpu.memory_space<hbm>>
    tpu.wait_dma2 semaphore(%arg11 : memref<!tpu.dma_semaphore, #tpu.memory_space<semaphore_mem>>) src(%dma_wait3A_45 : memref<32x128xf32, #tpu.memory_space<hbm>>) dst(%arg5 : memref<32x128xf32, #tpu.memory_space<vmem>>)
    %parallel_loop3A_46 = arith.constant 0 : i32
    %parallel_loop3A_47 = arith.constant 256 : i32
    %parallel_loop3A_48 = arith.constant 1 : i32
    scf.for %parallel_loop3A_124 = %parallel_loop3A_46 to %parallel_loop3A_47 step %parallel_loop3A_48  : i32 {
      %parallel_loop3A_125 = arith.constant 15 : i32
      %parallel_loop3A_126 = arith.andi %parallel_loop3A_124, %parallel_loop3A_125 : i32
      %parallel_loop3A_127 = arith.constant 4 : i32
      %parallel_loop3A_128 = arith.shrsi %parallel_loop3A_124, %parallel_loop3A_127 : i32
      %parallel_loop3A_129 = arith.constant 7 : i32
      %parallel_loop3A_130 = arith.andi %parallel_loop3A_128, %parallel_loop3A_129 : i32
      %parallel_loop3A_131 = arith.constant 4 : i32
      %parallel_loop3A_132 = arith.shrsi %parallel_loop3A_124, %parallel_loop3A_131 : i32
      %parallel_loop3A_133 = arith.constant 3 : i32
      %parallel_loop3A_134 = arith.shrsi %parallel_loop3A_132, %parallel_loop3A_133 : i32
      %parallel_loop3A_135 = vector.broadcast %parallel_loop3A_126 : i32 to vector<16xi32>
      %parallel_loop3A_136 = arith.addi %iota3A, %parallel_loop3A_135 : vector<16xi32>
      %parallel_loop3A_137 = arith.constant 15 : i32
      %parallel_loop3A_138 = vector.broadcast %parallel_loop3A_137 : i32 to vector<16xi32>
      %parallel_loop3A_139 = arith.andi %parallel_loop3A_136, %parallel_loop3A_138 : vector<16xi32>
      %parallel_loop3A_140 = arith.constant 16 : i32
      %parallel_loop3A_141 = arith.muli %parallel_loop3A_134, %parallel_loop3A_140 : i32
      %parallel_loop3A_142 = vector.broadcast %parallel_loop3A_141 : i32 to vector<16xi32>
      %parallel_loop3A_143 = arith.addi %parallel_loop3A_139, %parallel_loop3A_142 : vector<16xi32>
      %parallel_loop3A_144 = arith.constant 16 : i32
      %parallel_loop3A_145 = arith.muli %parallel_loop3A_130, %parallel_loop3A_144 : i32
      %parallel_loop3A_146 = vector.broadcast %parallel_loop3A_145 : i32 to vector<16xi32>
      %parallel_loop3A_147 = arith.addi %parallel_loop3A_146, %iota3A : vector<16xi32>
      %parallel_loop3A_148 = tpu.vector_load_idx %arg5[%parallel_loop3A_143, %parallel_loop3A_147] : memref<32x128xf32, #tpu.memory_space<vmem>>[vector<16xi32>, vector<16xi32>], vector<16xf32>,
      %parallel_loop3A_149 = arith.constant 32 : i32
      %parallel_loop3A_150 = vector.broadcast %parallel_loop3A_149 : i32 to vector<16xi32>
      %parallel_loop3A_151 = arith.muli %parallel_loop3A_147, %parallel_loop3A_150 : vector<16xi32>
      %parallel_loop3A_152 = arith.addi %parallel_loop3A_151, %parallel_loop3A_143 : vector<16xi32>
      tpu.vector_store_idx %arg7[%parallel_loop3A_152], %parallel_loop3A_148 : memref<4096xf32, #tpu.memory_space<vmem>>[vector<16xi32>], vector<16xf32>,
    } {sc.loop_unroll_factor = 4 : i64, sc.parallel_access}
    %add3A_49 = arith.constant 32 : i32
    %add3A_50 = arith.addi %add3A, %add3A_49 : i32
    %mul3A_51 = arith.constant 4096 : i32
    %mul3A_52 = arith.muli %add3A_50, %mul3A_51 : i32
    %multiple_of3A_53 = tpu.assume_multiple %mul3A_52, 4096 : i32
    %dma_start3A_54 = tpu.memref_slice %arg3[%multiple_of3A_53] : memref<32000000xf32, #tpu.memory_space<hbm>> -> memref<4096xf32, #tpu.memory_space<hbm>>
    %dma_start3A_55 = tpu.memref_slice %arg3[%multiple_of3A_53] : memref<32000000xf32, #tpu.memory_space<hbm>> -> memref<4096xf32, #tpu.memory_space<hbm>>
    tpu.enqueue_dma source(%arg7 : memref<4096xf32, #tpu.memory_space<vmem>>) target(%dma_start3A_55 : memref<4096xf32, #tpu.memory_space<hbm>>) target_semaphore(%arg13 : memref<!tpu.dma_semaphore, #tpu.memory_space<semaphore_mem>>)
    %add3A_56 = arith.constant 96 : i32
    %add3A_57 = arith.addi %add3A, %add3A_56 : i32
    %mul3A_58 = arith.constant 128 : i32
    %mul3A_59 = arith.muli %add3A_57, %mul3A_58 : i32
    %multiple_of3A_60 = tpu.assume_multiple %mul3A_59, 128 : i32
    %dma_start3A_61 = arith.constant 0 : i32
    %dma_start3A_62 = tpu.memref_slice %arg2[%dma_start3A_61, %multiple_of3A_60] : memref<32x1000000xf32, #tpu.memory_space<hbm>> -> memref<32x128xf32, #tpu.memory_space<hbm>>
    %dma_start3A_63 = arith.constant 0 : i32
    %dma_start3A_64 = tpu.memref_slice %arg2[%dma_start3A_63, %multiple_of3A_60] : memref<32x1000000xf32, #tpu.memory_space<hbm>> -> memref<32x128xf32, #tpu.memory_space<hbm>>
    tpu.enqueue_dma source(%dma_start3A_64 : memref<32x128xf32, #tpu.memory_space<hbm>>) target(%arg5 : memref<32x128xf32, #tpu.memory_space<vmem>>) target_semaphore(%arg11 : memref<!tpu.dma_semaphore, #tpu.memory_space<semaphore_mem>>)
    %scan3A = arith.constant 0 : i32
    %scan3A_65 = arith.constant 1 : i32
    %scan3A_66 = arith.constant 120 : i32
    %scan3A_67 = arith.addi %scan3A_65, %scan3A_66 : i32
    %scan3A_68 = arith.constant 1 : i32
    scf.for %scan3A_124 = %scan3A_65 to %scan3A_67 step %scan3A_68  : i32 {
      %mul3A_125 = arith.constant 2 : i32
      %mul3A_126 = arith.muli %mul3A_125, %scan3A_124 : i32
      %dma_wait3A_127 = arith.constant 0 : i32
      %dma_wait3A_128 = arith.constant 0 : i32
      %dma_wait3A_129 = tpu.memref_slice %arg2[%dma_wait3A_127, %dma_wait3A_128] : memref<32x1000000xf32, #tpu.memory_space<hbm>> -> memref<32x128xf32, #tpu.memory_space<hbm>>
      %dma_wait3A_130 = arith.constant 0 : i32
      %dma_wait3A_131 = arith.constant 0 : i32
      %dma_wait3A_132 = tpu.memref_slice %arg2[%dma_wait3A_130, %dma_wait3A_131] : memref<32x1000000xf32, #tpu.memory_space<hbm>> -> memref<32x128xf32, #tpu.memory_space<hbm>>
      tpu.wait_dma2 semaphore(%arg10 : memref<!tpu.dma_semaphore, #tpu.memory_space<semaphore_mem>>) src(%dma_wait3A_132 : memref<32x128xf32, #tpu.memory_space<hbm>>) dst(%arg4 : memref<32x128xf32, #tpu.memory_space<vmem>>)
      %dma_wait3A_133 = arith.constant 0 : i32
      %dma_wait3A_134 = tpu.memref_slice %arg3[%dma_wait3A_133] : memref<32000000xf32, #tpu.memory_space<hbm>> -> memref<4096xf32, #tpu.memory_space<hbm>>
      %dma_wait3A_135 = arith.constant 0 : i32
      %dma_wait3A_136 = tpu.memref_slice %arg3[%dma_wait3A_135] : memref<32000000xf32, #tpu.memory_space<hbm>> -> memref<4096xf32, #tpu.memory_space<hbm>>
      tpu.wait_dma2 semaphore(%arg12 : memref<!tpu.dma_semaphore, #tpu.memory_space<semaphore_mem>>) src(%arg6 : memref<4096xf32, #tpu.memory_space<vmem>>) dst(%dma_wait3A_136 : memref<4096xf32, #tpu.memory_space<hbm>>)
      %parallel_loop3A_137 = arith.constant 0 : i32
      %parallel_loop3A_138 = arith.constant 256 : i32
      %parallel_loop3A_139 = arith.constant 1 : i32
      scf.for %parallel_loop3A_197 = %parallel_loop3A_137 to %parallel_loop3A_138 step %parallel_loop3A_139  : i32 {
        %parallel_loop3A_198 = arith.constant 15 : i32
        %parallel_loop3A_199 = arith.andi %parallel_loop3A_197, %parallel_loop3A_198 : i32
        %parallel_loop3A_200 = arith.constant 4 : i32
        %parallel_loop3A_201 = arith.shrsi %parallel_loop3A_197, %parallel_loop3A_200 : i32
        %parallel_loop3A_202 = arith.constant 7 : i32
        %parallel_loop3A_203 = arith.andi %parallel_loop3A_201, %parallel_loop3A_202 : i32
        %parallel_loop3A_204 = arith.constant 4 : i32
        %parallel_loop3A_205 = arith.shrsi %parallel_loop3A_197, %parallel_loop3A_204 : i32
        %parallel_loop3A_206 = arith.constant 3 : i32
        %parallel_loop3A_207 = arith.shrsi %parallel_loop3A_205, %parallel_loop3A_206 : i32
        %parallel_loop3A_208 = vector.broadcast %parallel_loop3A_199 : i32 to vector<16xi32>
        %parallel_loop3A_209 = arith.addi %iota3A, %parallel_loop3A_208 : vector<16xi32>
        %parallel_loop3A_210 = arith.constant 15 : i32
        %parallel_loop3A_211 = vector.broadcast %parallel_loop3A_210 : i32 to vector<16xi32>
        %parallel_loop3A_212 = arith.andi %parallel_loop3A_209, %parallel_loop3A_211 : vector<16xi32>
        %parallel_loop3A_213 = arith.constant 16 : i32
        %parallel_loop3A_214 = arith.muli %parallel_loop3A_207, %parallel_loop3A_213 : i32
        %parallel_loop3A_215 = vector.broadcast %parallel_loop3A_214 : i32 to vector<16xi32>
        %parallel_loop3A_216 = arith.addi %parallel_loop3A_212, %parallel_loop3A_215 : vector<16xi32>
        %parallel_loop3A_217 = arith.constant 16 : i32
        %parallel_loop3A_218 = arith.muli %parallel_loop3A_203, %parallel_loop3A_217 : i32
        %parallel_loop3A_219 = vector.broadcast %parallel_loop3A_218 : i32 to vector<16xi32>
        %parallel_loop3A_220 = arith.addi %parallel_loop3A_219, %iota3A : vector<16xi32>
        %parallel_loop3A_221 = tpu.vector_load_idx %arg4[%parallel_loop3A_216, %parallel_loop3A_220] : memref<32x128xf32, #tpu.memory_space<vmem>>[vector<16xi32>, vector<16xi32>], vector<16xf32>,
        %parallel_loop3A_222 = arith.constant 32 : i32
        %parallel_loop3A_223 = vector.broadcast %parallel_loop3A_222 : i32 to vector<16xi32>
        %parallel_loop3A_224 = arith.muli %parallel_loop3A_220, %parallel_loop3A_223 : vector<16xi32>
        %parallel_loop3A_225 = arith.addi %parallel_loop3A_224, %parallel_loop3A_216 : vector<16xi32>
        tpu.vector_store_idx %arg6[%parallel_loop3A_225], %parallel_loop3A_221 : memref<4096xf32, #tpu.memory_space<vmem>>[vector<16xi32>], vector<16xf32>,
      } {sc.loop_unroll_factor = 4 : i64, sc.parallel_access}
      %mul3A_140 = arith.constant 32 : i32
      %mul3A_141 = arith.muli %mul3A_126, %mul3A_140 : i32
      %add3A_142 = arith.addi %add3A, %mul3A_141 : i32
      %mul3A_143 = arith.constant 4096 : i32
      %mul3A_144 = arith.muli %add3A_142, %mul3A_143 : i32
      %multiple_of3A_145 = tpu.assume_multiple %mul3A_144, 4096 : i32
      %dma_start3A_146 = tpu.memref_slice %arg3[%multiple_of3A_145] : memref<32000000xf32, #tpu.memory_space<hbm>> -> memref<4096xf32, #tpu.memory_space<hbm>>
      %dma_start3A_147 = tpu.memref_slice %arg3[%multiple_of3A_145] : memref<32000000xf32, #tpu.memory_space<hbm>> -> memref<4096xf32, #tpu.memory_space<hbm>>
      tpu.enqueue_dma source(%arg6 : memref<4096xf32, #tpu.memory_space<vmem>>) target(%dma_start3A_147 : memref<4096xf32, #tpu.memory_space<hbm>>) target_semaphore(%arg12 : memref<!tpu.dma_semaphore, #tpu.memory_space<semaphore_mem>>)
      %add3A_148 = arith.constant 2 : i32
      %add3A_149 = arith.addi %mul3A_126, %add3A_148 : i32
      %mul3A_150 = arith.constant 32 : i32
      %mul3A_151 = arith.muli %add3A_149, %mul3A_150 : i32
      %add3A_152 = arith.addi %add3A, %mul3A_151 : i32
      %mul3A_153 = arith.constant 128 : i32
      %mul3A_154 = arith.muli %add3A_152, %mul3A_153 : i32
      %multiple_of3A_155 = tpu.assume_multiple %mul3A_154, 128 : i32
      %dma_start3A_156 = arith.constant 0 : i32
      %dma_start3A_157 = tpu.memref_slice %arg2[%dma_start3A_156, %multiple_of3A_155] : memref<32x1000000xf32, #tpu.memory_space<hbm>> -> memref<32x128xf32, #tpu.memory_space<hbm>>
      %dma_start3A_158 = arith.constant 0 : i32
      %dma_start3A_159 = tpu.memref_slice %arg2[%dma_start3A_158, %multiple_of3A_155] : memref<32x1000000xf32, #tpu.memory_space<hbm>> -> memref<32x128xf32, #tpu.memory_space<hbm>>
      tpu.enqueue_dma source(%dma_start3A_159 : memref<32x128xf32, #tpu.memory_space<hbm>>) target(%arg4 : memref<32x128xf32, #tpu.memory_space<vmem>>) target_semaphore(%arg10 : memref<!tpu.dma_semaphore, #tpu.memory_space<semaphore_mem>>)
      %mul3A_160 = arith.constant 2 : i32
      %mul3A_161 = arith.muli %mul3A_160, %scan3A_124 : i32
      %add3A_162 = arith.constant 1 : i32
      %add3A_163 = arith.addi %mul3A_161, %add3A_162 : i32
      %dma_wait3A_164 = arith.constant 0 : i32
      %dma_wait3A_165 = arith.constant 0 : i32
      %dma_wait3A_166 = tpu.memref_slice %arg2[%dma_wait3A_164, %dma_wait3A_165] : memref<32x1000000xf32, #tpu.memory_space<hbm>> -> memref<32x128xf32, #tpu.memory_space<hbm>>
      %dma_wait3A_167 = arith.constant 0 : i32
      %dma_wait3A_168 = arith.constant 0 : i32
      %dma_wait3A_169 = tpu.memref_slice %arg2[%dma_wait3A_167, %dma_wait3A_168] : memref<32x1000000xf32, #tpu.memory_space<hbm>> -> memref<32x128xf32, #tpu.memory_space<hbm>>
      tpu.wait_dma2 semaphore(%arg11 : memref<!tpu.dma_semaphore, #tpu.memory_space<semaphore_mem>>) src(%dma_wait3A_169 : memref<32x128xf32, #tpu.memory_space<hbm>>) dst(%arg5 : memref<32x128xf32, #tpu.memory_space<vmem>>)
      %dma_wait3A_170 = arith.constant 0 : i32
      %dma_wait3A_171 = tpu.memref_slice %arg3[%dma_wait3A_170] : memref<32000000xf32, #tpu.memory_space<hbm>> -> memref<4096xf32, #tpu.memory_space<hbm>>
      %dma_wait3A_172 = arith.constant 0 : i32
      %dma_wait3A_173 = tpu.memref_slice %arg3[%dma_wait3A_172] : memref<32000000xf32, #tpu.memory_space<hbm>> -> memref<4096xf32, #tpu.memory_space<hbm>>
      tpu.wait_dma2 semaphore(%arg13 : memref<!tpu.dma_semaphore, #tpu.memory_space<semaphore_mem>>) src(%arg7 : memref<4096xf32, #tpu.memory_space<vmem>>) dst(%dma_wait3A_173 : memref<4096xf32, #tpu.memory_space<hbm>>)
      %parallel_loop3A_174 = arith.constant 0 : i32
      %parallel_loop3A_175 = arith.constant 256 : i32
      %parallel_loop3A_176 = arith.constant 1 : i32
      scf.for %parallel_loop3A_197 = %parallel_loop3A_174 to %parallel_loop3A_175 step %parallel_loop3A_176  : i32 {
        %parallel_loop3A_198 = arith.constant 15 : i32
        %parallel_loop3A_199 = arith.andi %parallel_loop3A_197, %parallel_loop3A_198 : i32
        %parallel_loop3A_200 = arith.constant 4 : i32
        %parallel_loop3A_201 = arith.shrsi %parallel_loop3A_197, %parallel_loop3A_200 : i32
        %parallel_loop3A_202 = arith.constant 7 : i32
        %parallel_loop3A_203 = arith.andi %parallel_loop3A_201, %parallel_loop3A_202 : i32
        %parallel_loop3A_204 = arith.constant 4 : i32
        %parallel_loop3A_205 = arith.shrsi %parallel_loop3A_197, %parallel_loop3A_204 : i32
        %parallel_loop3A_206 = arith.constant 3 : i32
        %parallel_loop3A_207 = arith.shrsi %parallel_loop3A_205, %parallel_loop3A_206 : i32
        %parallel_loop3A_208 = vector.broadcast %parallel_loop3A_199 : i32 to vector<16xi32>
        %parallel_loop3A_209 = arith.addi %iota3A, %parallel_loop3A_208 : vector<16xi32>
        %parallel_loop3A_210 = arith.constant 15 : i32
        %parallel_loop3A_211 = vector.broadcast %parallel_loop3A_210 : i32 to vector<16xi32>
        %parallel_loop3A_212 = arith.andi %parallel_loop3A_209, %parallel_loop3A_211 : vector<16xi32>
        %parallel_loop3A_213 = arith.constant 16 : i32
        %parallel_loop3A_214 = arith.muli %parallel_loop3A_207, %parallel_loop3A_213 : i32
        %parallel_loop3A_215 = vector.broadcast %parallel_loop3A_214 : i32 to vector<16xi32>
        %parallel_loop3A_216 = arith.addi %parallel_loop3A_212, %parallel_loop3A_215 : vector<16xi32>
        %parallel_loop3A_217 = arith.constant 16 : i32
        %parallel_loop3A_218 = arith.muli %parallel_loop3A_203, %parallel_loop3A_217 : i32
        %parallel_loop3A_219 = vector.broadcast %parallel_loop3A_218 : i32 to vector<16xi32>
        %parallel_loop3A_220 = arith.addi %parallel_loop3A_219, %iota3A : vector<16xi32>
        %parallel_loop3A_221 = tpu.vector_load_idx %arg5[%parallel_loop3A_216, %parallel_loop3A_220] : memref<32x128xf32, #tpu.memory_space<vmem>>[vector<16xi32>, vector<16xi32>], vector<16xf32>,
        %parallel_loop3A_222 = arith.constant 32 : i32
        %parallel_loop3A_223 = vector.broadcast %parallel_loop3A_222 : i32 to vector<16xi32>
        %parallel_loop3A_224 = arith.muli %parallel_loop3A_220, %parallel_loop3A_223 : vector<16xi32>
        %parallel_loop3A_225 = arith.addi %parallel_loop3A_224, %parallel_loop3A_216 : vector<16xi32>
        tpu.vector_store_idx %arg7[%parallel_loop3A_225], %parallel_loop3A_221 : memref<4096xf32, #tpu.memory_space<vmem>>[vector<16xi32>], vector<16xf32>,
      } {sc.loop_unroll_factor = 4 : i64, sc.parallel_access}
      %mul3A_177 = arith.constant 32 : i32
      %mul3A_178 = arith.muli %add3A_163, %mul3A_177 : i32
      %add3A_179 = arith.addi %add3A, %mul3A_178 : i32
      %mul3A_180 = arith.constant 4096 : i32
      %mul3A_181 = arith.muli %add3A_179, %mul3A_180 : i32
      %multiple_of3A_182 = tpu.assume_multiple %mul3A_181, 4096 : i32
      %dma_start3A_183 = tpu.memref_slice %arg3[%multiple_of3A_182] : memref<32000000xf32, #tpu.memory_space<hbm>> -> memref<4096xf32, #tpu.memory_space<hbm>>
      %dma_start3A_184 = tpu.memref_slice %arg3[%multiple_of3A_182] : memref<32000000xf32, #tpu.memory_space<hbm>> -> memref<4096xf32, #tpu.memory_space<hbm>>
      tpu.enqueue_dma source(%arg7 : memref<4096xf32, #tpu.memory_space<vmem>>) target(%dma_start3A_184 : memref<4096xf32, #tpu.memory_space<hbm>>) target_semaphore(%arg13 : memref<!tpu.dma_semaphore, #tpu.memory_space<semaphore_mem>>)
      %add3A_185 = arith.constant 2 : i32
      %add3A_186 = arith.addi %add3A_163, %add3A_185 : i32
      %mul3A_187 = arith.constant 32 : i32
      %mul3A_188 = arith.muli %add3A_186, %mul3A_187 : i32
      %add3A_189 = arith.addi %add3A, %mul3A_188 : i32
      %mul3A_190 = arith.constant 128 : i32
      %mul3A_191 = arith.muli %add3A_189, %mul3A_190 : i32
      %multiple_of3A_192 = tpu.assume_multiple %mul3A_191, 128 : i32
      %dma_start3A_193 = arith.constant 0 : i32
      %dma_start3A_194 = tpu.memref_slice %arg2[%dma_start3A_193, %multiple_of3A_192] : memref<32x1000000xf32, #tpu.memory_space<hbm>> -> memref<32x128xf32, #tpu.memory_space<hbm>>
      %dma_start3A_195 = arith.constant 0 : i32
      %dma_start3A_196 = tpu.memref_slice %arg2[%dma_start3A_195, %multiple_of3A_192] : memref<32x1000000xf32, #tpu.memory_space<hbm>> -> memref<32x128xf32, #tpu.memory_space<hbm>>
      tpu.enqueue_dma source(%dma_start3A_196 : memref<32x128xf32, #tpu.memory_space<hbm>>) target(%arg5 : memref<32x128xf32, #tpu.memory_space<vmem>>) target_semaphore(%arg11 : memref<!tpu.dma_semaphore, #tpu.memory_space<semaphore_mem>>)
    }
    %scan3A_69 = arith.constant 120 : i32
    %dma_wait3A_70 = arith.constant 0 : i32
    %dma_wait3A_71 = arith.constant 0 : i32
    %dma_wait3A_72 = tpu.memref_slice %arg2[%dma_wait3A_70, %dma_wait3A_71] : memref<32x1000000xf32, #tpu.memory_space<hbm>> -> memref<32x128xf32, #tpu.memory_space<hbm>>
    %dma_wait3A_73 = arith.constant 0 : i32
    %dma_wait3A_74 = arith.constant 0 : i32
    %dma_wait3A_75 = tpu.memref_slice %arg2[%dma_wait3A_73, %dma_wait3A_74] : memref<32x1000000xf32, #tpu.memory_space<hbm>> -> memref<32x128xf32, #tpu.memory_space<hbm>>
    tpu.wait_dma2 semaphore(%arg10 : memref<!tpu.dma_semaphore, #tpu.memory_space<semaphore_mem>>) src(%dma_wait3A_75 : memref<32x128xf32, #tpu.memory_space<hbm>>) dst(%arg4 : memref<32x128xf32, #tpu.memory_space<vmem>>)
    %dma_wait3A_76 = arith.constant 0 : i32
    %dma_wait3A_77 = tpu.memref_slice %arg3[%dma_wait3A_76] : memref<32000000xf32, #tpu.memory_space<hbm>> -> memref<4096xf32, #tpu.memory_space<hbm>>
    %dma_wait3A_78 = arith.constant 0 : i32
    %dma_wait3A_79 = tpu.memref_slice %arg3[%dma_wait3A_78] : memref<32000000xf32, #tpu.memory_space<hbm>> -> memref<4096xf32, #tpu.memory_space<hbm>>
    tpu.wait_dma2 semaphore(%arg12 : memref<!tpu.dma_semaphore, #tpu.memory_space<semaphore_mem>>) src(%arg6 : memref<4096xf32, #tpu.memory_space<vmem>>) dst(%dma_wait3A_79 : memref<4096xf32, #tpu.memory_space<hbm>>)
    %parallel_loop3A_80 = arith.constant 0 : i32
    %parallel_loop3A_81 = arith.constant 256 : i32
    %parallel_loop3A_82 = arith.constant 1 : i32
    scf.for %parallel_loop3A_124 = %parallel_loop3A_80 to %parallel_loop3A_81 step %parallel_loop3A_82  : i32 {
      %parallel_loop3A_125 = arith.constant 15 : i32
      %parallel_loop3A_126 = arith.andi %parallel_loop3A_124, %parallel_loop3A_125 : i32
      %parallel_loop3A_127 = arith.constant 4 : i32
      %parallel_loop3A_128 = arith.shrsi %parallel_loop3A_124, %parallel_loop3A_127 : i32
      %parallel_loop3A_129 = arith.constant 7 : i32
      %parallel_loop3A_130 = arith.andi %parallel_loop3A_128, %parallel_loop3A_129 : i32
      %parallel_loop3A_131 = arith.constant 4 : i32
      %parallel_loop3A_132 = arith.shrsi %parallel_loop3A_124, %parallel_loop3A_131 : i32
      %parallel_loop3A_133 = arith.constant 3 : i32
      %parallel_loop3A_134 = arith.shrsi %parallel_loop3A_132, %parallel_loop3A_133 : i32
      %parallel_loop3A_135 = vector.broadcast %parallel_loop3A_126 : i32 to vector<16xi32>
      %parallel_loop3A_136 = arith.addi %iota3A, %parallel_loop3A_135 : vector<16xi32>
      %parallel_loop3A_137 = arith.constant 15 : i32
      %parallel_loop3A_138 = vector.broadcast %parallel_loop3A_137 : i32 to vector<16xi32>
      %parallel_loop3A_139 = arith.andi %parallel_loop3A_136, %parallel_loop3A_138 : vector<16xi32>
      %parallel_loop3A_140 = arith.constant 16 : i32
      %parallel_loop3A_141 = arith.muli %parallel_loop3A_134, %parallel_loop3A_140 : i32
      %parallel_loop3A_142 = vector.broadcast %parallel_loop3A_141 : i32 to vector<16xi32>
      %parallel_loop3A_143 = arith.addi %parallel_loop3A_139, %parallel_loop3A_142 : vector<16xi32>
      %parallel_loop3A_144 = arith.constant 16 : i32
      %parallel_loop3A_145 = arith.muli %parallel_loop3A_130, %parallel_loop3A_144 : i32
      %parallel_loop3A_146 = vector.broadcast %parallel_loop3A_145 : i32 to vector<16xi32>
      %parallel_loop3A_147 = arith.addi %parallel_loop3A_146, %iota3A : vector<16xi32>
      %parallel_loop3A_148 = tpu.vector_load_idx %arg4[%parallel_loop3A_143, %parallel_loop3A_147] : memref<32x128xf32, #tpu.memory_space<vmem>>[vector<16xi32>, vector<16xi32>], vector<16xf32>,
      %parallel_loop3A_149 = arith.constant 32 : i32
      %parallel_loop3A_150 = vector.broadcast %parallel_loop3A_149 : i32 to vector<16xi32>
      %parallel_loop3A_151 = arith.muli %parallel_loop3A_147, %parallel_loop3A_150 : vector<16xi32>
      %parallel_loop3A_152 = arith.addi %parallel_loop3A_151, %parallel_loop3A_143 : vector<16xi32>
      tpu.vector_store_idx %arg6[%parallel_loop3A_152], %parallel_loop3A_148 : memref<4096xf32, #tpu.memory_space<vmem>>[vector<16xi32>], vector<16xf32>,
    } {sc.loop_unroll_factor = 4 : i64, sc.parallel_access}
    %add3A_83 = arith.constant 7744 : i32
    %add3A_84 = arith.addi %add3A, %add3A_83 : i32
    %mul3A_85 = arith.constant 4096 : i32
    %mul3A_86 = arith.muli %add3A_84, %mul3A_85 : i32
    %multiple_of3A_87 = tpu.assume_multiple %mul3A_86, 4096 : i32
    %dma_start3A_88 = tpu.memref_slice %arg3[%multiple_of3A_87] : memref<32000000xf32, #tpu.memory_space<hbm>> -> memref<4096xf32, #tpu.memory_space<hbm>>
    %dma_start3A_89 = tpu.memref_slice %arg3[%multiple_of3A_87] : memref<32000000xf32, #tpu.memory_space<hbm>> -> memref<4096xf32, #tpu.memory_space<hbm>>
    tpu.enqueue_dma source(%arg6 : memref<4096xf32, #tpu.memory_space<vmem>>) target(%dma_start3A_89 : memref<4096xf32, #tpu.memory_space<hbm>>) target_semaphore(%arg12 : memref<!tpu.dma_semaphore, #tpu.memory_space<semaphore_mem>>)
    %dma_wait3A_90 = arith.constant 0 : i32
    %dma_wait3A_91 = arith.constant 0 : i32
    %dma_wait3A_92 = tpu.memref_slice %arg2[%dma_wait3A_90, %dma_wait3A_91] : memref<32x1000000xf32, #tpu.memory_space<hbm>> -> memref<32x128xf32, #tpu.memory_space<hbm>>
    %dma_wait3A_93 = arith.constant 0 : i32
    %dma_wait3A_94 = arith.constant 0 : i32
    %dma_wait3A_95 = tpu.memref_slice %arg2[%dma_wait3A_93, %dma_wait3A_94] : memref<32x1000000xf32, #tpu.memory_space<hbm>> -> memref<32x128xf32, #tpu.memory_space<hbm>>
    tpu.wait_dma2 semaphore(%arg11 : memref<!tpu.dma_semaphore, #tpu.memory_space<semaphore_mem>>) src(%dma_wait3A_95 : memref<32x128xf32, #tpu.memory_space<hbm>>) dst(%arg5 : memref<32x128xf32, #tpu.memory_space<vmem>>)
    %dma_wait3A_96 = arith.constant 0 : i32
    %dma_wait3A_97 = tpu.memref_slice %arg3[%dma_wait3A_96] : memref<32000000xf32, #tpu.memory_space<hbm>> -> memref<4096xf32, #tpu.memory_space<hbm>>
    %dma_wait3A_98 = arith.constant 0 : i32
    %dma_wait3A_99 = tpu.memref_slice %arg3[%dma_wait3A_98] : memref<32000000xf32, #tpu.memory_space<hbm>> -> memref<4096xf32, #tpu.memory_space<hbm>>
    tpu.wait_dma2 semaphore(%arg13 : memref<!tpu.dma_semaphore, #tpu.memory_space<semaphore_mem>>) src(%arg7 : memref<4096xf32, #tpu.memory_space<vmem>>) dst(%dma_wait3A_99 : memref<4096xf32, #tpu.memory_space<hbm>>)
    %parallel_loop3A_100 = arith.constant 0 : i32
    %parallel_loop3A_101 = arith.constant 256 : i32
    %parallel_loop3A_102 = arith.constant 1 : i32
    scf.for %parallel_loop3A_124 = %parallel_loop3A_100 to %parallel_loop3A_101 step %parallel_loop3A_102  : i32 {
      %parallel_loop3A_125 = arith.constant 15 : i32
      %parallel_loop3A_126 = arith.andi %parallel_loop3A_124, %parallel_loop3A_125 : i32
      %parallel_loop3A_127 = arith.constant 4 : i32
      %parallel_loop3A_128 = arith.shrsi %parallel_loop3A_124, %parallel_loop3A_127 : i32
      %parallel_loop3A_129 = arith.constant 7 : i32
      %parallel_loop3A_130 = arith.andi %parallel_loop3A_128, %parallel_loop3A_129 : i32
      %parallel_loop3A_131 = arith.constant 4 : i32
      %parallel_loop3A_132 = arith.shrsi %parallel_loop3A_124, %parallel_loop3A_131 : i32
      %parallel_loop3A_133 = arith.constant 3 : i32
      %parallel_loop3A_134 = arith.shrsi %parallel_loop3A_132, %parallel_loop3A_133 : i32
      %parallel_loop3A_135 = vector.broadcast %parallel_loop3A_126 : i32 to vector<16xi32>
      %parallel_loop3A_136 = arith.addi %iota3A, %parallel_loop3A_135 : vector<16xi32>
      %parallel_loop3A_137 = arith.constant 15 : i32
      %parallel_loop3A_138 = vector.broadcast %parallel_loop3A_137 : i32 to vector<16xi32>
      %parallel_loop3A_139 = arith.andi %parallel_loop3A_136, %parallel_loop3A_138 : vector<16xi32>
      %parallel_loop3A_140 = arith.constant 16 : i32
      %parallel_loop3A_141 = arith.muli %parallel_loop3A_134, %parallel_loop3A_140 : i32
      %parallel_loop3A_142 = vector.broadcast %parallel_loop3A_141 : i32 to vector<16xi32>
      %parallel_loop3A_143 = arith.addi %parallel_loop3A_139, %parallel_loop3A_142 : vector<16xi32>
      %parallel_loop3A_144 = arith.constant 16 : i32
      %parallel_loop3A_145 = arith.muli %parallel_loop3A_130, %parallel_loop3A_144 : i32
      %parallel_loop3A_146 = vector.broadcast %parallel_loop3A_145 : i32 to vector<16xi32>
      %parallel_loop3A_147 = arith.addi %parallel_loop3A_146, %iota3A : vector<16xi32>
      %parallel_loop3A_148 = tpu.vector_load_idx %arg5[%parallel_loop3A_143, %parallel_loop3A_147] : memref<32x128xf32, #tpu.memory_space<vmem>>[vector<16xi32>, vector<16xi32>], vector<16xf32>,
      %parallel_loop3A_149 = arith.constant 32 : i32
      %parallel_loop3A_150 = vector.broadcast %parallel_loop3A_149 : i32 to vector<16xi32>
      %parallel_loop3A_151 = arith.muli %parallel_loop3A_147, %parallel_loop3A_150 : vector<16xi32>
      %parallel_loop3A_152 = arith.addi %parallel_loop3A_151, %parallel_loop3A_143 : vector<16xi32>
      tpu.vector_store_idx %arg7[%parallel_loop3A_152], %parallel_loop3A_148 : memref<4096xf32, #tpu.memory_space<vmem>>[vector<16xi32>], vector<16xf32>,
    } {sc.loop_unroll_factor = 4 : i64, sc.parallel_access}
    %add3A_103 = arith.constant 7776 : i32
    %add3A_104 = arith.addi %add3A, %add3A_103 : i32
    %mul3A_105 = arith.constant 4096 : i32
    %mul3A_106 = arith.muli %add3A_104, %mul3A_105 : i32
    %multiple_of3A_107 = tpu.assume_multiple %mul3A_106, 4096 : i32
    %dma_start3A_108 = tpu.memref_slice %arg3[%multiple_of3A_107] : memref<32000000xf32, #tpu.memory_space<hbm>> -> memref<4096xf32, #tpu.memory_space<hbm>>
    %dma_start3A_109 = tpu.memref_slice %arg3[%multiple_of3A_107] : memref<32000000xf32, #tpu.memory_space<hbm>> -> memref<4096xf32, #tpu.memory_space<hbm>>
    tpu.enqueue_dma source(%arg7 : memref<4096xf32, #tpu.memory_space<vmem>>) target(%dma_start3A_109 : memref<4096xf32, #tpu.memory_space<hbm>>) target_semaphore(%arg13 : memref<!tpu.dma_semaphore, #tpu.memory_space<semaphore_mem>>)
    %dma_wait3A_110 = arith.constant 0 : i32
    %dma_wait3A_111 = tpu.memref_slice %arg3[%dma_wait3A_110] : memref<32000000xf32, #tpu.memory_space<hbm>> -> memref<4096xf32, #tpu.memory_space<hbm>>
    %dma_wait3A_112 = arith.constant 0 : i32
    %dma_wait3A_113 = tpu.memref_slice %arg3[%dma_wait3A_112] : memref<32000000xf32, #tpu.memory_space<hbm>> -> memref<4096xf32, #tpu.memory_space<hbm>>
    tpu.wait_dma2 semaphore(%arg12 : memref<!tpu.dma_semaphore, #tpu.memory_space<semaphore_mem>>) src(%arg6 : memref<4096xf32, #tpu.memory_space<vmem>>) dst(%dma_wait3A_113 : memref<4096xf32, #tpu.memory_space<hbm>>)
    %dma_wait3A_114 = arith.constant 0 : i32
    %dma_wait3A_115 = tpu.memref_slice %arg3[%dma_wait3A_114] : memref<32000000xf32, #tpu.memory_space<hbm>> -> memref<4096xf32, #tpu.memory_space<hbm>>
    %dma_wait3A_116 = arith.constant 0 : i32
    %dma_wait3A_117 = tpu.memref_slice %arg3[%dma_wait3A_116] : memref<32000000xf32, #tpu.memory_space<hbm>> -> memref<4096xf32, #tpu.memory_space<hbm>>
    tpu.wait_dma2 semaphore(%arg13 : memref<!tpu.dma_semaphore, #tpu.memory_space<semaphore_mem>>) src(%arg7 : memref<4096xf32, #tpu.memory_space<vmem>>) dst(%dma_wait3A_117 : memref<4096xf32, #tpu.memory_space<hbm>>)
    %lt3A = arith.constant 4 : i32
    %lt3A_118 = arith.cmpi slt, %add3A, %lt3A : i32
    %convert_element_type3A = arith.extui %lt3A_118 : i1 to i32
    %cond3A = arith.constant 0 : i32
    %cond3A_119 = arith.cmpi ne, %convert_element_type3A, %cond3A : i32
    scf.if %cond3A_119 {
      %add3A_124 = arith.constant 7808 : i32
      %add3A_125 = arith.addi %add3A_124, %add3A : i32
      %mul3A_126 = arith.constant 128 : i32
      %mul3A_127 = arith.muli %add3A_125, %mul3A_126 : i32
      %multiple_of3A_128 = tpu.assume_multiple %mul3A_127, 128 : i32
      "tpu.region"() ({
        %run_scoped3A = tpu.sem_alloc : memref<!tpu.dma_semaphore, #tpu.memory_space<semaphore_mem>>
        %dma_start3A_134 = arith.constant 0 : i32
        %dma_start3A_135 = tpu.memref_slice %arg2[%dma_start3A_134, %multiple_of3A_128] : memref<32x1000000xf32, #tpu.memory_space<hbm>> -> memref<32x128xf32, #tpu.memory_space<hbm>>
        %dma_start3A_136 = arith.constant 0 : i32
        %dma_start3A_137 = tpu.memref_slice %arg2[%dma_start3A_136, %multiple_of3A_128] : memref<32x1000000xf32, #tpu.memory_space<hbm>> -> memref<32x128xf32, #tpu.memory_space<hbm>>
        tpu.enqueue_dma source(%dma_start3A_137 : memref<32x128xf32, #tpu.memory_space<hbm>>) target(%arg4 : memref<32x128xf32, #tpu.memory_space<vmem>>) target_semaphore(%run_scoped3A : memref<!tpu.dma_semaphore, #tpu.memory_space<semaphore_mem>>)
        %dma_wait3A_138 = arith.constant 0 : i32
        %dma_wait3A_139 = tpu.memref_slice %arg2[%dma_wait3A_138, %multiple_of3A_128] : memref<32x1000000xf32, #tpu.memory_space<hbm>> -> memref<32x128xf32, #tpu.memory_space<hbm>>
        %dma_wait3A_140 = arith.constant 0 : i32
        %dma_wait3A_141 = tpu.memref_slice %arg2[%dma_wait3A_140, %multiple_of3A_128] : memref<32x1000000xf32, #tpu.memory_space<hbm>> -> memref<32x128xf32, #tpu.memory_space<hbm>>
        tpu.wait_dma2 semaphore(%run_scoped3A : memref<!tpu.dma_semaphore, #tpu.memory_space<semaphore_mem>>) src(%dma_wait3A_141 : memref<32x128xf32, #tpu.memory_space<hbm>>) dst(%arg4 : memref<32x128xf32, #tpu.memory_space<vmem>>)
        tpu.yield
      }) : () -> ()
      %parallel_loop3A_129 = arith.constant 0 : i32
      %parallel_loop3A_130 = arith.constant 256 : i32
      %parallel_loop3A_131 = arith.constant 1 : i32
      scf.for %parallel_loop3A_134 = %parallel_loop3A_129 to %parallel_loop3A_130 step %parallel_loop3A_131  : i32 {
        %parallel_loop3A_135 = arith.constant 15 : i32
        %parallel_loop3A_136 = arith.andi %parallel_loop3A_134, %parallel_loop3A_135 : i32
        %parallel_loop3A_137 = arith.constant 4 : i32
        %parallel_loop3A_138 = arith.shrsi %parallel_loop3A_134, %parallel_loop3A_137 : i32
        %parallel_loop3A_139 = arith.constant 7 : i32
        %parallel_loop3A_140 = arith.andi %parallel_loop3A_138, %parallel_loop3A_139 : i32
        %parallel_loop3A_141 = arith.constant 4 : i32
        %parallel_loop3A_142 = arith.shrsi %parallel_loop3A_134, %parallel_loop3A_141 : i32
        %parallel_loop3A_143 = arith.constant 3 : i32
        %parallel_loop3A_144 = arith.shrsi %parallel_loop3A_142, %parallel_loop3A_143 : i32
        %parallel_loop3A_145 = vector.broadcast %parallel_loop3A_136 : i32 to vector<16xi32>
        %parallel_loop3A_146 = arith.addi %iota3A, %parallel_loop3A_145 : vector<16xi32>
        %parallel_loop3A_147 = arith.constant 15 : i32
        %parallel_loop3A_148 = vector.broadcast %parallel_loop3A_147 : i32 to vector<16xi32>
        %parallel_loop3A_149 = arith.andi %parallel_loop3A_146, %parallel_loop3A_148 : vector<16xi32>
        %parallel_loop3A_150 = arith.constant 16 : i32
        %parallel_loop3A_151 = arith.muli %parallel_loop3A_144, %parallel_loop3A_150 : i32
        %parallel_loop3A_152 = vector.broadcast %parallel_loop3A_151 : i32 to vector<16xi32>
        %parallel_loop3A_153 = arith.addi %parallel_loop3A_149, %parallel_loop3A_152 : vector<16xi32>
        %parallel_loop3A_154 = arith.constant 16 : i32
        %parallel_loop3A_155 = arith.muli %parallel_loop3A_140, %parallel_loop3A_154 : i32
        %parallel_loop3A_156 = vector.broadcast %parallel_loop3A_155 : i32 to vector<16xi32>
        %parallel_loop3A_157 = arith.addi %parallel_loop3A_156, %iota3A : vector<16xi32>
        %parallel_loop3A_158 = tpu.vector_load_idx %arg4[%parallel_loop3A_153, %parallel_loop3A_157] : memref<32x128xf32, #tpu.memory_space<vmem>>[vector<16xi32>, vector<16xi32>], vector<16xf32>,
        %parallel_loop3A_159 = arith.constant 32 : i32
        %parallel_loop3A_160 = vector.broadcast %parallel_loop3A_159 : i32 to vector<16xi32>
        %parallel_loop3A_161 = arith.muli %parallel_loop3A_157, %parallel_loop3A_160 : vector<16xi32>
        %parallel_loop3A_162 = arith.addi %parallel_loop3A_161, %parallel_loop3A_153 : vector<16xi32>
        tpu.vector_store_idx %arg6[%parallel_loop3A_162], %parallel_loop3A_158 : memref<4096xf32, #tpu.memory_space<vmem>>[vector<16xi32>], vector<16xf32>,
      } {sc.loop_unroll_factor = 4 : i64, sc.parallel_access}
      %mul3A_132 = arith.constant 32 : i32
      %mul3A_133 = arith.muli %multiple_of3A_128, %mul3A_132 : i32
      "tpu.region"() ({
        %run_scoped3A = tpu.sem_alloc : memref<!tpu.dma_semaphore, #tpu.memory_space<semaphore_mem>>
        %dma_start3A_134 = tpu.memref_slice %arg3[%mul3A_133] : memref<32000000xf32, #tpu.memory_space<hbm>> -> memref<4096xf32, #tpu.memory_space<hbm>>
        %dma_start3A_135 = tpu.memref_slice %arg3[%mul3A_133] : memref<32000000xf32, #tpu.memory_space<hbm>> -> memref<4096xf32, #tpu.memory_space<hbm>>
        tpu.enqueue_dma source(%arg6 : memref<4096xf32, #tpu.memory_space<vmem>>) target(%dma_start3A_135 : memref<4096xf32, #tpu.memory_space<hbm>>) target_semaphore(%run_scoped3A : memref<!tpu.dma_semaphore, #tpu.memory_space<semaphore_mem>>)
        %dma_wait3A_136 = tpu.memref_slice %arg3[%mul3A_133] : memref<32000000xf32, #tpu.memory_space<hbm>> -> memref<4096xf32, #tpu.memory_space<hbm>>
        %dma_wait3A_137 = tpu.memref_slice %arg3[%mul3A_133] : memref<32000000xf32, #tpu.memory_space<hbm>> -> memref<4096xf32, #tpu.memory_space<hbm>>
        tpu.wait_dma2 semaphore(%run_scoped3A : memref<!tpu.dma_semaphore, #tpu.memory_space<semaphore_mem>>) src(%arg6 : memref<4096xf32, #tpu.memory_space<vmem>>) dst(%dma_wait3A_137 : memref<4096xf32, #tpu.memory_space<hbm>>)
        tpu.yield
      }) : () -> ()
    } else {
    }
    %eq3A = arith.constant 4 : i32
    %eq3A_120 = arith.cmpi eq, %add3A, %eq3A : i32
    %convert_element_type3A_121 = arith.extui %eq3A_120 : i1 to i32
    %cond3A_122 = arith.constant 0 : i32
    %cond3A_123 = arith.cmpi ne, %convert_element_type3A_121, %cond3A_122 : i32
    scf.if %cond3A_123 {
      "tpu.region"() ({
        %run_scoped3A = tpu.sem_alloc : memref<!tpu.dma_semaphore, #tpu.memory_space<semaphore_mem>>
        %dma_start3A_127 = arith.constant 0 : i32
        %dma_start3A_128 = arith.constant 999936 : i32
        %dma_start3A_129 = tpu.memref_slice %arg2[%dma_start3A_127, %dma_start3A_128] : memref<32x1000000xf32, #tpu.memory_space<hbm>> -> memref<32x64xf32, #tpu.memory_space<hbm>>
        %dma_start3A_130 = arith.constant 0 : i32
        %dma_start3A_131 = arith.constant 999936 : i32
        %dma_start3A_132 = tpu.memref_slice %arg2[%dma_start3A_130, %dma_start3A_131] : memref<32x1000000xf32, #tpu.memory_space<hbm>> -> memref<32x64xf32, #tpu.memory_space<hbm>>
        tpu.enqueue_dma source(%dma_start3A_132 : memref<32x64xf32, #tpu.memory_space<hbm>>) target(%arg8 : memref<32x64xf32, #tpu.memory_space<vmem>>) target_semaphore(%run_scoped3A : memref<!tpu.dma_semaphore, #tpu.memory_space<semaphore_mem>>)
        %dma_wait3A_133 = arith.constant 0 : i32
        %dma_wait3A_134 = arith.constant 999936 : i32
        %dma_wait3A_135 = tpu.memref_slice %arg2[%dma_wait3A_133, %dma_wait3A_134] : memref<32x1000000xf32, #tpu.memory_space<hbm>> -> memref<32x64xf32, #tpu.memory_space<hbm>>
        %dma_wait3A_136 = arith.constant 0 : i32
        %dma_wait3A_137 = arith.constant 999936 : i32
        %dma_wait3A_138 = tpu.memref_slice %arg2[%dma_wait3A_136, %dma_wait3A_137] : memref<32x1000000xf32, #tpu.memory_space<hbm>> -> memref<32x64xf32, #tpu.memory_space<hbm>>
        tpu.wait_dma2 semaphore(%run_scoped3A : memref<!tpu.dma_semaphore, #tpu.memory_space<semaphore_mem>>) src(%dma_wait3A_138 : memref<32x64xf32, #tpu.memory_space<hbm>>) dst(%arg8 : memref<32x64xf32, #tpu.memory_space<vmem>>)
        tpu.yield
      }) : () -> ()
      %parallel_loop3A_124 = arith.constant 0 : i32
      %parallel_loop3A_125 = arith.constant 128 : i32
      %parallel_loop3A_126 = arith.constant 1 : i32
      scf.for %parallel_loop3A_127 = %parallel_loop3A_124 to %parallel_loop3A_125 step %parallel_loop3A_126  : i32 {
        %parallel_loop3A_128 = arith.constant 15 : i32
        %parallel_loop3A_129 = arith.andi %parallel_loop3A_127, %parallel_loop3A_128 : i32
        %parallel_loop3A_130 = arith.constant 4 : i32
        %parallel_loop3A_131 = arith.shrsi %parallel_loop3A_127, %parallel_loop3A_130 : i32
        %parallel_loop3A_132 = arith.constant 3 : i32
        %parallel_loop3A_133 = arith.andi %parallel_loop3A_131, %parallel_loop3A_132 : i32
        %parallel_loop3A_134 = arith.constant 4 : i32
        %parallel_loop3A_135 = arith.shrsi %parallel_loop3A_127, %parallel_loop3A_134 : i32
        %parallel_loop3A_136 = arith.constant 2 : i32
        %parallel_loop3A_137 = arith.shrsi %parallel_loop3A_135, %parallel_loop3A_136 : i32
        %parallel_loop3A_138 = vector.broadcast %parallel_loop3A_129 : i32 to vector<16xi32>
        %parallel_loop3A_139 = arith.addi %iota3A, %parallel_loop3A_138 : vector<16xi32>
        %parallel_loop3A_140 = arith.constant 15 : i32
        %parallel_loop3A_141 = vector.broadcast %parallel_loop3A_140 : i32 to vector<16xi32>
        %parallel_loop3A_142 = arith.andi %parallel_loop3A_139, %parallel_loop3A_141 : vector<16xi32>
        %parallel_loop3A_143 = arith.constant 16 : i32
        %parallel_loop3A_144 = arith.muli %parallel_loop3A_137, %parallel_loop3A_143 : i32
        %parallel_loop3A_145 = vector.broadcast %parallel_loop3A_144 : i32 to vector<16xi32>
        %parallel_loop3A_146 = arith.addi %parallel_loop3A_142, %parallel_loop3A_145 : vector<16xi32>
        %parallel_loop3A_147 = arith.constant 16 : i32
        %parallel_loop3A_148 = arith.muli %parallel_loop3A_133, %parallel_loop3A_147 : i32
        %parallel_loop3A_149 = vector.broadcast %parallel_loop3A_148 : i32 to vector<16xi32>
        %parallel_loop3A_150 = arith.addi %parallel_loop3A_149, %iota3A : vector<16xi32>
        %parallel_loop3A_151 = tpu.vector_load_idx %arg8[%parallel_loop3A_146, %parallel_loop3A_150] : memref<32x64xf32, #tpu.memory_space<vmem>>[vector<16xi32>, vector<16xi32>], vector<16xf32>,
        %parallel_loop3A_152 = arith.constant 32 : i32
        %parallel_loop3A_153 = vector.broadcast %parallel_loop3A_152 : i32 to vector<16xi32>
        %parallel_loop3A_154 = arith.muli %parallel_loop3A_150, %parallel_loop3A_153 : vector<16xi32>
        %parallel_loop3A_155 = arith.addi %parallel_loop3A_154, %parallel_loop3A_146 : vector<16xi32>
        tpu.vector_store_idx %arg9[%parallel_loop3A_155], %parallel_loop3A_151 : memref<2048xf32, #tpu.memory_space<vmem>>[vector<16xi32>], vector<16xf32>,
      } {sc.loop_unroll_factor = 4 : i64, sc.parallel_access}
      "tpu.region"() ({
        %run_scoped3A = tpu.sem_alloc : memref<!tpu.dma_semaphore, #tpu.memory_space<semaphore_mem>>
        %dma_start3A_127 = arith.constant 31997952 : i32
        %dma_start3A_128 = tpu.memref_slice %arg3[%dma_start3A_127] : memref<32000000xf32, #tpu.memory_space<hbm>> -> memref<2048xf32, #tpu.memory_space<hbm>>
        %dma_start3A_129 = arith.constant 31997952 : i32
        %dma_start3A_130 = tpu.memref_slice %arg3[%dma_start3A_129] : memref<32000000xf32, #tpu.memory_space<hbm>> -> memref<2048xf32, #tpu.memory_space<hbm>>
        tpu.enqueue_dma source(%arg9 : memref<2048xf32, #tpu.memory_space<vmem>>) target(%dma_start3A_130 : memref<2048xf32, #tpu.memory_space<hbm>>) target_semaphore(%run_scoped3A : memref<!tpu.dma_semaphore, #tpu.memory_space<semaphore_mem>>)
        %dma_wait3A_131 = arith.constant 31997952 : i32
        %dma_wait3A_132 = tpu.memref_slice %arg3[%dma_wait3A_131] : memref<32000000xf32, #tpu.memory_space<hbm>> -> memref<2048xf32, #tpu.memory_space<hbm>>
        %dma_wait3A_133 = arith.constant 31997952 : i32
        %dma_wait3A_134 = tpu.memref_slice %arg3[%dma_wait3A_133] : memref<32000000xf32, #tpu.memory_space<hbm>> -> memref<2048xf32, #tpu.memory_space<hbm>>
        tpu.wait_dma2 semaphore(%run_scoped3A : memref<!tpu.dma_semaphore, #tpu.memory_space<semaphore_mem>>) src(%arg9 : memref<2048xf32, #tpu.memory_space<vmem>>) dst(%dma_wait3A_134 : memref<2048xf32, #tpu.memory_space<hbm>>)
        tpu.yield
      }) : () -> ()
    } else {
    }
    return
  }
}

#map = affine_map<(d0, d1) -> (0, 0)>
#map1 = affine_map<(d0, d1) -> (0)>
module attributes {stable_mosaic.version = 14 : i64} {
  func.func @k(%arg0: i32, %arg1: i32, %arg2: memref<16384x100xi32, #tpu.memory_space<hbm>>, %arg3: memref<1000000x32xf32, #tpu.memory_space<hbm>>, %arg4: memref<52428800xf32, #tpu.memory_space<hbm>>, %arg5: memref<512x100xi32, #tpu.memory_space<vmem>>, %arg6: memref<512xi32, #tpu.memory_space<vmem>>, %arg7: memref<512xi32, #tpu.memory_space<vmem>>, %arg8: memref<512x32xf32, #tpu.memory_space<vmem>>, %arg9: memref<512x32xf32, #tpu.memory_space<vmem>>, %arg10: memref<16384xf32, #tpu.memory_space<vmem>>, %arg11: memref<16384xf32, #tpu.memory_space<vmem>>, %arg12: memref<!tpu.dma_semaphore, #tpu.memory_space<semaphore_mem>>, %arg13: memref<!tpu.dma_semaphore, #tpu.memory_space<semaphore_mem>>, %arg14: memref<!tpu.dma_semaphore, #tpu.memory_space<semaphore_mem>>, %arg15: memref<!tpu.dma_semaphore, #tpu.memory_space<semaphore_mem>>) attributes {dimension_semantics = [#tpu.dimension_semantics<core_parallel>, #tpu.dimension_semantics<subcore_parallel>], iteration_bounds = array<i64: 2, 16>, scalar_prefetch = 0 : i64, scratch_operands = 11 : i64, tpu.core_type = #tpu.core_type<sc_vector_subcore>, window_params = [{transform_indices = #map}, {transform_indices = #map}, {transform_indices = #map1}]} {
    %mul3A = arith.constant 2 : i32
    %mul3A_0 = arith.muli %arg1, %mul3A : i32
    %add3A = arith.addi %mul3A_0, %arg0 : i32
    %mul3A_1 = arith.constant 512 : i32
    %mul3A_2 = arith.muli %add3A, %mul3A_1 : i32
    %multiple_of3A = tpu.assume_multiple %mul3A_2, 512 : i32
    %mul3A_3 = arith.constant 4 : i32
    %mul3A_4 = arith.muli %add3A, %mul3A_3 : i32
    %iota3A = tpu.iota {dimensions = array<i32: 0>} : vector<16xi32>
    "tpu.region"() ({
      %run_scoped3A = tpu.sem_alloc : memref<!tpu.dma_semaphore, #tpu.memory_space<semaphore_mem>>
      %dma_start3A_866 = arith.constant 0 : i32
      %dma_start3A_867 = tpu.memref_slice %arg2[%multiple_of3A, %dma_start3A_866] : memref<16384x100xi32, #tpu.memory_space<hbm>> -> memref<512x100xi32, #tpu.memory_space<hbm>>
      %dma_start3A_868 = arith.constant 0 : i32
      %dma_start3A_869 = tpu.memref_slice %arg2[%multiple_of3A, %dma_start3A_868] : memref<16384x100xi32, #tpu.memory_space<hbm>> -> memref<512x100xi32, #tpu.memory_space<hbm>>
      tpu.enqueue_dma source(%dma_start3A_869 : memref<512x100xi32, #tpu.memory_space<hbm>>) target(%arg5 : memref<512x100xi32, #tpu.memory_space<vmem>>) target_semaphore(%run_scoped3A : memref<!tpu.dma_semaphore, #tpu.memory_space<semaphore_mem>>)
      %dma_wait3A_870 = arith.constant 0 : i32
      %dma_wait3A_871 = tpu.memref_slice %arg2[%multiple_of3A, %dma_wait3A_870] : memref<16384x100xi32, #tpu.memory_space<hbm>> -> memref<512x100xi32, #tpu.memory_space<hbm>>
      %dma_wait3A_872 = arith.constant 0 : i32
      %dma_wait3A_873 = tpu.memref_slice %arg2[%multiple_of3A, %dma_wait3A_872] : memref<16384x100xi32, #tpu.memory_space<hbm>> -> memref<512x100xi32, #tpu.memory_space<hbm>>
      tpu.wait_dma2 semaphore(%run_scoped3A : memref<!tpu.dma_semaphore, #tpu.memory_space<semaphore_mem>>) src(%dma_wait3A_873 : memref<512x100xi32, #tpu.memory_space<hbm>>) dst(%arg5 : memref<512x100xi32, #tpu.memory_space<vmem>>)
      tpu.yield
    }) : () -> ()
    %mul3A_5 = arith.constant 0 : i32
    %mul3A_6 = vector.broadcast %mul3A_5 : i32 to vector<16xi32>
    %mul3A_7 = arith.muli %iota3A, %mul3A_6 : vector<16xi32>
    %add3A_8 = arith.constant 0 : i32
    %add3A_9 = vector.broadcast %add3A_8 : i32 to vector<16xi32>
    %add3A_10 = arith.addi %mul3A_7, %add3A_9 : vector<16xi32>
    %add3A_11 = arith.constant 0 : i32
    %add3A_12 = vector.broadcast %add3A_11 : i32 to vector<16xi32>
    %add3A_13 = arith.addi %add3A_12, %iota3A : vector<16xi32>
    %gather3A = tpu.vector_load_idx %arg5[%add3A_13, %add3A_10] : memref<512x100xi32, #tpu.memory_space<vmem>>[vector<16xi32>, vector<16xi32>], vector<16xi32>,
    tpu.vector_store_idx %arg6[%add3A_13], %gather3A : memref<512xi32, #tpu.memory_space<vmem>>[vector<16xi32>], vector<16xi32>,
    %add3A_14 = arith.constant 16 : i32
    %add3A_15 = vector.broadcast %add3A_14 : i32 to vector<16xi32>
    %add3A_16 = arith.addi %add3A_15, %iota3A : vector<16xi32>
    %gather3A_17 = tpu.vector_load_idx %arg5[%add3A_16, %add3A_10] : memref<512x100xi32, #tpu.memory_space<vmem>>[vector<16xi32>, vector<16xi32>], vector<16xi32>,
    tpu.vector_store_idx %arg6[%add3A_16], %gather3A_17 : memref<512xi32, #tpu.memory_space<vmem>>[vector<16xi32>], vector<16xi32>,
    %add3A_18 = arith.constant 32 : i32
    %add3A_19 = vector.broadcast %add3A_18 : i32 to vector<16xi32>
    %add3A_20 = arith.addi %add3A_19, %iota3A : vector<16xi32>
    %gather3A_21 = tpu.vector_load_idx %arg5[%add3A_20, %add3A_10] : memref<512x100xi32, #tpu.memory_space<vmem>>[vector<16xi32>, vector<16xi32>], vector<16xi32>,
    tpu.vector_store_idx %arg6[%add3A_20], %gather3A_21 : memref<512xi32, #tpu.memory_space<vmem>>[vector<16xi32>], vector<16xi32>,
    %add3A_22 = arith.constant 48 : i32
    %add3A_23 = vector.broadcast %add3A_22 : i32 to vector<16xi32>
    %add3A_24 = arith.addi %add3A_23, %iota3A : vector<16xi32>
    %gather3A_25 = tpu.vector_load_idx %arg5[%add3A_24, %add3A_10] : memref<512x100xi32, #tpu.memory_space<vmem>>[vector<16xi32>, vector<16xi32>], vector<16xi32>,
    tpu.vector_store_idx %arg6[%add3A_24], %gather3A_25 : memref<512xi32, #tpu.memory_space<vmem>>[vector<16xi32>], vector<16xi32>,
    %add3A_26 = arith.constant 64 : i32
    %add3A_27 = vector.broadcast %add3A_26 : i32 to vector<16xi32>
    %add3A_28 = arith.addi %add3A_27, %iota3A : vector<16xi32>
    %gather3A_29 = tpu.vector_load_idx %arg5[%add3A_28, %add3A_10] : memref<512x100xi32, #tpu.memory_space<vmem>>[vector<16xi32>, vector<16xi32>], vector<16xi32>,
    tpu.vector_store_idx %arg6[%add3A_28], %gather3A_29 : memref<512xi32, #tpu.memory_space<vmem>>[vector<16xi32>], vector<16xi32>,
    %add3A_30 = arith.constant 80 : i32
    %add3A_31 = vector.broadcast %add3A_30 : i32 to vector<16xi32>
    %add3A_32 = arith.addi %add3A_31, %iota3A : vector<16xi32>
    %gather3A_33 = tpu.vector_load_idx %arg5[%add3A_32, %add3A_10] : memref<512x100xi32, #tpu.memory_space<vmem>>[vector<16xi32>, vector<16xi32>], vector<16xi32>,
    tpu.vector_store_idx %arg6[%add3A_32], %gather3A_33 : memref<512xi32, #tpu.memory_space<vmem>>[vector<16xi32>], vector<16xi32>,
    %add3A_34 = arith.constant 96 : i32
    %add3A_35 = vector.broadcast %add3A_34 : i32 to vector<16xi32>
    %add3A_36 = arith.addi %add3A_35, %iota3A : vector<16xi32>
    %gather3A_37 = tpu.vector_load_idx %arg5[%add3A_36, %add3A_10] : memref<512x100xi32, #tpu.memory_space<vmem>>[vector<16xi32>, vector<16xi32>], vector<16xi32>,
    tpu.vector_store_idx %arg6[%add3A_36], %gather3A_37 : memref<512xi32, #tpu.memory_space<vmem>>[vector<16xi32>], vector<16xi32>,
    %add3A_38 = arith.constant 112 : i32
    %add3A_39 = vector.broadcast %add3A_38 : i32 to vector<16xi32>
    %add3A_40 = arith.addi %add3A_39, %iota3A : vector<16xi32>
    %gather3A_41 = tpu.vector_load_idx %arg5[%add3A_40, %add3A_10] : memref<512x100xi32, #tpu.memory_space<vmem>>[vector<16xi32>, vector<16xi32>], vector<16xi32>,
    tpu.vector_store_idx %arg6[%add3A_40], %gather3A_41 : memref<512xi32, #tpu.memory_space<vmem>>[vector<16xi32>], vector<16xi32>,
    %add3A_42 = arith.constant 128 : i32
    %add3A_43 = vector.broadcast %add3A_42 : i32 to vector<16xi32>
    %add3A_44 = arith.addi %add3A_43, %iota3A : vector<16xi32>
    %gather3A_45 = tpu.vector_load_idx %arg5[%add3A_44, %add3A_10] : memref<512x100xi32, #tpu.memory_space<vmem>>[vector<16xi32>, vector<16xi32>], vector<16xi32>,
    tpu.vector_store_idx %arg6[%add3A_44], %gather3A_45 : memref<512xi32, #tpu.memory_space<vmem>>[vector<16xi32>], vector<16xi32>,
    %add3A_46 = arith.constant 144 : i32
    %add3A_47 = vector.broadcast %add3A_46 : i32 to vector<16xi32>
    %add3A_48 = arith.addi %add3A_47, %iota3A : vector<16xi32>
    %gather3A_49 = tpu.vector_load_idx %arg5[%add3A_48, %add3A_10] : memref<512x100xi32, #tpu.memory_space<vmem>>[vector<16xi32>, vector<16xi32>], vector<16xi32>,
    tpu.vector_store_idx %arg6[%add3A_48], %gather3A_49 : memref<512xi32, #tpu.memory_space<vmem>>[vector<16xi32>], vector<16xi32>,
    %add3A_50 = arith.constant 160 : i32
    %add3A_51 = vector.broadcast %add3A_50 : i32 to vector<16xi32>
    %add3A_52 = arith.addi %add3A_51, %iota3A : vector<16xi32>
    %gather3A_53 = tpu.vector_load_idx %arg5[%add3A_52, %add3A_10] : memref<512x100xi32, #tpu.memory_space<vmem>>[vector<16xi32>, vector<16xi32>], vector<16xi32>,
    tpu.vector_store_idx %arg6[%add3A_52], %gather3A_53 : memref<512xi32, #tpu.memory_space<vmem>>[vector<16xi32>], vector<16xi32>,
    %add3A_54 = arith.constant 176 : i32
    %add3A_55 = vector.broadcast %add3A_54 : i32 to vector<16xi32>
    %add3A_56 = arith.addi %add3A_55, %iota3A : vector<16xi32>
    %gather3A_57 = tpu.vector_load_idx %arg5[%add3A_56, %add3A_10] : memref<512x100xi32, #tpu.memory_space<vmem>>[vector<16xi32>, vector<16xi32>], vector<16xi32>,
    tpu.vector_store_idx %arg6[%add3A_56], %gather3A_57 : memref<512xi32, #tpu.memory_space<vmem>>[vector<16xi32>], vector<16xi32>,
    %add3A_58 = arith.constant 192 : i32
    %add3A_59 = vector.broadcast %add3A_58 : i32 to vector<16xi32>
    %add3A_60 = arith.addi %add3A_59, %iota3A : vector<16xi32>
    %gather3A_61 = tpu.vector_load_idx %arg5[%add3A_60, %add3A_10] : memref<512x100xi32, #tpu.memory_space<vmem>>[vector<16xi32>, vector<16xi32>], vector<16xi32>,
    tpu.vector_store_idx %arg6[%add3A_60], %gather3A_61 : memref<512xi32, #tpu.memory_space<vmem>>[vector<16xi32>], vector<16xi32>,
    %add3A_62 = arith.constant 208 : i32
    %add3A_63 = vector.broadcast %add3A_62 : i32 to vector<16xi32>
    %add3A_64 = arith.addi %add3A_63, %iota3A : vector<16xi32>
    %gather3A_65 = tpu.vector_load_idx %arg5[%add3A_64, %add3A_10] : memref<512x100xi32, #tpu.memory_space<vmem>>[vector<16xi32>, vector<16xi32>], vector<16xi32>,
    tpu.vector_store_idx %arg6[%add3A_64], %gather3A_65 : memref<512xi32, #tpu.memory_space<vmem>>[vector<16xi32>], vector<16xi32>,
    %add3A_66 = arith.constant 224 : i32
    %add3A_67 = vector.broadcast %add3A_66 : i32 to vector<16xi32>
    %add3A_68 = arith.addi %add3A_67, %iota3A : vector<16xi32>
    %gather3A_69 = tpu.vector_load_idx %arg5[%add3A_68, %add3A_10] : memref<512x100xi32, #tpu.memory_space<vmem>>[vector<16xi32>, vector<16xi32>], vector<16xi32>,
    tpu.vector_store_idx %arg6[%add3A_68], %gather3A_69 : memref<512xi32, #tpu.memory_space<vmem>>[vector<16xi32>], vector<16xi32>,
    %add3A_70 = arith.constant 240 : i32
    %add3A_71 = vector.broadcast %add3A_70 : i32 to vector<16xi32>
    %add3A_72 = arith.addi %add3A_71, %iota3A : vector<16xi32>
    %gather3A_73 = tpu.vector_load_idx %arg5[%add3A_72, %add3A_10] : memref<512x100xi32, #tpu.memory_space<vmem>>[vector<16xi32>, vector<16xi32>], vector<16xi32>,
    tpu.vector_store_idx %arg6[%add3A_72], %gather3A_73 : memref<512xi32, #tpu.memory_space<vmem>>[vector<16xi32>], vector<16xi32>,
    %add3A_74 = arith.constant 256 : i32
    %add3A_75 = vector.broadcast %add3A_74 : i32 to vector<16xi32>
    %add3A_76 = arith.addi %add3A_75, %iota3A : vector<16xi32>
    %gather3A_77 = tpu.vector_load_idx %arg5[%add3A_76, %add3A_10] : memref<512x100xi32, #tpu.memory_space<vmem>>[vector<16xi32>, vector<16xi32>], vector<16xi32>,
    tpu.vector_store_idx %arg6[%add3A_76], %gather3A_77 : memref<512xi32, #tpu.memory_space<vmem>>[vector<16xi32>], vector<16xi32>,
    %add3A_78 = arith.constant 272 : i32
    %add3A_79 = vector.broadcast %add3A_78 : i32 to vector<16xi32>
    %add3A_80 = arith.addi %add3A_79, %iota3A : vector<16xi32>
    %gather3A_81 = tpu.vector_load_idx %arg5[%add3A_80, %add3A_10] : memref<512x100xi32, #tpu.memory_space<vmem>>[vector<16xi32>, vector<16xi32>], vector<16xi32>,
    tpu.vector_store_idx %arg6[%add3A_80], %gather3A_81 : memref<512xi32, #tpu.memory_space<vmem>>[vector<16xi32>], vector<16xi32>,
    %add3A_82 = arith.constant 288 : i32
    %add3A_83 = vector.broadcast %add3A_82 : i32 to vector<16xi32>
    %add3A_84 = arith.addi %add3A_83, %iota3A : vector<16xi32>
    %gather3A_85 = tpu.vector_load_idx %arg5[%add3A_84, %add3A_10] : memref<512x100xi32, #tpu.memory_space<vmem>>[vector<16xi32>, vector<16xi32>], vector<16xi32>,
    tpu.vector_store_idx %arg6[%add3A_84], %gather3A_85 : memref<512xi32, #tpu.memory_space<vmem>>[vector<16xi32>], vector<16xi32>,
    %add3A_86 = arith.constant 304 : i32
    %add3A_87 = vector.broadcast %add3A_86 : i32 to vector<16xi32>
    %add3A_88 = arith.addi %add3A_87, %iota3A : vector<16xi32>
    %gather3A_89 = tpu.vector_load_idx %arg5[%add3A_88, %add3A_10] : memref<512x100xi32, #tpu.memory_space<vmem>>[vector<16xi32>, vector<16xi32>], vector<16xi32>,
    tpu.vector_store_idx %arg6[%add3A_88], %gather3A_89 : memref<512xi32, #tpu.memory_space<vmem>>[vector<16xi32>], vector<16xi32>,
    %add3A_90 = arith.constant 320 : i32
    %add3A_91 = vector.broadcast %add3A_90 : i32 to vector<16xi32>
    %add3A_92 = arith.addi %add3A_91, %iota3A : vector<16xi32>
    %gather3A_93 = tpu.vector_load_idx %arg5[%add3A_92, %add3A_10] : memref<512x100xi32, #tpu.memory_space<vmem>>[vector<16xi32>, vector<16xi32>], vector<16xi32>,
    tpu.vector_store_idx %arg6[%add3A_92], %gather3A_93 : memref<512xi32, #tpu.memory_space<vmem>>[vector<16xi32>], vector<16xi32>,
    %add3A_94 = arith.constant 336 : i32
    %add3A_95 = vector.broadcast %add3A_94 : i32 to vector<16xi32>
    %add3A_96 = arith.addi %add3A_95, %iota3A : vector<16xi32>
    %gather3A_97 = tpu.vector_load_idx %arg5[%add3A_96, %add3A_10] : memref<512x100xi32, #tpu.memory_space<vmem>>[vector<16xi32>, vector<16xi32>], vector<16xi32>,
    tpu.vector_store_idx %arg6[%add3A_96], %gather3A_97 : memref<512xi32, #tpu.memory_space<vmem>>[vector<16xi32>], vector<16xi32>,
    %add3A_98 = arith.constant 352 : i32
    %add3A_99 = vector.broadcast %add3A_98 : i32 to vector<16xi32>
    %add3A_100 = arith.addi %add3A_99, %iota3A : vector<16xi32>
    %gather3A_101 = tpu.vector_load_idx %arg5[%add3A_100, %add3A_10] : memref<512x100xi32, #tpu.memory_space<vmem>>[vector<16xi32>, vector<16xi32>], vector<16xi32>,
    tpu.vector_store_idx %arg6[%add3A_100], %gather3A_101 : memref<512xi32, #tpu.memory_space<vmem>>[vector<16xi32>], vector<16xi32>,
    %add3A_102 = arith.constant 368 : i32
    %add3A_103 = vector.broadcast %add3A_102 : i32 to vector<16xi32>
    %add3A_104 = arith.addi %add3A_103, %iota3A : vector<16xi32>
    %gather3A_105 = tpu.vector_load_idx %arg5[%add3A_104, %add3A_10] : memref<512x100xi32, #tpu.memory_space<vmem>>[vector<16xi32>, vector<16xi32>], vector<16xi32>,
    tpu.vector_store_idx %arg6[%add3A_104], %gather3A_105 : memref<512xi32, #tpu.memory_space<vmem>>[vector<16xi32>], vector<16xi32>,
    %add3A_106 = arith.constant 384 : i32
    %add3A_107 = vector.broadcast %add3A_106 : i32 to vector<16xi32>
    %add3A_108 = arith.addi %add3A_107, %iota3A : vector<16xi32>
    %gather3A_109 = tpu.vector_load_idx %arg5[%add3A_108, %add3A_10] : memref<512x100xi32, #tpu.memory_space<vmem>>[vector<16xi32>, vector<16xi32>], vector<16xi32>,
    tpu.vector_store_idx %arg6[%add3A_108], %gather3A_109 : memref<512xi32, #tpu.memory_space<vmem>>[vector<16xi32>], vector<16xi32>,
    %add3A_110 = arith.constant 400 : i32
    %add3A_111 = vector.broadcast %add3A_110 : i32 to vector<16xi32>
    %add3A_112 = arith.addi %add3A_111, %iota3A : vector<16xi32>
    %gather3A_113 = tpu.vector_load_idx %arg5[%add3A_112, %add3A_10] : memref<512x100xi32, #tpu.memory_space<vmem>>[vector<16xi32>, vector<16xi32>], vector<16xi32>,
    tpu.vector_store_idx %arg6[%add3A_112], %gather3A_113 : memref<512xi32, #tpu.memory_space<vmem>>[vector<16xi32>], vector<16xi32>,
    %add3A_114 = arith.constant 416 : i32
    %add3A_115 = vector.broadcast %add3A_114 : i32 to vector<16xi32>
    %add3A_116 = arith.addi %add3A_115, %iota3A : vector<16xi32>
    %gather3A_117 = tpu.vector_load_idx %arg5[%add3A_116, %add3A_10] : memref<512x100xi32, #tpu.memory_space<vmem>>[vector<16xi32>, vector<16xi32>], vector<16xi32>,
    tpu.vector_store_idx %arg6[%add3A_116], %gather3A_117 : memref<512xi32, #tpu.memory_space<vmem>>[vector<16xi32>], vector<16xi32>,
    %add3A_118 = arith.constant 432 : i32
    %add3A_119 = vector.broadcast %add3A_118 : i32 to vector<16xi32>
    %add3A_120 = arith.addi %add3A_119, %iota3A : vector<16xi32>
    %gather3A_121 = tpu.vector_load_idx %arg5[%add3A_120, %add3A_10] : memref<512x100xi32, #tpu.memory_space<vmem>>[vector<16xi32>, vector<16xi32>], vector<16xi32>,
    tpu.vector_store_idx %arg6[%add3A_120], %gather3A_121 : memref<512xi32, #tpu.memory_space<vmem>>[vector<16xi32>], vector<16xi32>,
    %add3A_122 = arith.constant 448 : i32
    %add3A_123 = vector.broadcast %add3A_122 : i32 to vector<16xi32>
    %add3A_124 = arith.addi %add3A_123, %iota3A : vector<16xi32>
    %gather3A_125 = tpu.vector_load_idx %arg5[%add3A_124, %add3A_10] : memref<512x100xi32, #tpu.memory_space<vmem>>[vector<16xi32>, vector<16xi32>], vector<16xi32>,
    tpu.vector_store_idx %arg6[%add3A_124], %gather3A_125 : memref<512xi32, #tpu.memory_space<vmem>>[vector<16xi32>], vector<16xi32>,
    %add3A_126 = arith.constant 464 : i32
    %add3A_127 = vector.broadcast %add3A_126 : i32 to vector<16xi32>
    %add3A_128 = arith.addi %add3A_127, %iota3A : vector<16xi32>
    %gather3A_129 = tpu.vector_load_idx %arg5[%add3A_128, %add3A_10] : memref<512x100xi32, #tpu.memory_space<vmem>>[vector<16xi32>, vector<16xi32>], vector<16xi32>,
    tpu.vector_store_idx %arg6[%add3A_128], %gather3A_129 : memref<512xi32, #tpu.memory_space<vmem>>[vector<16xi32>], vector<16xi32>,
    %add3A_130 = arith.constant 480 : i32
    %add3A_131 = vector.broadcast %add3A_130 : i32 to vector<16xi32>
    %add3A_132 = arith.addi %add3A_131, %iota3A : vector<16xi32>
    %gather3A_133 = tpu.vector_load_idx %arg5[%add3A_132, %add3A_10] : memref<512x100xi32, #tpu.memory_space<vmem>>[vector<16xi32>, vector<16xi32>], vector<16xi32>,
    tpu.vector_store_idx %arg6[%add3A_132], %gather3A_133 : memref<512xi32, #tpu.memory_space<vmem>>[vector<16xi32>], vector<16xi32>,
    %add3A_134 = arith.constant 496 : i32
    %add3A_135 = vector.broadcast %add3A_134 : i32 to vector<16xi32>
    %add3A_136 = arith.addi %add3A_135, %iota3A : vector<16xi32>
    %gather3A_137 = tpu.vector_load_idx %arg5[%add3A_136, %add3A_10] : memref<512x100xi32, #tpu.memory_space<vmem>>[vector<16xi32>, vector<16xi32>], vector<16xi32>,
    tpu.vector_store_idx %arg6[%add3A_136], %gather3A_137 : memref<512xi32, #tpu.memory_space<vmem>>[vector<16xi32>], vector<16xi32>,
    %dma_start3A = arith.constant 0 : i32
    %dma_start3A_138 = arith.constant 0 : i32
    %dma_start3A_139 = tpu.memref_slice %arg3[%dma_start3A, %dma_start3A_138] : memref<1000000x32xf32, #tpu.memory_space<hbm>> -> memref<1000000x32xf32, #tpu.memory_space<hbm>>
    tpu.enqueue_indirect_dma source(%dma_start3A_139 : memref<1000000x32xf32, #tpu.memory_space<hbm>>) target(%arg8 : memref<512x32xf32, #tpu.memory_space<vmem>>) offsets(%arg6 : memref<512xi32, #tpu.memory_space<vmem>>) semaphore(%arg12 : memref<!tpu.dma_semaphore, #tpu.memory_space<semaphore_mem>>)
    %mul3A_140 = arith.constant 0 : i32
    %mul3A_141 = vector.broadcast %mul3A_140 : i32 to vector<16xi32>
    %mul3A_142 = arith.muli %iota3A, %mul3A_141 : vector<16xi32>
    %add3A_143 = arith.constant 1 : i32
    %add3A_144 = vector.broadcast %add3A_143 : i32 to vector<16xi32>
    %add3A_145 = arith.addi %mul3A_142, %add3A_144 : vector<16xi32>
    %add3A_146 = arith.constant 0 : i32
    %add3A_147 = vector.broadcast %add3A_146 : i32 to vector<16xi32>
    %add3A_148 = arith.addi %add3A_147, %iota3A : vector<16xi32>
    %gather3A_149 = tpu.vector_load_idx %arg5[%add3A_148, %add3A_145] : memref<512x100xi32, #tpu.memory_space<vmem>>[vector<16xi32>, vector<16xi32>], vector<16xi32>,
    tpu.vector_store_idx %arg7[%add3A_148], %gather3A_149 : memref<512xi32, #tpu.memory_space<vmem>>[vector<16xi32>], vector<16xi32>,
    %add3A_150 = arith.constant 16 : i32
    %add3A_151 = vector.broadcast %add3A_150 : i32 to vector<16xi32>
    %add3A_152 = arith.addi %add3A_151, %iota3A : vector<16xi32>
    %gather3A_153 = tpu.vector_load_idx %arg5[%add3A_152, %add3A_145] : memref<512x100xi32, #tpu.memory_space<vmem>>[vector<16xi32>, vector<16xi32>], vector<16xi32>,
    tpu.vector_store_idx %arg7[%add3A_152], %gather3A_153 : memref<512xi32, #tpu.memory_space<vmem>>[vector<16xi32>], vector<16xi32>,
    %add3A_154 = arith.constant 32 : i32
    %add3A_155 = vector.broadcast %add3A_154 : i32 to vector<16xi32>
    %add3A_156 = arith.addi %add3A_155, %iota3A : vector<16xi32>
    %gather3A_157 = tpu.vector_load_idx %arg5[%add3A_156, %add3A_145] : memref<512x100xi32, #tpu.memory_space<vmem>>[vector<16xi32>, vector<16xi32>], vector<16xi32>,
    tpu.vector_store_idx %arg7[%add3A_156], %gather3A_157 : memref<512xi32, #tpu.memory_space<vmem>>[vector<16xi32>], vector<16xi32>,
    %add3A_158 = arith.constant 48 : i32
    %add3A_159 = vector.broadcast %add3A_158 : i32 to vector<16xi32>
    %add3A_160 = arith.addi %add3A_159, %iota3A : vector<16xi32>
    %gather3A_161 = tpu.vector_load_idx %arg5[%add3A_160, %add3A_145] : memref<512x100xi32, #tpu.memory_space<vmem>>[vector<16xi32>, vector<16xi32>], vector<16xi32>,
    tpu.vector_store_idx %arg7[%add3A_160], %gather3A_161 : memref<512xi32, #tpu.memory_space<vmem>>[vector<16xi32>], vector<16xi32>,
    %add3A_162 = arith.constant 64 : i32
    %add3A_163 = vector.broadcast %add3A_162 : i32 to vector<16xi32>
    %add3A_164 = arith.addi %add3A_163, %iota3A : vector<16xi32>
    %gather3A_165 = tpu.vector_load_idx %arg5[%add3A_164, %add3A_145] : memref<512x100xi32, #tpu.memory_space<vmem>>[vector<16xi32>, vector<16xi32>], vector<16xi32>,
    tpu.vector_store_idx %arg7[%add3A_164], %gather3A_165 : memref<512xi32, #tpu.memory_space<vmem>>[vector<16xi32>], vector<16xi32>,
    %add3A_166 = arith.constant 80 : i32
    %add3A_167 = vector.broadcast %add3A_166 : i32 to vector<16xi32>
    %add3A_168 = arith.addi %add3A_167, %iota3A : vector<16xi32>
    %gather3A_169 = tpu.vector_load_idx %arg5[%add3A_168, %add3A_145] : memref<512x100xi32, #tpu.memory_space<vmem>>[vector<16xi32>, vector<16xi32>], vector<16xi32>,
    tpu.vector_store_idx %arg7[%add3A_168], %gather3A_169 : memref<512xi32, #tpu.memory_space<vmem>>[vector<16xi32>], vector<16xi32>,
    %add3A_170 = arith.constant 96 : i32
    %add3A_171 = vector.broadcast %add3A_170 : i32 to vector<16xi32>
    %add3A_172 = arith.addi %add3A_171, %iota3A : vector<16xi32>
    %gather3A_173 = tpu.vector_load_idx %arg5[%add3A_172, %add3A_145] : memref<512x100xi32, #tpu.memory_space<vmem>>[vector<16xi32>, vector<16xi32>], vector<16xi32>,
    tpu.vector_store_idx %arg7[%add3A_172], %gather3A_173 : memref<512xi32, #tpu.memory_space<vmem>>[vector<16xi32>], vector<16xi32>,
    %add3A_174 = arith.constant 112 : i32
    %add3A_175 = vector.broadcast %add3A_174 : i32 to vector<16xi32>
    %add3A_176 = arith.addi %add3A_175, %iota3A : vector<16xi32>
    %gather3A_177 = tpu.vector_load_idx %arg5[%add3A_176, %add3A_145] : memref<512x100xi32, #tpu.memory_space<vmem>>[vector<16xi32>, vector<16xi32>], vector<16xi32>,
    tpu.vector_store_idx %arg7[%add3A_176], %gather3A_177 : memref<512xi32, #tpu.memory_space<vmem>>[vector<16xi32>], vector<16xi32>,
    %add3A_178 = arith.constant 128 : i32
    %add3A_179 = vector.broadcast %add3A_178 : i32 to vector<16xi32>
    %add3A_180 = arith.addi %add3A_179, %iota3A : vector<16xi32>
    %gather3A_181 = tpu.vector_load_idx %arg5[%add3A_180, %add3A_145] : memref<512x100xi32, #tpu.memory_space<vmem>>[vector<16xi32>, vector<16xi32>], vector<16xi32>,
    tpu.vector_store_idx %arg7[%add3A_180], %gather3A_181 : memref<512xi32, #tpu.memory_space<vmem>>[vector<16xi32>], vector<16xi32>,
    %add3A_182 = arith.constant 144 : i32
    %add3A_183 = vector.broadcast %add3A_182 : i32 to vector<16xi32>
    %add3A_184 = arith.addi %add3A_183, %iota3A : vector<16xi32>
    %gather3A_185 = tpu.vector_load_idx %arg5[%add3A_184, %add3A_145] : memref<512x100xi32, #tpu.memory_space<vmem>>[vector<16xi32>, vector<16xi32>], vector<16xi32>,
    tpu.vector_store_idx %arg7[%add3A_184], %gather3A_185 : memref<512xi32, #tpu.memory_space<vmem>>[vector<16xi32>], vector<16xi32>,
    %add3A_186 = arith.constant 160 : i32
    %add3A_187 = vector.broadcast %add3A_186 : i32 to vector<16xi32>
    %add3A_188 = arith.addi %add3A_187, %iota3A : vector<16xi32>
    %gather3A_189 = tpu.vector_load_idx %arg5[%add3A_188, %add3A_145] : memref<512x100xi32, #tpu.memory_space<vmem>>[vector<16xi32>, vector<16xi32>], vector<16xi32>,
    tpu.vector_store_idx %arg7[%add3A_188], %gather3A_189 : memref<512xi32, #tpu.memory_space<vmem>>[vector<16xi32>], vector<16xi32>,
    %add3A_190 = arith.constant 176 : i32
    %add3A_191 = vector.broadcast %add3A_190 : i32 to vector<16xi32>
    %add3A_192 = arith.addi %add3A_191, %iota3A : vector<16xi32>
    %gather3A_193 = tpu.vector_load_idx %arg5[%add3A_192, %add3A_145] : memref<512x100xi32, #tpu.memory_space<vmem>>[vector<16xi32>, vector<16xi32>], vector<16xi32>,
    tpu.vector_store_idx %arg7[%add3A_192], %gather3A_193 : memref<512xi32, #tpu.memory_space<vmem>>[vector<16xi32>], vector<16xi32>,
    %add3A_194 = arith.constant 192 : i32
    %add3A_195 = vector.broadcast %add3A_194 : i32 to vector<16xi32>
    %add3A_196 = arith.addi %add3A_195, %iota3A : vector<16xi32>
    %gather3A_197 = tpu.vector_load_idx %arg5[%add3A_196, %add3A_145] : memref<512x100xi32, #tpu.memory_space<vmem>>[vector<16xi32>, vector<16xi32>], vector<16xi32>,
    tpu.vector_store_idx %arg7[%add3A_196], %gather3A_197 : memref<512xi32, #tpu.memory_space<vmem>>[vector<16xi32>], vector<16xi32>,
    %add3A_198 = arith.constant 208 : i32
    %add3A_199 = vector.broadcast %add3A_198 : i32 to vector<16xi32>
    %add3A_200 = arith.addi %add3A_199, %iota3A : vector<16xi32>
    %gather3A_201 = tpu.vector_load_idx %arg5[%add3A_200, %add3A_145] : memref<512x100xi32, #tpu.memory_space<vmem>>[vector<16xi32>, vector<16xi32>], vector<16xi32>,
    tpu.vector_store_idx %arg7[%add3A_200], %gather3A_201 : memref<512xi32, #tpu.memory_space<vmem>>[vector<16xi32>], vector<16xi32>,
    %add3A_202 = arith.constant 224 : i32
    %add3A_203 = vector.broadcast %add3A_202 : i32 to vector<16xi32>
    %add3A_204 = arith.addi %add3A_203, %iota3A : vector<16xi32>
    %gather3A_205 = tpu.vector_load_idx %arg5[%add3A_204, %add3A_145] : memref<512x100xi32, #tpu.memory_space<vmem>>[vector<16xi32>, vector<16xi32>], vector<16xi32>,
    tpu.vector_store_idx %arg7[%add3A_204], %gather3A_205 : memref<512xi32, #tpu.memory_space<vmem>>[vector<16xi32>], vector<16xi32>,
    %add3A_206 = arith.constant 240 : i32
    %add3A_207 = vector.broadcast %add3A_206 : i32 to vector<16xi32>
    %add3A_208 = arith.addi %add3A_207, %iota3A : vector<16xi32>
    %gather3A_209 = tpu.vector_load_idx %arg5[%add3A_208, %add3A_145] : memref<512x100xi32, #tpu.memory_space<vmem>>[vector<16xi32>, vector<16xi32>], vector<16xi32>,
    tpu.vector_store_idx %arg7[%add3A_208], %gather3A_209 : memref<512xi32, #tpu.memory_space<vmem>>[vector<16xi32>], vector<16xi32>,
    %add3A_210 = arith.constant 256 : i32
    %add3A_211 = vector.broadcast %add3A_210 : i32 to vector<16xi32>
    %add3A_212 = arith.addi %add3A_211, %iota3A : vector<16xi32>
    %gather3A_213 = tpu.vector_load_idx %arg5[%add3A_212, %add3A_145] : memref<512x100xi32, #tpu.memory_space<vmem>>[vector<16xi32>, vector<16xi32>], vector<16xi32>,
    tpu.vector_store_idx %arg7[%add3A_212], %gather3A_213 : memref<512xi32, #tpu.memory_space<vmem>>[vector<16xi32>], vector<16xi32>,
    %add3A_214 = arith.constant 272 : i32
    %add3A_215 = vector.broadcast %add3A_214 : i32 to vector<16xi32>
    %add3A_216 = arith.addi %add3A_215, %iota3A : vector<16xi32>
    %gather3A_217 = tpu.vector_load_idx %arg5[%add3A_216, %add3A_145] : memref<512x100xi32, #tpu.memory_space<vmem>>[vector<16xi32>, vector<16xi32>], vector<16xi32>,
    tpu.vector_store_idx %arg7[%add3A_216], %gather3A_217 : memref<512xi32, #tpu.memory_space<vmem>>[vector<16xi32>], vector<16xi32>,
    %add3A_218 = arith.constant 288 : i32
    %add3A_219 = vector.broadcast %add3A_218 : i32 to vector<16xi32>
    %add3A_220 = arith.addi %add3A_219, %iota3A : vector<16xi32>
    %gather3A_221 = tpu.vector_load_idx %arg5[%add3A_220, %add3A_145] : memref<512x100xi32, #tpu.memory_space<vmem>>[vector<16xi32>, vector<16xi32>], vector<16xi32>,
    tpu.vector_store_idx %arg7[%add3A_220], %gather3A_221 : memref<512xi32, #tpu.memory_space<vmem>>[vector<16xi32>], vector<16xi32>,
    %add3A_222 = arith.constant 304 : i32
    %add3A_223 = vector.broadcast %add3A_222 : i32 to vector<16xi32>
    %add3A_224 = arith.addi %add3A_223, %iota3A : vector<16xi32>
    %gather3A_225 = tpu.vector_load_idx %arg5[%add3A_224, %add3A_145] : memref<512x100xi32, #tpu.memory_space<vmem>>[vector<16xi32>, vector<16xi32>], vector<16xi32>,
    tpu.vector_store_idx %arg7[%add3A_224], %gather3A_225 : memref<512xi32, #tpu.memory_space<vmem>>[vector<16xi32>], vector<16xi32>,
    %add3A_226 = arith.constant 320 : i32
    %add3A_227 = vector.broadcast %add3A_226 : i32 to vector<16xi32>
    %add3A_228 = arith.addi %add3A_227, %iota3A : vector<16xi32>
    %gather3A_229 = tpu.vector_load_idx %arg5[%add3A_228, %add3A_145] : memref<512x100xi32, #tpu.memory_space<vmem>>[vector<16xi32>, vector<16xi32>], vector<16xi32>,
    tpu.vector_store_idx %arg7[%add3A_228], %gather3A_229 : memref<512xi32, #tpu.memory_space<vmem>>[vector<16xi32>], vector<16xi32>,
    %add3A_230 = arith.constant 336 : i32
    %add3A_231 = vector.broadcast %add3A_230 : i32 to vector<16xi32>
    %add3A_232 = arith.addi %add3A_231, %iota3A : vector<16xi32>
    %gather3A_233 = tpu.vector_load_idx %arg5[%add3A_232, %add3A_145] : memref<512x100xi32, #tpu.memory_space<vmem>>[vector<16xi32>, vector<16xi32>], vector<16xi32>,
    tpu.vector_store_idx %arg7[%add3A_232], %gather3A_233 : memref<512xi32, #tpu.memory_space<vmem>>[vector<16xi32>], vector<16xi32>,
    %add3A_234 = arith.constant 352 : i32
    %add3A_235 = vector.broadcast %add3A_234 : i32 to vector<16xi32>
    %add3A_236 = arith.addi %add3A_235, %iota3A : vector<16xi32>
    %gather3A_237 = tpu.vector_load_idx %arg5[%add3A_236, %add3A_145] : memref<512x100xi32, #tpu.memory_space<vmem>>[vector<16xi32>, vector<16xi32>], vector<16xi32>,
    tpu.vector_store_idx %arg7[%add3A_236], %gather3A_237 : memref<512xi32, #tpu.memory_space<vmem>>[vector<16xi32>], vector<16xi32>,
    %add3A_238 = arith.constant 368 : i32
    %add3A_239 = vector.broadcast %add3A_238 : i32 to vector<16xi32>
    %add3A_240 = arith.addi %add3A_239, %iota3A : vector<16xi32>
    %gather3A_241 = tpu.vector_load_idx %arg5[%add3A_240, %add3A_145] : memref<512x100xi32, #tpu.memory_space<vmem>>[vector<16xi32>, vector<16xi32>], vector<16xi32>,
    tpu.vector_store_idx %arg7[%add3A_240], %gather3A_241 : memref<512xi32, #tpu.memory_space<vmem>>[vector<16xi32>], vector<16xi32>,
    %add3A_242 = arith.constant 384 : i32
    %add3A_243 = vector.broadcast %add3A_242 : i32 to vector<16xi32>
    %add3A_244 = arith.addi %add3A_243, %iota3A : vector<16xi32>
    %gather3A_245 = tpu.vector_load_idx %arg5[%add3A_244, %add3A_145] : memref<512x100xi32, #tpu.memory_space<vmem>>[vector<16xi32>, vector<16xi32>], vector<16xi32>,
    tpu.vector_store_idx %arg7[%add3A_244], %gather3A_245 : memref<512xi32, #tpu.memory_space<vmem>>[vector<16xi32>], vector<16xi32>,
    %add3A_246 = arith.constant 400 : i32
    %add3A_247 = vector.broadcast %add3A_246 : i32 to vector<16xi32>
    %add3A_248 = arith.addi %add3A_247, %iota3A : vector<16xi32>
    %gather3A_249 = tpu.vector_load_idx %arg5[%add3A_248, %add3A_145] : memref<512x100xi32, #tpu.memory_space<vmem>>[vector<16xi32>, vector<16xi32>], vector<16xi32>,
    tpu.vector_store_idx %arg7[%add3A_248], %gather3A_249 : memref<512xi32, #tpu.memory_space<vmem>>[vector<16xi32>], vector<16xi32>,
    %add3A_250 = arith.constant 416 : i32
    %add3A_251 = vector.broadcast %add3A_250 : i32 to vector<16xi32>
    %add3A_252 = arith.addi %add3A_251, %iota3A : vector<16xi32>
    %gather3A_253 = tpu.vector_load_idx %arg5[%add3A_252, %add3A_145] : memref<512x100xi32, #tpu.memory_space<vmem>>[vector<16xi32>, vector<16xi32>], vector<16xi32>,
    tpu.vector_store_idx %arg7[%add3A_252], %gather3A_253 : memref<512xi32, #tpu.memory_space<vmem>>[vector<16xi32>], vector<16xi32>,
    %add3A_254 = arith.constant 432 : i32
    %add3A_255 = vector.broadcast %add3A_254 : i32 to vector<16xi32>
    %add3A_256 = arith.addi %add3A_255, %iota3A : vector<16xi32>
    %gather3A_257 = tpu.vector_load_idx %arg5[%add3A_256, %add3A_145] : memref<512x100xi32, #tpu.memory_space<vmem>>[vector<16xi32>, vector<16xi32>], vector<16xi32>,
    tpu.vector_store_idx %arg7[%add3A_256], %gather3A_257 : memref<512xi32, #tpu.memory_space<vmem>>[vector<16xi32>], vector<16xi32>,
    %add3A_258 = arith.constant 448 : i32
    %add3A_259 = vector.broadcast %add3A_258 : i32 to vector<16xi32>
    %add3A_260 = arith.addi %add3A_259, %iota3A : vector<16xi32>
    %gather3A_261 = tpu.vector_load_idx %arg5[%add3A_260, %add3A_145] : memref<512x100xi32, #tpu.memory_space<vmem>>[vector<16xi32>, vector<16xi32>], vector<16xi32>,
    tpu.vector_store_idx %arg7[%add3A_260], %gather3A_261 : memref<512xi32, #tpu.memory_space<vmem>>[vector<16xi32>], vector<16xi32>,
    %add3A_262 = arith.constant 464 : i32
    %add3A_263 = vector.broadcast %add3A_262 : i32 to vector<16xi32>
    %add3A_264 = arith.addi %add3A_263, %iota3A : vector<16xi32>
    %gather3A_265 = tpu.vector_load_idx %arg5[%add3A_264, %add3A_145] : memref<512x100xi32, #tpu.memory_space<vmem>>[vector<16xi32>, vector<16xi32>], vector<16xi32>,
    tpu.vector_store_idx %arg7[%add3A_264], %gather3A_265 : memref<512xi32, #tpu.memory_space<vmem>>[vector<16xi32>], vector<16xi32>,
    %add3A_266 = arith.constant 480 : i32
    %add3A_267 = vector.broadcast %add3A_266 : i32 to vector<16xi32>
    %add3A_268 = arith.addi %add3A_267, %iota3A : vector<16xi32>
    %gather3A_269 = tpu.vector_load_idx %arg5[%add3A_268, %add3A_145] : memref<512x100xi32, #tpu.memory_space<vmem>>[vector<16xi32>, vector<16xi32>], vector<16xi32>,
    tpu.vector_store_idx %arg7[%add3A_268], %gather3A_269 : memref<512xi32, #tpu.memory_space<vmem>>[vector<16xi32>], vector<16xi32>,
    %add3A_270 = arith.constant 496 : i32
    %add3A_271 = vector.broadcast %add3A_270 : i32 to vector<16xi32>
    %add3A_272 = arith.addi %add3A_271, %iota3A : vector<16xi32>
    %gather3A_273 = tpu.vector_load_idx %arg5[%add3A_272, %add3A_145] : memref<512x100xi32, #tpu.memory_space<vmem>>[vector<16xi32>, vector<16xi32>], vector<16xi32>,
    tpu.vector_store_idx %arg7[%add3A_272], %gather3A_273 : memref<512xi32, #tpu.memory_space<vmem>>[vector<16xi32>], vector<16xi32>,
    %dma_start3A_274 = arith.constant 0 : i32
    %dma_start3A_275 = arith.constant 0 : i32
    %dma_start3A_276 = tpu.memref_slice %arg3[%dma_start3A_274, %dma_start3A_275] : memref<1000000x32xf32, #tpu.memory_space<hbm>> -> memref<1000000x32xf32, #tpu.memory_space<hbm>>
    tpu.enqueue_indirect_dma source(%dma_start3A_276 : memref<1000000x32xf32, #tpu.memory_space<hbm>>) target(%arg9 : memref<512x32xf32, #tpu.memory_space<vmem>>) offsets(%arg7 : memref<512xi32, #tpu.memory_space<vmem>>) semaphore(%arg13 : memref<!tpu.dma_semaphore, #tpu.memory_space<semaphore_mem>>)
    %dma_wait3A = arith.constant 0 : i32
    %dma_wait3A_277 = arith.constant 0 : i32
    %dma_wait3A_278 = tpu.memref_slice %arg3[%dma_wait3A, %dma_wait3A_277] : memref<1000000x32xf32, #tpu.memory_space<hbm>> -> memref<1000000x32xf32, #tpu.memory_space<hbm>>
    tpu.wait_indirect_dma semaphore(%arg12 : memref<!tpu.dma_semaphore, #tpu.memory_space<semaphore_mem>>) src(%dma_wait3A_278 : memref<1000000x32xf32, #tpu.memory_space<hbm>>) dst(%arg8 : memref<512x32xf32, #tpu.memory_space<vmem>>)
    %parallel_loop3A = arith.constant 0 : i32
    %parallel_loop3A_279 = arith.constant 512 : i32
    %parallel_loop3A_280 = arith.constant 1 : i32
    scf.for %parallel_loop3A_866 = %parallel_loop3A to %parallel_loop3A_279 step %parallel_loop3A_280  : i32 {
      %parallel_loop3A_867 = arith.constant 15 : i32
      %parallel_loop3A_868 = arith.andi %parallel_loop3A_866, %parallel_loop3A_867 : i32
      %parallel_loop3A_869 = arith.constant 4 : i32
      %parallel_loop3A_870 = arith.shrsi %parallel_loop3A_866, %parallel_loop3A_869 : i32
      %parallel_loop3A_871 = arith.constant 4 : i32
      %parallel_loop3A_872 = arith.shli %parallel_loop3A_870, %parallel_loop3A_871 : i32
      %parallel_loop3A_873 = vector.broadcast %parallel_loop3A_868 : i32 to vector<16xi32>
      %parallel_loop3A_874 = arith.addi %iota3A, %parallel_loop3A_873 : vector<16xi32>
      %parallel_loop3A_875 = arith.constant 15 : i32
      %parallel_loop3A_876 = vector.broadcast %parallel_loop3A_875 : i32 to vector<16xi32>
      %parallel_loop3A_877 = arith.andi %parallel_loop3A_874, %parallel_loop3A_876 : vector<16xi32>
      %parallel_loop3A_878 = arith.constant 3 : i32
      %parallel_loop3A_879 = vector.broadcast %parallel_loop3A_878 : i32 to vector<16xi32>
      %parallel_loop3A_880 = arith.shrsi %parallel_loop3A_877, %parallel_loop3A_879 : vector<16xi32>
      %parallel_loop3A_881 = arith.constant 4096 : i32
      %parallel_loop3A_882 = vector.broadcast %parallel_loop3A_881 : i32 to vector<16xi32>
      %parallel_loop3A_883 = arith.muli %parallel_loop3A_880, %parallel_loop3A_882 : vector<16xi32>
      %parallel_loop3A_884 = arith.constant 7 : i32
      %parallel_loop3A_885 = vector.broadcast %parallel_loop3A_884 : i32 to vector<16xi32>
      %parallel_loop3A_886 = arith.andi %parallel_loop3A_877, %parallel_loop3A_885 : vector<16xi32>
      %parallel_loop3A_887 = arith.constant 128 : i32
      %parallel_loop3A_888 = vector.broadcast %parallel_loop3A_887 : i32 to vector<16xi32>
      %parallel_loop3A_889 = arith.muli %parallel_loop3A_886, %parallel_loop3A_888 : vector<16xi32>
      %parallel_loop3A_890 = arith.addi %parallel_loop3A_883, %parallel_loop3A_889 : vector<16xi32>
      %parallel_loop3A_891 = arith.addi %parallel_loop3A_890, %iota3A : vector<16xi32>
      %parallel_loop3A_892 = vector.broadcast %parallel_loop3A_872 : i32 to vector<16xi32>
      %parallel_loop3A_893 = arith.addi %parallel_loop3A_892, %iota3A : vector<16xi32>
      %parallel_loop3A_894 = arith.constant 7 : i32
      %parallel_loop3A_895 = arith.shrsi %parallel_loop3A_872, %parallel_loop3A_894 : i32
      %parallel_loop3A_896 = arith.constant 1024 : i32
      %parallel_loop3A_897 = arith.muli %parallel_loop3A_895, %parallel_loop3A_896 : i32
      %parallel_loop3A_898 = arith.constant 127 : i32
      %parallel_loop3A_899 = arith.andi %parallel_loop3A_872, %parallel_loop3A_898 : i32
      %parallel_loop3A_900 = arith.addi %parallel_loop3A_897, %parallel_loop3A_899 : i32
      %parallel_loop3A_901 = tpu.vector_load_idx %arg8[%parallel_loop3A_893, %parallel_loop3A_877] : memref<512x32xf32, #tpu.memory_space<vmem>>[vector<16xi32>, vector<16xi32>], vector<16xf32>,
      %parallel_loop3A_902 = arith.constant 16 : i32
      %parallel_loop3A_903 = vector.broadcast %parallel_loop3A_902 : i32 to vector<16xi32>
      %parallel_loop3A_904 = arith.addi %parallel_loop3A_877, %parallel_loop3A_903 : vector<16xi32>
      %parallel_loop3A_905 = tpu.vector_load_idx %arg8[%parallel_loop3A_893, %parallel_loop3A_904] : memref<512x32xf32, #tpu.memory_space<vmem>>[vector<16xi32>, vector<16xi32>], vector<16xf32>,
      %parallel_loop3A_906 = vector.broadcast %parallel_loop3A_900 : i32 to vector<16xi32>
      %parallel_loop3A_907 = arith.addi %parallel_loop3A_891, %parallel_loop3A_906 : vector<16xi32>
      tpu.vector_store_idx %arg10[%parallel_loop3A_907], %parallel_loop3A_901 : memref<16384xf32, #tpu.memory_space<vmem>>[vector<16xi32>], vector<16xf32>,
      %parallel_loop3A_908 = arith.constant 8192 : i32
      %parallel_loop3A_909 = arith.addi %parallel_loop3A_900, %parallel_loop3A_908 : i32
      %parallel_loop3A_910 = vector.broadcast %parallel_loop3A_909 : i32 to vector<16xi32>
      %parallel_loop3A_911 = arith.addi %parallel_loop3A_891, %parallel_loop3A_910 : vector<16xi32>
      tpu.vector_store_idx %arg10[%parallel_loop3A_911], %parallel_loop3A_905 : memref<16384xf32, #tpu.memory_space<vmem>>[vector<16xi32>], vector<16xf32>,
    } {sc.loop_unroll_factor = 4 : i64, sc.parallel_access}
    %mul3A_281 = arith.constant 1024 : i32
    %mul3A_282 = arith.muli %mul3A_4, %mul3A_281 : i32
    %add3A_283 = arith.constant 0 : i32
    %add3A_284 = arith.addi %add3A_283, %mul3A_282 : i32
    %dma_start3A_285 = arith.constant 0 : i32
    %dma_start3A_286 = tpu.memref_slice %arg10[%dma_start3A_285] : memref<16384xf32, #tpu.memory_space<vmem>> -> memref<4096xf32, #tpu.memory_space<vmem>>
    %dma_start3A_287 = tpu.memref_slice %arg4[%add3A_284] : memref<52428800xf32, #tpu.memory_space<hbm>> -> memref<4096xf32, #tpu.memory_space<hbm>>
    %dma_start3A_288 = tpu.memref_slice %arg4[%add3A_284] : memref<52428800xf32, #tpu.memory_space<hbm>> -> memref<4096xf32, #tpu.memory_space<hbm>>
    %dma_start3A_289 = arith.constant 0 : i32
    %dma_start3A_290 = tpu.memref_slice %arg10[%dma_start3A_289] : memref<16384xf32, #tpu.memory_space<vmem>> -> memref<4096xf32, #tpu.memory_space<vmem>>
    tpu.enqueue_dma source(%dma_start3A_290 : memref<4096xf32, #tpu.memory_space<vmem>>) target(%dma_start3A_288 : memref<4096xf32, #tpu.memory_space<hbm>>) target_semaphore(%arg14 : memref<!tpu.dma_semaphore, #tpu.memory_space<semaphore_mem>>)
    %mul3A_291 = arith.constant 1024 : i32
    %mul3A_292 = arith.muli %mul3A_4, %mul3A_291 : i32
    %add3A_293 = arith.constant 131072 : i32
    %add3A_294 = arith.addi %add3A_293, %mul3A_292 : i32
    %dma_start3A_295 = arith.constant 4096 : i32
    %dma_start3A_296 = tpu.memref_slice %arg10[%dma_start3A_295] : memref<16384xf32, #tpu.memory_space<vmem>> -> memref<4096xf32, #tpu.memory_space<vmem>>
    %dma_start3A_297 = tpu.memref_slice %arg4[%add3A_294] : memref<52428800xf32, #tpu.memory_space<hbm>> -> memref<4096xf32, #tpu.memory_space<hbm>>
    %dma_start3A_298 = tpu.memref_slice %arg4[%add3A_294] : memref<52428800xf32, #tpu.memory_space<hbm>> -> memref<4096xf32, #tpu.memory_space<hbm>>
    %dma_start3A_299 = arith.constant 4096 : i32
    %dma_start3A_300 = tpu.memref_slice %arg10[%dma_start3A_299] : memref<16384xf32, #tpu.memory_space<vmem>> -> memref<4096xf32, #tpu.memory_space<vmem>>
    tpu.enqueue_dma source(%dma_start3A_300 : memref<4096xf32, #tpu.memory_space<vmem>>) target(%dma_start3A_298 : memref<4096xf32, #tpu.memory_space<hbm>>) target_semaphore(%arg14 : memref<!tpu.dma_semaphore, #tpu.memory_space<semaphore_mem>>)
    %mul3A_301 = arith.constant 1024 : i32
    %mul3A_302 = arith.muli %mul3A_4, %mul3A_301 : i32
    %add3A_303 = arith.constant 262144 : i32
    %add3A_304 = arith.addi %add3A_303, %mul3A_302 : i32
    %dma_start3A_305 = arith.constant 8192 : i32
    %dma_start3A_306 = tpu.memref_slice %arg10[%dma_start3A_305] : memref<16384xf32, #tpu.memory_space<vmem>> -> memref<4096xf32, #tpu.memory_space<vmem>>
    %dma_start3A_307 = tpu.memref_slice %arg4[%add3A_304] : memref<52428800xf32, #tpu.memory_space<hbm>> -> memref<4096xf32, #tpu.memory_space<hbm>>
    %dma_start3A_308 = tpu.memref_slice %arg4[%add3A_304] : memref<52428800xf32, #tpu.memory_space<hbm>> -> memref<4096xf32, #tpu.memory_space<hbm>>
    %dma_start3A_309 = arith.constant 8192 : i32
    %dma_start3A_310 = tpu.memref_slice %arg10[%dma_start3A_309] : memref<16384xf32, #tpu.memory_space<vmem>> -> memref<4096xf32, #tpu.memory_space<vmem>>
    tpu.enqueue_dma source(%dma_start3A_310 : memref<4096xf32, #tpu.memory_space<vmem>>) target(%dma_start3A_308 : memref<4096xf32, #tpu.memory_space<hbm>>) target_semaphore(%arg14 : memref<!tpu.dma_semaphore, #tpu.memory_space<semaphore_mem>>)
    %mul3A_311 = arith.constant 1024 : i32
    %mul3A_312 = arith.muli %mul3A_4, %mul3A_311 : i32
    %add3A_313 = arith.constant 393216 : i32
    %add3A_314 = arith.addi %add3A_313, %mul3A_312 : i32
    %dma_start3A_315 = arith.constant 12288 : i32
    %dma_start3A_316 = tpu.memref_slice %arg10[%dma_start3A_315] : memref<16384xf32, #tpu.memory_space<vmem>> -> memref<4096xf32, #tpu.memory_space<vmem>>
    %dma_start3A_317 = tpu.memref_slice %arg4[%add3A_314] : memref<52428800xf32, #tpu.memory_space<hbm>> -> memref<4096xf32, #tpu.memory_space<hbm>>
    %dma_start3A_318 = tpu.memref_slice %arg4[%add3A_314] : memref<52428800xf32, #tpu.memory_space<hbm>> -> memref<4096xf32, #tpu.memory_space<hbm>>
    %dma_start3A_319 = arith.constant 12288 : i32
    %dma_start3A_320 = tpu.memref_slice %arg10[%dma_start3A_319] : memref<16384xf32, #tpu.memory_space<vmem>> -> memref<4096xf32, #tpu.memory_space<vmem>>
    tpu.enqueue_dma source(%dma_start3A_320 : memref<4096xf32, #tpu.memory_space<vmem>>) target(%dma_start3A_318 : memref<4096xf32, #tpu.memory_space<hbm>>) target_semaphore(%arg14 : memref<!tpu.dma_semaphore, #tpu.memory_space<semaphore_mem>>)
    %mul3A_321 = arith.constant 0 : i32
    %mul3A_322 = vector.broadcast %mul3A_321 : i32 to vector<16xi32>
    %mul3A_323 = arith.muli %iota3A, %mul3A_322 : vector<16xi32>
    %add3A_324 = arith.constant 2 : i32
    %add3A_325 = vector.broadcast %add3A_324 : i32 to vector<16xi32>
    %add3A_326 = arith.addi %mul3A_323, %add3A_325 : vector<16xi32>
    %add3A_327 = arith.constant 0 : i32
    %add3A_328 = vector.broadcast %add3A_327 : i32 to vector<16xi32>
    %add3A_329 = arith.addi %add3A_328, %iota3A : vector<16xi32>
    %gather3A_330 = tpu.vector_load_idx %arg5[%add3A_329, %add3A_326] : memref<512x100xi32, #tpu.memory_space<vmem>>[vector<16xi32>, vector<16xi32>], vector<16xi32>,
    tpu.vector_store_idx %arg6[%add3A_329], %gather3A_330 : memref<512xi32, #tpu.memory_space<vmem>>[vector<16xi32>], vector<16xi32>,
    %add3A_331 = arith.constant 16 : i32
    %add3A_332 = vector.broadcast %add3A_331 : i32 to vector<16xi32>
    %add3A_333 = arith.addi %add3A_332, %iota3A : vector<16xi32>
    %gather3A_334 = tpu.vector_load_idx %arg5[%add3A_333, %add3A_326] : memref<512x100xi32, #tpu.memory_space<vmem>>[vector<16xi32>, vector<16xi32>], vector<16xi32>,
    tpu.vector_store_idx %arg6[%add3A_333], %gather3A_334 : memref<512xi32, #tpu.memory_space<vmem>>[vector<16xi32>], vector<16xi32>,
    %add3A_335 = arith.constant 32 : i32
    %add3A_336 = vector.broadcast %add3A_335 : i32 to vector<16xi32>
    %add3A_337 = arith.addi %add3A_336, %iota3A : vector<16xi32>
    %gather3A_338 = tpu.vector_load_idx %arg5[%add3A_337, %add3A_326] : memref<512x100xi32, #tpu.memory_space<vmem>>[vector<16xi32>, vector<16xi32>], vector<16xi32>,
    tpu.vector_store_idx %arg6[%add3A_337], %gather3A_338 : memref<512xi32, #tpu.memory_space<vmem>>[vector<16xi32>], vector<16xi32>,
    %add3A_339 = arith.constant 48 : i32
    %add3A_340 = vector.broadcast %add3A_339 : i32 to vector<16xi32>
    %add3A_341 = arith.addi %add3A_340, %iota3A : vector<16xi32>
    %gather3A_342 = tpu.vector_load_idx %arg5[%add3A_341, %add3A_326] : memref<512x100xi32, #tpu.memory_space<vmem>>[vector<16xi32>, vector<16xi32>], vector<16xi32>,
    tpu.vector_store_idx %arg6[%add3A_341], %gather3A_342 : memref<512xi32, #tpu.memory_space<vmem>>[vector<16xi32>], vector<16xi32>,
    %add3A_343 = arith.constant 64 : i32
    %add3A_344 = vector.broadcast %add3A_343 : i32 to vector<16xi32>
    %add3A_345 = arith.addi %add3A_344, %iota3A : vector<16xi32>
    %gather3A_346 = tpu.vector_load_idx %arg5[%add3A_345, %add3A_326] : memref<512x100xi32, #tpu.memory_space<vmem>>[vector<16xi32>, vector<16xi32>], vector<16xi32>,
    tpu.vector_store_idx %arg6[%add3A_345], %gather3A_346 : memref<512xi32, #tpu.memory_space<vmem>>[vector<16xi32>], vector<16xi32>,
    %add3A_347 = arith.constant 80 : i32
    %add3A_348 = vector.broadcast %add3A_347 : i32 to vector<16xi32>
    %add3A_349 = arith.addi %add3A_348, %iota3A : vector<16xi32>
    %gather3A_350 = tpu.vector_load_idx %arg5[%add3A_349, %add3A_326] : memref<512x100xi32, #tpu.memory_space<vmem>>[vector<16xi32>, vector<16xi32>], vector<16xi32>,
    tpu.vector_store_idx %arg6[%add3A_349], %gather3A_350 : memref<512xi32, #tpu.memory_space<vmem>>[vector<16xi32>], vector<16xi32>,
    %add3A_351 = arith.constant 96 : i32
    %add3A_352 = vector.broadcast %add3A_351 : i32 to vector<16xi32>
    %add3A_353 = arith.addi %add3A_352, %iota3A : vector<16xi32>
    %gather3A_354 = tpu.vector_load_idx %arg5[%add3A_353, %add3A_326] : memref<512x100xi32, #tpu.memory_space<vmem>>[vector<16xi32>, vector<16xi32>], vector<16xi32>,
    tpu.vector_store_idx %arg6[%add3A_353], %gather3A_354 : memref<512xi32, #tpu.memory_space<vmem>>[vector<16xi32>], vector<16xi32>,
    %add3A_355 = arith.constant 112 : i32
    %add3A_356 = vector.broadcast %add3A_355 : i32 to vector<16xi32>
    %add3A_357 = arith.addi %add3A_356, %iota3A : vector<16xi32>
    %gather3A_358 = tpu.vector_load_idx %arg5[%add3A_357, %add3A_326] : memref<512x100xi32, #tpu.memory_space<vmem>>[vector<16xi32>, vector<16xi32>], vector<16xi32>,
    tpu.vector_store_idx %arg6[%add3A_357], %gather3A_358 : memref<512xi32, #tpu.memory_space<vmem>>[vector<16xi32>], vector<16xi32>,
    %add3A_359 = arith.constant 128 : i32
    %add3A_360 = vector.broadcast %add3A_359 : i32 to vector<16xi32>
    %add3A_361 = arith.addi %add3A_360, %iota3A : vector<16xi32>
    %gather3A_362 = tpu.vector_load_idx %arg5[%add3A_361, %add3A_326] : memref<512x100xi32, #tpu.memory_space<vmem>>[vector<16xi32>, vector<16xi32>], vector<16xi32>,
    tpu.vector_store_idx %arg6[%add3A_361], %gather3A_362 : memref<512xi32, #tpu.memory_space<vmem>>[vector<16xi32>], vector<16xi32>,
    %add3A_363 = arith.constant 144 : i32
    %add3A_364 = vector.broadcast %add3A_363 : i32 to vector<16xi32>
    %add3A_365 = arith.addi %add3A_364, %iota3A : vector<16xi32>
    %gather3A_366 = tpu.vector_load_idx %arg5[%add3A_365, %add3A_326] : memref<512x100xi32, #tpu.memory_space<vmem>>[vector<16xi32>, vector<16xi32>], vector<16xi32>,
    tpu.vector_store_idx %arg6[%add3A_365], %gather3A_366 : memref<512xi32, #tpu.memory_space<vmem>>[vector<16xi32>], vector<16xi32>,
    %add3A_367 = arith.constant 160 : i32
    %add3A_368 = vector.broadcast %add3A_367 : i32 to vector<16xi32>
    %add3A_369 = arith.addi %add3A_368, %iota3A : vector<16xi32>
    %gather3A_370 = tpu.vector_load_idx %arg5[%add3A_369, %add3A_326] : memref<512x100xi32, #tpu.memory_space<vmem>>[vector<16xi32>, vector<16xi32>], vector<16xi32>,
    tpu.vector_store_idx %arg6[%add3A_369], %gather3A_370 : memref<512xi32, #tpu.memory_space<vmem>>[vector<16xi32>], vector<16xi32>,
    %add3A_371 = arith.constant 176 : i32
    %add3A_372 = vector.broadcast %add3A_371 : i32 to vector<16xi32>
    %add3A_373 = arith.addi %add3A_372, %iota3A : vector<16xi32>
    %gather3A_374 = tpu.vector_load_idx %arg5[%add3A_373, %add3A_326] : memref<512x100xi32, #tpu.memory_space<vmem>>[vector<16xi32>, vector<16xi32>], vector<16xi32>,
    tpu.vector_store_idx %arg6[%add3A_373], %gather3A_374 : memref<512xi32, #tpu.memory_space<vmem>>[vector<16xi32>], vector<16xi32>,
    %add3A_375 = arith.constant 192 : i32
    %add3A_376 = vector.broadcast %add3A_375 : i32 to vector<16xi32>
    %add3A_377 = arith.addi %add3A_376, %iota3A : vector<16xi32>
    %gather3A_378 = tpu.vector_load_idx %arg5[%add3A_377, %add3A_326] : memref<512x100xi32, #tpu.memory_space<vmem>>[vector<16xi32>, vector<16xi32>], vector<16xi32>,
    tpu.vector_store_idx %arg6[%add3A_377], %gather3A_378 : memref<512xi32, #tpu.memory_space<vmem>>[vector<16xi32>], vector<16xi32>,
    %add3A_379 = arith.constant 208 : i32
    %add3A_380 = vector.broadcast %add3A_379 : i32 to vector<16xi32>
    %add3A_381 = arith.addi %add3A_380, %iota3A : vector<16xi32>
    %gather3A_382 = tpu.vector_load_idx %arg5[%add3A_381, %add3A_326] : memref<512x100xi32, #tpu.memory_space<vmem>>[vector<16xi32>, vector<16xi32>], vector<16xi32>,
    tpu.vector_store_idx %arg6[%add3A_381], %gather3A_382 : memref<512xi32, #tpu.memory_space<vmem>>[vector<16xi32>], vector<16xi32>,
    %add3A_383 = arith.constant 224 : i32
    %add3A_384 = vector.broadcast %add3A_383 : i32 to vector<16xi32>
    %add3A_385 = arith.addi %add3A_384, %iota3A : vector<16xi32>
    %gather3A_386 = tpu.vector_load_idx %arg5[%add3A_385, %add3A_326] : memref<512x100xi32, #tpu.memory_space<vmem>>[vector<16xi32>, vector<16xi32>], vector<16xi32>,
    tpu.vector_store_idx %arg6[%add3A_385], %gather3A_386 : memref<512xi32, #tpu.memory_space<vmem>>[vector<16xi32>], vector<16xi32>,
    %add3A_387 = arith.constant 240 : i32
    %add3A_388 = vector.broadcast %add3A_387 : i32 to vector<16xi32>
    %add3A_389 = arith.addi %add3A_388, %iota3A : vector<16xi32>
    %gather3A_390 = tpu.vector_load_idx %arg5[%add3A_389, %add3A_326] : memref<512x100xi32, #tpu.memory_space<vmem>>[vector<16xi32>, vector<16xi32>], vector<16xi32>,
    tpu.vector_store_idx %arg6[%add3A_389], %gather3A_390 : memref<512xi32, #tpu.memory_space<vmem>>[vector<16xi32>], vector<16xi32>,
    %add3A_391 = arith.constant 256 : i32
    %add3A_392 = vector.broadcast %add3A_391 : i32 to vector<16xi32>
    %add3A_393 = arith.addi %add3A_392, %iota3A : vector<16xi32>
    %gather3A_394 = tpu.vector_load_idx %arg5[%add3A_393, %add3A_326] : memref<512x100xi32, #tpu.memory_space<vmem>>[vector<16xi32>, vector<16xi32>], vector<16xi32>,
    tpu.vector_store_idx %arg6[%add3A_393], %gather3A_394 : memref<512xi32, #tpu.memory_space<vmem>>[vector<16xi32>], vector<16xi32>,
    %add3A_395 = arith.constant 272 : i32
    %add3A_396 = vector.broadcast %add3A_395 : i32 to vector<16xi32>
    %add3A_397 = arith.addi %add3A_396, %iota3A : vector<16xi32>
    %gather3A_398 = tpu.vector_load_idx %arg5[%add3A_397, %add3A_326] : memref<512x100xi32, #tpu.memory_space<vmem>>[vector<16xi32>, vector<16xi32>], vector<16xi32>,
    tpu.vector_store_idx %arg6[%add3A_397], %gather3A_398 : memref<512xi32, #tpu.memory_space<vmem>>[vector<16xi32>], vector<16xi32>,
    %add3A_399 = arith.constant 288 : i32
    %add3A_400 = vector.broadcast %add3A_399 : i32 to vector<16xi32>
    %add3A_401 = arith.addi %add3A_400, %iota3A : vector<16xi32>
    %gather3A_402 = tpu.vector_load_idx %arg5[%add3A_401, %add3A_326] : memref<512x100xi32, #tpu.memory_space<vmem>>[vector<16xi32>, vector<16xi32>], vector<16xi32>,
    tpu.vector_store_idx %arg6[%add3A_401], %gather3A_402 : memref<512xi32, #tpu.memory_space<vmem>>[vector<16xi32>], vector<16xi32>,
    %add3A_403 = arith.constant 304 : i32
    %add3A_404 = vector.broadcast %add3A_403 : i32 to vector<16xi32>
    %add3A_405 = arith.addi %add3A_404, %iota3A : vector<16xi32>
    %gather3A_406 = tpu.vector_load_idx %arg5[%add3A_405, %add3A_326] : memref<512x100xi32, #tpu.memory_space<vmem>>[vector<16xi32>, vector<16xi32>], vector<16xi32>,
    tpu.vector_store_idx %arg6[%add3A_405], %gather3A_406 : memref<512xi32, #tpu.memory_space<vmem>>[vector<16xi32>], vector<16xi32>,
    %add3A_407 = arith.constant 320 : i32
    %add3A_408 = vector.broadcast %add3A_407 : i32 to vector<16xi32>
    %add3A_409 = arith.addi %add3A_408, %iota3A : vector<16xi32>
    %gather3A_410 = tpu.vector_load_idx %arg5[%add3A_409, %add3A_326] : memref<512x100xi32, #tpu.memory_space<vmem>>[vector<16xi32>, vector<16xi32>], vector<16xi32>,
    tpu.vector_store_idx %arg6[%add3A_409], %gather3A_410 : memref<512xi32, #tpu.memory_space<vmem>>[vector<16xi32>], vector<16xi32>,
    %add3A_411 = arith.constant 336 : i32
    %add3A_412 = vector.broadcast %add3A_411 : i32 to vector<16xi32>
    %add3A_413 = arith.addi %add3A_412, %iota3A : vector<16xi32>
    %gather3A_414 = tpu.vector_load_idx %arg5[%add3A_413, %add3A_326] : memref<512x100xi32, #tpu.memory_space<vmem>>[vector<16xi32>, vector<16xi32>], vector<16xi32>,
    tpu.vector_store_idx %arg6[%add3A_413], %gather3A_414 : memref<512xi32, #tpu.memory_space<vmem>>[vector<16xi32>], vector<16xi32>,
    %add3A_415 = arith.constant 352 : i32
    %add3A_416 = vector.broadcast %add3A_415 : i32 to vector<16xi32>
    %add3A_417 = arith.addi %add3A_416, %iota3A : vector<16xi32>
    %gather3A_418 = tpu.vector_load_idx %arg5[%add3A_417, %add3A_326] : memref<512x100xi32, #tpu.memory_space<vmem>>[vector<16xi32>, vector<16xi32>], vector<16xi32>,
    tpu.vector_store_idx %arg6[%add3A_417], %gather3A_418 : memref<512xi32, #tpu.memory_space<vmem>>[vector<16xi32>], vector<16xi32>,
    %add3A_419 = arith.constant 368 : i32
    %add3A_420 = vector.broadcast %add3A_419 : i32 to vector<16xi32>
    %add3A_421 = arith.addi %add3A_420, %iota3A : vector<16xi32>
    %gather3A_422 = tpu.vector_load_idx %arg5[%add3A_421, %add3A_326] : memref<512x100xi32, #tpu.memory_space<vmem>>[vector<16xi32>, vector<16xi32>], vector<16xi32>,
    tpu.vector_store_idx %arg6[%add3A_421], %gather3A_422 : memref<512xi32, #tpu.memory_space<vmem>>[vector<16xi32>], vector<16xi32>,
    %add3A_423 = arith.constant 384 : i32
    %add3A_424 = vector.broadcast %add3A_423 : i32 to vector<16xi32>
    %add3A_425 = arith.addi %add3A_424, %iota3A : vector<16xi32>
    %gather3A_426 = tpu.vector_load_idx %arg5[%add3A_425, %add3A_326] : memref<512x100xi32, #tpu.memory_space<vmem>>[vector<16xi32>, vector<16xi32>], vector<16xi32>,
    tpu.vector_store_idx %arg6[%add3A_425], %gather3A_426 : memref<512xi32, #tpu.memory_space<vmem>>[vector<16xi32>], vector<16xi32>,
    %add3A_427 = arith.constant 400 : i32
    %add3A_428 = vector.broadcast %add3A_427 : i32 to vector<16xi32>
    %add3A_429 = arith.addi %add3A_428, %iota3A : vector<16xi32>
    %gather3A_430 = tpu.vector_load_idx %arg5[%add3A_429, %add3A_326] : memref<512x100xi32, #tpu.memory_space<vmem>>[vector<16xi32>, vector<16xi32>], vector<16xi32>,
    tpu.vector_store_idx %arg6[%add3A_429], %gather3A_430 : memref<512xi32, #tpu.memory_space<vmem>>[vector<16xi32>], vector<16xi32>,
    %add3A_431 = arith.constant 416 : i32
    %add3A_432 = vector.broadcast %add3A_431 : i32 to vector<16xi32>
    %add3A_433 = arith.addi %add3A_432, %iota3A : vector<16xi32>
    %gather3A_434 = tpu.vector_load_idx %arg5[%add3A_433, %add3A_326] : memref<512x100xi32, #tpu.memory_space<vmem>>[vector<16xi32>, vector<16xi32>], vector<16xi32>,
    tpu.vector_store_idx %arg6[%add3A_433], %gather3A_434 : memref<512xi32, #tpu.memory_space<vmem>>[vector<16xi32>], vector<16xi32>,
    %add3A_435 = arith.constant 432 : i32
    %add3A_436 = vector.broadcast %add3A_435 : i32 to vector<16xi32>
    %add3A_437 = arith.addi %add3A_436, %iota3A : vector<16xi32>
    %gather3A_438 = tpu.vector_load_idx %arg5[%add3A_437, %add3A_326] : memref<512x100xi32, #tpu.memory_space<vmem>>[vector<16xi32>, vector<16xi32>], vector<16xi32>,
    tpu.vector_store_idx %arg6[%add3A_437], %gather3A_438 : memref<512xi32, #tpu.memory_space<vmem>>[vector<16xi32>], vector<16xi32>,
    %add3A_439 = arith.constant 448 : i32
    %add3A_440 = vector.broadcast %add3A_439 : i32 to vector<16xi32>
    %add3A_441 = arith.addi %add3A_440, %iota3A : vector<16xi32>
    %gather3A_442 = tpu.vector_load_idx %arg5[%add3A_441, %add3A_326] : memref<512x100xi32, #tpu.memory_space<vmem>>[vector<16xi32>, vector<16xi32>], vector<16xi32>,
    tpu.vector_store_idx %arg6[%add3A_441], %gather3A_442 : memref<512xi32, #tpu.memory_space<vmem>>[vector<16xi32>], vector<16xi32>,
    %add3A_443 = arith.constant 464 : i32
    %add3A_444 = vector.broadcast %add3A_443 : i32 to vector<16xi32>
    %add3A_445 = arith.addi %add3A_444, %iota3A : vector<16xi32>
    %gather3A_446 = tpu.vector_load_idx %arg5[%add3A_445, %add3A_326] : memref<512x100xi32, #tpu.memory_space<vmem>>[vector<16xi32>, vector<16xi32>], vector<16xi32>,
    tpu.vector_store_idx %arg6[%add3A_445], %gather3A_446 : memref<512xi32, #tpu.memory_space<vmem>>[vector<16xi32>], vector<16xi32>,
    %add3A_447 = arith.constant 480 : i32
    %add3A_448 = vector.broadcast %add3A_447 : i32 to vector<16xi32>
    %add3A_449 = arith.addi %add3A_448, %iota3A : vector<16xi32>
    %gather3A_450 = tpu.vector_load_idx %arg5[%add3A_449, %add3A_326] : memref<512x100xi32, #tpu.memory_space<vmem>>[vector<16xi32>, vector<16xi32>], vector<16xi32>,
    tpu.vector_store_idx %arg6[%add3A_449], %gather3A_450 : memref<512xi32, #tpu.memory_space<vmem>>[vector<16xi32>], vector<16xi32>,
    %add3A_451 = arith.constant 496 : i32
    %add3A_452 = vector.broadcast %add3A_451 : i32 to vector<16xi32>
    %add3A_453 = arith.addi %add3A_452, %iota3A : vector<16xi32>
    %gather3A_454 = tpu.vector_load_idx %arg5[%add3A_453, %add3A_326] : memref<512x100xi32, #tpu.memory_space<vmem>>[vector<16xi32>, vector<16xi32>], vector<16xi32>,
    tpu.vector_store_idx %arg6[%add3A_453], %gather3A_454 : memref<512xi32, #tpu.memory_space<vmem>>[vector<16xi32>], vector<16xi32>,
    %dma_start3A_455 = arith.constant 0 : i32
    %dma_start3A_456 = arith.constant 0 : i32
    %dma_start3A_457 = tpu.memref_slice %arg3[%dma_start3A_455, %dma_start3A_456] : memref<1000000x32xf32, #tpu.memory_space<hbm>> -> memref<1000000x32xf32, #tpu.memory_space<hbm>>
    tpu.enqueue_indirect_dma source(%dma_start3A_457 : memref<1000000x32xf32, #tpu.memory_space<hbm>>) target(%arg8 : memref<512x32xf32, #tpu.memory_space<vmem>>) offsets(%arg6 : memref<512xi32, #tpu.memory_space<vmem>>) semaphore(%arg12 : memref<!tpu.dma_semaphore, #tpu.memory_space<semaphore_mem>>)
    %dma_wait3A_458 = arith.constant 0 : i32
    %dma_wait3A_459 = arith.constant 0 : i32
    %dma_wait3A_460 = tpu.memref_slice %arg3[%dma_wait3A_458, %dma_wait3A_459] : memref<1000000x32xf32, #tpu.memory_space<hbm>> -> memref<1000000x32xf32, #tpu.memory_space<hbm>>
    tpu.wait_indirect_dma semaphore(%arg13 : memref<!tpu.dma_semaphore, #tpu.memory_space<semaphore_mem>>) src(%dma_wait3A_460 : memref<1000000x32xf32, #tpu.memory_space<hbm>>) dst(%arg9 : memref<512x32xf32, #tpu.memory_space<vmem>>)
    %parallel_loop3A_461 = arith.constant 0 : i32
    %parallel_loop3A_462 = arith.constant 512 : i32
    %parallel_loop3A_463 = arith.constant 1 : i32
    scf.for %parallel_loop3A_866 = %parallel_loop3A_461 to %parallel_loop3A_462 step %parallel_loop3A_463  : i32 {
      %parallel_loop3A_867 = arith.constant 15 : i32
      %parallel_loop3A_868 = arith.andi %parallel_loop3A_866, %parallel_loop3A_867 : i32
      %parallel_loop3A_869 = arith.constant 4 : i32
      %parallel_loop3A_870 = arith.shrsi %parallel_loop3A_866, %parallel_loop3A_869 : i32
      %parallel_loop3A_871 = arith.constant 4 : i32
      %parallel_loop3A_872 = arith.shli %parallel_loop3A_870, %parallel_loop3A_871 : i32
      %parallel_loop3A_873 = vector.broadcast %parallel_loop3A_868 : i32 to vector<16xi32>
      %parallel_loop3A_874 = arith.addi %iota3A, %parallel_loop3A_873 : vector<16xi32>
      %parallel_loop3A_875 = arith.constant 15 : i32
      %parallel_loop3A_876 = vector.broadcast %parallel_loop3A_875 : i32 to vector<16xi32>
      %parallel_loop3A_877 = arith.andi %parallel_loop3A_874, %parallel_loop3A_876 : vector<16xi32>
      %parallel_loop3A_878 = arith.constant 3 : i32
      %parallel_loop3A_879 = vector.broadcast %parallel_loop3A_878 : i32 to vector<16xi32>
      %parallel_loop3A_880 = arith.shrsi %parallel_loop3A_877, %parallel_loop3A_879 : vector<16xi32>
      %parallel_loop3A_881 = arith.constant 4096 : i32
      %parallel_loop3A_882 = vector.broadcast %parallel_loop3A_881 : i32 to vector<16xi32>
      %parallel_loop3A_883 = arith.muli %parallel_loop3A_880, %parallel_loop3A_882 : vector<16xi32>
      %parallel_loop3A_884 = arith.constant 7 : i32
      %parallel_loop3A_885 = vector.broadcast %parallel_loop3A_884 : i32 to vector<16xi32>
      %parallel_loop3A_886 = arith.andi %parallel_loop3A_877, %parallel_loop3A_885 : vector<16xi32>
      %parallel_loop3A_887 = arith.constant 128 : i32
      %parallel_loop3A_888 = vector.broadcast %parallel_loop3A_887 : i32 to vector<16xi32>
      %parallel_loop3A_889 = arith.muli %parallel_loop3A_886, %parallel_loop3A_888 : vector<16xi32>
      %parallel_loop3A_890 = arith.addi %parallel_loop3A_883, %parallel_loop3A_889 : vector<16xi32>
      %parallel_loop3A_891 = arith.addi %parallel_loop3A_890, %iota3A : vector<16xi32>
      %parallel_loop3A_892 = vector.broadcast %parallel_loop3A_872 : i32 to vector<16xi32>
      %parallel_loop3A_893 = arith.addi %parallel_loop3A_892, %iota3A : vector<16xi32>
      %parallel_loop3A_894 = arith.constant 7 : i32
      %parallel_loop3A_895 = arith.shrsi %parallel_loop3A_872, %parallel_loop3A_894 : i32
      %parallel_loop3A_896 = arith.constant 1024 : i32
      %parallel_loop3A_897 = arith.muli %parallel_loop3A_895, %parallel_loop3A_896 : i32
      %parallel_loop3A_898 = arith.constant 127 : i32
      %parallel_loop3A_899 = arith.andi %parallel_loop3A_872, %parallel_loop3A_898 : i32
      %parallel_loop3A_900 = arith.addi %parallel_loop3A_897, %parallel_loop3A_899 : i32
      %parallel_loop3A_901 = tpu.vector_load_idx %arg9[%parallel_loop3A_893, %parallel_loop3A_877] : memref<512x32xf32, #tpu.memory_space<vmem>>[vector<16xi32>, vector<16xi32>], vector<16xf32>,
      %parallel_loop3A_902 = arith.constant 16 : i32
      %parallel_loop3A_903 = vector.broadcast %parallel_loop3A_902 : i32 to vector<16xi32>
      %parallel_loop3A_904 = arith.addi %parallel_loop3A_877, %parallel_loop3A_903 : vector<16xi32>
      %parallel_loop3A_905 = tpu.vector_load_idx %arg9[%parallel_loop3A_893, %parallel_loop3A_904] : memref<512x32xf32, #tpu.memory_space<vmem>>[vector<16xi32>, vector<16xi32>], vector<16xf32>,
      %parallel_loop3A_906 = vector.broadcast %parallel_loop3A_900 : i32 to vector<16xi32>
      %parallel_loop3A_907 = arith.addi %parallel_loop3A_891, %parallel_loop3A_906 : vector<16xi32>
      tpu.vector_store_idx %arg11[%parallel_loop3A_907], %parallel_loop3A_901 : memref<16384xf32, #tpu.memory_space<vmem>>[vector<16xi32>], vector<16xf32>,
      %parallel_loop3A_908 = arith.constant 8192 : i32
      %parallel_loop3A_909 = arith.addi %parallel_loop3A_900, %parallel_loop3A_908 : i32
      %parallel_loop3A_910 = vector.broadcast %parallel_loop3A_909 : i32 to vector<16xi32>
      %parallel_loop3A_911 = arith.addi %parallel_loop3A_891, %parallel_loop3A_910 : vector<16xi32>
      tpu.vector_store_idx %arg11[%parallel_loop3A_911], %parallel_loop3A_905 : memref<16384xf32, #tpu.memory_space<vmem>>[vector<16xi32>], vector<16xf32>,
    } {sc.loop_unroll_factor = 4 : i64, sc.parallel_access}
    %mul3A_464 = arith.constant 1024 : i32
    %mul3A_465 = arith.muli %mul3A_4, %mul3A_464 : i32
    %add3A_466 = arith.constant 524288 : i32
    %add3A_467 = arith.addi %add3A_466, %mul3A_465 : i32
    %dma_start3A_468 = arith.constant 0 : i32
    %dma_start3A_469 = tpu.memref_slice %arg11[%dma_start3A_468] : memref<16384xf32, #tpu.memory_space<vmem>> -> memref<4096xf32, #tpu.memory_space<vmem>>
    %dma_start3A_470 = tpu.memref_slice %arg4[%add3A_467] : memref<52428800xf32, #tpu.memory_space<hbm>> -> memref<4096xf32, #tpu.memory_space<hbm>>
    %dma_start3A_471 = tpu.memref_slice %arg4[%add3A_467] : memref<52428800xf32, #tpu.memory_space<hbm>> -> memref<4096xf32, #tpu.memory_space<hbm>>
    %dma_start3A_472 = arith.constant 0 : i32
    %dma_start3A_473 = tpu.memref_slice %arg11[%dma_start3A_472] : memref<16384xf32, #tpu.memory_space<vmem>> -> memref<4096xf32, #tpu.memory_space<vmem>>
    tpu.enqueue_dma source(%dma_start3A_473 : memref<4096xf32, #tpu.memory_space<vmem>>) target(%dma_start3A_471 : memref<4096xf32, #tpu.memory_space<hbm>>) target_semaphore(%arg15 : memref<!tpu.dma_semaphore, #tpu.memory_space<semaphore_mem>>)
    %mul3A_474 = arith.constant 1024 : i32
    %mul3A_475 = arith.muli %mul3A_4, %mul3A_474 : i32
    %add3A_476 = arith.constant 655360 : i32
    %add3A_477 = arith.addi %add3A_476, %mul3A_475 : i32
    %dma_start3A_478 = arith.constant 4096 : i32
    %dma_start3A_479 = tpu.memref_slice %arg11[%dma_start3A_478] : memref<16384xf32, #tpu.memory_space<vmem>> -> memref<4096xf32, #tpu.memory_space<vmem>>
    %dma_start3A_480 = tpu.memref_slice %arg4[%add3A_477] : memref<52428800xf32, #tpu.memory_space<hbm>> -> memref<4096xf32, #tpu.memory_space<hbm>>
    %dma_start3A_481 = tpu.memref_slice %arg4[%add3A_477] : memref<52428800xf32, #tpu.memory_space<hbm>> -> memref<4096xf32, #tpu.memory_space<hbm>>
    %dma_start3A_482 = arith.constant 4096 : i32
    %dma_start3A_483 = tpu.memref_slice %arg11[%dma_start3A_482] : memref<16384xf32, #tpu.memory_space<vmem>> -> memref<4096xf32, #tpu.memory_space<vmem>>
    tpu.enqueue_dma source(%dma_start3A_483 : memref<4096xf32, #tpu.memory_space<vmem>>) target(%dma_start3A_481 : memref<4096xf32, #tpu.memory_space<hbm>>) target_semaphore(%arg15 : memref<!tpu.dma_semaphore, #tpu.memory_space<semaphore_mem>>)
    %mul3A_484 = arith.constant 1024 : i32
    %mul3A_485 = arith.muli %mul3A_4, %mul3A_484 : i32
    %add3A_486 = arith.constant 786432 : i32
    %add3A_487 = arith.addi %add3A_486, %mul3A_485 : i32
    %dma_start3A_488 = arith.constant 8192 : i32
    %dma_start3A_489 = tpu.memref_slice %arg11[%dma_start3A_488] : memref<16384xf32, #tpu.memory_space<vmem>> -> memref<4096xf32, #tpu.memory_space<vmem>>
    %dma_start3A_490 = tpu.memref_slice %arg4[%add3A_487] : memref<52428800xf32, #tpu.memory_space<hbm>> -> memref<4096xf32, #tpu.memory_space<hbm>>
    %dma_start3A_491 = tpu.memref_slice %arg4[%add3A_487] : memref<52428800xf32, #tpu.memory_space<hbm>> -> memref<4096xf32, #tpu.memory_space<hbm>>
    %dma_start3A_492 = arith.constant 8192 : i32
    %dma_start3A_493 = tpu.memref_slice %arg11[%dma_start3A_492] : memref<16384xf32, #tpu.memory_space<vmem>> -> memref<4096xf32, #tpu.memory_space<vmem>>
    tpu.enqueue_dma source(%dma_start3A_493 : memref<4096xf32, #tpu.memory_space<vmem>>) target(%dma_start3A_491 : memref<4096xf32, #tpu.memory_space<hbm>>) target_semaphore(%arg15 : memref<!tpu.dma_semaphore, #tpu.memory_space<semaphore_mem>>)
    %mul3A_494 = arith.constant 1024 : i32
    %mul3A_495 = arith.muli %mul3A_4, %mul3A_494 : i32
    %add3A_496 = arith.constant 917504 : i32
    %add3A_497 = arith.addi %add3A_496, %mul3A_495 : i32
    %dma_start3A_498 = arith.constant 12288 : i32
    %dma_start3A_499 = tpu.memref_slice %arg11[%dma_start3A_498] : memref<16384xf32, #tpu.memory_space<vmem>> -> memref<4096xf32, #tpu.memory_space<vmem>>
    %dma_start3A_500 = tpu.memref_slice %arg4[%add3A_497] : memref<52428800xf32, #tpu.memory_space<hbm>> -> memref<4096xf32, #tpu.memory_space<hbm>>
    %dma_start3A_501 = tpu.memref_slice %arg4[%add3A_497] : memref<52428800xf32, #tpu.memory_space<hbm>> -> memref<4096xf32, #tpu.memory_space<hbm>>
    %dma_start3A_502 = arith.constant 12288 : i32
    %dma_start3A_503 = tpu.memref_slice %arg11[%dma_start3A_502] : memref<16384xf32, #tpu.memory_space<vmem>> -> memref<4096xf32, #tpu.memory_space<vmem>>
    tpu.enqueue_dma source(%dma_start3A_503 : memref<4096xf32, #tpu.memory_space<vmem>>) target(%dma_start3A_501 : memref<4096xf32, #tpu.memory_space<hbm>>) target_semaphore(%arg15 : memref<!tpu.dma_semaphore, #tpu.memory_space<semaphore_mem>>)
    %scan3A = arith.constant 0 : i32
    %scan3A_504 = arith.constant 1 : i32
    %scan3A_505 = arith.constant 48 : i32
    %scan3A_506 = arith.addi %scan3A_504, %scan3A_505 : i32
    %scan3A_507 = arith.constant 1 : i32
    scf.for %scan3A_866 = %scan3A_504 to %scan3A_506 step %scan3A_507  : i32 {
      %mul3A_867 = arith.constant 2 : i32
      %mul3A_868 = arith.muli %scan3A_866, %mul3A_867 : i32
      %add3A_869 = arith.constant 1 : i32
      %add3A_870 = arith.addi %mul3A_868, %add3A_869 : i32
      %mul3A_871 = arith.constant 0 : i32
      %mul3A_872 = vector.broadcast %mul3A_871 : i32 to vector<16xi32>
      %mul3A_873 = arith.muli %iota3A, %mul3A_872 : vector<16xi32>
      %add3A_874 = vector.broadcast %add3A_870 : i32 to vector<16xi32>
      %add3A_875 = arith.addi %mul3A_873, %add3A_874 : vector<16xi32>
      %add3A_876 = arith.constant 0 : i32
      %add3A_877 = vector.broadcast %add3A_876 : i32 to vector<16xi32>
      %add3A_878 = arith.addi %add3A_877, %iota3A : vector<16xi32>
      %gather3A_879 = tpu.vector_load_idx %arg5[%add3A_878, %add3A_875] : memref<512x100xi32, #tpu.memory_space<vmem>>[vector<16xi32>, vector<16xi32>], vector<16xi32>,
      tpu.vector_store_idx %arg7[%add3A_878], %gather3A_879 : memref<512xi32, #tpu.memory_space<vmem>>[vector<16xi32>], vector<16xi32>,
      %add3A_880 = arith.constant 16 : i32
      %add3A_881 = vector.broadcast %add3A_880 : i32 to vector<16xi32>
      %add3A_882 = arith.addi %add3A_881, %iota3A : vector<16xi32>
      %gather3A_883 = tpu.vector_load_idx %arg5[%add3A_882, %add3A_875] : memref<512x100xi32, #tpu.memory_space<vmem>>[vector<16xi32>, vector<16xi32>], vector<16xi32>,
      tpu.vector_store_idx %arg7[%add3A_882], %gather3A_883 : memref<512xi32, #tpu.memory_space<vmem>>[vector<16xi32>], vector<16xi32>,
      %add3A_884 = arith.constant 32 : i32
      %add3A_885 = vector.broadcast %add3A_884 : i32 to vector<16xi32>
      %add3A_886 = arith.addi %add3A_885, %iota3A : vector<16xi32>
      %gather3A_887 = tpu.vector_load_idx %arg5[%add3A_886, %add3A_875] : memref<512x100xi32, #tpu.memory_space<vmem>>[vector<16xi32>, vector<16xi32>], vector<16xi32>,
      tpu.vector_store_idx %arg7[%add3A_886], %gather3A_887 : memref<512xi32, #tpu.memory_space<vmem>>[vector<16xi32>], vector<16xi32>,
      %add3A_888 = arith.constant 48 : i32
      %add3A_889 = vector.broadcast %add3A_888 : i32 to vector<16xi32>
      %add3A_890 = arith.addi %add3A_889, %iota3A : vector<16xi32>
      %gather3A_891 = tpu.vector_load_idx %arg5[%add3A_890, %add3A_875] : memref<512x100xi32, #tpu.memory_space<vmem>>[vector<16xi32>, vector<16xi32>], vector<16xi32>,
      tpu.vector_store_idx %arg7[%add3A_890], %gather3A_891 : memref<512xi32, #tpu.memory_space<vmem>>[vector<16xi32>], vector<16xi32>,
      %add3A_892 = arith.constant 64 : i32
      %add3A_893 = vector.broadcast %add3A_892 : i32 to vector<16xi32>
      %add3A_894 = arith.addi %add3A_893, %iota3A : vector<16xi32>
      %gather3A_895 = tpu.vector_load_idx %arg5[%add3A_894, %add3A_875] : memref<512x100xi32, #tpu.memory_space<vmem>>[vector<16xi32>, vector<16xi32>], vector<16xi32>,
      tpu.vector_store_idx %arg7[%add3A_894], %gather3A_895 : memref<512xi32, #tpu.memory_space<vmem>>[vector<16xi32>], vector<16xi32>,
      %add3A_896 = arith.constant 80 : i32
      %add3A_897 = vector.broadcast %add3A_896 : i32 to vector<16xi32>
      %add3A_898 = arith.addi %add3A_897, %iota3A : vector<16xi32>
      %gather3A_899 = tpu.vector_load_idx %arg5[%add3A_898, %add3A_875] : memref<512x100xi32, #tpu.memory_space<vmem>>[vector<16xi32>, vector<16xi32>], vector<16xi32>,
      tpu.vector_store_idx %arg7[%add3A_898], %gather3A_899 : memref<512xi32, #tpu.memory_space<vmem>>[vector<16xi32>], vector<16xi32>,
      %add3A_900 = arith.constant 96 : i32
      %add3A_901 = vector.broadcast %add3A_900 : i32 to vector<16xi32>
      %add3A_902 = arith.addi %add3A_901, %iota3A : vector<16xi32>
      %gather3A_903 = tpu.vector_load_idx %arg5[%add3A_902, %add3A_875] : memref<512x100xi32, #tpu.memory_space<vmem>>[vector<16xi32>, vector<16xi32>], vector<16xi32>,
      tpu.vector_store_idx %arg7[%add3A_902], %gather3A_903 : memref<512xi32, #tpu.memory_space<vmem>>[vector<16xi32>], vector<16xi32>,
      %add3A_904 = arith.constant 112 : i32
      %add3A_905 = vector.broadcast %add3A_904 : i32 to vector<16xi32>
      %add3A_906 = arith.addi %add3A_905, %iota3A : vector<16xi32>
      %gather3A_907 = tpu.vector_load_idx %arg5[%add3A_906, %add3A_875] : memref<512x100xi32, #tpu.memory_space<vmem>>[vector<16xi32>, vector<16xi32>], vector<16xi32>,
      tpu.vector_store_idx %arg7[%add3A_906], %gather3A_907 : memref<512xi32, #tpu.memory_space<vmem>>[vector<16xi32>], vector<16xi32>,
      %add3A_908 = arith.constant 128 : i32
      %add3A_909 = vector.broadcast %add3A_908 : i32 to vector<16xi32>
      %add3A_910 = arith.addi %add3A_909, %iota3A : vector<16xi32>
      %gather3A_911 = tpu.vector_load_idx %arg5[%add3A_910, %add3A_875] : memref<512x100xi32, #tpu.memory_space<vmem>>[vector<16xi32>, vector<16xi32>], vector<16xi32>,
      tpu.vector_store_idx %arg7[%add3A_910], %gather3A_911 : memref<512xi32, #tpu.memory_space<vmem>>[vector<16xi32>], vector<16xi32>,
      %add3A_912 = arith.constant 144 : i32
      %add3A_913 = vector.broadcast %add3A_912 : i32 to vector<16xi32>
      %add3A_914 = arith.addi %add3A_913, %iota3A : vector<16xi32>
      %gather3A_915 = tpu.vector_load_idx %arg5[%add3A_914, %add3A_875] : memref<512x100xi32, #tpu.memory_space<vmem>>[vector<16xi32>, vector<16xi32>], vector<16xi32>,
      tpu.vector_store_idx %arg7[%add3A_914], %gather3A_915 : memref<512xi32, #tpu.memory_space<vmem>>[vector<16xi32>], vector<16xi32>,
      %add3A_916 = arith.constant 160 : i32
      %add3A_917 = vector.broadcast %add3A_916 : i32 to vector<16xi32>
      %add3A_918 = arith.addi %add3A_917, %iota3A : vector<16xi32>
      %gather3A_919 = tpu.vector_load_idx %arg5[%add3A_918, %add3A_875] : memref<512x100xi32, #tpu.memory_space<vmem>>[vector<16xi32>, vector<16xi32>], vector<16xi32>,
      tpu.vector_store_idx %arg7[%add3A_918], %gather3A_919 : memref<512xi32, #tpu.memory_space<vmem>>[vector<16xi32>], vector<16xi32>,
      %add3A_920 = arith.constant 176 : i32
      %add3A_921 = vector.broadcast %add3A_920 : i32 to vector<16xi32>
      %add3A_922 = arith.addi %add3A_921, %iota3A : vector<16xi32>
      %gather3A_923 = tpu.vector_load_idx %arg5[%add3A_922, %add3A_875] : memref<512x100xi32, #tpu.memory_space<vmem>>[vector<16xi32>, vector<16xi32>], vector<16xi32>,
      tpu.vector_store_idx %arg7[%add3A_922], %gather3A_923 : memref<512xi32, #tpu.memory_space<vmem>>[vector<16xi32>], vector<16xi32>,
      %add3A_924 = arith.constant 192 : i32
      %add3A_925 = vector.broadcast %add3A_924 : i32 to vector<16xi32>
      %add3A_926 = arith.addi %add3A_925, %iota3A : vector<16xi32>
      %gather3A_927 = tpu.vector_load_idx %arg5[%add3A_926, %add3A_875] : memref<512x100xi32, #tpu.memory_space<vmem>>[vector<16xi32>, vector<16xi32>], vector<16xi32>,
      tpu.vector_store_idx %arg7[%add3A_926], %gather3A_927 : memref<512xi32, #tpu.memory_space<vmem>>[vector<16xi32>], vector<16xi32>,
      %add3A_928 = arith.constant 208 : i32
      %add3A_929 = vector.broadcast %add3A_928 : i32 to vector<16xi32>
      %add3A_930 = arith.addi %add3A_929, %iota3A : vector<16xi32>
      %gather3A_931 = tpu.vector_load_idx %arg5[%add3A_930, %add3A_875] : memref<512x100xi32, #tpu.memory_space<vmem>>[vector<16xi32>, vector<16xi32>], vector<16xi32>,
      tpu.vector_store_idx %arg7[%add3A_930], %gather3A_931 : memref<512xi32, #tpu.memory_space<vmem>>[vector<16xi32>], vector<16xi32>,
      %add3A_932 = arith.constant 224 : i32
      %add3A_933 = vector.broadcast %add3A_932 : i32 to vector<16xi32>
      %add3A_934 = arith.addi %add3A_933, %iota3A : vector<16xi32>
      %gather3A_935 = tpu.vector_load_idx %arg5[%add3A_934, %add3A_875] : memref<512x100xi32, #tpu.memory_space<vmem>>[vector<16xi32>, vector<16xi32>], vector<16xi32>,
      tpu.vector_store_idx %arg7[%add3A_934], %gather3A_935 : memref<512xi32, #tpu.memory_space<vmem>>[vector<16xi32>], vector<16xi32>,
      %add3A_936 = arith.constant 240 : i32
      %add3A_937 = vector.broadcast %add3A_936 : i32 to vector<16xi32>
      %add3A_938 = arith.addi %add3A_937, %iota3A : vector<16xi32>
      %gather3A_939 = tpu.vector_load_idx %arg5[%add3A_938, %add3A_875] : memref<512x100xi32, #tpu.memory_space<vmem>>[vector<16xi32>, vector<16xi32>], vector<16xi32>,
      tpu.vector_store_idx %arg7[%add3A_938], %gather3A_939 : memref<512xi32, #tpu.memory_space<vmem>>[vector<16xi32>], vector<16xi32>,
      %add3A_940 = arith.constant 256 : i32
      %add3A_941 = vector.broadcast %add3A_940 : i32 to vector<16xi32>
      %add3A_942 = arith.addi %add3A_941, %iota3A : vector<16xi32>
      %gather3A_943 = tpu.vector_load_idx %arg5[%add3A_942, %add3A_875] : memref<512x100xi32, #tpu.memory_space<vmem>>[vector<16xi32>, vector<16xi32>], vector<16xi32>,
      tpu.vector_store_idx %arg7[%add3A_942], %gather3A_943 : memref<512xi32, #tpu.memory_space<vmem>>[vector<16xi32>], vector<16xi32>,
      %add3A_944 = arith.constant 272 : i32
      %add3A_945 = vector.broadcast %add3A_944 : i32 to vector<16xi32>
      %add3A_946 = arith.addi %add3A_945, %iota3A : vector<16xi32>
      %gather3A_947 = tpu.vector_load_idx %arg5[%add3A_946, %add3A_875] : memref<512x100xi32, #tpu.memory_space<vmem>>[vector<16xi32>, vector<16xi32>], vector<16xi32>,
      tpu.vector_store_idx %arg7[%add3A_946], %gather3A_947 : memref<512xi32, #tpu.memory_space<vmem>>[vector<16xi32>], vector<16xi32>,
      %add3A_948 = arith.constant 288 : i32
      %add3A_949 = vector.broadcast %add3A_948 : i32 to vector<16xi32>
      %add3A_950 = arith.addi %add3A_949, %iota3A : vector<16xi32>
      %gather3A_951 = tpu.vector_load_idx %arg5[%add3A_950, %add3A_875] : memref<512x100xi32, #tpu.memory_space<vmem>>[vector<16xi32>, vector<16xi32>], vector<16xi32>,
      tpu.vector_store_idx %arg7[%add3A_950], %gather3A_951 : memref<512xi32, #tpu.memory_space<vmem>>[vector<16xi32>], vector<16xi32>,
      %add3A_952 = arith.constant 304 : i32
      %add3A_953 = vector.broadcast %add3A_952 : i32 to vector<16xi32>
      %add3A_954 = arith.addi %add3A_953, %iota3A : vector<16xi32>
      %gather3A_955 = tpu.vector_load_idx %arg5[%add3A_954, %add3A_875] : memref<512x100xi32, #tpu.memory_space<vmem>>[vector<16xi32>, vector<16xi32>], vector<16xi32>,
      tpu.vector_store_idx %arg7[%add3A_954], %gather3A_955 : memref<512xi32, #tpu.memory_space<vmem>>[vector<16xi32>], vector<16xi32>,
      %add3A_956 = arith.constant 320 : i32
      %add3A_957 = vector.broadcast %add3A_956 : i32 to vector<16xi32>
      %add3A_958 = arith.addi %add3A_957, %iota3A : vector<16xi32>
      %gather3A_959 = tpu.vector_load_idx %arg5[%add3A_958, %add3A_875] : memref<512x100xi32, #tpu.memory_space<vmem>>[vector<16xi32>, vector<16xi32>], vector<16xi32>,
      tpu.vector_store_idx %arg7[%add3A_958], %gather3A_959 : memref<512xi32, #tpu.memory_space<vmem>>[vector<16xi32>], vector<16xi32>,
      %add3A_960 = arith.constant 336 : i32
      %add3A_961 = vector.broadcast %add3A_960 : i32 to vector<16xi32>
      %add3A_962 = arith.addi %add3A_961, %iota3A : vector<16xi32>
      %gather3A_963 = tpu.vector_load_idx %arg5[%add3A_962, %add3A_875] : memref<512x100xi32, #tpu.memory_space<vmem>>[vector<16xi32>, vector<16xi32>], vector<16xi32>,
      tpu.vector_store_idx %arg7[%add3A_962], %gather3A_963 : memref<512xi32, #tpu.memory_space<vmem>>[vector<16xi32>], vector<16xi32>,
      %add3A_964 = arith.constant 352 : i32
      %add3A_965 = vector.broadcast %add3A_964 : i32 to vector<16xi32>
      %add3A_966 = arith.addi %add3A_965, %iota3A : vector<16xi32>
      %gather3A_967 = tpu.vector_load_idx %arg5[%add3A_966, %add3A_875] : memref<512x100xi32, #tpu.memory_space<vmem>>[vector<16xi32>, vector<16xi32>], vector<16xi32>,
      tpu.vector_store_idx %arg7[%add3A_966], %gather3A_967 : memref<512xi32, #tpu.memory_space<vmem>>[vector<16xi32>], vector<16xi32>,
      %add3A_968 = arith.constant 368 : i32
      %add3A_969 = vector.broadcast %add3A_968 : i32 to vector<16xi32>
      %add3A_970 = arith.addi %add3A_969, %iota3A : vector<16xi32>
      %gather3A_971 = tpu.vector_load_idx %arg5[%add3A_970, %add3A_875] : memref<512x100xi32, #tpu.memory_space<vmem>>[vector<16xi32>, vector<16xi32>], vector<16xi32>,
      tpu.vector_store_idx %arg7[%add3A_970], %gather3A_971 : memref<512xi32, #tpu.memory_space<vmem>>[vector<16xi32>], vector<16xi32>,
      %add3A_972 = arith.constant 384 : i32
      %add3A_973 = vector.broadcast %add3A_972 : i32 to vector<16xi32>
      %add3A_974 = arith.addi %add3A_973, %iota3A : vector<16xi32>
      %gather3A_975 = tpu.vector_load_idx %arg5[%add3A_974, %add3A_875] : memref<512x100xi32, #tpu.memory_space<vmem>>[vector<16xi32>, vector<16xi32>], vector<16xi32>,
      tpu.vector_store_idx %arg7[%add3A_974], %gather3A_975 : memref<512xi32, #tpu.memory_space<vmem>>[vector<16xi32>], vector<16xi32>,
      %add3A_976 = arith.constant 400 : i32
      %add3A_977 = vector.broadcast %add3A_976 : i32 to vector<16xi32>
      %add3A_978 = arith.addi %add3A_977, %iota3A : vector<16xi32>
      %gather3A_979 = tpu.vector_load_idx %arg5[%add3A_978, %add3A_875] : memref<512x100xi32, #tpu.memory_space<vmem>>[vector<16xi32>, vector<16xi32>], vector<16xi32>,
      tpu.vector_store_idx %arg7[%add3A_978], %gather3A_979 : memref<512xi32, #tpu.memory_space<vmem>>[vector<16xi32>], vector<16xi32>,
      %add3A_980 = arith.constant 416 : i32
      %add3A_981 = vector.broadcast %add3A_980 : i32 to vector<16xi32>
      %add3A_982 = arith.addi %add3A_981, %iota3A : vector<16xi32>
      %gather3A_983 = tpu.vector_load_idx %arg5[%add3A_982, %add3A_875] : memref<512x100xi32, #tpu.memory_space<vmem>>[vector<16xi32>, vector<16xi32>], vector<16xi32>,
      tpu.vector_store_idx %arg7[%add3A_982], %gather3A_983 : memref<512xi32, #tpu.memory_space<vmem>>[vector<16xi32>], vector<16xi32>,
      %add3A_984 = arith.constant 432 : i32
      %add3A_985 = vector.broadcast %add3A_984 : i32 to vector<16xi32>
      %add3A_986 = arith.addi %add3A_985, %iota3A : vector<16xi32>
      %gather3A_987 = tpu.vector_load_idx %arg5[%add3A_986, %add3A_875] : memref<512x100xi32, #tpu.memory_space<vmem>>[vector<16xi32>, vector<16xi32>], vector<16xi32>,
      tpu.vector_store_idx %arg7[%add3A_986], %gather3A_987 : memref<512xi32, #tpu.memory_space<vmem>>[vector<16xi32>], vector<16xi32>,
      %add3A_988 = arith.constant 448 : i32
      %add3A_989 = vector.broadcast %add3A_988 : i32 to vector<16xi32>
      %add3A_990 = arith.addi %add3A_989, %iota3A : vector<16xi32>
      %gather3A_991 = tpu.vector_load_idx %arg5[%add3A_990, %add3A_875] : memref<512x100xi32, #tpu.memory_space<vmem>>[vector<16xi32>, vector<16xi32>], vector<16xi32>,
      tpu.vector_store_idx %arg7[%add3A_990], %gather3A_991 : memref<512xi32, #tpu.memory_space<vmem>>[vector<16xi32>], vector<16xi32>,
      %add3A_992 = arith.constant 464 : i32
      %add3A_993 = vector.broadcast %add3A_992 : i32 to vector<16xi32>
      %add3A_994 = arith.addi %add3A_993, %iota3A : vector<16xi32>
      %gather3A_995 = tpu.vector_load_idx %arg5[%add3A_994, %add3A_875] : memref<512x100xi32, #tpu.memory_space<vmem>>[vector<16xi32>, vector<16xi32>], vector<16xi32>,
      tpu.vector_store_idx %arg7[%add3A_994], %gather3A_995 : memref<512xi32, #tpu.memory_space<vmem>>[vector<16xi32>], vector<16xi32>,
      %add3A_996 = arith.constant 480 : i32
      %add3A_997 = vector.broadcast %add3A_996 : i32 to vector<16xi32>
      %add3A_998 = arith.addi %add3A_997, %iota3A : vector<16xi32>
      %gather3A_999 = tpu.vector_load_idx %arg5[%add3A_998, %add3A_875] : memref<512x100xi32, #tpu.memory_space<vmem>>[vector<16xi32>, vector<16xi32>], vector<16xi32>,
      tpu.vector_store_idx %arg7[%add3A_998], %gather3A_999 : memref<512xi32, #tpu.memory_space<vmem>>[vector<16xi32>], vector<16xi32>,
      %add3A_1000 = arith.constant 496 : i32
      %add3A_1001 = vector.broadcast %add3A_1000 : i32 to vector<16xi32>
      %add3A_1002 = arith.addi %add3A_1001, %iota3A : vector<16xi32>
      %gather3A_1003 = tpu.vector_load_idx %arg5[%add3A_1002, %add3A_875] : memref<512x100xi32, #tpu.memory_space<vmem>>[vector<16xi32>, vector<16xi32>], vector<16xi32>,
      tpu.vector_store_idx %arg7[%add3A_1002], %gather3A_1003 : memref<512xi32, #tpu.memory_space<vmem>>[vector<16xi32>], vector<16xi32>,
      %dma_start3A_1004 = arith.constant 0 : i32
      %dma_start3A_1005 = arith.constant 0 : i32
      %dma_start3A_1006 = tpu.memref_slice %arg3[%dma_start3A_1004, %dma_start3A_1005] : memref<1000000x32xf32, #tpu.memory_space<hbm>> -> memref<1000000x32xf32, #tpu.memory_space<hbm>>
      tpu.enqueue_indirect_dma source(%dma_start3A_1006 : memref<1000000x32xf32, #tpu.memory_space<hbm>>) target(%arg9 : memref<512x32xf32, #tpu.memory_space<vmem>>) offsets(%arg7 : memref<512xi32, #tpu.memory_space<vmem>>) semaphore(%arg13 : memref<!tpu.dma_semaphore, #tpu.memory_space<semaphore_mem>>)
      %dma_wait3A_1007 = arith.constant 0 : i32
      %dma_wait3A_1008 = arith.constant 0 : i32
      %dma_wait3A_1009 = tpu.memref_slice %arg3[%dma_wait3A_1007, %dma_wait3A_1008] : memref<1000000x32xf32, #tpu.memory_space<hbm>> -> memref<1000000x32xf32, #tpu.memory_space<hbm>>
      tpu.wait_indirect_dma semaphore(%arg12 : memref<!tpu.dma_semaphore, #tpu.memory_space<semaphore_mem>>) src(%dma_wait3A_1009 : memref<1000000x32xf32, #tpu.memory_space<hbm>>) dst(%arg8 : memref<512x32xf32, #tpu.memory_space<vmem>>)
      %dma_wait3A_1010 = arith.constant 0 : i32
      %dma_wait3A_1011 = tpu.memref_slice %arg10[%dma_wait3A_1010] : memref<16384xf32, #tpu.memory_space<vmem>> -> memref<4096xf32, #tpu.memory_space<vmem>>
      %dma_wait3A_1012 = arith.constant 0 : i32
      %dma_wait3A_1013 = tpu.memref_slice %arg4[%dma_wait3A_1012] : memref<52428800xf32, #tpu.memory_space<hbm>> -> memref<4096xf32, #tpu.memory_space<hbm>>
      %dma_wait3A_1014 = arith.constant 0 : i32
      %dma_wait3A_1015 = tpu.memref_slice %arg4[%dma_wait3A_1014] : memref<52428800xf32, #tpu.memory_space<hbm>> -> memref<4096xf32, #tpu.memory_space<hbm>>
      %dma_wait3A_1016 = arith.constant 0 : i32
      %dma_wait3A_1017 = tpu.memref_slice %arg10[%dma_wait3A_1016] : memref<16384xf32, #tpu.memory_space<vmem>> -> memref<4096xf32, #tpu.memory_space<vmem>>
      tpu.wait_dma2 semaphore(%arg14 : memref<!tpu.dma_semaphore, #tpu.memory_space<semaphore_mem>>) src(%dma_wait3A_1017 : memref<4096xf32, #tpu.memory_space<vmem>>) dst(%dma_wait3A_1015 : memref<4096xf32, #tpu.memory_space<hbm>>)
      %dma_wait3A_1018 = arith.constant 4096 : i32
      %dma_wait3A_1019 = tpu.memref_slice %arg10[%dma_wait3A_1018] : memref<16384xf32, #tpu.memory_space<vmem>> -> memref<4096xf32, #tpu.memory_space<vmem>>
      %dma_wait3A_1020 = arith.constant 0 : i32
      %dma_wait3A_1021 = tpu.memref_slice %arg4[%dma_wait3A_1020] : memref<52428800xf32, #tpu.memory_space<hbm>> -> memref<4096xf32, #tpu.memory_space<hbm>>
      %dma_wait3A_1022 = arith.constant 0 : i32
      %dma_wait3A_1023 = tpu.memref_slice %arg4[%dma_wait3A_1022] : memref<52428800xf32, #tpu.memory_space<hbm>> -> memref<4096xf32, #tpu.memory_space<hbm>>
      %dma_wait3A_1024 = arith.constant 4096 : i32
      %dma_wait3A_1025 = tpu.memref_slice %arg10[%dma_wait3A_1024] : memref<16384xf32, #tpu.memory_space<vmem>> -> memref<4096xf32, #tpu.memory_space<vmem>>
      tpu.wait_dma2 semaphore(%arg14 : memref<!tpu.dma_semaphore, #tpu.memory_space<semaphore_mem>>) src(%dma_wait3A_1025 : memref<4096xf32, #tpu.memory_space<vmem>>) dst(%dma_wait3A_1023 : memref<4096xf32, #tpu.memory_space<hbm>>)
      %dma_wait3A_1026 = arith.constant 8192 : i32
      %dma_wait3A_1027 = tpu.memref_slice %arg10[%dma_wait3A_1026] : memref<16384xf32, #tpu.memory_space<vmem>> -> memref<4096xf32, #tpu.memory_space<vmem>>
      %dma_wait3A_1028 = arith.constant 0 : i32
      %dma_wait3A_1029 = tpu.memref_slice %arg4[%dma_wait3A_1028] : memref<52428800xf32, #tpu.memory_space<hbm>> -> memref<4096xf32, #tpu.memory_space<hbm>>
      %dma_wait3A_1030 = arith.constant 0 : i32
      %dma_wait3A_1031 = tpu.memref_slice %arg4[%dma_wait3A_1030] : memref<52428800xf32, #tpu.memory_space<hbm>> -> memref<4096xf32, #tpu.memory_space<hbm>>
      %dma_wait3A_1032 = arith.constant 8192 : i32
      %dma_wait3A_1033 = tpu.memref_slice %arg10[%dma_wait3A_1032] : memref<16384xf32, #tpu.memory_space<vmem>> -> memref<4096xf32, #tpu.memory_space<vmem>>
      tpu.wait_dma2 semaphore(%arg14 : memref<!tpu.dma_semaphore, #tpu.memory_space<semaphore_mem>>) src(%dma_wait3A_1033 : memref<4096xf32, #tpu.memory_space<vmem>>) dst(%dma_wait3A_1031 : memref<4096xf32, #tpu.memory_space<hbm>>)
      %dma_wait3A_1034 = arith.constant 12288 : i32
      %dma_wait3A_1035 = tpu.memref_slice %arg10[%dma_wait3A_1034] : memref<16384xf32, #tpu.memory_space<vmem>> -> memref<4096xf32, #tpu.memory_space<vmem>>
      %dma_wait3A_1036 = arith.constant 0 : i32
      %dma_wait3A_1037 = tpu.memref_slice %arg4[%dma_wait3A_1036] : memref<52428800xf32, #tpu.memory_space<hbm>> -> memref<4096xf32, #tpu.memory_space<hbm>>
      %dma_wait3A_1038 = arith.constant 0 : i32
      %dma_wait3A_1039 = tpu.memref_slice %arg4[%dma_wait3A_1038] : memref<52428800xf32, #tpu.memory_space<hbm>> -> memref<4096xf32, #tpu.memory_space<hbm>>
      %dma_wait3A_1040 = arith.constant 12288 : i32
      %dma_wait3A_1041 = tpu.memref_slice %arg10[%dma_wait3A_1040] : memref<16384xf32, #tpu.memory_space<vmem>> -> memref<4096xf32, #tpu.memory_space<vmem>>
      tpu.wait_dma2 semaphore(%arg14 : memref<!tpu.dma_semaphore, #tpu.memory_space<semaphore_mem>>) src(%dma_wait3A_1041 : memref<4096xf32, #tpu.memory_space<vmem>>) dst(%dma_wait3A_1039 : memref<4096xf32, #tpu.memory_space<hbm>>)
      %parallel_loop3A_1042 = arith.constant 0 : i32
      %parallel_loop3A_1043 = arith.constant 512 : i32
      %parallel_loop3A_1044 = arith.constant 1 : i32
      scf.for %parallel_loop3A_1327 = %parallel_loop3A_1042 to %parallel_loop3A_1043 step %parallel_loop3A_1044  : i32 {
        %parallel_loop3A_1328 = arith.constant 15 : i32
        %parallel_loop3A_1329 = arith.andi %parallel_loop3A_1327, %parallel_loop3A_1328 : i32
        %parallel_loop3A_1330 = arith.constant 4 : i32
        %parallel_loop3A_1331 = arith.shrsi %parallel_loop3A_1327, %parallel_loop3A_1330 : i32
        %parallel_loop3A_1332 = arith.constant 4 : i32
        %parallel_loop3A_1333 = arith.shli %parallel_loop3A_1331, %parallel_loop3A_1332 : i32
        %parallel_loop3A_1334 = vector.broadcast %parallel_loop3A_1329 : i32 to vector<16xi32>
        %parallel_loop3A_1335 = arith.addi %iota3A, %parallel_loop3A_1334 : vector<16xi32>
        %parallel_loop3A_1336 = arith.constant 15 : i32
        %parallel_loop3A_1337 = vector.broadcast %parallel_loop3A_1336 : i32 to vector<16xi32>
        %parallel_loop3A_1338 = arith.andi %parallel_loop3A_1335, %parallel_loop3A_1337 : vector<16xi32>
        %parallel_loop3A_1339 = arith.constant 3 : i32
        %parallel_loop3A_1340 = vector.broadcast %parallel_loop3A_1339 : i32 to vector<16xi32>
        %parallel_loop3A_1341 = arith.shrsi %parallel_loop3A_1338, %parallel_loop3A_1340 : vector<16xi32>
        %parallel_loop3A_1342 = arith.constant 4096 : i32
        %parallel_loop3A_1343 = vector.broadcast %parallel_loop3A_1342 : i32 to vector<16xi32>
        %parallel_loop3A_1344 = arith.muli %parallel_loop3A_1341, %parallel_loop3A_1343 : vector<16xi32>
        %parallel_loop3A_1345 = arith.constant 7 : i32
        %parallel_loop3A_1346 = vector.broadcast %parallel_loop3A_1345 : i32 to vector<16xi32>
        %parallel_loop3A_1347 = arith.andi %parallel_loop3A_1338, %parallel_loop3A_1346 : vector<16xi32>
        %parallel_loop3A_1348 = arith.constant 128 : i32
        %parallel_loop3A_1349 = vector.broadcast %parallel_loop3A_1348 : i32 to vector<16xi32>
        %parallel_loop3A_1350 = arith.muli %parallel_loop3A_1347, %parallel_loop3A_1349 : vector<16xi32>
        %parallel_loop3A_1351 = arith.addi %parallel_loop3A_1344, %parallel_loop3A_1350 : vector<16xi32>
        %parallel_loop3A_1352 = arith.addi %parallel_loop3A_1351, %iota3A : vector<16xi32>
        %parallel_loop3A_1353 = vector.broadcast %parallel_loop3A_1333 : i32 to vector<16xi32>
        %parallel_loop3A_1354 = arith.addi %parallel_loop3A_1353, %iota3A : vector<16xi32>
        %parallel_loop3A_1355 = arith.constant 7 : i32
        %parallel_loop3A_1356 = arith.shrsi %parallel_loop3A_1333, %parallel_loop3A_1355 : i32
        %parallel_loop3A_1357 = arith.constant 1024 : i32
        %parallel_loop3A_1358 = arith.muli %parallel_loop3A_1356, %parallel_loop3A_1357 : i32
        %parallel_loop3A_1359 = arith.constant 127 : i32
        %parallel_loop3A_1360 = arith.andi %parallel_loop3A_1333, %parallel_loop3A_1359 : i32
        %parallel_loop3A_1361 = arith.addi %parallel_loop3A_1358, %parallel_loop3A_1360 : i32
        %parallel_loop3A_1362 = tpu.vector_load_idx %arg8[%parallel_loop3A_1354, %parallel_loop3A_1338] : memref<512x32xf32, #tpu.memory_space<vmem>>[vector<16xi32>, vector<16xi32>], vector<16xf32>,
        %parallel_loop3A_1363 = arith.constant 16 : i32
        %parallel_loop3A_1364 = vector.broadcast %parallel_loop3A_1363 : i32 to vector<16xi32>
        %parallel_loop3A_1365 = arith.addi %parallel_loop3A_1338, %parallel_loop3A_1364 : vector<16xi32>
        %parallel_loop3A_1366 = tpu.vector_load_idx %arg8[%parallel_loop3A_1354, %parallel_loop3A_1365] : memref<512x32xf32, #tpu.memory_space<vmem>>[vector<16xi32>, vector<16xi32>], vector<16xf32>,
        %parallel_loop3A_1367 = vector.broadcast %parallel_loop3A_1361 : i32 to vector<16xi32>
        %parallel_loop3A_1368 = arith.addi %parallel_loop3A_1352, %parallel_loop3A_1367 : vector<16xi32>
        tpu.vector_store_idx %arg10[%parallel_loop3A_1368], %parallel_loop3A_1362 : memref<16384xf32, #tpu.memory_space<vmem>>[vector<16xi32>], vector<16xf32>,
        %parallel_loop3A_1369 = arith.constant 8192 : i32
        %parallel_loop3A_1370 = arith.addi %parallel_loop3A_1361, %parallel_loop3A_1369 : i32
        %parallel_loop3A_1371 = vector.broadcast %parallel_loop3A_1370 : i32 to vector<16xi32>
        %parallel_loop3A_1372 = arith.addi %parallel_loop3A_1352, %parallel_loop3A_1371 : vector<16xi32>
        tpu.vector_store_idx %arg10[%parallel_loop3A_1372], %parallel_loop3A_1366 : memref<16384xf32, #tpu.memory_space<vmem>>[vector<16xi32>], vector<16xf32>,
      } {sc.loop_unroll_factor = 4 : i64, sc.parallel_access}
      %mul3A_1045 = arith.constant 524288 : i32
      %mul3A_1046 = arith.muli %mul3A_868, %mul3A_1045 : i32
      %add3A_1047 = arith.constant 0 : i32
      %add3A_1048 = arith.addi %mul3A_1046, %add3A_1047 : i32
      %mul3A_1049 = arith.constant 1024 : i32
      %mul3A_1050 = arith.muli %mul3A_4, %mul3A_1049 : i32
      %add3A_1051 = arith.addi %add3A_1048, %mul3A_1050 : i32
      %dma_start3A_1052 = arith.constant 0 : i32
      %dma_start3A_1053 = tpu.memref_slice %arg10[%dma_start3A_1052] : memref<16384xf32, #tpu.memory_space<vmem>> -> memref<4096xf32, #tpu.memory_space<vmem>>
      %dma_start3A_1054 = tpu.memref_slice %arg4[%add3A_1051] : memref<52428800xf32, #tpu.memory_space<hbm>> -> memref<4096xf32, #tpu.memory_space<hbm>>
      %dma_start3A_1055 = tpu.memref_slice %arg4[%add3A_1051] : memref<52428800xf32, #tpu.memory_space<hbm>> -> memref<4096xf32, #tpu.memory_space<hbm>>
      %dma_start3A_1056 = arith.constant 0 : i32
      %dma_start3A_1057 = tpu.memref_slice %arg10[%dma_start3A_1056] : memref<16384xf32, #tpu.memory_space<vmem>> -> memref<4096xf32, #tpu.memory_space<vmem>>
      tpu.enqueue_dma source(%dma_start3A_1057 : memref<4096xf32, #tpu.memory_space<vmem>>) target(%dma_start3A_1055 : memref<4096xf32, #tpu.memory_space<hbm>>) target_semaphore(%arg14 : memref<!tpu.dma_semaphore, #tpu.memory_space<semaphore_mem>>)
      %mul3A_1058 = arith.constant 524288 : i32
      %mul3A_1059 = arith.muli %mul3A_868, %mul3A_1058 : i32
      %add3A_1060 = arith.constant 131072 : i32
      %add3A_1061 = arith.addi %mul3A_1059, %add3A_1060 : i32
      %mul3A_1062 = arith.constant 1024 : i32
      %mul3A_1063 = arith.muli %mul3A_4, %mul3A_1062 : i32
      %add3A_1064 = arith.addi %add3A_1061, %mul3A_1063 : i32
      %dma_start3A_1065 = arith.constant 4096 : i32
      %dma_start3A_1066 = tpu.memref_slice %arg10[%dma_start3A_1065] : memref<16384xf32, #tpu.memory_space<vmem>> -> memref<4096xf32, #tpu.memory_space<vmem>>
      %dma_start3A_1067 = tpu.memref_slice %arg4[%add3A_1064] : memref<52428800xf32, #tpu.memory_space<hbm>> -> memref<4096xf32, #tpu.memory_space<hbm>>
      %dma_start3A_1068 = tpu.memref_slice %arg4[%add3A_1064] : memref<52428800xf32, #tpu.memory_space<hbm>> -> memref<4096xf32, #tpu.memory_space<hbm>>
      %dma_start3A_1069 = arith.constant 4096 : i32
      %dma_start3A_1070 = tpu.memref_slice %arg10[%dma_start3A_1069] : memref<16384xf32, #tpu.memory_space<vmem>> -> memref<4096xf32, #tpu.memory_space<vmem>>
      tpu.enqueue_dma source(%dma_start3A_1070 : memref<4096xf32, #tpu.memory_space<vmem>>) target(%dma_start3A_1068 : memref<4096xf32, #tpu.memory_space<hbm>>) target_semaphore(%arg14 : memref<!tpu.dma_semaphore, #tpu.memory_space<semaphore_mem>>)
      %mul3A_1071 = arith.constant 524288 : i32
      %mul3A_1072 = arith.muli %mul3A_868, %mul3A_1071 : i32
      %add3A_1073 = arith.constant 262144 : i32
      %add3A_1074 = arith.addi %mul3A_1072, %add3A_1073 : i32
      %mul3A_1075 = arith.constant 1024 : i32
      %mul3A_1076 = arith.muli %mul3A_4, %mul3A_1075 : i32
      %add3A_1077 = arith.addi %add3A_1074, %mul3A_1076 : i32
      %dma_start3A_1078 = arith.constant 8192 : i32
      %dma_start3A_1079 = tpu.memref_slice %arg10[%dma_start3A_1078] : memref<16384xf32, #tpu.memory_space<vmem>> -> memref<4096xf32, #tpu.memory_space<vmem>>
      %dma_start3A_1080 = tpu.memref_slice %arg4[%add3A_1077] : memref<52428800xf32, #tpu.memory_space<hbm>> -> memref<4096xf32, #tpu.memory_space<hbm>>
      %dma_start3A_1081 = tpu.memref_slice %arg4[%add3A_1077] : memref<52428800xf32, #tpu.memory_space<hbm>> -> memref<4096xf32, #tpu.memory_space<hbm>>
      %dma_start3A_1082 = arith.constant 8192 : i32
      %dma_start3A_1083 = tpu.memref_slice %arg10[%dma_start3A_1082] : memref<16384xf32, #tpu.memory_space<vmem>> -> memref<4096xf32, #tpu.memory_space<vmem>>
      tpu.enqueue_dma source(%dma_start3A_1083 : memref<4096xf32, #tpu.memory_space<vmem>>) target(%dma_start3A_1081 : memref<4096xf32, #tpu.memory_space<hbm>>) target_semaphore(%arg14 : memref<!tpu.dma_semaphore, #tpu.memory_space<semaphore_mem>>)
      %mul3A_1084 = arith.constant 524288 : i32
      %mul3A_1085 = arith.muli %mul3A_868, %mul3A_1084 : i32
      %add3A_1086 = arith.constant 393216 : i32
      %add3A_1087 = arith.addi %mul3A_1085, %add3A_1086 : i32
      %mul3A_1088 = arith.constant 1024 : i32
      %mul3A_1089 = arith.muli %mul3A_4, %mul3A_1088 : i32
      %add3A_1090 = arith.addi %add3A_1087, %mul3A_1089 : i32
      %dma_start3A_1091 = arith.constant 12288 : i32
      %dma_start3A_1092 = tpu.memref_slice %arg10[%dma_start3A_1091] : memref<16384xf32, #tpu.memory_space<vmem>> -> memref<4096xf32, #tpu.memory_space<vmem>>
      %dma_start3A_1093 = tpu.memref_slice %arg4[%add3A_1090] : memref<52428800xf32, #tpu.memory_space<hbm>> -> memref<4096xf32, #tpu.memory_space<hbm>>
      %dma_start3A_1094 = tpu.memref_slice %arg4[%add3A_1090] : memref<52428800xf32, #tpu.memory_space<hbm>> -> memref<4096xf32, #tpu.memory_space<hbm>>
      %dma_start3A_1095 = arith.constant 12288 : i32
      %dma_start3A_1096 = tpu.memref_slice %arg10[%dma_start3A_1095] : memref<16384xf32, #tpu.memory_space<vmem>> -> memref<4096xf32, #tpu.memory_space<vmem>>
      tpu.enqueue_dma source(%dma_start3A_1096 : memref<4096xf32, #tpu.memory_space<vmem>>) target(%dma_start3A_1094 : memref<4096xf32, #tpu.memory_space<hbm>>) target_semaphore(%arg14 : memref<!tpu.dma_semaphore, #tpu.memory_space<semaphore_mem>>)
      %add3A_1097 = arith.constant 1 : i32
      %add3A_1098 = arith.addi %mul3A_868, %add3A_1097 : i32
      %add3A_1099 = arith.constant 1 : i32
      %add3A_1100 = arith.addi %add3A_1098, %add3A_1099 : i32
      %mul3A_1101 = arith.constant 0 : i32
      %mul3A_1102 = vector.broadcast %mul3A_1101 : i32 to vector<16xi32>
      %mul3A_1103 = arith.muli %iota3A, %mul3A_1102 : vector<16xi32>
      %add3A_1104 = vector.broadcast %add3A_1100 : i32 to vector<16xi32>
      %add3A_1105 = arith.addi %mul3A_1103, %add3A_1104 : vector<16xi32>
      %add3A_1106 = arith.constant 0 : i32
      %add3A_1107 = vector.broadcast %add3A_1106 : i32 to vector<16xi32>
      %add3A_1108 = arith.addi %add3A_1107, %iota3A : vector<16xi32>
      %gather3A_1109 = tpu.vector_load_idx %arg5[%add3A_1108, %add3A_1105] : memref<512x100xi32, #tpu.memory_space<vmem>>[vector<16xi32>, vector<16xi32>], vector<16xi32>,
      tpu.vector_store_idx %arg6[%add3A_1108], %gather3A_1109 : memref<512xi32, #tpu.memory_space<vmem>>[vector<16xi32>], vector<16xi32>,
      %add3A_1110 = arith.constant 16 : i32
      %add3A_1111 = vector.broadcast %add3A_1110 : i32 to vector<16xi32>
      %add3A_1112 = arith.addi %add3A_1111, %iota3A : vector<16xi32>
      %gather3A_1113 = tpu.vector_load_idx %arg5[%add3A_1112, %add3A_1105] : memref<512x100xi32, #tpu.memory_space<vmem>>[vector<16xi32>, vector<16xi32>], vector<16xi32>,
      tpu.vector_store_idx %arg6[%add3A_1112], %gather3A_1113 : memref<512xi32, #tpu.memory_space<vmem>>[vector<16xi32>], vector<16xi32>,
      %add3A_1114 = arith.constant 32 : i32
      %add3A_1115 = vector.broadcast %add3A_1114 : i32 to vector<16xi32>
      %add3A_1116 = arith.addi %add3A_1115, %iota3A : vector<16xi32>
      %gather3A_1117 = tpu.vector_load_idx %arg5[%add3A_1116, %add3A_1105] : memref<512x100xi32, #tpu.memory_space<vmem>>[vector<16xi32>, vector<16xi32>], vector<16xi32>,
      tpu.vector_store_idx %arg6[%add3A_1116], %gather3A_1117 : memref<512xi32, #tpu.memory_space<vmem>>[vector<16xi32>], vector<16xi32>,
      %add3A_1118 = arith.constant 48 : i32
      %add3A_1119 = vector.broadcast %add3A_1118 : i32 to vector<16xi32>
      %add3A_1120 = arith.addi %add3A_1119, %iota3A : vector<16xi32>
      %gather3A_1121 = tpu.vector_load_idx %arg5[%add3A_1120, %add3A_1105] : memref<512x100xi32, #tpu.memory_space<vmem>>[vector<16xi32>, vector<16xi32>], vector<16xi32>,
      tpu.vector_store_idx %arg6[%add3A_1120], %gather3A_1121 : memref<512xi32, #tpu.memory_space<vmem>>[vector<16xi32>], vector<16xi32>,
      %add3A_1122 = arith.constant 64 : i32
      %add3A_1123 = vector.broadcast %add3A_1122 : i32 to vector<16xi32>
      %add3A_1124 = arith.addi %add3A_1123, %iota3A : vector<16xi32>
      %gather3A_1125 = tpu.vector_load_idx %arg5[%add3A_1124, %add3A_1105] : memref<512x100xi32, #tpu.memory_space<vmem>>[vector<16xi32>, vector<16xi32>], vector<16xi32>,
      tpu.vector_store_idx %arg6[%add3A_1124], %gather3A_1125 : memref<512xi32, #tpu.memory_space<vmem>>[vector<16xi32>], vector<16xi32>,
      %add3A_1126 = arith.constant 80 : i32
      %add3A_1127 = vector.broadcast %add3A_1126 : i32 to vector<16xi32>
      %add3A_1128 = arith.addi %add3A_1127, %iota3A : vector<16xi32>
      %gather3A_1129 = tpu.vector_load_idx %arg5[%add3A_1128, %add3A_1105] : memref<512x100xi32, #tpu.memory_space<vmem>>[vector<16xi32>, vector<16xi32>], vector<16xi32>,
      tpu.vector_store_idx %arg6[%add3A_1128], %gather3A_1129 : memref<512xi32, #tpu.memory_space<vmem>>[vector<16xi32>], vector<16xi32>,
      %add3A_1130 = arith.constant 96 : i32
      %add3A_1131 = vector.broadcast %add3A_1130 : i32 to vector<16xi32>
      %add3A_1132 = arith.addi %add3A_1131, %iota3A : vector<16xi32>
      %gather3A_1133 = tpu.vector_load_idx %arg5[%add3A_1132, %add3A_1105] : memref<512x100xi32, #tpu.memory_space<vmem>>[vector<16xi32>, vector<16xi32>], vector<16xi32>,
      tpu.vector_store_idx %arg6[%add3A_1132], %gather3A_1133 : memref<512xi32, #tpu.memory_space<vmem>>[vector<16xi32>], vector<16xi32>,
      %add3A_1134 = arith.constant 112 : i32
      %add3A_1135 = vector.broadcast %add3A_1134 : i32 to vector<16xi32>
      %add3A_1136 = arith.addi %add3A_1135, %iota3A : vector<16xi32>
      %gather3A_1137 = tpu.vector_load_idx %arg5[%add3A_1136, %add3A_1105] : memref<512x100xi32, #tpu.memory_space<vmem>>[vector<16xi32>, vector<16xi32>], vector<16xi32>,
      tpu.vector_store_idx %arg6[%add3A_1136], %gather3A_1137 : memref<512xi32, #tpu.memory_space<vmem>>[vector<16xi32>], vector<16xi32>,
      %add3A_1138 = arith.constant 128 : i32
      %add3A_1139 = vector.broadcast %add3A_1138 : i32 to vector<16xi32>
      %add3A_1140 = arith.addi %add3A_1139, %iota3A : vector<16xi32>
      %gather3A_1141 = tpu.vector_load_idx %arg5[%add3A_1140, %add3A_1105] : memref<512x100xi32, #tpu.memory_space<vmem>>[vector<16xi32>, vector<16xi32>], vector<16xi32>,
      tpu.vector_store_idx %arg6[%add3A_1140], %gather3A_1141 : memref<512xi32, #tpu.memory_space<vmem>>[vector<16xi32>], vector<16xi32>,
      %add3A_1142 = arith.constant 144 : i32
      %add3A_1143 = vector.broadcast %add3A_1142 : i32 to vector<16xi32>
      %add3A_1144 = arith.addi %add3A_1143, %iota3A : vector<16xi32>
      %gather3A_1145 = tpu.vector_load_idx %arg5[%add3A_1144, %add3A_1105] : memref<512x100xi32, #tpu.memory_space<vmem>>[vector<16xi32>, vector<16xi32>], vector<16xi32>,
      tpu.vector_store_idx %arg6[%add3A_1144], %gather3A_1145 : memref<512xi32, #tpu.memory_space<vmem>>[vector<16xi32>], vector<16xi32>,
      %add3A_1146 = arith.constant 160 : i32
      %add3A_1147 = vector.broadcast %add3A_1146 : i32 to vector<16xi32>
      %add3A_1148 = arith.addi %add3A_1147, %iota3A : vector<16xi32>
      %gather3A_1149 = tpu.vector_load_idx %arg5[%add3A_1148, %add3A_1105] : memref<512x100xi32, #tpu.memory_space<vmem>>[vector<16xi32>, vector<16xi32>], vector<16xi32>,
      tpu.vector_store_idx %arg6[%add3A_1148], %gather3A_1149 : memref<512xi32, #tpu.memory_space<vmem>>[vector<16xi32>], vector<16xi32>,
      %add3A_1150 = arith.constant 176 : i32
      %add3A_1151 = vector.broadcast %add3A_1150 : i32 to vector<16xi32>
      %add3A_1152 = arith.addi %add3A_1151, %iota3A : vector<16xi32>
      %gather3A_1153 = tpu.vector_load_idx %arg5[%add3A_1152, %add3A_1105] : memref<512x100xi32, #tpu.memory_space<vmem>>[vector<16xi32>, vector<16xi32>], vector<16xi32>,
      tpu.vector_store_idx %arg6[%add3A_1152], %gather3A_1153 : memref<512xi32, #tpu.memory_space<vmem>>[vector<16xi32>], vector<16xi32>,
      %add3A_1154 = arith.constant 192 : i32
      %add3A_1155 = vector.broadcast %add3A_1154 : i32 to vector<16xi32>
      %add3A_1156 = arith.addi %add3A_1155, %iota3A : vector<16xi32>
      %gather3A_1157 = tpu.vector_load_idx %arg5[%add3A_1156, %add3A_1105] : memref<512x100xi32, #tpu.memory_space<vmem>>[vector<16xi32>, vector<16xi32>], vector<16xi32>,
      tpu.vector_store_idx %arg6[%add3A_1156], %gather3A_1157 : memref<512xi32, #tpu.memory_space<vmem>>[vector<16xi32>], vector<16xi32>,
      %add3A_1158 = arith.constant 208 : i32
      %add3A_1159 = vector.broadcast %add3A_1158 : i32 to vector<16xi32>
      %add3A_1160 = arith.addi %add3A_1159, %iota3A : vector<16xi32>
      %gather3A_1161 = tpu.vector_load_idx %arg5[%add3A_1160, %add3A_1105] : memref<512x100xi32, #tpu.memory_space<vmem>>[vector<16xi32>, vector<16xi32>], vector<16xi32>,
      tpu.vector_store_idx %arg6[%add3A_1160], %gather3A_1161 : memref<512xi32, #tpu.memory_space<vmem>>[vector<16xi32>], vector<16xi32>,
      %add3A_1162 = arith.constant 224 : i32
      %add3A_1163 = vector.broadcast %add3A_1162 : i32 to vector<16xi32>
      %add3A_1164 = arith.addi %add3A_1163, %iota3A : vector<16xi32>
      %gather3A_1165 = tpu.vector_load_idx %arg5[%add3A_1164, %add3A_1105] : memref<512x100xi32, #tpu.memory_space<vmem>>[vector<16xi32>, vector<16xi32>], vector<16xi32>,
      tpu.vector_store_idx %arg6[%add3A_1164], %gather3A_1165 : memref<512xi32, #tpu.memory_space<vmem>>[vector<16xi32>], vector<16xi32>,
      %add3A_1166 = arith.constant 240 : i32
      %add3A_1167 = vector.broadcast %add3A_1166 : i32 to vector<16xi32>
      %add3A_1168 = arith.addi %add3A_1167, %iota3A : vector<16xi32>
      %gather3A_1169 = tpu.vector_load_idx %arg5[%add3A_1168, %add3A_1105] : memref<512x100xi32, #tpu.memory_space<vmem>>[vector<16xi32>, vector<16xi32>], vector<16xi32>,
      tpu.vector_store_idx %arg6[%add3A_1168], %gather3A_1169 : memref<512xi32, #tpu.memory_space<vmem>>[vector<16xi32>], vector<16xi32>,
      %add3A_1170 = arith.constant 256 : i32
      %add3A_1171 = vector.broadcast %add3A_1170 : i32 to vector<16xi32>
      %add3A_1172 = arith.addi %add3A_1171, %iota3A : vector<16xi32>
      %gather3A_1173 = tpu.vector_load_idx %arg5[%add3A_1172, %add3A_1105] : memref<512x100xi32, #tpu.memory_space<vmem>>[vector<16xi32>, vector<16xi32>], vector<16xi32>,
      tpu.vector_store_idx %arg6[%add3A_1172], %gather3A_1173 : memref<512xi32, #tpu.memory_space<vmem>>[vector<16xi32>], vector<16xi32>,
      %add3A_1174 = arith.constant 272 : i32
      %add3A_1175 = vector.broadcast %add3A_1174 : i32 to vector<16xi32>
      %add3A_1176 = arith.addi %add3A_1175, %iota3A : vector<16xi32>
      %gather3A_1177 = tpu.vector_load_idx %arg5[%add3A_1176, %add3A_1105] : memref<512x100xi32, #tpu.memory_space<vmem>>[vector<16xi32>, vector<16xi32>], vector<16xi32>,
      tpu.vector_store_idx %arg6[%add3A_1176], %gather3A_1177 : memref<512xi32, #tpu.memory_space<vmem>>[vector<16xi32>], vector<16xi32>,
      %add3A_1178 = arith.constant 288 : i32
      %add3A_1179 = vector.broadcast %add3A_1178 : i32 to vector<16xi32>
      %add3A_1180 = arith.addi %add3A_1179, %iota3A : vector<16xi32>
      %gather3A_1181 = tpu.vector_load_idx %arg5[%add3A_1180, %add3A_1105] : memref<512x100xi32, #tpu.memory_space<vmem>>[vector<16xi32>, vector<16xi32>], vector<16xi32>,
      tpu.vector_store_idx %arg6[%add3A_1180], %gather3A_1181 : memref<512xi32, #tpu.memory_space<vmem>>[vector<16xi32>], vector<16xi32>,
      %add3A_1182 = arith.constant 304 : i32
      %add3A_1183 = vector.broadcast %add3A_1182 : i32 to vector<16xi32>
      %add3A_1184 = arith.addi %add3A_1183, %iota3A : vector<16xi32>
      %gather3A_1185 = tpu.vector_load_idx %arg5[%add3A_1184, %add3A_1105] : memref<512x100xi32, #tpu.memory_space<vmem>>[vector<16xi32>, vector<16xi32>], vector<16xi32>,
      tpu.vector_store_idx %arg6[%add3A_1184], %gather3A_1185 : memref<512xi32, #tpu.memory_space<vmem>>[vector<16xi32>], vector<16xi32>,
      %add3A_1186 = arith.constant 320 : i32
      %add3A_1187 = vector.broadcast %add3A_1186 : i32 to vector<16xi32>
      %add3A_1188 = arith.addi %add3A_1187, %iota3A : vector<16xi32>
      %gather3A_1189 = tpu.vector_load_idx %arg5[%add3A_1188, %add3A_1105] : memref<512x100xi32, #tpu.memory_space<vmem>>[vector<16xi32>, vector<16xi32>], vector<16xi32>,
      tpu.vector_store_idx %arg6[%add3A_1188], %gather3A_1189 : memref<512xi32, #tpu.memory_space<vmem>>[vector<16xi32>], vector<16xi32>,
      %add3A_1190 = arith.constant 336 : i32
      %add3A_1191 = vector.broadcast %add3A_1190 : i32 to vector<16xi32>
      %add3A_1192 = arith.addi %add3A_1191, %iota3A : vector<16xi32>
      %gather3A_1193 = tpu.vector_load_idx %arg5[%add3A_1192, %add3A_1105] : memref<512x100xi32, #tpu.memory_space<vmem>>[vector<16xi32>, vector<16xi32>], vector<16xi32>,
      tpu.vector_store_idx %arg6[%add3A_1192], %gather3A_1193 : memref<512xi32, #tpu.memory_space<vmem>>[vector<16xi32>], vector<16xi32>,
      %add3A_1194 = arith.constant 352 : i32
      %add3A_1195 = vector.broadcast %add3A_1194 : i32 to vector<16xi32>
      %add3A_1196 = arith.addi %add3A_1195, %iota3A : vector<16xi32>
      %gather3A_1197 = tpu.vector_load_idx %arg5[%add3A_1196, %add3A_1105] : memref<512x100xi32, #tpu.memory_space<vmem>>[vector<16xi32>, vector<16xi32>], vector<16xi32>,
      tpu.vector_store_idx %arg6[%add3A_1196], %gather3A_1197 : memref<512xi32, #tpu.memory_space<vmem>>[vector<16xi32>], vector<16xi32>,
      %add3A_1198 = arith.constant 368 : i32
      %add3A_1199 = vector.broadcast %add3A_1198 : i32 to vector<16xi32>
      %add3A_1200 = arith.addi %add3A_1199, %iota3A : vector<16xi32>
      %gather3A_1201 = tpu.vector_load_idx %arg5[%add3A_1200, %add3A_1105] : memref<512x100xi32, #tpu.memory_space<vmem>>[vector<16xi32>, vector<16xi32>], vector<16xi32>,
      tpu.vector_store_idx %arg6[%add3A_1200], %gather3A_1201 : memref<512xi32, #tpu.memory_space<vmem>>[vector<16xi32>], vector<16xi32>,
      %add3A_1202 = arith.constant 384 : i32
      %add3A_1203 = vector.broadcast %add3A_1202 : i32 to vector<16xi32>
      %add3A_1204 = arith.addi %add3A_1203, %iota3A : vector<16xi32>
      %gather3A_1205 = tpu.vector_load_idx %arg5[%add3A_1204, %add3A_1105] : memref<512x100xi32, #tpu.memory_space<vmem>>[vector<16xi32>, vector<16xi32>], vector<16xi32>,
      tpu.vector_store_idx %arg6[%add3A_1204], %gather3A_1205 : memref<512xi32, #tpu.memory_space<vmem>>[vector<16xi32>], vector<16xi32>,
      %add3A_1206 = arith.constant 400 : i32
      %add3A_1207 = vector.broadcast %add3A_1206 : i32 to vector<16xi32>
      %add3A_1208 = arith.addi %add3A_1207, %iota3A : vector<16xi32>
      %gather3A_1209 = tpu.vector_load_idx %arg5[%add3A_1208, %add3A_1105] : memref<512x100xi32, #tpu.memory_space<vmem>>[vector<16xi32>, vector<16xi32>], vector<16xi32>,
      tpu.vector_store_idx %arg6[%add3A_1208], %gather3A_1209 : memref<512xi32, #tpu.memory_space<vmem>>[vector<16xi32>], vector<16xi32>,
      %add3A_1210 = arith.constant 416 : i32
      %add3A_1211 = vector.broadcast %add3A_1210 : i32 to vector<16xi32>
      %add3A_1212 = arith.addi %add3A_1211, %iota3A : vector<16xi32>
      %gather3A_1213 = tpu.vector_load_idx %arg5[%add3A_1212, %add3A_1105] : memref<512x100xi32, #tpu.memory_space<vmem>>[vector<16xi32>, vector<16xi32>], vector<16xi32>,
      tpu.vector_store_idx %arg6[%add3A_1212], %gather3A_1213 : memref<512xi32, #tpu.memory_space<vmem>>[vector<16xi32>], vector<16xi32>,
      %add3A_1214 = arith.constant 432 : i32
      %add3A_1215 = vector.broadcast %add3A_1214 : i32 to vector<16xi32>
      %add3A_1216 = arith.addi %add3A_1215, %iota3A : vector<16xi32>
      %gather3A_1217 = tpu.vector_load_idx %arg5[%add3A_1216, %add3A_1105] : memref<512x100xi32, #tpu.memory_space<vmem>>[vector<16xi32>, vector<16xi32>], vector<16xi32>,
      tpu.vector_store_idx %arg6[%add3A_1216], %gather3A_1217 : memref<512xi32, #tpu.memory_space<vmem>>[vector<16xi32>], vector<16xi32>,
      %add3A_1218 = arith.constant 448 : i32
      %add3A_1219 = vector.broadcast %add3A_1218 : i32 to vector<16xi32>
      %add3A_1220 = arith.addi %add3A_1219, %iota3A : vector<16xi32>
      %gather3A_1221 = tpu.vector_load_idx %arg5[%add3A_1220, %add3A_1105] : memref<512x100xi32, #tpu.memory_space<vmem>>[vector<16xi32>, vector<16xi32>], vector<16xi32>,
      tpu.vector_store_idx %arg6[%add3A_1220], %gather3A_1221 : memref<512xi32, #tpu.memory_space<vmem>>[vector<16xi32>], vector<16xi32>,
      %add3A_1222 = arith.constant 464 : i32
      %add3A_1223 = vector.broadcast %add3A_1222 : i32 to vector<16xi32>
      %add3A_1224 = arith.addi %add3A_1223, %iota3A : vector<16xi32>
      %gather3A_1225 = tpu.vector_load_idx %arg5[%add3A_1224, %add3A_1105] : memref<512x100xi32, #tpu.memory_space<vmem>>[vector<16xi32>, vector<16xi32>], vector<16xi32>,
      tpu.vector_store_idx %arg6[%add3A_1224], %gather3A_1225 : memref<512xi32, #tpu.memory_space<vmem>>[vector<16xi32>], vector<16xi32>,
      %add3A_1226 = arith.constant 480 : i32
      %add3A_1227 = vector.broadcast %add3A_1226 : i32 to vector<16xi32>
      %add3A_1228 = arith.addi %add3A_1227, %iota3A : vector<16xi32>
      %gather3A_1229 = tpu.vector_load_idx %arg5[%add3A_1228, %add3A_1105] : memref<512x100xi32, #tpu.memory_space<vmem>>[vector<16xi32>, vector<16xi32>], vector<16xi32>,
      tpu.vector_store_idx %arg6[%add3A_1228], %gather3A_1229 : memref<512xi32, #tpu.memory_space<vmem>>[vector<16xi32>], vector<16xi32>,
      %add3A_1230 = arith.constant 496 : i32
      %add3A_1231 = vector.broadcast %add3A_1230 : i32 to vector<16xi32>
      %add3A_1232 = arith.addi %add3A_1231, %iota3A : vector<16xi32>
      %gather3A_1233 = tpu.vector_load_idx %arg5[%add3A_1232, %add3A_1105] : memref<512x100xi32, #tpu.memory_space<vmem>>[vector<16xi32>, vector<16xi32>], vector<16xi32>,
      tpu.vector_store_idx %arg6[%add3A_1232], %gather3A_1233 : memref<512xi32, #tpu.memory_space<vmem>>[vector<16xi32>], vector<16xi32>,
      %dma_start3A_1234 = arith.constant 0 : i32
      %dma_start3A_1235 = arith.constant 0 : i32
      %dma_start3A_1236 = tpu.memref_slice %arg3[%dma_start3A_1234, %dma_start3A_1235] : memref<1000000x32xf32, #tpu.memory_space<hbm>> -> memref<1000000x32xf32, #tpu.memory_space<hbm>>
      tpu.enqueue_indirect_dma source(%dma_start3A_1236 : memref<1000000x32xf32, #tpu.memory_space<hbm>>) target(%arg8 : memref<512x32xf32, #tpu.memory_space<vmem>>) offsets(%arg6 : memref<512xi32, #tpu.memory_space<vmem>>) semaphore(%arg12 : memref<!tpu.dma_semaphore, #tpu.memory_space<semaphore_mem>>)
      %dma_wait3A_1237 = arith.constant 0 : i32
      %dma_wait3A_1238 = arith.constant 0 : i32
      %dma_wait3A_1239 = tpu.memref_slice %arg3[%dma_wait3A_1237, %dma_wait3A_1238] : memref<1000000x32xf32, #tpu.memory_space<hbm>> -> memref<1000000x32xf32, #tpu.memory_space<hbm>>
      tpu.wait_indirect_dma semaphore(%arg13 : memref<!tpu.dma_semaphore, #tpu.memory_space<semaphore_mem>>) src(%dma_wait3A_1239 : memref<1000000x32xf32, #tpu.memory_space<hbm>>) dst(%arg9 : memref<512x32xf32, #tpu.memory_space<vmem>>)
      %dma_wait3A_1240 = arith.constant 0 : i32
      %dma_wait3A_1241 = tpu.memref_slice %arg11[%dma_wait3A_1240] : memref<16384xf32, #tpu.memory_space<vmem>> -> memref<4096xf32, #tpu.memory_space<vmem>>
      %dma_wait3A_1242 = arith.constant 0 : i32
      %dma_wait3A_1243 = tpu.memref_slice %arg4[%dma_wait3A_1242] : memref<52428800xf32, #tpu.memory_space<hbm>> -> memref<4096xf32, #tpu.memory_space<hbm>>
      %dma_wait3A_1244 = arith.constant 0 : i32
      %dma_wait3A_1245 = tpu.memref_slice %arg4[%dma_wait3A_1244] : memref<52428800xf32, #tpu.memory_space<hbm>> -> memref<4096xf32, #tpu.memory_space<hbm>>
      %dma_wait3A_1246 = arith.constant 0 : i32
      %dma_wait3A_1247 = tpu.memref_slice %arg11[%dma_wait3A_1246] : memref<16384xf32, #tpu.memory_space<vmem>> -> memref<4096xf32, #tpu.memory_space<vmem>>
      tpu.wait_dma2 semaphore(%arg15 : memref<!tpu.dma_semaphore, #tpu.memory_space<semaphore_mem>>) src(%dma_wait3A_1247 : memref<4096xf32, #tpu.memory_space<vmem>>) dst(%dma_wait3A_1245 : memref<4096xf32, #tpu.memory_space<hbm>>)
      %dma_wait3A_1248 = arith.constant 4096 : i32
      %dma_wait3A_1249 = tpu.memref_slice %arg11[%dma_wait3A_1248] : memref<16384xf32, #tpu.memory_space<vmem>> -> memref<4096xf32, #tpu.memory_space<vmem>>
      %dma_wait3A_1250 = arith.constant 0 : i32
      %dma_wait3A_1251 = tpu.memref_slice %arg4[%dma_wait3A_1250] : memref<52428800xf32, #tpu.memory_space<hbm>> -> memref<4096xf32, #tpu.memory_space<hbm>>
      %dma_wait3A_1252 = arith.constant 0 : i32
      %dma_wait3A_1253 = tpu.memref_slice %arg4[%dma_wait3A_1252] : memref<52428800xf32, #tpu.memory_space<hbm>> -> memref<4096xf32, #tpu.memory_space<hbm>>
      %dma_wait3A_1254 = arith.constant 4096 : i32
      %dma_wait3A_1255 = tpu.memref_slice %arg11[%dma_wait3A_1254] : memref<16384xf32, #tpu.memory_space<vmem>> -> memref<4096xf32, #tpu.memory_space<vmem>>
      tpu.wait_dma2 semaphore(%arg15 : memref<!tpu.dma_semaphore, #tpu.memory_space<semaphore_mem>>) src(%dma_wait3A_1255 : memref<4096xf32, #tpu.memory_space<vmem>>) dst(%dma_wait3A_1253 : memref<4096xf32, #tpu.memory_space<hbm>>)
      %dma_wait3A_1256 = arith.constant 8192 : i32
      %dma_wait3A_1257 = tpu.memref_slice %arg11[%dma_wait3A_1256] : memref<16384xf32, #tpu.memory_space<vmem>> -> memref<4096xf32, #tpu.memory_space<vmem>>
      %dma_wait3A_1258 = arith.constant 0 : i32
      %dma_wait3A_1259 = tpu.memref_slice %arg4[%dma_wait3A_1258] : memref<52428800xf32, #tpu.memory_space<hbm>> -> memref<4096xf32, #tpu.memory_space<hbm>>
      %dma_wait3A_1260 = arith.constant 0 : i32
      %dma_wait3A_1261 = tpu.memref_slice %arg4[%dma_wait3A_1260] : memref<52428800xf32, #tpu.memory_space<hbm>> -> memref<4096xf32, #tpu.memory_space<hbm>>
      %dma_wait3A_1262 = arith.constant 8192 : i32
      %dma_wait3A_1263 = tpu.memref_slice %arg11[%dma_wait3A_1262] : memref<16384xf32, #tpu.memory_space<vmem>> -> memref<4096xf32, #tpu.memory_space<vmem>>
      tpu.wait_dma2 semaphore(%arg15 : memref<!tpu.dma_semaphore, #tpu.memory_space<semaphore_mem>>) src(%dma_wait3A_1263 : memref<4096xf32, #tpu.memory_space<vmem>>) dst(%dma_wait3A_1261 : memref<4096xf32, #tpu.memory_space<hbm>>)
      %dma_wait3A_1264 = arith.constant 12288 : i32
      %dma_wait3A_1265 = tpu.memref_slice %arg11[%dma_wait3A_1264] : memref<16384xf32, #tpu.memory_space<vmem>> -> memref<4096xf32, #tpu.memory_space<vmem>>
      %dma_wait3A_1266 = arith.constant 0 : i32
      %dma_wait3A_1267 = tpu.memref_slice %arg4[%dma_wait3A_1266] : memref<52428800xf32, #tpu.memory_space<hbm>> -> memref<4096xf32, #tpu.memory_space<hbm>>
      %dma_wait3A_1268 = arith.constant 0 : i32
      %dma_wait3A_1269 = tpu.memref_slice %arg4[%dma_wait3A_1268] : memref<52428800xf32, #tpu.memory_space<hbm>> -> memref<4096xf32, #tpu.memory_space<hbm>>
      %dma_wait3A_1270 = arith.constant 12288 : i32
      %dma_wait3A_1271 = tpu.memref_slice %arg11[%dma_wait3A_1270] : memref<16384xf32, #tpu.memory_space<vmem>> -> memref<4096xf32, #tpu.memory_space<vmem>>
      tpu.wait_dma2 semaphore(%arg15 : memref<!tpu.dma_semaphore, #tpu.memory_space<semaphore_mem>>) src(%dma_wait3A_1271 : memref<4096xf32, #tpu.memory_space<vmem>>) dst(%dma_wait3A_1269 : memref<4096xf32, #tpu.memory_space<hbm>>)
      %parallel_loop3A_1272 = arith.constant 0 : i32
      %parallel_loop3A_1273 = arith.constant 512 : i32
      %parallel_loop3A_1274 = arith.constant 1 : i32
      scf.for %parallel_loop3A_1327 = %parallel_loop3A_1272 to %parallel_loop3A_1273 step %parallel_loop3A_1274  : i32 {
        %parallel_loop3A_1328 = arith.constant 15 : i32
        %parallel_loop3A_1329 = arith.andi %parallel_loop3A_1327, %parallel_loop3A_1328 : i32
        %parallel_loop3A_1330 = arith.constant 4 : i32
        %parallel_loop3A_1331 = arith.shrsi %parallel_loop3A_1327, %parallel_loop3A_1330 : i32
        %parallel_loop3A_1332 = arith.constant 4 : i32
        %parallel_loop3A_1333 = arith.shli %parallel_loop3A_1331, %parallel_loop3A_1332 : i32
        %parallel_loop3A_1334 = vector.broadcast %parallel_loop3A_1329 : i32 to vector<16xi32>
        %parallel_loop3A_1335 = arith.addi %iota3A, %parallel_loop3A_1334 : vector<16xi32>
        %parallel_loop3A_1336 = arith.constant 15 : i32
        %parallel_loop3A_1337 = vector.broadcast %parallel_loop3A_1336 : i32 to vector<16xi32>
        %parallel_loop3A_1338 = arith.andi %parallel_loop3A_1335, %parallel_loop3A_1337 : vector<16xi32>
        %parallel_loop3A_1339 = arith.constant 3 : i32
        %parallel_loop3A_1340 = vector.broadcast %parallel_loop3A_1339 : i32 to vector<16xi32>
        %parallel_loop3A_1341 = arith.shrsi %parallel_loop3A_1338, %parallel_loop3A_1340 : vector<16xi32>
        %parallel_loop3A_1342 = arith.constant 4096 : i32
        %parallel_loop3A_1343 = vector.broadcast %parallel_loop3A_1342 : i32 to vector<16xi32>
        %parallel_loop3A_1344 = arith.muli %parallel_loop3A_1341, %parallel_loop3A_1343 : vector<16xi32>
        %parallel_loop3A_1345 = arith.constant 7 : i32
        %parallel_loop3A_1346 = vector.broadcast %parallel_loop3A_1345 : i32 to vector<16xi32>
        %parallel_loop3A_1347 = arith.andi %parallel_loop3A_1338, %parallel_loop3A_1346 : vector<16xi32>
        %parallel_loop3A_1348 = arith.constant 128 : i32
        %parallel_loop3A_1349 = vector.broadcast %parallel_loop3A_1348 : i32 to vector<16xi32>
        %parallel_loop3A_1350 = arith.muli %parallel_loop3A_1347, %parallel_loop3A_1349 : vector<16xi32>
        %parallel_loop3A_1351 = arith.addi %parallel_loop3A_1344, %parallel_loop3A_1350 : vector<16xi32>
        %parallel_loop3A_1352 = arith.addi %parallel_loop3A_1351, %iota3A : vector<16xi32>
        %parallel_loop3A_1353 = vector.broadcast %parallel_loop3A_1333 : i32 to vector<16xi32>
        %parallel_loop3A_1354 = arith.addi %parallel_loop3A_1353, %iota3A : vector<16xi32>
        %parallel_loop3A_1355 = arith.constant 7 : i32
        %parallel_loop3A_1356 = arith.shrsi %parallel_loop3A_1333, %parallel_loop3A_1355 : i32
        %parallel_loop3A_1357 = arith.constant 1024 : i32
        %parallel_loop3A_1358 = arith.muli %parallel_loop3A_1356, %parallel_loop3A_1357 : i32
        %parallel_loop3A_1359 = arith.constant 127 : i32
        %parallel_loop3A_1360 = arith.andi %parallel_loop3A_1333, %parallel_loop3A_1359 : i32
        %parallel_loop3A_1361 = arith.addi %parallel_loop3A_1358, %parallel_loop3A_1360 : i32
        %parallel_loop3A_1362 = tpu.vector_load_idx %arg9[%parallel_loop3A_1354, %parallel_loop3A_1338] : memref<512x32xf32, #tpu.memory_space<vmem>>[vector<16xi32>, vector<16xi32>], vector<16xf32>,
        %parallel_loop3A_1363 = arith.constant 16 : i32
        %parallel_loop3A_1364 = vector.broadcast %parallel_loop3A_1363 : i32 to vector<16xi32>
        %parallel_loop3A_1365 = arith.addi %parallel_loop3A_1338, %parallel_loop3A_1364 : vector<16xi32>
        %parallel_loop3A_1366 = tpu.vector_load_idx %arg9[%parallel_loop3A_1354, %parallel_loop3A_1365] : memref<512x32xf32, #tpu.memory_space<vmem>>[vector<16xi32>, vector<16xi32>], vector<16xf32>,
        %parallel_loop3A_1367 = vector.broadcast %parallel_loop3A_1361 : i32 to vector<16xi32>
        %parallel_loop3A_1368 = arith.addi %parallel_loop3A_1352, %parallel_loop3A_1367 : vector<16xi32>
        tpu.vector_store_idx %arg11[%parallel_loop3A_1368], %parallel_loop3A_1362 : memref<16384xf32, #tpu.memory_space<vmem>>[vector<16xi32>], vector<16xf32>,
        %parallel_loop3A_1369 = arith.constant 8192 : i32
        %parallel_loop3A_1370 = arith.addi %parallel_loop3A_1361, %parallel_loop3A_1369 : i32
        %parallel_loop3A_1371 = vector.broadcast %parallel_loop3A_1370 : i32 to vector<16xi32>
        %parallel_loop3A_1372 = arith.addi %parallel_loop3A_1352, %parallel_loop3A_1371 : vector<16xi32>
        tpu.vector_store_idx %arg11[%parallel_loop3A_1372], %parallel_loop3A_1366 : memref<16384xf32, #tpu.memory_space<vmem>>[vector<16xi32>], vector<16xf32>,
      } {sc.loop_unroll_factor = 4 : i64, sc.parallel_access}
      %mul3A_1275 = arith.constant 524288 : i32
      %mul3A_1276 = arith.muli %add3A_1098, %mul3A_1275 : i32
      %add3A_1277 = arith.constant 0 : i32
      %add3A_1278 = arith.addi %mul3A_1276, %add3A_1277 : i32
      %mul3A_1279 = arith.constant 1024 : i32
      %mul3A_1280 = arith.muli %mul3A_4, %mul3A_1279 : i32
      %add3A_1281 = arith.addi %add3A_1278, %mul3A_1280 : i32
      %dma_start3A_1282 = arith.constant 0 : i32
      %dma_start3A_1283 = tpu.memref_slice %arg11[%dma_start3A_1282] : memref<16384xf32, #tpu.memory_space<vmem>> -> memref<4096xf32, #tpu.memory_space<vmem>>
      %dma_start3A_1284 = tpu.memref_slice %arg4[%add3A_1281] : memref<52428800xf32, #tpu.memory_space<hbm>> -> memref<4096xf32, #tpu.memory_space<hbm>>
      %dma_start3A_1285 = tpu.memref_slice %arg4[%add3A_1281] : memref<52428800xf32, #tpu.memory_space<hbm>> -> memref<4096xf32, #tpu.memory_space<hbm>>
      %dma_start3A_1286 = arith.constant 0 : i32
      %dma_start3A_1287 = tpu.memref_slice %arg11[%dma_start3A_1286] : memref<16384xf32, #tpu.memory_space<vmem>> -> memref<4096xf32, #tpu.memory_space<vmem>>
      tpu.enqueue_dma source(%dma_start3A_1287 : memref<4096xf32, #tpu.memory_space<vmem>>) target(%dma_start3A_1285 : memref<4096xf32, #tpu.memory_space<hbm>>) target_semaphore(%arg15 : memref<!tpu.dma_semaphore, #tpu.memory_space<semaphore_mem>>)
      %mul3A_1288 = arith.constant 524288 : i32
      %mul3A_1289 = arith.muli %add3A_1098, %mul3A_1288 : i32
      %add3A_1290 = arith.constant 131072 : i32
      %add3A_1291 = arith.addi %mul3A_1289, %add3A_1290 : i32
      %mul3A_1292 = arith.constant 1024 : i32
      %mul3A_1293 = arith.muli %mul3A_4, %mul3A_1292 : i32
      %add3A_1294 = arith.addi %add3A_1291, %mul3A_1293 : i32
      %dma_start3A_1295 = arith.constant 4096 : i32
      %dma_start3A_1296 = tpu.memref_slice %arg11[%dma_start3A_1295] : memref<16384xf32, #tpu.memory_space<vmem>> -> memref<4096xf32, #tpu.memory_space<vmem>>
      %dma_start3A_1297 = tpu.memref_slice %arg4[%add3A_1294] : memref<52428800xf32, #tpu.memory_space<hbm>> -> memref<4096xf32, #tpu.memory_space<hbm>>
      %dma_start3A_1298 = tpu.memref_slice %arg4[%add3A_1294] : memref<52428800xf32, #tpu.memory_space<hbm>> -> memref<4096xf32, #tpu.memory_space<hbm>>
      %dma_start3A_1299 = arith.constant 4096 : i32
      %dma_start3A_1300 = tpu.memref_slice %arg11[%dma_start3A_1299] : memref<16384xf32, #tpu.memory_space<vmem>> -> memref<4096xf32, #tpu.memory_space<vmem>>
      tpu.enqueue_dma source(%dma_start3A_1300 : memref<4096xf32, #tpu.memory_space<vmem>>) target(%dma_start3A_1298 : memref<4096xf32, #tpu.memory_space<hbm>>) target_semaphore(%arg15 : memref<!tpu.dma_semaphore, #tpu.memory_space<semaphore_mem>>)
      %mul3A_1301 = arith.constant 524288 : i32
      %mul3A_1302 = arith.muli %add3A_1098, %mul3A_1301 : i32
      %add3A_1303 = arith.constant 262144 : i32
      %add3A_1304 = arith.addi %mul3A_1302, %add3A_1303 : i32
      %mul3A_1305 = arith.constant 1024 : i32
      %mul3A_1306 = arith.muli %mul3A_4, %mul3A_1305 : i32
      %add3A_1307 = arith.addi %add3A_1304, %mul3A_1306 : i32
      %dma_start3A_1308 = arith.constant 8192 : i32
      %dma_start3A_1309 = tpu.memref_slice %arg11[%dma_start3A_1308] : memref<16384xf32, #tpu.memory_space<vmem>> -> memref<4096xf32, #tpu.memory_space<vmem>>
      %dma_start3A_1310 = tpu.memref_slice %arg4[%add3A_1307] : memref<52428800xf32, #tpu.memory_space<hbm>> -> memref<4096xf32, #tpu.memory_space<hbm>>
      %dma_start3A_1311 = tpu.memref_slice %arg4[%add3A_1307] : memref<52428800xf32, #tpu.memory_space<hbm>> -> memref<4096xf32, #tpu.memory_space<hbm>>
      %dma_start3A_1312 = arith.constant 8192 : i32
      %dma_start3A_1313 = tpu.memref_slice %arg11[%dma_start3A_1312] : memref<16384xf32, #tpu.memory_space<vmem>> -> memref<4096xf32, #tpu.memory_space<vmem>>
      tpu.enqueue_dma source(%dma_start3A_1313 : memref<4096xf32, #tpu.memory_space<vmem>>) target(%dma_start3A_1311 : memref<4096xf32, #tpu.memory_space<hbm>>) target_semaphore(%arg15 : memref<!tpu.dma_semaphore, #tpu.memory_space<semaphore_mem>>)
      %mul3A_1314 = arith.constant 524288 : i32
      %mul3A_1315 = arith.muli %add3A_1098, %mul3A_1314 : i32
      %add3A_1316 = arith.constant 393216 : i32
      %add3A_1317 = arith.addi %mul3A_1315, %add3A_1316 : i32
      %mul3A_1318 = arith.constant 1024 : i32
      %mul3A_1319 = arith.muli %mul3A_4, %mul3A_1318 : i32
      %add3A_1320 = arith.addi %add3A_1317, %mul3A_1319 : i32
      %dma_start3A_1321 = arith.constant 12288 : i32
      %dma_start3A_1322 = tpu.memref_slice %arg11[%dma_start3A_1321] : memref<16384xf32, #tpu.memory_space<vmem>> -> memref<4096xf32, #tpu.memory_space<vmem>>
      %dma_start3A_1323 = tpu.memref_slice %arg4[%add3A_1320] : memref<52428800xf32, #tpu.memory_space<hbm>> -> memref<4096xf32, #tpu.memory_space<hbm>>
      %dma_start3A_1324 = tpu.memref_slice %arg4[%add3A_1320] : memref<52428800xf32, #tpu.memory_space<hbm>> -> memref<4096xf32, #tpu.memory_space<hbm>>
      %dma_start3A_1325 = arith.constant 12288 : i32
      %dma_start3A_1326 = tpu.memref_slice %arg11[%dma_start3A_1325] : memref<16384xf32, #tpu.memory_space<vmem>> -> memref<4096xf32, #tpu.memory_space<vmem>>
      tpu.enqueue_dma source(%dma_start3A_1326 : memref<4096xf32, #tpu.memory_space<vmem>>) target(%dma_start3A_1324 : memref<4096xf32, #tpu.memory_space<hbm>>) target_semaphore(%arg15 : memref<!tpu.dma_semaphore, #tpu.memory_space<semaphore_mem>>)
    }
    %scan3A_508 = arith.constant 48 : i32
    %mul3A_509 = arith.constant 0 : i32
    %mul3A_510 = vector.broadcast %mul3A_509 : i32 to vector<16xi32>
    %mul3A_511 = arith.muli %iota3A, %mul3A_510 : vector<16xi32>
    %add3A_512 = arith.constant 99 : i32
    %add3A_513 = vector.broadcast %add3A_512 : i32 to vector<16xi32>
    %add3A_514 = arith.addi %mul3A_511, %add3A_513 : vector<16xi32>
    %add3A_515 = arith.constant 0 : i32
    %add3A_516 = vector.broadcast %add3A_515 : i32 to vector<16xi32>
    %add3A_517 = arith.addi %add3A_516, %iota3A : vector<16xi32>
    %gather3A_518 = tpu.vector_load_idx %arg5[%add3A_517, %add3A_514] : memref<512x100xi32, #tpu.memory_space<vmem>>[vector<16xi32>, vector<16xi32>], vector<16xi32>,
    tpu.vector_store_idx %arg7[%add3A_517], %gather3A_518 : memref<512xi32, #tpu.memory_space<vmem>>[vector<16xi32>], vector<16xi32>,
    %add3A_519 = arith.constant 16 : i32
    %add3A_520 = vector.broadcast %add3A_519 : i32 to vector<16xi32>
    %add3A_521 = arith.addi %add3A_520, %iota3A : vector<16xi32>
    %gather3A_522 = tpu.vector_load_idx %arg5[%add3A_521, %add3A_514] : memref<512x100xi32, #tpu.memory_space<vmem>>[vector<16xi32>, vector<16xi32>], vector<16xi32>,
    tpu.vector_store_idx %arg7[%add3A_521], %gather3A_522 : memref<512xi32, #tpu.memory_space<vmem>>[vector<16xi32>], vector<16xi32>,
    %add3A_523 = arith.constant 32 : i32
    %add3A_524 = vector.broadcast %add3A_523 : i32 to vector<16xi32>
    %add3A_525 = arith.addi %add3A_524, %iota3A : vector<16xi32>
    %gather3A_526 = tpu.vector_load_idx %arg5[%add3A_525, %add3A_514] : memref<512x100xi32, #tpu.memory_space<vmem>>[vector<16xi32>, vector<16xi32>], vector<16xi32>,
    tpu.vector_store_idx %arg7[%add3A_525], %gather3A_526 : memref<512xi32, #tpu.memory_space<vmem>>[vector<16xi32>], vector<16xi32>,
    %add3A_527 = arith.constant 48 : i32
    %add3A_528 = vector.broadcast %add3A_527 : i32 to vector<16xi32>
    %add3A_529 = arith.addi %add3A_528, %iota3A : vector<16xi32>
    %gather3A_530 = tpu.vector_load_idx %arg5[%add3A_529, %add3A_514] : memref<512x100xi32, #tpu.memory_space<vmem>>[vector<16xi32>, vector<16xi32>], vector<16xi32>,
    tpu.vector_store_idx %arg7[%add3A_529], %gather3A_530 : memref<512xi32, #tpu.memory_space<vmem>>[vector<16xi32>], vector<16xi32>,
    %add3A_531 = arith.constant 64 : i32
    %add3A_532 = vector.broadcast %add3A_531 : i32 to vector<16xi32>
    %add3A_533 = arith.addi %add3A_532, %iota3A : vector<16xi32>
    %gather3A_534 = tpu.vector_load_idx %arg5[%add3A_533, %add3A_514] : memref<512x100xi32, #tpu.memory_space<vmem>>[vector<16xi32>, vector<16xi32>], vector<16xi32>,
    tpu.vector_store_idx %arg7[%add3A_533], %gather3A_534 : memref<512xi32, #tpu.memory_space<vmem>>[vector<16xi32>], vector<16xi32>,
    %add3A_535 = arith.constant 80 : i32
    %add3A_536 = vector.broadcast %add3A_535 : i32 to vector<16xi32>
    %add3A_537 = arith.addi %add3A_536, %iota3A : vector<16xi32>
    %gather3A_538 = tpu.vector_load_idx %arg5[%add3A_537, %add3A_514] : memref<512x100xi32, #tpu.memory_space<vmem>>[vector<16xi32>, vector<16xi32>], vector<16xi32>,
    tpu.vector_store_idx %arg7[%add3A_537], %gather3A_538 : memref<512xi32, #tpu.memory_space<vmem>>[vector<16xi32>], vector<16xi32>,
    %add3A_539 = arith.constant 96 : i32
    %add3A_540 = vector.broadcast %add3A_539 : i32 to vector<16xi32>
    %add3A_541 = arith.addi %add3A_540, %iota3A : vector<16xi32>
    %gather3A_542 = tpu.vector_load_idx %arg5[%add3A_541, %add3A_514] : memref<512x100xi32, #tpu.memory_space<vmem>>[vector<16xi32>, vector<16xi32>], vector<16xi32>,
    tpu.vector_store_idx %arg7[%add3A_541], %gather3A_542 : memref<512xi32, #tpu.memory_space<vmem>>[vector<16xi32>], vector<16xi32>,
    %add3A_543 = arith.constant 112 : i32
    %add3A_544 = vector.broadcast %add3A_543 : i32 to vector<16xi32>
    %add3A_545 = arith.addi %add3A_544, %iota3A : vector<16xi32>
    %gather3A_546 = tpu.vector_load_idx %arg5[%add3A_545, %add3A_514] : memref<512x100xi32, #tpu.memory_space<vmem>>[vector<16xi32>, vector<16xi32>], vector<16xi32>,
    tpu.vector_store_idx %arg7[%add3A_545], %gather3A_546 : memref<512xi32, #tpu.memory_space<vmem>>[vector<16xi32>], vector<16xi32>,
    %add3A_547 = arith.constant 128 : i32
    %add3A_548 = vector.broadcast %add3A_547 : i32 to vector<16xi32>
    %add3A_549 = arith.addi %add3A_548, %iota3A : vector<16xi32>
    %gather3A_550 = tpu.vector_load_idx %arg5[%add3A_549, %add3A_514] : memref<512x100xi32, #tpu.memory_space<vmem>>[vector<16xi32>, vector<16xi32>], vector<16xi32>,
    tpu.vector_store_idx %arg7[%add3A_549], %gather3A_550 : memref<512xi32, #tpu.memory_space<vmem>>[vector<16xi32>], vector<16xi32>,
    %add3A_551 = arith.constant 144 : i32
    %add3A_552 = vector.broadcast %add3A_551 : i32 to vector<16xi32>
    %add3A_553 = arith.addi %add3A_552, %iota3A : vector<16xi32>
    %gather3A_554 = tpu.vector_load_idx %arg5[%add3A_553, %add3A_514] : memref<512x100xi32, #tpu.memory_space<vmem>>[vector<16xi32>, vector<16xi32>], vector<16xi32>,
    tpu.vector_store_idx %arg7[%add3A_553], %gather3A_554 : memref<512xi32, #tpu.memory_space<vmem>>[vector<16xi32>], vector<16xi32>,
    %add3A_555 = arith.constant 160 : i32
    %add3A_556 = vector.broadcast %add3A_555 : i32 to vector<16xi32>
    %add3A_557 = arith.addi %add3A_556, %iota3A : vector<16xi32>
    %gather3A_558 = tpu.vector_load_idx %arg5[%add3A_557, %add3A_514] : memref<512x100xi32, #tpu.memory_space<vmem>>[vector<16xi32>, vector<16xi32>], vector<16xi32>,
    tpu.vector_store_idx %arg7[%add3A_557], %gather3A_558 : memref<512xi32, #tpu.memory_space<vmem>>[vector<16xi32>], vector<16xi32>,
    %add3A_559 = arith.constant 176 : i32
    %add3A_560 = vector.broadcast %add3A_559 : i32 to vector<16xi32>
    %add3A_561 = arith.addi %add3A_560, %iota3A : vector<16xi32>
    %gather3A_562 = tpu.vector_load_idx %arg5[%add3A_561, %add3A_514] : memref<512x100xi32, #tpu.memory_space<vmem>>[vector<16xi32>, vector<16xi32>], vector<16xi32>,
    tpu.vector_store_idx %arg7[%add3A_561], %gather3A_562 : memref<512xi32, #tpu.memory_space<vmem>>[vector<16xi32>], vector<16xi32>,
    %add3A_563 = arith.constant 192 : i32
    %add3A_564 = vector.broadcast %add3A_563 : i32 to vector<16xi32>
    %add3A_565 = arith.addi %add3A_564, %iota3A : vector<16xi32>
    %gather3A_566 = tpu.vector_load_idx %arg5[%add3A_565, %add3A_514] : memref<512x100xi32, #tpu.memory_space<vmem>>[vector<16xi32>, vector<16xi32>], vector<16xi32>,
    tpu.vector_store_idx %arg7[%add3A_565], %gather3A_566 : memref<512xi32, #tpu.memory_space<vmem>>[vector<16xi32>], vector<16xi32>,
    %add3A_567 = arith.constant 208 : i32
    %add3A_568 = vector.broadcast %add3A_567 : i32 to vector<16xi32>
    %add3A_569 = arith.addi %add3A_568, %iota3A : vector<16xi32>
    %gather3A_570 = tpu.vector_load_idx %arg5[%add3A_569, %add3A_514] : memref<512x100xi32, #tpu.memory_space<vmem>>[vector<16xi32>, vector<16xi32>], vector<16xi32>,
    tpu.vector_store_idx %arg7[%add3A_569], %gather3A_570 : memref<512xi32, #tpu.memory_space<vmem>>[vector<16xi32>], vector<16xi32>,
    %add3A_571 = arith.constant 224 : i32
    %add3A_572 = vector.broadcast %add3A_571 : i32 to vector<16xi32>
    %add3A_573 = arith.addi %add3A_572, %iota3A : vector<16xi32>
    %gather3A_574 = tpu.vector_load_idx %arg5[%add3A_573, %add3A_514] : memref<512x100xi32, #tpu.memory_space<vmem>>[vector<16xi32>, vector<16xi32>], vector<16xi32>,
    tpu.vector_store_idx %arg7[%add3A_573], %gather3A_574 : memref<512xi32, #tpu.memory_space<vmem>>[vector<16xi32>], vector<16xi32>,
    %add3A_575 = arith.constant 240 : i32
    %add3A_576 = vector.broadcast %add3A_575 : i32 to vector<16xi32>
    %add3A_577 = arith.addi %add3A_576, %iota3A : vector<16xi32>
    %gather3A_578 = tpu.vector_load_idx %arg5[%add3A_577, %add3A_514] : memref<512x100xi32, #tpu.memory_space<vmem>>[vector<16xi32>, vector<16xi32>], vector<16xi32>,
    tpu.vector_store_idx %arg7[%add3A_577], %gather3A_578 : memref<512xi32, #tpu.memory_space<vmem>>[vector<16xi32>], vector<16xi32>,
    %add3A_579 = arith.constant 256 : i32
    %add3A_580 = vector.broadcast %add3A_579 : i32 to vector<16xi32>
    %add3A_581 = arith.addi %add3A_580, %iota3A : vector<16xi32>
    %gather3A_582 = tpu.vector_load_idx %arg5[%add3A_581, %add3A_514] : memref<512x100xi32, #tpu.memory_space<vmem>>[vector<16xi32>, vector<16xi32>], vector<16xi32>,
    tpu.vector_store_idx %arg7[%add3A_581], %gather3A_582 : memref<512xi32, #tpu.memory_space<vmem>>[vector<16xi32>], vector<16xi32>,
    %add3A_583 = arith.constant 272 : i32
    %add3A_584 = vector.broadcast %add3A_583 : i32 to vector<16xi32>
    %add3A_585 = arith.addi %add3A_584, %iota3A : vector<16xi32>
    %gather3A_586 = tpu.vector_load_idx %arg5[%add3A_585, %add3A_514] : memref<512x100xi32, #tpu.memory_space<vmem>>[vector<16xi32>, vector<16xi32>], vector<16xi32>,
    tpu.vector_store_idx %arg7[%add3A_585], %gather3A_586 : memref<512xi32, #tpu.memory_space<vmem>>[vector<16xi32>], vector<16xi32>,
    %add3A_587 = arith.constant 288 : i32
    %add3A_588 = vector.broadcast %add3A_587 : i32 to vector<16xi32>
    %add3A_589 = arith.addi %add3A_588, %iota3A : vector<16xi32>
    %gather3A_590 = tpu.vector_load_idx %arg5[%add3A_589, %add3A_514] : memref<512x100xi32, #tpu.memory_space<vmem>>[vector<16xi32>, vector<16xi32>], vector<16xi32>,
    tpu.vector_store_idx %arg7[%add3A_589], %gather3A_590 : memref<512xi32, #tpu.memory_space<vmem>>[vector<16xi32>], vector<16xi32>,
    %add3A_591 = arith.constant 304 : i32
    %add3A_592 = vector.broadcast %add3A_591 : i32 to vector<16xi32>
    %add3A_593 = arith.addi %add3A_592, %iota3A : vector<16xi32>
    %gather3A_594 = tpu.vector_load_idx %arg5[%add3A_593, %add3A_514] : memref<512x100xi32, #tpu.memory_space<vmem>>[vector<16xi32>, vector<16xi32>], vector<16xi32>,
    tpu.vector_store_idx %arg7[%add3A_593], %gather3A_594 : memref<512xi32, #tpu.memory_space<vmem>>[vector<16xi32>], vector<16xi32>,
    %add3A_595 = arith.constant 320 : i32
    %add3A_596 = vector.broadcast %add3A_595 : i32 to vector<16xi32>
    %add3A_597 = arith.addi %add3A_596, %iota3A : vector<16xi32>
    %gather3A_598 = tpu.vector_load_idx %arg5[%add3A_597, %add3A_514] : memref<512x100xi32, #tpu.memory_space<vmem>>[vector<16xi32>, vector<16xi32>], vector<16xi32>,
    tpu.vector_store_idx %arg7[%add3A_597], %gather3A_598 : memref<512xi32, #tpu.memory_space<vmem>>[vector<16xi32>], vector<16xi32>,
    %add3A_599 = arith.constant 336 : i32
    %add3A_600 = vector.broadcast %add3A_599 : i32 to vector<16xi32>
    %add3A_601 = arith.addi %add3A_600, %iota3A : vector<16xi32>
    %gather3A_602 = tpu.vector_load_idx %arg5[%add3A_601, %add3A_514] : memref<512x100xi32, #tpu.memory_space<vmem>>[vector<16xi32>, vector<16xi32>], vector<16xi32>,
    tpu.vector_store_idx %arg7[%add3A_601], %gather3A_602 : memref<512xi32, #tpu.memory_space<vmem>>[vector<16xi32>], vector<16xi32>,
    %add3A_603 = arith.constant 352 : i32
    %add3A_604 = vector.broadcast %add3A_603 : i32 to vector<16xi32>
    %add3A_605 = arith.addi %add3A_604, %iota3A : vector<16xi32>
    %gather3A_606 = tpu.vector_load_idx %arg5[%add3A_605, %add3A_514] : memref<512x100xi32, #tpu.memory_space<vmem>>[vector<16xi32>, vector<16xi32>], vector<16xi32>,
    tpu.vector_store_idx %arg7[%add3A_605], %gather3A_606 : memref<512xi32, #tpu.memory_space<vmem>>[vector<16xi32>], vector<16xi32>,
    %add3A_607 = arith.constant 368 : i32
    %add3A_608 = vector.broadcast %add3A_607 : i32 to vector<16xi32>
    %add3A_609 = arith.addi %add3A_608, %iota3A : vector<16xi32>
    %gather3A_610 = tpu.vector_load_idx %arg5[%add3A_609, %add3A_514] : memref<512x100xi32, #tpu.memory_space<vmem>>[vector<16xi32>, vector<16xi32>], vector<16xi32>,
    tpu.vector_store_idx %arg7[%add3A_609], %gather3A_610 : memref<512xi32, #tpu.memory_space<vmem>>[vector<16xi32>], vector<16xi32>,
    %add3A_611 = arith.constant 384 : i32
    %add3A_612 = vector.broadcast %add3A_611 : i32 to vector<16xi32>
    %add3A_613 = arith.addi %add3A_612, %iota3A : vector<16xi32>
    %gather3A_614 = tpu.vector_load_idx %arg5[%add3A_613, %add3A_514] : memref<512x100xi32, #tpu.memory_space<vmem>>[vector<16xi32>, vector<16xi32>], vector<16xi32>,
    tpu.vector_store_idx %arg7[%add3A_613], %gather3A_614 : memref<512xi32, #tpu.memory_space<vmem>>[vector<16xi32>], vector<16xi32>,
    %add3A_615 = arith.constant 400 : i32
    %add3A_616 = vector.broadcast %add3A_615 : i32 to vector<16xi32>
    %add3A_617 = arith.addi %add3A_616, %iota3A : vector<16xi32>
    %gather3A_618 = tpu.vector_load_idx %arg5[%add3A_617, %add3A_514] : memref<512x100xi32, #tpu.memory_space<vmem>>[vector<16xi32>, vector<16xi32>], vector<16xi32>,
    tpu.vector_store_idx %arg7[%add3A_617], %gather3A_618 : memref<512xi32, #tpu.memory_space<vmem>>[vector<16xi32>], vector<16xi32>,
    %add3A_619 = arith.constant 416 : i32
    %add3A_620 = vector.broadcast %add3A_619 : i32 to vector<16xi32>
    %add3A_621 = arith.addi %add3A_620, %iota3A : vector<16xi32>
    %gather3A_622 = tpu.vector_load_idx %arg5[%add3A_621, %add3A_514] : memref<512x100xi32, #tpu.memory_space<vmem>>[vector<16xi32>, vector<16xi32>], vector<16xi32>,
    tpu.vector_store_idx %arg7[%add3A_621], %gather3A_622 : memref<512xi32, #tpu.memory_space<vmem>>[vector<16xi32>], vector<16xi32>,
    %add3A_623 = arith.constant 432 : i32
    %add3A_624 = vector.broadcast %add3A_623 : i32 to vector<16xi32>
    %add3A_625 = arith.addi %add3A_624, %iota3A : vector<16xi32>
    %gather3A_626 = tpu.vector_load_idx %arg5[%add3A_625, %add3A_514] : memref<512x100xi32, #tpu.memory_space<vmem>>[vector<16xi32>, vector<16xi32>], vector<16xi32>,
    tpu.vector_store_idx %arg7[%add3A_625], %gather3A_626 : memref<512xi32, #tpu.memory_space<vmem>>[vector<16xi32>], vector<16xi32>,
    %add3A_627 = arith.constant 448 : i32
    %add3A_628 = vector.broadcast %add3A_627 : i32 to vector<16xi32>
    %add3A_629 = arith.addi %add3A_628, %iota3A : vector<16xi32>
    %gather3A_630 = tpu.vector_load_idx %arg5[%add3A_629, %add3A_514] : memref<512x100xi32, #tpu.memory_space<vmem>>[vector<16xi32>, vector<16xi32>], vector<16xi32>,
    tpu.vector_store_idx %arg7[%add3A_629], %gather3A_630 : memref<512xi32, #tpu.memory_space<vmem>>[vector<16xi32>], vector<16xi32>,
    %add3A_631 = arith.constant 464 : i32
    %add3A_632 = vector.broadcast %add3A_631 : i32 to vector<16xi32>
    %add3A_633 = arith.addi %add3A_632, %iota3A : vector<16xi32>
    %gather3A_634 = tpu.vector_load_idx %arg5[%add3A_633, %add3A_514] : memref<512x100xi32, #tpu.memory_space<vmem>>[vector<16xi32>, vector<16xi32>], vector<16xi32>,
    tpu.vector_store_idx %arg7[%add3A_633], %gather3A_634 : memref<512xi32, #tpu.memory_space<vmem>>[vector<16xi32>], vector<16xi32>,
    %add3A_635 = arith.constant 480 : i32
    %add3A_636 = vector.broadcast %add3A_635 : i32 to vector<16xi32>
    %add3A_637 = arith.addi %add3A_636, %iota3A : vector<16xi32>
    %gather3A_638 = tpu.vector_load_idx %arg5[%add3A_637, %add3A_514] : memref<512x100xi32, #tpu.memory_space<vmem>>[vector<16xi32>, vector<16xi32>], vector<16xi32>,
    tpu.vector_store_idx %arg7[%add3A_637], %gather3A_638 : memref<512xi32, #tpu.memory_space<vmem>>[vector<16xi32>], vector<16xi32>,
    %add3A_639 = arith.constant 496 : i32
    %add3A_640 = vector.broadcast %add3A_639 : i32 to vector<16xi32>
    %add3A_641 = arith.addi %add3A_640, %iota3A : vector<16xi32>
    %gather3A_642 = tpu.vector_load_idx %arg5[%add3A_641, %add3A_514] : memref<512x100xi32, #tpu.memory_space<vmem>>[vector<16xi32>, vector<16xi32>], vector<16xi32>,
    tpu.vector_store_idx %arg7[%add3A_641], %gather3A_642 : memref<512xi32, #tpu.memory_space<vmem>>[vector<16xi32>], vector<16xi32>,
    %dma_start3A_643 = arith.constant 0 : i32
    %dma_start3A_644 = arith.constant 0 : i32
    %dma_start3A_645 = tpu.memref_slice %arg3[%dma_start3A_643, %dma_start3A_644] : memref<1000000x32xf32, #tpu.memory_space<hbm>> -> memref<1000000x32xf32, #tpu.memory_space<hbm>>
    tpu.enqueue_indirect_dma source(%dma_start3A_645 : memref<1000000x32xf32, #tpu.memory_space<hbm>>) target(%arg9 : memref<512x32xf32, #tpu.memory_space<vmem>>) offsets(%arg7 : memref<512xi32, #tpu.memory_space<vmem>>) semaphore(%arg13 : memref<!tpu.dma_semaphore, #tpu.memory_space<semaphore_mem>>)
    %dma_wait3A_646 = arith.constant 0 : i32
    %dma_wait3A_647 = arith.constant 0 : i32
    %dma_wait3A_648 = tpu.memref_slice %arg3[%dma_wait3A_646, %dma_wait3A_647] : memref<1000000x32xf32, #tpu.memory_space<hbm>> -> memref<1000000x32xf32, #tpu.memory_space<hbm>>
    tpu.wait_indirect_dma semaphore(%arg12 : memref<!tpu.dma_semaphore, #tpu.memory_space<semaphore_mem>>) src(%dma_wait3A_648 : memref<1000000x32xf32, #tpu.memory_space<hbm>>) dst(%arg8 : memref<512x32xf32, #tpu.memory_space<vmem>>)
    %dma_wait3A_649 = arith.constant 0 : i32
    %dma_wait3A_650 = tpu.memref_slice %arg10[%dma_wait3A_649] : memref<16384xf32, #tpu.memory_space<vmem>> -> memref<4096xf32, #tpu.memory_space<vmem>>
    %dma_wait3A_651 = arith.constant 0 : i32
    %dma_wait3A_652 = tpu.memref_slice %arg4[%dma_wait3A_651] : memref<52428800xf32, #tpu.memory_space<hbm>> -> memref<4096xf32, #tpu.memory_space<hbm>>
    %dma_wait3A_653 = arith.constant 0 : i32
    %dma_wait3A_654 = tpu.memref_slice %arg4[%dma_wait3A_653] : memref<52428800xf32, #tpu.memory_space<hbm>> -> memref<4096xf32, #tpu.memory_space<hbm>>
    %dma_wait3A_655 = arith.constant 0 : i32
    %dma_wait3A_656 = tpu.memref_slice %arg10[%dma_wait3A_655] : memref<16384xf32, #tpu.memory_space<vmem>> -> memref<4096xf32, #tpu.memory_space<vmem>>
    tpu.wait_dma2 semaphore(%arg14 : memref<!tpu.dma_semaphore, #tpu.memory_space<semaphore_mem>>) src(%dma_wait3A_656 : memref<4096xf32, #tpu.memory_space<vmem>>) dst(%dma_wait3A_654 : memref<4096xf32, #tpu.memory_space<hbm>>)
    %dma_wait3A_657 = arith.constant 4096 : i32
    %dma_wait3A_658 = tpu.memref_slice %arg10[%dma_wait3A_657] : memref<16384xf32, #tpu.memory_space<vmem>> -> memref<4096xf32, #tpu.memory_space<vmem>>
    %dma_wait3A_659 = arith.constant 0 : i32
    %dma_wait3A_660 = tpu.memref_slice %arg4[%dma_wait3A_659] : memref<52428800xf32, #tpu.memory_space<hbm>> -> memref<4096xf32, #tpu.memory_space<hbm>>
    %dma_wait3A_661 = arith.constant 0 : i32
    %dma_wait3A_662 = tpu.memref_slice %arg4[%dma_wait3A_661] : memref<52428800xf32, #tpu.memory_space<hbm>> -> memref<4096xf32, #tpu.memory_space<hbm>>
    %dma_wait3A_663 = arith.constant 4096 : i32
    %dma_wait3A_664 = tpu.memref_slice %arg10[%dma_wait3A_663] : memref<16384xf32, #tpu.memory_space<vmem>> -> memref<4096xf32, #tpu.memory_space<vmem>>
    tpu.wait_dma2 semaphore(%arg14 : memref<!tpu.dma_semaphore, #tpu.memory_space<semaphore_mem>>) src(%dma_wait3A_664 : memref<4096xf32, #tpu.memory_space<vmem>>) dst(%dma_wait3A_662 : memref<4096xf32, #tpu.memory_space<hbm>>)
    %dma_wait3A_665 = arith.constant 8192 : i32
    %dma_wait3A_666 = tpu.memref_slice %arg10[%dma_wait3A_665] : memref<16384xf32, #tpu.memory_space<vmem>> -> memref<4096xf32, #tpu.memory_space<vmem>>
    %dma_wait3A_667 = arith.constant 0 : i32
    %dma_wait3A_668 = tpu.memref_slice %arg4[%dma_wait3A_667] : memref<52428800xf32, #tpu.memory_space<hbm>> -> memref<4096xf32, #tpu.memory_space<hbm>>
    %dma_wait3A_669 = arith.constant 0 : i32
    %dma_wait3A_670 = tpu.memref_slice %arg4[%dma_wait3A_669] : memref<52428800xf32, #tpu.memory_space<hbm>> -> memref<4096xf32, #tpu.memory_space<hbm>>
    %dma_wait3A_671 = arith.constant 8192 : i32
    %dma_wait3A_672 = tpu.memref_slice %arg10[%dma_wait3A_671] : memref<16384xf32, #tpu.memory_space<vmem>> -> memref<4096xf32, #tpu.memory_space<vmem>>
    tpu.wait_dma2 semaphore(%arg14 : memref<!tpu.dma_semaphore, #tpu.memory_space<semaphore_mem>>) src(%dma_wait3A_672 : memref<4096xf32, #tpu.memory_space<vmem>>) dst(%dma_wait3A_670 : memref<4096xf32, #tpu.memory_space<hbm>>)
    %dma_wait3A_673 = arith.constant 12288 : i32
    %dma_wait3A_674 = tpu.memref_slice %arg10[%dma_wait3A_673] : memref<16384xf32, #tpu.memory_space<vmem>> -> memref<4096xf32, #tpu.memory_space<vmem>>
    %dma_wait3A_675 = arith.constant 0 : i32
    %dma_wait3A_676 = tpu.memref_slice %arg4[%dma_wait3A_675] : memref<52428800xf32, #tpu.memory_space<hbm>> -> memref<4096xf32, #tpu.memory_space<hbm>>
    %dma_wait3A_677 = arith.constant 0 : i32
    %dma_wait3A_678 = tpu.memref_slice %arg4[%dma_wait3A_677] : memref<52428800xf32, #tpu.memory_space<hbm>> -> memref<4096xf32, #tpu.memory_space<hbm>>
    %dma_wait3A_679 = arith.constant 12288 : i32
    %dma_wait3A_680 = tpu.memref_slice %arg10[%dma_wait3A_679] : memref<16384xf32, #tpu.memory_space<vmem>> -> memref<4096xf32, #tpu.memory_space<vmem>>
    tpu.wait_dma2 semaphore(%arg14 : memref<!tpu.dma_semaphore, #tpu.memory_space<semaphore_mem>>) src(%dma_wait3A_680 : memref<4096xf32, #tpu.memory_space<vmem>>) dst(%dma_wait3A_678 : memref<4096xf32, #tpu.memory_space<hbm>>)
    %parallel_loop3A_681 = arith.constant 0 : i32
    %parallel_loop3A_682 = arith.constant 512 : i32
    %parallel_loop3A_683 = arith.constant 1 : i32
    scf.for %parallel_loop3A_866 = %parallel_loop3A_681 to %parallel_loop3A_682 step %parallel_loop3A_683  : i32 {
      %parallel_loop3A_867 = arith.constant 15 : i32
      %parallel_loop3A_868 = arith.andi %parallel_loop3A_866, %parallel_loop3A_867 : i32
      %parallel_loop3A_869 = arith.constant 4 : i32
      %parallel_loop3A_870 = arith.shrsi %parallel_loop3A_866, %parallel_loop3A_869 : i32
      %parallel_loop3A_871 = arith.constant 4 : i32
      %parallel_loop3A_872 = arith.shli %parallel_loop3A_870, %parallel_loop3A_871 : i32
      %parallel_loop3A_873 = vector.broadcast %parallel_loop3A_868 : i32 to vector<16xi32>
      %parallel_loop3A_874 = arith.addi %iota3A, %parallel_loop3A_873 : vector<16xi32>
      %parallel_loop3A_875 = arith.constant 15 : i32
      %parallel_loop3A_876 = vector.broadcast %parallel_loop3A_875 : i32 to vector<16xi32>
      %parallel_loop3A_877 = arith.andi %parallel_loop3A_874, %parallel_loop3A_876 : vector<16xi32>
      %parallel_loop3A_878 = arith.constant 3 : i32
      %parallel_loop3A_879 = vector.broadcast %parallel_loop3A_878 : i32 to vector<16xi32>
      %parallel_loop3A_880 = arith.shrsi %parallel_loop3A_877, %parallel_loop3A_879 : vector<16xi32>
      %parallel_loop3A_881 = arith.constant 4096 : i32
      %parallel_loop3A_882 = vector.broadcast %parallel_loop3A_881 : i32 to vector<16xi32>
      %parallel_loop3A_883 = arith.muli %parallel_loop3A_880, %parallel_loop3A_882 : vector<16xi32>
      %parallel_loop3A_884 = arith.constant 7 : i32
      %parallel_loop3A_885 = vector.broadcast %parallel_loop3A_884 : i32 to vector<16xi32>
      %parallel_loop3A_886 = arith.andi %parallel_loop3A_877, %parallel_loop3A_885 : vector<16xi32>
      %parallel_loop3A_887 = arith.constant 128 : i32
      %parallel_loop3A_888 = vector.broadcast %parallel_loop3A_887 : i32 to vector<16xi32>
      %parallel_loop3A_889 = arith.muli %parallel_loop3A_886, %parallel_loop3A_888 : vector<16xi32>
      %parallel_loop3A_890 = arith.addi %parallel_loop3A_883, %parallel_loop3A_889 : vector<16xi32>
      %parallel_loop3A_891 = arith.addi %parallel_loop3A_890, %iota3A : vector<16xi32>
      %parallel_loop3A_892 = vector.broadcast %parallel_loop3A_872 : i32 to vector<16xi32>
      %parallel_loop3A_893 = arith.addi %parallel_loop3A_892, %iota3A : vector<16xi32>
      %parallel_loop3A_894 = arith.constant 7 : i32
      %parallel_loop3A_895 = arith.shrsi %parallel_loop3A_872, %parallel_loop3A_894 : i32
      %parallel_loop3A_896 = arith.constant 1024 : i32
      %parallel_loop3A_897 = arith.muli %parallel_loop3A_895, %parallel_loop3A_896 : i32
      %parallel_loop3A_898 = arith.constant 127 : i32
      %parallel_loop3A_899 = arith.andi %parallel_loop3A_872, %parallel_loop3A_898 : i32
      %parallel_loop3A_900 = arith.addi %parallel_loop3A_897, %parallel_loop3A_899 : i32
      %parallel_loop3A_901 = tpu.vector_load_idx %arg8[%parallel_loop3A_893, %parallel_loop3A_877] : memref<512x32xf32, #tpu.memory_space<vmem>>[vector<16xi32>, vector<16xi32>], vector<16xf32>,
      %parallel_loop3A_902 = arith.constant 16 : i32
      %parallel_loop3A_903 = vector.broadcast %parallel_loop3A_902 : i32 to vector<16xi32>
      %parallel_loop3A_904 = arith.addi %parallel_loop3A_877, %parallel_loop3A_903 : vector<16xi32>
      %parallel_loop3A_905 = tpu.vector_load_idx %arg8[%parallel_loop3A_893, %parallel_loop3A_904] : memref<512x32xf32, #tpu.memory_space<vmem>>[vector<16xi32>, vector<16xi32>], vector<16xf32>,
      %parallel_loop3A_906 = vector.broadcast %parallel_loop3A_900 : i32 to vector<16xi32>
      %parallel_loop3A_907 = arith.addi %parallel_loop3A_891, %parallel_loop3A_906 : vector<16xi32>
      tpu.vector_store_idx %arg10[%parallel_loop3A_907], %parallel_loop3A_901 : memref<16384xf32, #tpu.memory_space<vmem>>[vector<16xi32>], vector<16xf32>,
      %parallel_loop3A_908 = arith.constant 8192 : i32
      %parallel_loop3A_909 = arith.addi %parallel_loop3A_900, %parallel_loop3A_908 : i32
      %parallel_loop3A_910 = vector.broadcast %parallel_loop3A_909 : i32 to vector<16xi32>
      %parallel_loop3A_911 = arith.addi %parallel_loop3A_891, %parallel_loop3A_910 : vector<16xi32>
      tpu.vector_store_idx %arg10[%parallel_loop3A_911], %parallel_loop3A_905 : memref<16384xf32, #tpu.memory_space<vmem>>[vector<16xi32>], vector<16xf32>,
    } {sc.loop_unroll_factor = 4 : i64, sc.parallel_access}
    %mul3A_684 = arith.constant 1024 : i32
    %mul3A_685 = arith.muli %mul3A_4, %mul3A_684 : i32
    %add3A_686 = arith.constant 51380224 : i32
    %add3A_687 = arith.addi %add3A_686, %mul3A_685 : i32
    %dma_start3A_688 = arith.constant 0 : i32
    %dma_start3A_689 = tpu.memref_slice %arg10[%dma_start3A_688] : memref<16384xf32, #tpu.memory_space<vmem>> -> memref<4096xf32, #tpu.memory_space<vmem>>
    %dma_start3A_690 = tpu.memref_slice %arg4[%add3A_687] : memref<52428800xf32, #tpu.memory_space<hbm>> -> memref<4096xf32, #tpu.memory_space<hbm>>
    %dma_start3A_691 = tpu.memref_slice %arg4[%add3A_687] : memref<52428800xf32, #tpu.memory_space<hbm>> -> memref<4096xf32, #tpu.memory_space<hbm>>
    %dma_start3A_692 = arith.constant 0 : i32
    %dma_start3A_693 = tpu.memref_slice %arg10[%dma_start3A_692] : memref<16384xf32, #tpu.memory_space<vmem>> -> memref<4096xf32, #tpu.memory_space<vmem>>
    tpu.enqueue_dma source(%dma_start3A_693 : memref<4096xf32, #tpu.memory_space<vmem>>) target(%dma_start3A_691 : memref<4096xf32, #tpu.memory_space<hbm>>) target_semaphore(%arg14 : memref<!tpu.dma_semaphore, #tpu.memory_space<semaphore_mem>>)
    %mul3A_694 = arith.constant 1024 : i32
    %mul3A_695 = arith.muli %mul3A_4, %mul3A_694 : i32
    %add3A_696 = arith.constant 51511296 : i32
    %add3A_697 = arith.addi %add3A_696, %mul3A_695 : i32
    %dma_start3A_698 = arith.constant 4096 : i32
    %dma_start3A_699 = tpu.memref_slice %arg10[%dma_start3A_698] : memref<16384xf32, #tpu.memory_space<vmem>> -> memref<4096xf32, #tpu.memory_space<vmem>>
    %dma_start3A_700 = tpu.memref_slice %arg4[%add3A_697] : memref<52428800xf32, #tpu.memory_space<hbm>> -> memref<4096xf32, #tpu.memory_space<hbm>>
    %dma_start3A_701 = tpu.memref_slice %arg4[%add3A_697] : memref<52428800xf32, #tpu.memory_space<hbm>> -> memref<4096xf32, #tpu.memory_space<hbm>>
    %dma_start3A_702 = arith.constant 4096 : i32
    %dma_start3A_703 = tpu.memref_slice %arg10[%dma_start3A_702] : memref<16384xf32, #tpu.memory_space<vmem>> -> memref<4096xf32, #tpu.memory_space<vmem>>
    tpu.enqueue_dma source(%dma_start3A_703 : memref<4096xf32, #tpu.memory_space<vmem>>) target(%dma_start3A_701 : memref<4096xf32, #tpu.memory_space<hbm>>) target_semaphore(%arg14 : memref<!tpu.dma_semaphore, #tpu.memory_space<semaphore_mem>>)
    %mul3A_704 = arith.constant 1024 : i32
    %mul3A_705 = arith.muli %mul3A_4, %mul3A_704 : i32
    %add3A_706 = arith.constant 51642368 : i32
    %add3A_707 = arith.addi %add3A_706, %mul3A_705 : i32
    %dma_start3A_708 = arith.constant 8192 : i32
    %dma_start3A_709 = tpu.memref_slice %arg10[%dma_start3A_708] : memref<16384xf32, #tpu.memory_space<vmem>> -> memref<4096xf32, #tpu.memory_space<vmem>>
    %dma_start3A_710 = tpu.memref_slice %arg4[%add3A_707] : memref<52428800xf32, #tpu.memory_space<hbm>> -> memref<4096xf32, #tpu.memory_space<hbm>>
    %dma_start3A_711 = tpu.memref_slice %arg4[%add3A_707] : memref<52428800xf32, #tpu.memory_space<hbm>> -> memref<4096xf32, #tpu.memory_space<hbm>>
    %dma_start3A_712 = arith.constant 8192 : i32
    %dma_start3A_713 = tpu.memref_slice %arg10[%dma_start3A_712] : memref<16384xf32, #tpu.memory_space<vmem>> -> memref<4096xf32, #tpu.memory_space<vmem>>
    tpu.enqueue_dma source(%dma_start3A_713 : memref<4096xf32, #tpu.memory_space<vmem>>) target(%dma_start3A_711 : memref<4096xf32, #tpu.memory_space<hbm>>) target_semaphore(%arg14 : memref<!tpu.dma_semaphore, #tpu.memory_space<semaphore_mem>>)
    %mul3A_714 = arith.constant 1024 : i32
    %mul3A_715 = arith.muli %mul3A_4, %mul3A_714 : i32
    %add3A_716 = arith.constant 51773440 : i32
    %add3A_717 = arith.addi %add3A_716, %mul3A_715 : i32
    %dma_start3A_718 = arith.constant 12288 : i32
    %dma_start3A_719 = tpu.memref_slice %arg10[%dma_start3A_718] : memref<16384xf32, #tpu.memory_space<vmem>> -> memref<4096xf32, #tpu.memory_space<vmem>>
    %dma_start3A_720 = tpu.memref_slice %arg4[%add3A_717] : memref<52428800xf32, #tpu.memory_space<hbm>> -> memref<4096xf32, #tpu.memory_space<hbm>>
    %dma_start3A_721 = tpu.memref_slice %arg4[%add3A_717] : memref<52428800xf32, #tpu.memory_space<hbm>> -> memref<4096xf32, #tpu.memory_space<hbm>>
    %dma_start3A_722 = arith.constant 12288 : i32
    %dma_start3A_723 = tpu.memref_slice %arg10[%dma_start3A_722] : memref<16384xf32, #tpu.memory_space<vmem>> -> memref<4096xf32, #tpu.memory_space<vmem>>
    tpu.enqueue_dma source(%dma_start3A_723 : memref<4096xf32, #tpu.memory_space<vmem>>) target(%dma_start3A_721 : memref<4096xf32, #tpu.memory_space<hbm>>) target_semaphore(%arg14 : memref<!tpu.dma_semaphore, #tpu.memory_space<semaphore_mem>>)
    %dma_wait3A_724 = arith.constant 0 : i32
    %dma_wait3A_725 = arith.constant 0 : i32
    %dma_wait3A_726 = tpu.memref_slice %arg3[%dma_wait3A_724, %dma_wait3A_725] : memref<1000000x32xf32, #tpu.memory_space<hbm>> -> memref<1000000x32xf32, #tpu.memory_space<hbm>>
    tpu.wait_indirect_dma semaphore(%arg13 : memref<!tpu.dma_semaphore, #tpu.memory_space<semaphore_mem>>) src(%dma_wait3A_726 : memref<1000000x32xf32, #tpu.memory_space<hbm>>) dst(%arg9 : memref<512x32xf32, #tpu.memory_space<vmem>>)
    %dma_wait3A_727 = arith.constant 0 : i32
    %dma_wait3A_728 = tpu.memref_slice %arg11[%dma_wait3A_727] : memref<16384xf32, #tpu.memory_space<vmem>> -> memref<4096xf32, #tpu.memory_space<vmem>>
    %dma_wait3A_729 = arith.constant 0 : i32
    %dma_wait3A_730 = tpu.memref_slice %arg4[%dma_wait3A_729] : memref<52428800xf32, #tpu.memory_space<hbm>> -> memref<4096xf32, #tpu.memory_space<hbm>>
    %dma_wait3A_731 = arith.constant 0 : i32
    %dma_wait3A_732 = tpu.memref_slice %arg4[%dma_wait3A_731] : memref<52428800xf32, #tpu.memory_space<hbm>> -> memref<4096xf32, #tpu.memory_space<hbm>>
    %dma_wait3A_733 = arith.constant 0 : i32
    %dma_wait3A_734 = tpu.memref_slice %arg11[%dma_wait3A_733] : memref<16384xf32, #tpu.memory_space<vmem>> -> memref<4096xf32, #tpu.memory_space<vmem>>
    tpu.wait_dma2 semaphore(%arg15 : memref<!tpu.dma_semaphore, #tpu.memory_space<semaphore_mem>>) src(%dma_wait3A_734 : memref<4096xf32, #tpu.memory_space<vmem>>) dst(%dma_wait3A_732 : memref<4096xf32, #tpu.memory_space<hbm>>)
    %dma_wait3A_735 = arith.constant 4096 : i32
    %dma_wait3A_736 = tpu.memref_slice %arg11[%dma_wait3A_735] : memref<16384xf32, #tpu.memory_space<vmem>> -> memref<4096xf32, #tpu.memory_space<vmem>>
    %dma_wait3A_737 = arith.constant 0 : i32
    %dma_wait3A_738 = tpu.memref_slice %arg4[%dma_wait3A_737] : memref<52428800xf32, #tpu.memory_space<hbm>> -> memref<4096xf32, #tpu.memory_space<hbm>>
    %dma_wait3A_739 = arith.constant 0 : i32
    %dma_wait3A_740 = tpu.memref_slice %arg4[%dma_wait3A_739] : memref<52428800xf32, #tpu.memory_space<hbm>> -> memref<4096xf32, #tpu.memory_space<hbm>>
    %dma_wait3A_741 = arith.constant 4096 : i32
    %dma_wait3A_742 = tpu.memref_slice %arg11[%dma_wait3A_741] : memref<16384xf32, #tpu.memory_space<vmem>> -> memref<4096xf32, #tpu.memory_space<vmem>>
    tpu.wait_dma2 semaphore(%arg15 : memref<!tpu.dma_semaphore, #tpu.memory_space<semaphore_mem>>) src(%dma_wait3A_742 : memref<4096xf32, #tpu.memory_space<vmem>>) dst(%dma_wait3A_740 : memref<4096xf32, #tpu.memory_space<hbm>>)
    %dma_wait3A_743 = arith.constant 8192 : i32
    %dma_wait3A_744 = tpu.memref_slice %arg11[%dma_wait3A_743] : memref<16384xf32, #tpu.memory_space<vmem>> -> memref<4096xf32, #tpu.memory_space<vmem>>
    %dma_wait3A_745 = arith.constant 0 : i32
    %dma_wait3A_746 = tpu.memref_slice %arg4[%dma_wait3A_745] : memref<52428800xf32, #tpu.memory_space<hbm>> -> memref<4096xf32, #tpu.memory_space<hbm>>
    %dma_wait3A_747 = arith.constant 0 : i32
    %dma_wait3A_748 = tpu.memref_slice %arg4[%dma_wait3A_747] : memref<52428800xf32, #tpu.memory_space<hbm>> -> memref<4096xf32, #tpu.memory_space<hbm>>
    %dma_wait3A_749 = arith.constant 8192 : i32
    %dma_wait3A_750 = tpu.memref_slice %arg11[%dma_wait3A_749] : memref<16384xf32, #tpu.memory_space<vmem>> -> memref<4096xf32, #tpu.memory_space<vmem>>
    tpu.wait_dma2 semaphore(%arg15 : memref<!tpu.dma_semaphore, #tpu.memory_space<semaphore_mem>>) src(%dma_wait3A_750 : memref<4096xf32, #tpu.memory_space<vmem>>) dst(%dma_wait3A_748 : memref<4096xf32, #tpu.memory_space<hbm>>)
    %dma_wait3A_751 = arith.constant 12288 : i32
    %dma_wait3A_752 = tpu.memref_slice %arg11[%dma_wait3A_751] : memref<16384xf32, #tpu.memory_space<vmem>> -> memref<4096xf32, #tpu.memory_space<vmem>>
    %dma_wait3A_753 = arith.constant 0 : i32
    %dma_wait3A_754 = tpu.memref_slice %arg4[%dma_wait3A_753] : memref<52428800xf32, #tpu.memory_space<hbm>> -> memref<4096xf32, #tpu.memory_space<hbm>>
    %dma_wait3A_755 = arith.constant 0 : i32
    %dma_wait3A_756 = tpu.memref_slice %arg4[%dma_wait3A_755] : memref<52428800xf32, #tpu.memory_space<hbm>> -> memref<4096xf32, #tpu.memory_space<hbm>>
    %dma_wait3A_757 = arith.constant 12288 : i32
    %dma_wait3A_758 = tpu.memref_slice %arg11[%dma_wait3A_757] : memref<16384xf32, #tpu.memory_space<vmem>> -> memref<4096xf32, #tpu.memory_space<vmem>>
    tpu.wait_dma2 semaphore(%arg15 : memref<!tpu.dma_semaphore, #tpu.memory_space<semaphore_mem>>) src(%dma_wait3A_758 : memref<4096xf32, #tpu.memory_space<vmem>>) dst(%dma_wait3A_756 : memref<4096xf32, #tpu.memory_space<hbm>>)
    %parallel_loop3A_759 = arith.constant 0 : i32
    %parallel_loop3A_760 = arith.constant 512 : i32
    %parallel_loop3A_761 = arith.constant 1 : i32
    scf.for %parallel_loop3A_866 = %parallel_loop3A_759 to %parallel_loop3A_760 step %parallel_loop3A_761  : i32 {
      %parallel_loop3A_867 = arith.constant 15 : i32
      %parallel_loop3A_868 = arith.andi %parallel_loop3A_866, %parallel_loop3A_867 : i32
      %parallel_loop3A_869 = arith.constant 4 : i32
      %parallel_loop3A_870 = arith.shrsi %parallel_loop3A_866, %parallel_loop3A_869 : i32
      %parallel_loop3A_871 = arith.constant 4 : i32
      %parallel_loop3A_872 = arith.shli %parallel_loop3A_870, %parallel_loop3A_871 : i32
      %parallel_loop3A_873 = vector.broadcast %parallel_loop3A_868 : i32 to vector<16xi32>
      %parallel_loop3A_874 = arith.addi %iota3A, %parallel_loop3A_873 : vector<16xi32>
      %parallel_loop3A_875 = arith.constant 15 : i32
      %parallel_loop3A_876 = vector.broadcast %parallel_loop3A_875 : i32 to vector<16xi32>
      %parallel_loop3A_877 = arith.andi %parallel_loop3A_874, %parallel_loop3A_876 : vector<16xi32>
      %parallel_loop3A_878 = arith.constant 3 : i32
      %parallel_loop3A_879 = vector.broadcast %parallel_loop3A_878 : i32 to vector<16xi32>
      %parallel_loop3A_880 = arith.shrsi %parallel_loop3A_877, %parallel_loop3A_879 : vector<16xi32>
      %parallel_loop3A_881 = arith.constant 4096 : i32
      %parallel_loop3A_882 = vector.broadcast %parallel_loop3A_881 : i32 to vector<16xi32>
      %parallel_loop3A_883 = arith.muli %parallel_loop3A_880, %parallel_loop3A_882 : vector<16xi32>
      %parallel_loop3A_884 = arith.constant 7 : i32
      %parallel_loop3A_885 = vector.broadcast %parallel_loop3A_884 : i32 to vector<16xi32>
      %parallel_loop3A_886 = arith.andi %parallel_loop3A_877, %parallel_loop3A_885 : vector<16xi32>
      %parallel_loop3A_887 = arith.constant 128 : i32
      %parallel_loop3A_888 = vector.broadcast %parallel_loop3A_887 : i32 to vector<16xi32>
      %parallel_loop3A_889 = arith.muli %parallel_loop3A_886, %parallel_loop3A_888 : vector<16xi32>
      %parallel_loop3A_890 = arith.addi %parallel_loop3A_883, %parallel_loop3A_889 : vector<16xi32>
      %parallel_loop3A_891 = arith.addi %parallel_loop3A_890, %iota3A : vector<16xi32>
      %parallel_loop3A_892 = vector.broadcast %parallel_loop3A_872 : i32 to vector<16xi32>
      %parallel_loop3A_893 = arith.addi %parallel_loop3A_892, %iota3A : vector<16xi32>
      %parallel_loop3A_894 = arith.constant 7 : i32
      %parallel_loop3A_895 = arith.shrsi %parallel_loop3A_872, %parallel_loop3A_894 : i32
      %parallel_loop3A_896 = arith.constant 1024 : i32
      %parallel_loop3A_897 = arith.muli %parallel_loop3A_895, %parallel_loop3A_896 : i32
      %parallel_loop3A_898 = arith.constant 127 : i32
      %parallel_loop3A_899 = arith.andi %parallel_loop3A_872, %parallel_loop3A_898 : i32
      %parallel_loop3A_900 = arith.addi %parallel_loop3A_897, %parallel_loop3A_899 : i32
      %parallel_loop3A_901 = tpu.vector_load_idx %arg9[%parallel_loop3A_893, %parallel_loop3A_877] : memref<512x32xf32, #tpu.memory_space<vmem>>[vector<16xi32>, vector<16xi32>], vector<16xf32>,
      %parallel_loop3A_902 = arith.constant 16 : i32
      %parallel_loop3A_903 = vector.broadcast %parallel_loop3A_902 : i32 to vector<16xi32>
      %parallel_loop3A_904 = arith.addi %parallel_loop3A_877, %parallel_loop3A_903 : vector<16xi32>
      %parallel_loop3A_905 = tpu.vector_load_idx %arg9[%parallel_loop3A_893, %parallel_loop3A_904] : memref<512x32xf32, #tpu.memory_space<vmem>>[vector<16xi32>, vector<16xi32>], vector<16xf32>,
      %parallel_loop3A_906 = vector.broadcast %parallel_loop3A_900 : i32 to vector<16xi32>
      %parallel_loop3A_907 = arith.addi %parallel_loop3A_891, %parallel_loop3A_906 : vector<16xi32>
      tpu.vector_store_idx %arg11[%parallel_loop3A_907], %parallel_loop3A_901 : memref<16384xf32, #tpu.memory_space<vmem>>[vector<16xi32>], vector<16xf32>,
      %parallel_loop3A_908 = arith.constant 8192 : i32
      %parallel_loop3A_909 = arith.addi %parallel_loop3A_900, %parallel_loop3A_908 : i32
      %parallel_loop3A_910 = vector.broadcast %parallel_loop3A_909 : i32 to vector<16xi32>
      %parallel_loop3A_911 = arith.addi %parallel_loop3A_891, %parallel_loop3A_910 : vector<16xi32>
      tpu.vector_store_idx %arg11[%parallel_loop3A_911], %parallel_loop3A_905 : memref<16384xf32, #tpu.memory_space<vmem>>[vector<16xi32>], vector<16xf32>,
    } {sc.loop_unroll_factor = 4 : i64, sc.parallel_access}
    %mul3A_762 = arith.constant 1024 : i32
    %mul3A_763 = arith.muli %mul3A_4, %mul3A_762 : i32
    %add3A_764 = arith.constant 51904512 : i32
    %add3A_765 = arith.addi %add3A_764, %mul3A_763 : i32
    %dma_start3A_766 = arith.constant 0 : i32
    %dma_start3A_767 = tpu.memref_slice %arg11[%dma_start3A_766] : memref<16384xf32, #tpu.memory_space<vmem>> -> memref<4096xf32, #tpu.memory_space<vmem>>
    %dma_start3A_768 = tpu.memref_slice %arg4[%add3A_765] : memref<52428800xf32, #tpu.memory_space<hbm>> -> memref<4096xf32, #tpu.memory_space<hbm>>
    %dma_start3A_769 = tpu.memref_slice %arg4[%add3A_765] : memref<52428800xf32, #tpu.memory_space<hbm>> -> memref<4096xf32, #tpu.memory_space<hbm>>
    %dma_start3A_770 = arith.constant 0 : i32
    %dma_start3A_771 = tpu.memref_slice %arg11[%dma_start3A_770] : memref<16384xf32, #tpu.memory_space<vmem>> -> memref<4096xf32, #tpu.memory_space<vmem>>
    tpu.enqueue_dma source(%dma_start3A_771 : memref<4096xf32, #tpu.memory_space<vmem>>) target(%dma_start3A_769 : memref<4096xf32, #tpu.memory_space<hbm>>) target_semaphore(%arg15 : memref<!tpu.dma_semaphore, #tpu.memory_space<semaphore_mem>>)
    %mul3A_772 = arith.constant 1024 : i32
    %mul3A_773 = arith.muli %mul3A_4, %mul3A_772 : i32
    %add3A_774 = arith.constant 52035584 : i32
    %add3A_775 = arith.addi %add3A_774, %mul3A_773 : i32
    %dma_start3A_776 = arith.constant 4096 : i32
    %dma_start3A_777 = tpu.memref_slice %arg11[%dma_start3A_776] : memref<16384xf32, #tpu.memory_space<vmem>> -> memref<4096xf32, #tpu.memory_space<vmem>>
    %dma_start3A_778 = tpu.memref_slice %arg4[%add3A_775] : memref<52428800xf32, #tpu.memory_space<hbm>> -> memref<4096xf32, #tpu.memory_space<hbm>>
    %dma_start3A_779 = tpu.memref_slice %arg4[%add3A_775] : memref<52428800xf32, #tpu.memory_space<hbm>> -> memref<4096xf32, #tpu.memory_space<hbm>>
    %dma_start3A_780 = arith.constant 4096 : i32
    %dma_start3A_781 = tpu.memref_slice %arg11[%dma_start3A_780] : memref<16384xf32, #tpu.memory_space<vmem>> -> memref<4096xf32, #tpu.memory_space<vmem>>
    tpu.enqueue_dma source(%dma_start3A_781 : memref<4096xf32, #tpu.memory_space<vmem>>) target(%dma_start3A_779 : memref<4096xf32, #tpu.memory_space<hbm>>) target_semaphore(%arg15 : memref<!tpu.dma_semaphore, #tpu.memory_space<semaphore_mem>>)
    %mul3A_782 = arith.constant 1024 : i32
    %mul3A_783 = arith.muli %mul3A_4, %mul3A_782 : i32
    %add3A_784 = arith.constant 52166656 : i32
    %add3A_785 = arith.addi %add3A_784, %mul3A_783 : i32
    %dma_start3A_786 = arith.constant 8192 : i32
    %dma_start3A_787 = tpu.memref_slice %arg11[%dma_start3A_786] : memref<16384xf32, #tpu.memory_space<vmem>> -> memref<4096xf32, #tpu.memory_space<vmem>>
    %dma_start3A_788 = tpu.memref_slice %arg4[%add3A_785] : memref<52428800xf32, #tpu.memory_space<hbm>> -> memref<4096xf32, #tpu.memory_space<hbm>>
    %dma_start3A_789 = tpu.memref_slice %arg4[%add3A_785] : memref<52428800xf32, #tpu.memory_space<hbm>> -> memref<4096xf32, #tpu.memory_space<hbm>>
    %dma_start3A_790 = arith.constant 8192 : i32
    %dma_start3A_791 = tpu.memref_slice %arg11[%dma_start3A_790] : memref<16384xf32, #tpu.memory_space<vmem>> -> memref<4096xf32, #tpu.memory_space<vmem>>
    tpu.enqueue_dma source(%dma_start3A_791 : memref<4096xf32, #tpu.memory_space<vmem>>) target(%dma_start3A_789 : memref<4096xf32, #tpu.memory_space<hbm>>) target_semaphore(%arg15 : memref<!tpu.dma_semaphore, #tpu.memory_space<semaphore_mem>>)
    %mul3A_792 = arith.constant 1024 : i32
    %mul3A_793 = arith.muli %mul3A_4, %mul3A_792 : i32
    %add3A_794 = arith.constant 52297728 : i32
    %add3A_795 = arith.addi %add3A_794, %mul3A_793 : i32
    %dma_start3A_796 = arith.constant 12288 : i32
    %dma_start3A_797 = tpu.memref_slice %arg11[%dma_start3A_796] : memref<16384xf32, #tpu.memory_space<vmem>> -> memref<4096xf32, #tpu.memory_space<vmem>>
    %dma_start3A_798 = tpu.memref_slice %arg4[%add3A_795] : memref<52428800xf32, #tpu.memory_space<hbm>> -> memref<4096xf32, #tpu.memory_space<hbm>>
    %dma_start3A_799 = tpu.memref_slice %arg4[%add3A_795] : memref<52428800xf32, #tpu.memory_space<hbm>> -> memref<4096xf32, #tpu.memory_space<hbm>>
    %dma_start3A_800 = arith.constant 12288 : i32
    %dma_start3A_801 = tpu.memref_slice %arg11[%dma_start3A_800] : memref<16384xf32, #tpu.memory_space<vmem>> -> memref<4096xf32, #tpu.memory_space<vmem>>
    tpu.enqueue_dma source(%dma_start3A_801 : memref<4096xf32, #tpu.memory_space<vmem>>) target(%dma_start3A_799 : memref<4096xf32, #tpu.memory_space<hbm>>) target_semaphore(%arg15 : memref<!tpu.dma_semaphore, #tpu.memory_space<semaphore_mem>>)
    %dma_wait3A_802 = arith.constant 0 : i32
    %dma_wait3A_803 = tpu.memref_slice %arg10[%dma_wait3A_802] : memref<16384xf32, #tpu.memory_space<vmem>> -> memref<4096xf32, #tpu.memory_space<vmem>>
    %dma_wait3A_804 = arith.constant 0 : i32
    %dma_wait3A_805 = tpu.memref_slice %arg4[%dma_wait3A_804] : memref<52428800xf32, #tpu.memory_space<hbm>> -> memref<4096xf32, #tpu.memory_space<hbm>>
    %dma_wait3A_806 = arith.constant 0 : i32
    %dma_wait3A_807 = tpu.memref_slice %arg4[%dma_wait3A_806] : memref<52428800xf32, #tpu.memory_space<hbm>> -> memref<4096xf32, #tpu.memory_space<hbm>>
    %dma_wait3A_808 = arith.constant 0 : i32
    %dma_wait3A_809 = tpu.memref_slice %arg10[%dma_wait3A_808] : memref<16384xf32, #tpu.memory_space<vmem>> -> memref<4096xf32, #tpu.memory_space<vmem>>
    tpu.wait_dma2 semaphore(%arg14 : memref<!tpu.dma_semaphore, #tpu.memory_space<semaphore_mem>>) src(%dma_wait3A_809 : memref<4096xf32, #tpu.memory_space<vmem>>) dst(%dma_wait3A_807 : memref<4096xf32, #tpu.memory_space<hbm>>)
    %dma_wait3A_810 = arith.constant 4096 : i32
    %dma_wait3A_811 = tpu.memref_slice %arg10[%dma_wait3A_810] : memref<16384xf32, #tpu.memory_space<vmem>> -> memref<4096xf32, #tpu.memory_space<vmem>>
    %dma_wait3A_812 = arith.constant 0 : i32
    %dma_wait3A_813 = tpu.memref_slice %arg4[%dma_wait3A_812] : memref<52428800xf32, #tpu.memory_space<hbm>> -> memref<4096xf32, #tpu.memory_space<hbm>>
    %dma_wait3A_814 = arith.constant 0 : i32
    %dma_wait3A_815 = tpu.memref_slice %arg4[%dma_wait3A_814] : memref<52428800xf32, #tpu.memory_space<hbm>> -> memref<4096xf32, #tpu.memory_space<hbm>>
    %dma_wait3A_816 = arith.constant 4096 : i32
    %dma_wait3A_817 = tpu.memref_slice %arg10[%dma_wait3A_816] : memref<16384xf32, #tpu.memory_space<vmem>> -> memref<4096xf32, #tpu.memory_space<vmem>>
    tpu.wait_dma2 semaphore(%arg14 : memref<!tpu.dma_semaphore, #tpu.memory_space<semaphore_mem>>) src(%dma_wait3A_817 : memref<4096xf32, #tpu.memory_space<vmem>>) dst(%dma_wait3A_815 : memref<4096xf32, #tpu.memory_space<hbm>>)
    %dma_wait3A_818 = arith.constant 8192 : i32
    %dma_wait3A_819 = tpu.memref_slice %arg10[%dma_wait3A_818] : memref<16384xf32, #tpu.memory_space<vmem>> -> memref<4096xf32, #tpu.memory_space<vmem>>
    %dma_wait3A_820 = arith.constant 0 : i32
    %dma_wait3A_821 = tpu.memref_slice %arg4[%dma_wait3A_820] : memref<52428800xf32, #tpu.memory_space<hbm>> -> memref<4096xf32, #tpu.memory_space<hbm>>
    %dma_wait3A_822 = arith.constant 0 : i32
    %dma_wait3A_823 = tpu.memref_slice %arg4[%dma_wait3A_822] : memref<52428800xf32, #tpu.memory_space<hbm>> -> memref<4096xf32, #tpu.memory_space<hbm>>
    %dma_wait3A_824 = arith.constant 8192 : i32
    %dma_wait3A_825 = tpu.memref_slice %arg10[%dma_wait3A_824] : memref<16384xf32, #tpu.memory_space<vmem>> -> memref<4096xf32, #tpu.memory_space<vmem>>
    tpu.wait_dma2 semaphore(%arg14 : memref<!tpu.dma_semaphore, #tpu.memory_space<semaphore_mem>>) src(%dma_wait3A_825 : memref<4096xf32, #tpu.memory_space<vmem>>) dst(%dma_wait3A_823 : memref<4096xf32, #tpu.memory_space<hbm>>)
    %dma_wait3A_826 = arith.constant 12288 : i32
    %dma_wait3A_827 = tpu.memref_slice %arg10[%dma_wait3A_826] : memref<16384xf32, #tpu.memory_space<vmem>> -> memref<4096xf32, #tpu.memory_space<vmem>>
    %dma_wait3A_828 = arith.constant 0 : i32
    %dma_wait3A_829 = tpu.memref_slice %arg4[%dma_wait3A_828] : memref<52428800xf32, #tpu.memory_space<hbm>> -> memref<4096xf32, #tpu.memory_space<hbm>>
    %dma_wait3A_830 = arith.constant 0 : i32
    %dma_wait3A_831 = tpu.memref_slice %arg4[%dma_wait3A_830] : memref<52428800xf32, #tpu.memory_space<hbm>> -> memref<4096xf32, #tpu.memory_space<hbm>>
    %dma_wait3A_832 = arith.constant 12288 : i32
    %dma_wait3A_833 = tpu.memref_slice %arg10[%dma_wait3A_832] : memref<16384xf32, #tpu.memory_space<vmem>> -> memref<4096xf32, #tpu.memory_space<vmem>>
    tpu.wait_dma2 semaphore(%arg14 : memref<!tpu.dma_semaphore, #tpu.memory_space<semaphore_mem>>) src(%dma_wait3A_833 : memref<4096xf32, #tpu.memory_space<vmem>>) dst(%dma_wait3A_831 : memref<4096xf32, #tpu.memory_space<hbm>>)
    %dma_wait3A_834 = arith.constant 0 : i32
    %dma_wait3A_835 = tpu.memref_slice %arg11[%dma_wait3A_834] : memref<16384xf32, #tpu.memory_space<vmem>> -> memref<4096xf32, #tpu.memory_space<vmem>>
    %dma_wait3A_836 = arith.constant 0 : i32
    %dma_wait3A_837 = tpu.memref_slice %arg4[%dma_wait3A_836] : memref<52428800xf32, #tpu.memory_space<hbm>> -> memref<4096xf32, #tpu.memory_space<hbm>>
    %dma_wait3A_838 = arith.constant 0 : i32
    %dma_wait3A_839 = tpu.memref_slice %arg4[%dma_wait3A_838] : memref<52428800xf32, #tpu.memory_space<hbm>> -> memref<4096xf32, #tpu.memory_space<hbm>>
    %dma_wait3A_840 = arith.constant 0 : i32
    %dma_wait3A_841 = tpu.memref_slice %arg11[%dma_wait3A_840] : memref<16384xf32, #tpu.memory_space<vmem>> -> memref<4096xf32, #tpu.memory_space<vmem>>
    tpu.wait_dma2 semaphore(%arg15 : memref<!tpu.dma_semaphore, #tpu.memory_space<semaphore_mem>>) src(%dma_wait3A_841 : memref<4096xf32, #tpu.memory_space<vmem>>) dst(%dma_wait3A_839 : memref<4096xf32, #tpu.memory_space<hbm>>)
    %dma_wait3A_842 = arith.constant 4096 : i32
    %dma_wait3A_843 = tpu.memref_slice %arg11[%dma_wait3A_842] : memref<16384xf32, #tpu.memory_space<vmem>> -> memref<4096xf32, #tpu.memory_space<vmem>>
    %dma_wait3A_844 = arith.constant 0 : i32
    %dma_wait3A_845 = tpu.memref_slice %arg4[%dma_wait3A_844] : memref<52428800xf32, #tpu.memory_space<hbm>> -> memref<4096xf32, #tpu.memory_space<hbm>>
    %dma_wait3A_846 = arith.constant 0 : i32
    %dma_wait3A_847 = tpu.memref_slice %arg4[%dma_wait3A_846] : memref<52428800xf32, #tpu.memory_space<hbm>> -> memref<4096xf32, #tpu.memory_space<hbm>>
    %dma_wait3A_848 = arith.constant 4096 : i32
    %dma_wait3A_849 = tpu.memref_slice %arg11[%dma_wait3A_848] : memref<16384xf32, #tpu.memory_space<vmem>> -> memref<4096xf32, #tpu.memory_space<vmem>>
    tpu.wait_dma2 semaphore(%arg15 : memref<!tpu.dma_semaphore, #tpu.memory_space<semaphore_mem>>) src(%dma_wait3A_849 : memref<4096xf32, #tpu.memory_space<vmem>>) dst(%dma_wait3A_847 : memref<4096xf32, #tpu.memory_space<hbm>>)
    %dma_wait3A_850 = arith.constant 8192 : i32
    %dma_wait3A_851 = tpu.memref_slice %arg11[%dma_wait3A_850] : memref<16384xf32, #tpu.memory_space<vmem>> -> memref<4096xf32, #tpu.memory_space<vmem>>
    %dma_wait3A_852 = arith.constant 0 : i32
    %dma_wait3A_853 = tpu.memref_slice %arg4[%dma_wait3A_852] : memref<52428800xf32, #tpu.memory_space<hbm>> -> memref<4096xf32, #tpu.memory_space<hbm>>
    %dma_wait3A_854 = arith.constant 0 : i32
    %dma_wait3A_855 = tpu.memref_slice %arg4[%dma_wait3A_854] : memref<52428800xf32, #tpu.memory_space<hbm>> -> memref<4096xf32, #tpu.memory_space<hbm>>
    %dma_wait3A_856 = arith.constant 8192 : i32
    %dma_wait3A_857 = tpu.memref_slice %arg11[%dma_wait3A_856] : memref<16384xf32, #tpu.memory_space<vmem>> -> memref<4096xf32, #tpu.memory_space<vmem>>
    tpu.wait_dma2 semaphore(%arg15 : memref<!tpu.dma_semaphore, #tpu.memory_space<semaphore_mem>>) src(%dma_wait3A_857 : memref<4096xf32, #tpu.memory_space<vmem>>) dst(%dma_wait3A_855 : memref<4096xf32, #tpu.memory_space<hbm>>)
    %dma_wait3A_858 = arith.constant 12288 : i32
    %dma_wait3A_859 = tpu.memref_slice %arg11[%dma_wait3A_858] : memref<16384xf32, #tpu.memory_space<vmem>> -> memref<4096xf32, #tpu.memory_space<vmem>>
    %dma_wait3A_860 = arith.constant 0 : i32
    %dma_wait3A_861 = tpu.memref_slice %arg4[%dma_wait3A_860] : memref<52428800xf32, #tpu.memory_space<hbm>> -> memref<4096xf32, #tpu.memory_space<hbm>>
    %dma_wait3A_862 = arith.constant 0 : i32
    %dma_wait3A_863 = tpu.memref_slice %arg4[%dma_wait3A_862] : memref<52428800xf32, #tpu.memory_space<hbm>> -> memref<4096xf32, #tpu.memory_space<hbm>>
    %dma_wait3A_864 = arith.constant 12288 : i32
    %dma_wait3A_865 = tpu.memref_slice %arg11[%dma_wait3A_864] : memref<16384xf32, #tpu.memory_space<vmem>> -> memref<4096xf32, #tpu.memory_space<vmem>>
    tpu.wait_dma2 semaphore(%arg15 : memref<!tpu.dma_semaphore, #tpu.memory_space<semaphore_mem>>) src(%dma_wait3A_865 : memref<4096xf32, #tpu.memory_space<vmem>>) dst(%dma_wait3A_863 : memref<4096xf32, #tpu.memory_space<hbm>>)
    return
  }
}

</mosaic_0001>

<sc_bundles>
// kernel: kernel.4.cloned.1.call-start
scs
__scs_entry_jumppad:
0x0: {  	(pc) =	sbr.rel $0x88, $3  }
0x1: {  	(tag) =	ssettag $0x0;
	lr =	simm.s32 $0x1  }
0x2: {  	[smem:$0x3F9F] =	sst lr;
	_ =	strace $0xD0000000  }
0x3: {  	_ = 	snop  }
0x4: {  	_ = 	snop  }
0x5: {  	_ = 	snop  }
0x6: {  	_ = 	snop  }
0x7: {  	_ = 	snop  }
__scs_overlays_trampoline_lowered:
0x8: {  	[smem:$0x3FAE] =	sst s0  }
0x9: {  	[smem:$0x3FAF] =	sst s1  }
0xa: {  	[smem:$0x3FB0] =	sst s2  }
0xb: {  	[smem:$0x3FB1] =	sst s3  }
0xc: {  	[smem:$0x3FB2] =	sst s4  }
0xd: {  	[smem:$0x3FB3] =	sst s5  }
0xe: {  	[smem:$0x3FB4] =	sst s6  }
0xf: {  	[smem:$0x3FB5] =	sst s7  }
0x10: {  	[smem:$0x3FB6] =	sst s8  }
0x11: {  	[smem:$0x3FB7] =	sst s9;
	s0 =	simm.s32 @!p0 $0x0  }
0x12: {  	s1 =	sld [smem:$0x3F9D];
	s0 =	simm.s32 @p0 $0x1  }
0x13: {  	[smem:$0x3FB8] =	sst s0;
	s0 =	simm.s32 @!p1 $0x0  }
0x14: {  	s2 =	sld [smem:$0x3F9C];
	s0 =	simm.s32 @p1 $0x1  }
0x15: {  	[smem:$0x3FB9] =	sst s0;
	s0 =	simm.s32 @!p2 $0x0  }
0x16: {  	s3 =	sld [smem:$0x3FDB];
	s0 =	simm.s32 @p2 $0x1  }
0x17: {  	s4 =	simm.s32 $0x1BF5;
	[smem:$0x3FBB] =	sst s0  }
0x18: {  	s0 =	sld [smem:$0x3F9E];
	_ =	swait.ge [sflag:s4], $0x0  }
0x19: {  	s7 =	sld [smem:$0x3F9F]  }
0x1a: {  	s8 =	sadd.s32 $0xFFFFE003, lr  }
0x1b: {  	s9 =	sadd.s32 $0xFFFFFEF7, lr;
	s5 =	simm.s32 $0xFFFFFFFF;
	p2 =	slt.u32 s8, $0xFFFFF086  }
0x1c: {  	p1 =	slt.u32 s9, $0xF7A;
	s5 =	simm.s32 @!p2 $0x0  }
0x1d: {  	s5 =	simm.s32 @p1 $0x1;
	p0 =	seq.s32 s7, s2  }
0x1e: {  	s7 =	smul.u32 @!p0 $0xF7A, s2;
	p2 =	seq.s32 @!p0 s5, $0x0  }
0x1f: {  	s9 =	smul.u32 $0xF7A, s1;
	s8 =	simm.s32 @!p0 $0x1BF5;
	p2 =	por !p2, p0  }
0x20: {  	[sflag:s8] =	ssyncset.s32 @!p0 $0xFFFFF086;
	s6 =	sadd.s32 @!p0 s3, s7;
	s7 =	simm.s32 @!p0 $0x108  }
0x21: {  	s3 =	sadd.s32 s3, s9;
	s6 =	sadd.s32 @!p0 $0x88, s6;
	s7 =	simm.s32 @p2 $0x1082  }
0x22: {  	[simem:s7], [sflag:s8] =	dma.local @!p0 [hbm:s6], $0xF7A  }
0x23: {  	s9 =	sor.u32 $0xD0000000, s2;
	s6 =	simm.s32 $0x108;
	_ =	swait.ge @!p0 [sflag:s8], $0x0  }
0x24: {  	s3 =	sadd.s32 $0x88, s3;
	s6 =	simm.s32 @!p1 $0x1082;
	[sflag:s4] =	ssyncset.s32 $0xFFFFF086  }
0x25: {  	[simem:s6], [sflag:s4] =	dma.local [hbm:s3], $0xF7A  }
0x26: {  	[smem:$0x3F9F] =	sst s1;
	(tag) =	ssettag s2;
	_ =	strace s9  }
0x27: {  	s1 =	sld [smem:$0x3FAF]  }
0x28: {  	s2 =	sld [smem:$0x3FB0]  }
0x29: {  	s4 =	sld [smem:$0x3FB2]  }
0x2a: {  	p0 =	seq.s32 s5, $0x0;
	s5 =	sld [smem:$0x3FB3]  }
0x2b: {  	s6 =	sld [smem:$0x3FB4]  }
0x2c: {  	s7 =	sld [smem:$0x3FB5]  }
0x2d: {  	s3 =	simm.s32 $0x108;
	s8 =	sld [smem:$0x3FB6]  }
0x2e: {  	s3 =	simm.s32 @!p0 $0x1082;
	s9 =	sld [smem:$0x3FB7]  }
0x2f: {  	lr =	sadd.s32 s0, s3;
	s0 =	sld [smem:$0x3FAE]  }
0x30: {  	s3 =	sld [smem:$0x3FB1]  }
0x31: {  	[smem:$0x3FBA] =	sst s10  }
0x32: {  	s10 =	sld [smem:$0x3FB8];
	_ =	sdelay $0x3  }
0x33: {  	p0 =	seq.s32 s10, $0x1;
	s10 =	sld [smem:$0x3FBA];
	_ =	sdelay $0x3  }
0x34: {  	[smem:$0x3FBA] =	sst s10  }
0x35: {  	s10 =	sld [smem:$0x3FB9];
	_ =	sdelay $0x3  }
0x36: {  	p1 =	seq.s32 s10, $0x1;
	s10 =	sld [smem:$0x3FBA];
	_ =	sdelay $0x3  }
0x37: {  	[smem:$0x3FBA] =	sst s10  }
0x38: {  	s10 =	sld [smem:$0x3FBB]  }
0x39: {  	_ = 	snop;
	(pc) =	sbr.ind lr, $3  }
0x3a: {  	_ = 	snop  }
0x3b: {  	_ = 	snop  }
0x3c: {  	p2 =	seq.s32 s10, $0x1;
	s10 =	sld [smem:$0x3FBA]  }
0x3d: {  	_ =	shalt  }
0x3e: {  	_ =	shalt  }
0x3f: {  	_ =	shalt  }
0x40: {  	_ =	shalt  }
0x41: {  	_ =	shalt  }
0x42: {  	_ =	shalt  }
0x43: {  	_ =	shalt  }
0x44: {  	_ =	shalt  }
0x45: {  	_ =	shalt  }
0x46: {  	_ =	shalt  }
0x47: {  	_ =	shalt  }
0x48: {  	_ =	shalt  }
0x49: {  	_ =	shalt  }
0x4a: {  	_ =	shalt  }
0x4b: {  	_ =	shalt  }
0x4c: {  	_ =	shalt  }
0x4d: {  	_ =	shalt  }
0x4e: {  	_ =	shalt  }
0x4f: {  	_ =	shalt  }
0x50: {  	_ =	shalt  }
0x51: {  	_ =	shalt  }
0x52: {  	_ =	shalt  }
0x53: {  	_ =	shalt  }
0x54: {  	_ =	shalt  }
0x55: {  	_ =	shalt  }
0x56: {  	_ =	shalt  }
0x57: {  	_ =	shalt  }
0x58: {  	_ =	shalt  }
0x59: {  	_ =	shalt  }
0x5a: {  	_ =	shalt  }
0x5b: {  	_ =	shalt  }
0x5c: {  	_ =	shalt  }
0x5d: {  	_ =	shalt  }
0x5e: {  	_ =	shalt  }
0x5f: {  	_ =	shalt  }
0x60: {  	_ =	shalt  }
0x61: {  	_ =	shalt  }
0x62: {  	_ =	shalt  }
0x63: {  	_ =	shalt  }
0x64: {  	_ =	shalt  }
0x65: {  	_ =	shalt  }
0x66: {  	_ =	shalt  }
0x67: {  	_ =	shalt  }
0x68: {  	_ =	shalt  }
0x69: {  	_ =	shalt  }
0x6a: {  	_ =	shalt  }
0x6b: {  	_ =	shalt  }
0x6c: {  	_ =	shalt  }
0x6d: {  	_ =	shalt  }
0x6e: {  	_ =	shalt  }
0x6f: {  	_ =	shalt  }
0x70: {  	_ =	shalt  }
0x71: {  	_ =	shalt  }
0x72: {  	_ =	shalt  }
0x73: {  	_ =	shalt  }
0x74: {  	_ =	shalt  }
0x75: {  	_ =	shalt  }
0x76: {  	_ =	shalt  }
0x77: {  	_ =	shalt  }
0x78: {  	_ =	shalt  }
0x79: {  	_ =	shalt  }
0x7a: {  	_ =	shalt  }
0x7b: {  	_ =	shalt  }
0x7c: {  	_ =	shalt  }
0x7d: {  	_ =	shalt  }
0x7e: {  	_ =	shalt  }
0x7f: {  	_ =	shalt  }
0x80: {  	_ =	shalt  }
0x81: {  	_ =	shalt  }
0x82: {  	_ =	shalt  }
0x83: {  	_ =	shalt  }
0x84: {  	_ =	shalt  }
0x85: {  	_ =	shalt  }
0x86: {  	_ =	shalt  }
0x87: {  	_ =	shalt  }
.Lfunc_end0:
.L_simem_size_0:
called_computation_lowered:
.L_overlay_start_0:
0x88: {  	s2 =	sld [smem:$0x3FD9]  }
0x89: {  	s3 =	sld [smem:$0x3FFE];
	_ =	sdelay $0x1  }
0x8a: {  	s1 =	srdreg.scid  }
0x8b: {  	s0 =	sand.u32 $0x1, s1  }
0x8c: {  	s17 =	sshll.u32 s0, $0xA;
	s2 =	sadd.s32 s3, s2  }
0x8d: {  	s2 =	sadd.s32 s2, s17  }
0x8e: {  	[smem:$0x3FC6] =	sst s2  }
0x8f: {  	_ = 	snop  }
0x90: {  	s2 =	sld [smem:$0x3FC8];
	(tm) =	ssettm $0x1  }
0x91: {  	s18 =	sld [smem:$0x3FFB];
	_ =	sdelay $0x3  }
0x92: {  	_ =	strace s18  }
0x93: {  	s3 =	sld [smem:$0x3FFC];
	_ =	sdelay $0x3  }
0x94: {  	_ =	strace s3  }
0x95: {  	s3 =	sld [smem:$0x3FFD];
	_ =	sdelay $0x3  }
0x96: {  	_ =	strace s3  }
0x97: {  	_ =	strace $0x8FFFFFFF  }
0x98: {  	s19 =	sld [smem:$0x3FDB];
	_ =	sdelay $0x1  }
0x99: {  	s4 =	simm.s32 $_scs_section_size  }
0x9a: {  	s5 =	simm.s32 $_size__tile_overlayer_lowered;
	s6 =	simm.s32 $_tile_overlayer_lowered  }
0x9b: {  	s22 =	simm.s32 $0x1BFF;
	s21 =	sshll.u32 s6, $0x1;
	s3 =	sadd.s32 s4, s19  }
0x9c: {  	s7 =	simm.s32 $0x0;
	s20 =	sshll.u32 s5, $0x1;
	s5 =	sadd.s32 s21, s3  }
0x9d: {  	[timem:s7], [sflag:s22] =	dma.local [hbm:s5], s20  }
0x9e: {  	_ =	swait.ge [sflag:s22], s20  }
0x9f: {  	s4 =	ssub.s32 $0x0, s20;
	[sflag:s22] =	ssyncset.done $0x0  }
0xa0: {  	[sflag:s22] =	ssyncadd.s32 s4;
	_ =	sdelay $0x1  }
0xa1: {  	s23 =	simm.s32 $0x1B8B  }
0xa2: {  	_ =	swait.ge [sflag:s23], $0x1  }
0xa3: {  	[sflag:s23] =	ssyncset.done $0x0  }
0xa4: {  	s25 =	simm.s32 $0x1B8E;
	s24 =	sld [smem:$0x3FFE];
	[sflag:s23] =	ssyncadd.s32 $0xFFFFFFFF  }
0xa5: {  	s26 =	simm.s32 $execute0_lowered;
	[smem:$0x3FD2] =	sst s25  }
0xa6: {  	s5 =	sshll.u32 s26, $0x1;
	_ =	strace $0x80000046;
	[dreg:$0x1] =	wrdreg $0xFFFFFFFF  }
0xa7: {  	s28 =	simm.s32 $_size_execute0_lowered;
	s3 =	sadd.s32 s3, s5;
	[dreg:$0x0] =	wrdreg $0x0  }
0xa8: {  	s5 =	sshll.u32 s28, $0x1;
	[dreg:$0x2] =	wrdreg s3  }
0xa9: {  	[dreg:$0x3] =	wrdreg s5  }
0xaa: {  	[dreg:$0x4] =	wrdreg $0xC0  }
0xab: {  	_ =	task [dreg:s7], $0x5FFFF  }
0xac: {  	[dreg:$0x1] =	wrdreg $0xFFFFFFFF  }
0xad: {  	[dreg:$0x0] =	wrdreg $0x60  }
0xae: {  	[dreg:$0x2] =	wrdreg s2  }
0xaf: {  	[dreg:$0x3] =	wrdreg s24  }
0xb0: {  	[dreg:$0x4] =	wrdreg $0x9  }
0xb1: {  	_ =	task.clear_ibuf [dreg:s7], $0x5FFFF;
	_ =	strace $0x90000046  }
0xb2: {  	s29 =	simm.s32 $0x9;
	_ =	strace $0x80000048  }
0xb3: {  	_ =	swait.ge [sflag:s29], $0x1  }
0xb4: {  	[sflag:s29] =	ssyncadd.s32 $0xFFFFFFFF  }
0xb5: {  	_ =	strace $0x90000048  }
0xb6: {  	_ =	sfence  }
0xb7: {  	s30 =	sld [smem:$0x0];
	_ =	sdelay $0x2  }
0xb8: {  	s31 =	sshll.u32 s1, $0xD;
	s1 =	sshrl.u32 s1, $0x2  }
0xb9: {  	s3 =	sand.u32 $0x4000, s31;
	s1 =	sadd.s32 s1, s30  }
0xba: {  	s0 =	sor.u32 s3, s0;
	s1 =	sshll.u32 s1, $0x11  }
0xbb: {  	s0 =	sor.u32 s1, s0  }
0xbc: {  	s0 =	sadd.s32 $0x8F2B, s0  }
0xbd: {  	[sflag:s0] =	ssyncadd.remote.s32 $0x1  }
0xbe: {  	_ =	sfence.sel $0xFFFF  }
0xbf: {  	[dreg:$0x0] =	wrdreg $0xFFFFFFFF;
	(pc) =	sbr.abs _section_cstart, $3  }
0xc0: {  	[dreg:$0x1] =	wrdreg $0xFFFFFFFF  }
0xc1: {  	_ =	task.clear_ibuf [dreg:s7], $0x2FFFF;
	_ =	strace $0x9FFFFFFF  }
0xc2: {  	(tm) =	ssettm $0x7FFFFFFF  }
0xc3: {  	_ =	shalt  }
tec
execute0_lowered:
.L_overlay_start_1:
0x0: {  	(tag) =	ssettag $0x1  }
0x1: {  	s1 =	rddreg [dreg:$0x0]  }
0x2: {  	s0 =	rddreg [dreg:$0x1];
	s3 =	simm.s32 $0x0  }
0x3: {  	s2 =	srdreg.scid;
	s11 =	stileid.u32;
	s28 =	simm.s32 $0x3000  }
0x4: {  	s29 =	simm.s32 $0x3;
	s30 =	simm.s32 $0x4;
	s31 =	simm.s32 $0x5  }
0x5: {  	[smem:$0x7FF] =	sst s3;
	s2 =	sand.u32 $0x1, s2;
	s5 =	sshll.u32 s11, $0x1  }
0x6: {  	s4 =	sadd.s32 $0xA00, s0;
	s26 =	sadd.s32 $0xF4200, s1;
	s0 =	sadd.s32 $0x3D1200, s0  }
0x7: {  	p0 =	sgt.u32 s11, $0x1;
	_ =	strace $0x80000047;
	[dreg:$0x9] =	wrdreg s26  }
0x8: {  	s6 =	ssub.s32 $0x2, s2;
	s5 =	sor.u32 s2, s5;
	[dreg:$0xa] =	wrdreg s0  }
0x9: {  	s26 =	simm.s32 $0x2;
	s0 =	simm.s32 $0x4000;
	s20 =	sshrl.u32 s6, $0x1  }
0xa: {  	s13 =	sshll.u32 s5, $0x7;
	s8 =	sor.u32 $0x20, s5;
	s9 =	sshll.u32 s5, $0x9  }
0xb: {  	s12 =	sor.u32 $0x40, s5;
	p1 =	sne.s32 s5, $0x4;
	s2 =	ssub.s32 s6, s20  }
0xc: {  	s6 =	sadd.s32 s1, s13;
	s7 =	sshll.u32 s8, $0x7;
	s10 =	sshll.u32 s8, $0x9  }
0xd: {  	s8 =	sadd.s32 s4, s9;
	s16 =	sor.u32 $0xF4000, s13;
	s13 =	sor.u32 $0x60, s5  }
0xe: {  	s7 =	sadd.s32 s1, s7;
	s21 =	sadd.s32 $0x2000, s6;
	s22 =	sadd.s32 s4, s10  }
0xf: {  	s23 =	sadd.s32 $0x3000, s6;
	s14 =	sadd.s32 $0x3C8000, s8;
	[dreg:$0x3] =	wrdreg s7  }
0x10: {  	s17 =	sshll.u32 s16, $0x2;
	s15 =	sadd.s32 $0x3CC000, s8;
	[dreg:$0x4] =	wrdreg s21  }
.Ltmp0:
0x11: {  	s24 =	sadd.s32 s1, s16;
	[dreg:$0x5] =	wrdreg s22;
	(pc) =	sbr.rel .LBB2_1-.Ltmp0, $4  }
0x12: {  	s20 =	smax.u32 s2, $0x1;
	s2 =	simm.s32 $0x5000;
	[dreg:$0x6] =	wrdreg s23  }
0x13: {  	s16 =	simm.s32 $0x0;
	[dreg:$0x7] =	wrdreg s24;
	s25 =	sadd.s32 s4, s17  }
0x14: {  	s21 =	simm.s32 $0x400;
	s22 =	simm.s32 $0x7A1400;
	s23 =	simm.s32 $0x1000  }
0x15: {  	v0 =	vlaneseq.u32;
	s24 =	simm.s32 $0x1;
	[dreg:$0x8] =	wrdreg s25;
	s25 =	simm.s32 $0x2000  }
.LBB2_23:
0x16: {  	s16 =	sadd.s32 $0x1, s16  }
0x17: {  	p2 =	sne.s32 s16, s20  }
.Ltmp1:
0x18: {  	_ = 	snop;
	(pc) =	sbr.rel @!p2 .LBB2_24-.Ltmp1, $1  }
0x19: {  	_ =	sdelay $0x3  }
.LBB2_1:
0x1a: {  	[tilespmem:s3], [sflag:$0x1] =	stream.strided.gather [hbm4b:s6+s21], $0x1000, s22, s21, $0x38;
	[tilespmem:$0x5800] =	vst v63  }
0x1b: {  	s17 =	simm.s32 $0x0  }
0x1c: {  	s9 =	simm.s32 $0x0;
	s18 =	sand.u32 $0xC, s17  }
0x1d: {  	v1 =	vadd.s32 s18, v0;
	s19 =	sor.u32 $0x1, s18;
	s7 =	sor.u32 $0x2, s18;
	s18 =	sor.u32 $0x3, s18  }
0x1e: {  	s10 =	sand.u32 $0x10, s9;
	s11 =	sand.u32 $0x70, s17;
	s17 =	rddreg [dreg:$0x3];
	v3 =	vadd.s32 s18, v0  }
0x1f: {  	v7 =	vor.u32 s11, v0;
	[tilespmem:s23], [sflag:$0x2] =	stream.strided.gather [hbm4b:s17+s21], $0x1000, s22, s21, $0x38;
	v3 =	vand.u32 $0xF, v3;
	[tilespmem:$0x5800] =	vst v63  }
0x20: {  	v2 =	vadd.s32 s19, v0;
	v4 =	vadd.s32 s7, v0;
	v5 =	vor.u32 s10, v3  }
0x21: {  	s17 =	simm.s32 $0x4;
	v6 =	vand.u32 $0xF, v1;
	v2 =	vand.u32 $0xF, v2;
	v8 =	vshll.u32 v5, $0x7  }
0x22: {  	s18 =	sand.u32 $0xC, s17;
	v4 =	vand.u32 $0xF, v4;
	v1 =	vor.u32 s10, v2;
	v8 =	vor.u32 v7, v8  }
0x23: {  	v12 =	vadd.s32 s18, v0;
	v3 =	vor.u32 s10, v4;
	v4 =	vshll.u32 v1, $0x7  }
0x24: {  	_ =	swait.ge [sflag:s24], $0x1000;
	v2 =	vor.u32 s10, v6;
	v6 =	vshll.u32 v3, $0x7;
	v10 =	vor.u32 v7, v4  }
0x25: {  	[sflag:s24] =	ssyncset.done $0x0;
	s10 =	sor.u32 $0x3, s18;
	v16 =	vand.u32 $0xF, v12;
	v9 =	vshll.u32 v2, $0x7;
	v6 =	vor.u32 v7, v6  }
0x26: {  	s11 =	simm.s32 $0x0;
	s19 =	sor.u32 $0x1, s18;
	[sflag:s24] =	ssyncadd.s32 $0xFFFFF000;
	v11 =	vadd.s32 s10, v0;
	v14 =	vor.u32 v7, v9;
	v4 =	vshll.u32 v7, $0x5  }
0x27: {  	s7 =	sor.u32 $0x2, s18;
	s18 =	sand.u32 $0x10, s11;
	v9 =	vadd.s32 s19, v0;
	v13 =	vand.u32 $0xF, v11;
	v11 =	vor.u32 v4, v5;
	v8 =	vld.idx.msk [tilespmem:v8+s3+$0x0], $0xffff  }
0x28: {  	v7 =	vadd.s32 s7, v0;
	s19 =	sand.u32 $0x70, s17;
	v15 =	vand.u32 $0xF, v9;
	v5 =	vor.u32 s18, v13  }
0x29: {  	v7 =	vand.u32 $0xF, v7;
	v13 =	vshll.u32 v5, $0x7;
	v9 =	vld.idx.msk [tilespmem:v10+s3+$0x0], $0xffff;
	v10 =	vor.u32 s19, v0  }
0x2a: {  	v15 =	vor.u32 s18, v15;
	v12 =	vor.u32 s18, v7;
	v6 =	vld.idx.msk [tilespmem:v6+s3+$0x0], $0xffff;
	v13 =	vor.u32 v10, v13  }
0x2b: {  	v17 =	vshll.u32 v15, $0x7;
	v7 =	vld.idx.msk [tilespmem:v14+s3+$0x0], $0xffff;
	v14 =	vor.u32 s18, v16;
	v16 =	vshll.u32 v12, $0x7  }
.LBB2_2:
0x2c: {  	s17 =	sadd.s32 $0x4, s17;
	v18 =	vshll.u32 v14, $0x7;
	v17 =	vor.u32 v10, v17;
	v16 =	vor.u32 v10, v16;
	[tilespmem:v11+s25+$0x0] =	vst.idx.msk $0xffff, v8  }
0x2d: {  	v19 =	vor.u32 v4, v1;
	v20 =	vor.u32 v4, v3;
	v1 =	vmovc v15;
	s7 =	sand.u32 $0xC, s17;
	p2 =	slt.u32 s17, $0xFC;
	v18 =	vor.u32 v10, v18  }
0x2e: {  	v21 =	vor.u32 v4, v2;
	v3 =	vmovc v12;
	v2 =	vmovc v14;
	v22 =	vmov v9;
	v15 =	vadd.s32 s7, v0;
	s9 =	sor.u32 $0x1, s7;
	s18 =	sor.u32 $0x2, s7;
	s7 =	sor.u32 $0x3, s7  }
0x2f: {  	v4 =	vshll.u32 v10, $0x5;
	s19 =	sshrl.u32 s17, $0x3;
	v14 =	vmovc v6;
	v9 =	vadd.s32 s9, v0;
	v11 =	vadd.s32 s7, v0;
	v8 =	vld.idx.msk [tilespmem:v13+s3+$0x0], $0xffff  }
.Ltmp2:
0x30: {  	s7 =	sand.u32 $0x10, s19;
	v6 =	vadd.s32 s18, v0;
	v23 =	vmovc v7;
	v10 =	vand.u32 $0xF, v11;
	v11 =	vor.u32 v4, v5;
	(pc) =	sbr.rel @p2 .LBB2_2-.Ltmp2, $4  }
0x31: {  	s9 =	sand.u32 $0x70, s17;
	v7 =	vand.u32 $0xF, v9;
	v12 =	vand.u32 $0xF, v6;
	v5 =	vor.u32 s7, v10;
	v9 =	vld.idx.msk [tilespmem:v17+s3+$0x0], $0xffff  }
0x32: {  	v17 =	vand.u32 $0xF, v15;
	v10 =	vor.u32 s9, v0;
	v13 =	vshll.u32 v5, $0x7;
	v6 =	vld.idx.msk [tilespmem:v16+s3+$0x0], $0xffff;
	[tilespmem:v19+s25+$0x0] =	vst.idx.msk $0xffff, v22  }
0x33: {  	v15 =	vor.u32 s7, v7;
	v12 =	vor.u32 s7, v12;
	v13 =	vor.u32 v10, v13;
	v7 =	vld.idx.msk [tilespmem:v18+s3+$0x0], $0xffff;
	[tilespmem:v20+s25+$0x0] =	vst.idx.msk $0xffff, v14  }
0x34: {  	v16 =	vshll.u32 v12, $0x7;
	v14 =	vor.u32 s7, v17;
	v17 =	vshll.u32 v15, $0x7;
	[tilespmem:v21+s25+$0x0] =	vst.idx.msk $0xffff, v23  }
0x35: {  	v18 =	vshll.u32 v14, $0x7;
	v16 =	vor.u32 v10, v16;
	v1 =	vor.u32 v4, v1  }
0x36: {  	v3 =	vor.u32 v4, v3;
	v18 =	vor.u32 v10, v18  }
0x37: {  	v17 =	vor.u32 v10, v17  }
0x38: {  	v2 =	vor.u32 v4, v2;
	v4 =	vshll.u32 v10, $0x5  }
0x39: {  	v10 =	vld.idx.msk [tilespmem:v13+s3+$0x0], $0xffff;
	v5 =	vor.u32 v4, v5  }
0x3a: {  	v13 =	vld.idx.msk [tilespmem:v16+s3+$0x0], $0xffff;
	[tilespmem:v1+s25+$0x0] =	vst.idx.msk $0xffff, v9;
	v1 =	vor.u32 v4, v12  }
0x3b: {  	[tilespmem:v3+s25+$0x0] =	vst.idx.msk $0xffff, v6;
	v3 =	vor.u32 v4, v14;
	v9 =	vld.idx.msk [tilespmem:v18+s3+$0x0], $0xffff  }
0x3c: {  	[tilespmem:v11+s25+$0x0] =	vst.idx.msk $0xffff, v8;
	v11 =	vor.u32 v4, v15;
	v8 =	vld.idx.msk [tilespmem:v17+s3+$0x0], $0xffff  }
0x3d: {  	s7 =	simm.s32 $0x0;
	[tilespmem:v2+s25+$0x0] =	vst.idx.msk $0xffff, v7  }
0x3e: {  	s9 =	sand.u32 $0xC, s7;
	[tilespmem:v5+s25+$0x0] =	vst.idx.msk $0xffff, v10  }
0x3f: {  	s17 =	sor.u32 $0x1, s9;
	s18 =	sor.u32 $0x2, s9;
	[tilespmem:v1+s25+$0x0] =	vst.idx.msk $0xffff, v13;
	v1 =	vadd.s32 s9, v0;
	s9 =	sor.u32 $0x3, s9  }
0x40: {  	s19 =	simm.s32 $0x0;
	[tilespmem:v3+s25+$0x0] =	vst.idx.msk $0xffff, v9;
	v3 =	vadd.s32 s9, v0  }
0x41: {  	s11 =	sand.u32 $0x10, s19;
	s7 =	sand.u32 $0x70, s7;
	v2 =	vadd.s32 s17, v0;
	[tilespmem:v11+s25+$0x0] =	vst.idx.msk $0xffff, v8;
	v3 =	vand.u32 $0xF, v3  }
0x42: {  	v4 =	vadd.s32 s18, v0;
	v7 =	vor.u32 s7, v0;
	[hbm4b:s8+s3] =	stream.linear.scatter [tilespmem:s25], [sflag:$0x3], $0x1000, $0x38;
	v5 =	vor.u32 s11, v3;
	[tilespmem:$0x5800] =	vst v63  }
0x43: {  	v2 =	vand.u32 $0xF, v2;
	v4 =	vand.u32 $0xF, v4;
	s17 =	rddreg [dreg:$0x4];
	v8 =	vshll.u32 v5, $0x7  }
0x44: {  	v6 =	vand.u32 $0xF, v1;
	v1 =	vor.u32 s11, v2;
	[tilespmem:s3], [sflag:$0x1] =	stream.strided.gather [hbm4b:s17+s21], $0x1000, s22, s21, $0x38;
	v8 =	vor.u32 v7, v8;
	[tilespmem:$0x5800] =	vst v63  }
0x45: {  	v2 =	vor.u32 s11, v6;
	v3 =	vor.u32 s11, v4;
	v4 =	vshll.u32 v1, $0x7;
	s17 =	simm.s32 $0x4  }
0x46: {  	v9 =	vshll.u32 v2, $0x7;
	v6 =	vshll.u32 v3, $0x7;
	v10 =	vor.u32 v7, v4;
	s18 =	sand.u32 $0xC, s17;
	_ =	swait.ge [sflag:s26], $0x1000  }
0x47: {  	v14 =	vor.u32 v7, v9;
	v4 =	vshll.u32 v7, $0x5;
	v6 =	vor.u32 v7, v6;
	s19 =	sor.u32 $0x1, s18;
	s10 =	sor.u32 $0x3, s18;
	[sflag:s26] =	ssyncset.done $0x0  }
0x48: {  	s11 =	simm.s32 $0x0;
	v12 =	vadd.s32 s18, v0;
	s7 =	sor.u32 $0x2, s18;
	v9 =	vadd.s32 s19, v0;
	v11 =	vadd.s32 s10, v0;
	[sflag:s26] =	ssyncadd.s32 $0xFFFFF000  }
0x49: {  	s18 =	sand.u32 $0x10, s11;
	v7 =	vadd.s32 s7, v0;
	v13 =	vand.u32 $0xF, v11;
	v11 =	vor.u32 v4, v5;
	v8 =	vld.idx.msk [tilespmem:v8+s23+$0x0], $0xffff  }
0x4a: {  	s19 =	sand.u32 $0x70, s17;
	v16 =	vand.u32 $0xF, v12;
	v15 =	vand.u32 $0xF, v9;
	v5 =	vor.u32 s18, v13  }
0x4b: {  	v7 =	vand.u32 $0xF, v7;
	v9 =	vld.idx.msk [tilespmem:v10+s23+$0x0], $0xffff;
	v10 =	vor.u32 s19, v0;
	v13 =	vshll.u32 v5, $0x7  }
0x4c: {  	v15 =	vor.u32 s18, v15;
	v12 =	vor.u32 s18, v7;
	v6 =	vld.idx.msk [tilespmem:v6+s23+$0x0], $0xffff;
	v13 =	vor.u32 v10, v13  }
0x4d: {  	v7 =	vld.idx.msk [tilespmem:v14+s23+$0x0], $0xffff;
	v14 =	vor.u32 s18, v16;
	v17 =	vshll.u32 v15, $0x7;
	v16 =	vshll.u32 v12, $0x7  }
.LBB2_4:
0x4e: {  	s17 =	sadd.s32 $0x4, s17;
	v18 =	vshll.u32 v14, $0x7;
	v17 =	vor.u32 v10, v17;
	v16 =	vor.u32 v10, v16;
	[tilespmem:v11+s28+$0x0] =	vst.idx.msk $0xffff, v8  }
0x4f: {  	v19 =	vor.u32 v4, v1;
	v20 =	vor.u32 v4, v3;
	v1 =	vmovc v15;
	s7 =	sand.u32 $0xC, s17;
	p2 =	slt.u32 s17, $0xFC;
	v18 =	vor.u32 v10, v18  }
0x50: {  	v21 =	vor.u32 v4, v2;
	v3 =	vmovc v12;
	v2 =	vmovc v14;
	v22 =	vmov v9;
	v15 =	vadd.s32 s7, v0;
	s9 =	sor.u32 $0x1, s7;
	s18 =	sor.u32 $0x2, s7;
	s7 =	sor.u32 $0x3, s7  }
0x51: {  	v4 =	vshll.u32 v10, $0x5;
	s19 =	sshrl.u32 s17, $0x3;
	v14 =	vmovc v6;
	v9 =	vadd.s32 s9, v0;
	v11 =	vadd.s32 s7, v0;
	v8 =	vld.idx.msk [tilespmem:v13+s23+$0x0], $0xffff  }
.Ltmp3:
0x52: {  	s7 =	sand.u32 $0x10, s19;
	v6 =	vadd.s32 s18, v0;
	v23 =	vmovc v7;
	v10 =	vand.u32 $0xF, v11;
	v11 =	vor.u32 v4, v5;
	(pc) =	sbr.rel @p2 .LBB2_4-.Ltmp3, $4  }
0x53: {  	s9 =	sand.u32 $0x70, s17;
	v7 =	vand.u32 $0xF, v9;
	v12 =	vand.u32 $0xF, v6;
	v5 =	vor.u32 s7, v10;
	v9 =	vld.idx.msk [tilespmem:v17+s23+$0x0], $0xffff  }
0x54: {  	v17 =	vand.u32 $0xF, v15;
	v10 =	vor.u32 s9, v0;
	v13 =	vshll.u32 v5, $0x7;
	v6 =	vld.idx.msk [tilespmem:v16+s23+$0x0], $0xffff;
	[tilespmem:v19+s28+$0x0] =	vst.idx.msk $0xffff, v22  }
0x55: {  	v15 =	vor.u32 s7, v7;
	v12 =	vor.u32 s7, v12;
	v13 =	vor.u32 v10, v13;
	v7 =	vld.idx.msk [tilespmem:v18+s23+$0x0], $0xffff;
	[tilespmem:v20+s28+$0x0] =	vst.idx.msk $0xffff, v14  }
0x56: {  	v16 =	vshll.u32 v12, $0x7;
	v14 =	vor.u32 s7, v17;
	v17 =	vshll.u32 v15, $0x7;
	[tilespmem:v21+s28+$0x0] =	vst.idx.msk $0xffff, v23  }
0x57: {  	v17 =	vor.u32 v10, v17  }
0x58: {  	v18 =	vshll.u32 v14, $0x7;
	v16 =	vor.u32 v10, v16;
	v1 =	vor.u32 v4, v1  }
0x59: {  	v3 =	vor.u32 v4, v3;
	v18 =	vor.u32 v10, v18  }
0x5a: {  	v2 =	vor.u32 v4, v2;
	v58 =	vshll.u32 v10, $0x5  }
0x5b: {  	v59 =	vld.idx.msk [tilespmem:v13+s23+$0x0], $0xffff;
	v5 =	vor.u32 v58, v5  }
0x5c: {  	[tilespmem:v11+s28+$0x0] =	vst.idx.msk $0xffff, v8;
	v61 =	vor.u32 v58, v15;
	v60 =	vld.idx.msk [tilespmem:v17+s23+$0x0], $0xffff  }
0x5d: {  	v62 =	vld.idx.msk [tilespmem:v16+s23+$0x0], $0xffff;
	[tilespmem:v1+s28+$0x0] =	vst.idx.msk $0xffff, v9;
	v1 =	vor.u32 v58, v12  }
0x5e: {  	[tilespmem:v3+s28+$0x0] =	vst.idx.msk $0xffff, v6;
	v3 =	vor.u32 v58, v14;
	v63 =	vld.idx.msk [tilespmem:v18+s23+$0x0], $0xffff  }
0x5f: {  	[tilespmem:v2+s28+$0x0] =	vst.idx.msk $0xffff, v7  }
0x60: {  	[tilespmem:v5+s28+$0x0] =	vst.idx.msk $0xffff, v59  }
0x61: {  	[tilespmem:v61+s28+$0x0] =	vst.idx.msk $0xffff, v60  }
0x62: {  	[tilespmem:v1+s28+$0x0] =	vst.idx.msk $0xffff, v62  }
0x63: {  	[tilespmem:v3+s28+$0x0] =	vst.idx.msk $0xffff, v63  }
0x64: {  	s7 =	rddreg [dreg:$0x5]  }
0x65: {  	[hbm4b:s7+s3] =	stream.linear.scatter [tilespmem:s28], [sflag:$0x4], $0x1000, $0x38;
	[tilespmem:$0x5800] =	vst v63  }
0x66: {  	s17 =	simm.s32 $0x1;
	s19 =	rddreg [dreg:$0x6]  }
0x67: {  	[tilespmem:s23], [sflag:$0x2] =	stream.strided.gather [hbm4b:s19+s21], $0x1000, s22, s21, $0x38;
	[tilespmem:$0x5800] =	vst v63  }
.LBB2_6:
0x68: {  	s7 =	simm.s32 $0x0  }
0x69: {  	s9 =	sand.u32 $0xC, s7  }
0x6a: {  	v1 =	vadd.s32 s9, v0;
	s18 =	sor.u32 $0x1, s9;
	s19 =	sor.u32 $0x2, s9;
	s9 =	sor.u32 $0x3, s9  }
0x6b: {  	s10 =	simm.s32 $0x0;
	v3 =	vadd.s32 s9, v0  }
0x6c: {  	s7 =	sand.u32 $0x70, s7;
	v4 =	vadd.s32 s19, v0;
	s19 =	sand.u32 $0x10, s10;
	v3 =	vand.u32 $0xF, v3  }
0x6d: {  	v7 =	vor.u32 s7, v0;
	v2 =	vadd.s32 s18, v0;
	v5 =	vor.u32 s19, v3  }
0x6e: {  	_ =	swait.ge [sflag:s24], $0x1000;
	v6 =	vand.u32 $0xF, v1;
	v2 =	vand.u32 $0xF, v2;
	v8 =	vshll.u32 v5, $0x7  }
0x6f: {  	[sflag:s24] =	ssyncset.done $0x0;
	s18 =	simm.s32 $0x4;
	v4 =	vand.u32 $0xF, v4;
	v1 =	vor.u32 s19, v2;
	v8 =	vor.u32 v7, v8  }
0x70: {  	[sflag:s24] =	ssyncadd.s32 $0xFFFFF000;
	s9 =	sand.u32 $0xC, s18;
	v3 =	vor.u32 s19, v4;
	v2 =	vor.u32 s19, v6;
	v4 =	vshll.u32 v1, $0x7  }
0x71: {  	_ =	swait.ge [sflag:s29], $0x1000;
	v12 =	vadd.s32 s9, v0;
	s19 =	sor.u32 $0x3, s9;
	v6 =	vshll.u32 v3, $0x7;
	v10 =	vor.u32 v7, v4  }
0x72: {  	[sflag:s29] =	ssyncset.done $0x0;
	v9 =	vshll.u32 v2, $0x7;
	v11 =	vadd.s32 s19, v0;
	v6 =	vor.u32 v7, v6  }
0x73: {  	s11 =	simm.s32 $0x0;
	s10 =	sor.u32 $0x1, s9;
	[sflag:s29] =	ssyncadd.s32 $0xFFFFF000;
	v16 =	vand.u32 $0xF, v12;
	v14 =	vor.u32 v7, v9;
	v4 =	vshll.u32 v7, $0x5  }
0x74: {  	s11 =	sand.u32 $0x10, s11;
	s7 =	sor.u32 $0x2, s9;
	v9 =	vadd.s32 s10, v0;
	v13 =	vand.u32 $0xF, v11;
	v11 =	vor.u32 v4, v5;
	v8 =	vld.idx.msk [tilespmem:v8+s3+$0x0], $0xffff  }
0x75: {  	s19 =	sand.u32 $0x70, s18;
	v7 =	vadd.s32 s7, v0;
	v15 =	vand.u32 $0xF, v9;
	v5 =	vor.u32 s11, v13  }
0x76: {  	v7 =	vand.u32 $0xF, v7;
	v13 =	vshll.u32 v5, $0x7;
	v9 =	vld.idx.msk [tilespmem:v10+s3+$0x0], $0xffff;
	v10 =	vor.u32 s19, v0  }
0x77: {  	v15 =	vor.u32 s11, v15;
	v12 =	vor.u32 s11, v7;
	v6 =	vld.idx.msk [tilespmem:v6+s3+$0x0], $0xffff;
	v13 =	vor.u32 v10, v13  }
0x78: {  	v17 =	vshll.u32 v15, $0x7;
	v7 =	vld.idx.msk [tilespmem:v14+s3+$0x0], $0xffff;
	v14 =	vor.u32 s11, v16;
	v16 =	vshll.u32 v12, $0x7  }
.LBB2_7:
0x79: {  	s18 =	sadd.s32 $0x4, s18;
	v18 =	vshll.u32 v14, $0x7;
	v17 =	vor.u32 v10, v17;
	v16 =	vor.u32 v10, v16;
	[tilespmem:v11+s25+$0x0] =	vst.idx.msk $0xffff, v8  }
0x7a: {  	v19 =	vor.u32 v4, v1;
	v20 =	vor.u32 v4, v3;
	v1 =	vmovc v15;
	s7 =	sand.u32 $0xC, s18;
	p2 =	slt.u32 s18, $0xFC;
	v18 =	vor.u32 v10, v18  }
0x7b: {  	v21 =	vor.u32 v4, v2;
	v3 =	vmovc v12;
	v2 =	vmovc v14;
	v22 =	vmov v9;
	v15 =	vadd.s32 s7, v0;
	s9 =	sor.u32 $0x1, s7;
	s10 =	sor.u32 $0x2, s7;
	s7 =	sor.u32 $0x3, s7  }
0x7c: {  	v4 =	vshll.u32 v10, $0x5;
	s19 =	sshrl.u32 s18, $0x3;
	v14 =	vmovc v6;
	v9 =	vadd.s32 s9, v0;
	v11 =	vadd.s32 s7, v0;
	v8 =	vld.idx.msk [tilespmem:v13+s3+$0x0], $0xffff  }
.Ltmp4:
0x7d: {  	s7 =	sand.u32 $0x10, s19;
	v6 =	vadd.s32 s10, v0;
	v23 =	vmovc v7;
	v10 =	vand.u32 $0xF, v11;
	v11 =	vor.u32 v4, v5;
	(pc) =	sbr.rel @p2 .LBB2_7-.Ltmp4, $4  }
0x7e: {  	s9 =	sand.u32 $0x70, s18;
	v7 =	vand.u32 $0xF, v9;
	v12 =	vand.u32 $0xF, v6;
	v5 =	vor.u32 s7, v10;
	v9 =	vld.idx.msk [tilespmem:v17+s3+$0x0], $0xffff  }
0x7f: {  	v17 =	vand.u32 $0xF, v15;
	v10 =	vor.u32 s9, v0;
	v13 =	vshll.u32 v5, $0x7;
	v6 =	vld.idx.msk [tilespmem:v16+s3+$0x0], $0xffff;
	[tilespmem:v19+s25+$0x0] =	vst.idx.msk $0xffff, v22  }
0x80: {  	v15 =	vor.u32 s7, v7;
	v12 =	vor.u32 s7, v12;
	v13 =	vor.u32 v10, v13;
	v7 =	vld.idx.msk [tilespmem:v18+s3+$0x0], $0xffff;
	[tilespmem:v20+s25+$0x0] =	vst.idx.msk $0xffff, v14  }
0x81: {  	v16 =	vshll.u32 v12, $0x7;
	v14 =	vor.u32 s7, v17;
	v17 =	vshll.u32 v15, $0x7;
	[tilespmem:v21+s25+$0x0] =	vst.idx.msk $0xffff, v23  }
0x82: {  	v17 =	vor.u32 v10, v17  }
0x83: {  	v18 =	vshll.u32 v14, $0x7;
	v16 =	vor.u32 v10, v16;
	v1 =	vor.u32 v4, v1  }
0x84: {  	v3 =	vor.u32 v4, v3;
	v18 =	vor.u32 v10, v18  }
0x85: {  	v2 =	vor.u32 v4, v2;
	v4 =	vshll.u32 v10, $0x5  }
0x86: {  	v10 =	vld.idx.msk [tilespmem:v13+s3+$0x0], $0xffff;
	v5 =	vor.u32 v4, v5  }
0x87: {  	[tilespmem:v11+s25+$0x0] =	vst.idx.msk $0xffff, v8;
	v11 =	vor.u32 v4, v15;
	v8 =	vld.idx.msk [tilespmem:v17+s3+$0x0], $0xffff  }
0x88: {  	v13 =	vld.idx.msk [tilespmem:v16+s3+$0x0], $0xffff;
	[tilespmem:v1+s25+$0x0] =	vst.idx.msk $0xffff, v9;
	v1 =	vor.u32 v4, v12  }
0x89: {  	[tilespmem:v3+s25+$0x0] =	vst.idx.msk $0xffff, v6;
	v3 =	vor.u32 v4, v14;
	v9 =	vld.idx.msk [tilespmem:v18+s3+$0x0], $0xffff  }
0x8a: {  	[tilespmem:v2+s25+$0x0] =	vst.idx.msk $0xffff, v7  }
0x8b: {  	[tilespmem:v5+s25+$0x0] =	vst.idx.msk $0xffff, v10  }
0x8c: {  	[tilespmem:v11+s25+$0x0] =	vst.idx.msk $0xffff, v8  }
0x8d: {  	s7 =	sshll.u32 s17, $0xF;
	s18 =	sshll.u32 s17, $0x6;
	[tilespmem:v1+s25+$0x0] =	vst.idx.msk $0xffff, v13  }
0x8e: {  	s7 =	sadd.s32 s7, s8;
	s9 =	sadd.s32 s12, s18;
	[tilespmem:v3+s25+$0x0] =	vst.idx.msk $0xffff, v9  }
0x8f: {  	[hbm4b:s7+s3] =	stream.linear.scatter [tilespmem:s25], [sflag:$0x3], $0x1000, $0x38;
	[tilespmem:$0x5800] =	vst v63  }
0x90: {  	s9 =	sshll.u32 s9, $0x7;
	s7 =	simm.s32 $0x0  }
0x91: {  	s9 =	sadd.s32 s1, s9;
	s10 =	sand.u32 $0xC, s7  }
0x92: {  	v1 =	vadd.s32 s10, v0;
	s19 =	sor.u32 $0x1, s10;
	s11 =	sor.u32 $0x2, s10;
	s10 =	sor.u32 $0x3, s10  }
0x93: {  	[tilespmem:s3], [sflag:$0x1] =	stream.strided.gather [hbm4b:s9+s21], $0x1000, s22, s21, $0x38;
	[tilespmem:$0x5800] =	vst v63  }
0x94: {  	v2 =	vadd.s32 s19, v0;
	s19 =	simm.s32 $0x0;
	v3 =	vadd.s32 s10, v0  }
0x95: {  	s7 =	sand.u32 $0x70, s7;
	s19 =	sand.u32 $0x10, s19;
	v3 =	vand.u32 $0xF, v3  }
0x96: {  	v7 =	vor.u32 s7, v0;
	v4 =	vadd.s32 s11, v0;
	v5 =	vor.u32 s19, v3  }
0x97: {  	v6 =	vand.u32 $0xF, v1;
	_ =	swait.ge [sflag:s26], $0x1000;
	v2 =	vand.u32 $0xF, v2;
	v8 =	vshll.u32 v5, $0x7  }
0x98: {  	v4 =	vand.u32 $0xF, v4;
	[sflag:s26] =	ssyncset.done $0x0;
	v1 =	vor.u32 s19, v2;
	v8 =	vor.u32 v7, v8  }
0x99: {  	v3 =	vor.u32 s19, v4;
	v2 =	vor.u32 s19, v6;
	s19 =	simm.s32 $0x4;
	[sflag:s26] =	ssyncadd.s32 $0xFFFFF000;
	v4 =	vshll.u32 v1, $0x7  }
0x9a: {  	v6 =	vshll.u32 v3, $0x7;
	v9 =	vshll.u32 v2, $0x7;
	s11 =	sand.u32 $0xC, s19;
	_ =	swait.ge [sflag:s30], $0x1000;
	v10 =	vor.u32 v7, v4  }
0x9b: {  	v6 =	vor.u32 v7, v6;
	v14 =	vor.u32 v7, v9;
	v12 =	vadd.s32 s11, v0;
	s9 =	sor.u32 $0x1, s11;
	s10 =	sor.u32 $0x3, s11;
	[sflag:s30] =	ssyncset.done $0x0  }
0x9c: {  	s7 =	sor.u32 $0x2, s11;
	s11 =	simm.s32 $0x0;
	v4 =	vshll.u32 v7, $0x5;
	v9 =	vadd.s32 s9, v0;
	v11 =	vadd.s32 s10, v0;
	[sflag:s30] =	ssyncadd.s32 $0xFFFFF000  }
0x9d: {  	s10 =	sand.u32 $0x10, s11;
	v7 =	vadd.s32 s7, v0;
	v13 =	vand.u32 $0xF, v11;
	v11 =	vor.u32 v4, v5;
	v8 =	vld.idx.msk [tilespmem:v8+s23+$0x0], $0xffff  }
0x9e: {  	s11 =	sand.u32 $0x70, s19;
	v16 =	vand.u32 $0xF, v12;
	v15 =	vand.u32 $0xF, v9;
	v5 =	vor.u32 s10, v13  }
0x9f: {  	v7 =	vand.u32 $0xF, v7;
	v13 =	vshll.u32 v5, $0x7;
	v9 =	vld.idx.msk [tilespmem:v10+s23+$0x0], $0xffff;
	v10 =	vor.u32 s11, v0  }
0xa0: {  	v15 =	vor.u32 s10, v15;
	v12 =	vor.u32 s10, v7;
	v6 =	vld.idx.msk [tilespmem:v6+s23+$0x0], $0xffff;
	v13 =	vor.u32 v10, v13  }
0xa1: {  	v17 =	vshll.u32 v15, $0x7;
	v7 =	vld.idx.msk [tilespmem:v14+s23+$0x0], $0xffff;
	v14 =	vor.u32 s10, v16;
	v16 =	vshll.u32 v12, $0x7  }
.LBB2_9:
0xa2: {  	s19 =	sadd.s32 $0x4, s19;
	v18 =	vshll.u32 v14, $0x7;
	v17 =	vor.u32 v10, v17;
	v16 =	vor.u32 v10, v16;
	[tilespmem:v11+s28+$0x0] =	vst.idx.msk $0xffff, v8  }
0xa3: {  	v19 =	vor.u32 v4, v1;
	v20 =	vor.u32 v4, v3;
	v1 =	vmovc v15;
	s7 =	sand.u32 $0xC, s19;
	p2 =	slt.u32 s19, $0xFC;
	v18 =	vor.u32 v10, v18  }
0xa4: {  	v21 =	vor.u32 v4, v2;
	v3 =	vmovc v12;
	v2 =	vmovc v14;
	v22 =	vmov v9;
	v15 =	vadd.s32 s7, v0;
	s9 =	sor.u32 $0x1, s7;
	s10 =	sor.u32 $0x2, s7;
	s7 =	sor.u32 $0x3, s7  }
0xa5: {  	v4 =	vshll.u32 v10, $0x5;
	s11 =	sshrl.u32 s19, $0x3;
	v14 =	vmovc v6;
	v9 =	vadd.s32 s9, v0;
	v11 =	vadd.s32 s7, v0;
	v8 =	vld.idx.msk [tilespmem:v13+s23+$0x0], $0xffff  }
.Ltmp5:
0xa6: {  	s7 =	sand.u32 $0x10, s11;
	v6 =	vadd.s32 s10, v0;
	v23 =	vmovc v7;
	v10 =	vand.u32 $0xF, v11;
	v11 =	vor.u32 v4, v5;
	(pc) =	sbr.rel @p2 .LBB2_9-.Ltmp5, $4  }
0xa7: {  	s9 =	sand.u32 $0x70, s19;
	v7 =	vand.u32 $0xF, v9;
	v12 =	vand.u32 $0xF, v6;
	v5 =	vor.u32 s7, v10;
	v9 =	vld.idx.msk [tilespmem:v17+s23+$0x0], $0xffff  }
0xa8: {  	v17 =	vand.u32 $0xF, v15;
	v10 =	vor.u32 s9, v0;
	v13 =	vshll.u32 v5, $0x7;
	v6 =	vld.idx.msk [tilespmem:v16+s23+$0x0], $0xffff;
	[tilespmem:v19+s28+$0x0] =	vst.idx.msk $0xffff, v22  }
0xa9: {  	v15 =	vor.u32 s7, v7;
	v12 =	vor.u32 s7, v12;
	v13 =	vor.u32 v10, v13;
	v7 =	vld.idx.msk [tilespmem:v18+s23+$0x0], $0xffff;
	[tilespmem:v20+s28+$0x0] =	vst.idx.msk $0xffff, v14  }
0xaa: {  	v16 =	vshll.u32 v12, $0x7;
	v14 =	vor.u32 s7, v17;
	v17 =	vshll.u32 v15, $0x7;
	[tilespmem:v21+s28+$0x0] =	vst.idx.msk $0xffff, v23  }
0xab: {  	v17 =	vor.u32 v10, v17  }
0xac: {  	v18 =	vshll.u32 v14, $0x7;
	v16 =	vor.u32 v10, v16;
	v1 =	vor.u32 v4, v1  }
0xad: {  	v3 =	vor.u32 v4, v3;
	v18 =	vor.u32 v10, v18  }
0xae: {  	v2 =	vor.u32 v4, v2;
	v58 =	vshll.u32 v10, $0x5  }
0xaf: {  	v59 =	vld.idx.msk [tilespmem:v13+s23+$0x0], $0xffff;
	v5 =	vor.u32 v58, v5  }
0xb0: {  	[tilespmem:v11+s28+$0x0] =	vst.idx.msk $0xffff, v8;
	v61 =	vor.u32 v58, v15;
	v60 =	vld.idx.msk [tilespmem:v17+s23+$0x0], $0xffff  }
0xb1: {  	v62 =	vld.idx.msk [tilespmem:v16+s23+$0x0], $0xffff;
	[tilespmem:v1+s28+$0x0] =	vst.idx.msk $0xffff, v9;
	v1 =	vor.u32 v58, v12  }
0xb2: {  	[tilespmem:v3+s28+$0x0] =	vst.idx.msk $0xffff, v6;
	v3 =	vor.u32 v58, v14;
	v63 =	vld.idx.msk [tilespmem:v18+s23+$0x0], $0xffff  }
0xb3: {  	[tilespmem:v2+s28+$0x0] =	vst.idx.msk $0xffff, v7  }
0xb4: {  	s7 =	sor.u32 s5, s18;
	[tilespmem:v5+s28+$0x0] =	vst.idx.msk $0xffff, v59  }
0xb5: {  	s17 =	sadd.s32 $0x1, s17;
	s7 =	sshll.u32 s7, $0x9;
	[tilespmem:v61+s28+$0x0] =	vst.idx.msk $0xffff, v60  }
0xb6: {  	p2 =	sne.s32 s17, $0x79;
	s7 =	sadd.s32 s7, s4;
	[tilespmem:v1+s28+$0x0] =	vst.idx.msk $0xffff, v62  }
.Ltmp6:
0xb7: {  	s19 =	sadd.s32 s13, s18;
	s7 =	sadd.s32 $0x4000, s7;
	[tilespmem:v3+s28+$0x0] =	vst.idx.msk $0xffff, v63;
	(pc) =	sbr.rel @p2 .LBB2_6-.Ltmp6, $4  }
0xb8: {  	[hbm4b:s7+s3] =	stream.linear.scatter [tilespmem:s28], [sflag:$0x4], $0x1000, $0x38;
	[tilespmem:$0x5800] =	vst v63  }
0xb9: {  	s7 =	sshll.u32 s19, $0x7  }
0xba: {  	s7 =	sadd.s32 s1, s7  }
0xbb: {  	[tilespmem:s23], [sflag:$0x2] =	stream.strided.gather [hbm4b:s7+s21], $0x1000, s22, s21, $0x38;
	[tilespmem:$0x5800] =	vst v63  }
0xbc: {  	s7 =	simm.s32 $0x0  }
0xbd: {  	s9 =	sand.u32 $0xC, s7  }
0xbe: {  	v1 =	vadd.s32 s9, v0;
	s10 =	sor.u32 $0x1, s9;
	s11 =	sor.u32 $0x2, s9;
	s9 =	sor.u32 $0x3, s9  }
0xbf: {  	s17 =	simm.s32 $0x0;
	s7 =	sand.u32 $0x70, s7;
	v3 =	vadd.s32 s9, v0  }
0xc0: {  	s19 =	sand.u32 $0x10, s17;
	v7 =	vor.u32 s7, v0;
	v3 =	vand.u32 $0xF, v3  }
0xc1: {  	v2 =	vadd.s32 s10, v0;
	v4 =	vadd.s32 s11, v0;
	v5 =	vor.u32 s19, v3  }
0xc2: {  	_ =	swait.ge [sflag:s24], $0x1000;
	s17 =	simm.s32 $0x4;
	v6 =	vand.u32 $0xF, v1;
	v2 =	vand.u32 $0xF, v2;
	v8 =	vshll.u32 v5, $0x7  }
0xc3: {  	[sflag:s24] =	ssyncset.done $0x0;
	s10 =	sand.u32 $0xC, s17;
	v4 =	vand.u32 $0xF, v4;
	v1 =	vor.u32 s19, v2;
	v8 =	vor.u32 v7, v8  }
0xc4: {  	[sflag:s24] =	ssyncadd.s32 $0xFFFFF000;
	v12 =	vadd.s32 s10, v0;
	v3 =	vor.u32 s19, v4;
	v4 =	vshll.u32 v1, $0x7  }
0xc5: {  	_ =	swait.ge [sflag:s29], $0x1000;
	s18 =	sor.u32 $0x3, s10;
	v2 =	vor.u32 s19, v6;
	v6 =	vshll.u32 v3, $0x7;
	v10 =	vor.u32 v7, v4  }
0xc6: {  	[sflag:s29] =	ssyncset.done $0x0;
	v11 =	vadd.s32 s18, v0;
	v9 =	vshll.u32 v2, $0x7;
	v6 =	vor.u32 v7, v6  }
0xc7: {  	s11 =	sor.u32 $0x1, s10;
	s19 =	simm.s32 $0x0;
	[sflag:s29] =	ssyncadd.s32 $0xFFFFF000;
	v16 =	vand.u32 $0xF, v12;
	v14 =	vor.u32 v7, v9;
	v4 =	vshll.u32 v7, $0x5  }
0xc8: {  	s7 =	sor.u32 $0x2, s10;
	s18 =	sand.u32 $0x10, s19;
	v13 =	vand.u32 $0xF, v11;
	v9 =	vadd.s32 s11, v0;
	v11 =	vor.u32 v4, v5;
	v8 =	vld.idx.msk [tilespmem:v8+s3+$0x0], $0xffff  }
0xc9: {  	s19 =	sand.u32 $0x70, s17;
	v7 =	vadd.s32 s7, v0;
	v15 =	vand.u32 $0xF, v9;
	v5 =	vor.u32 s18, v13  }
0xca: {  	v7 =	vand.u32 $0xF, v7;
	v13 =	vshll.u32 v5, $0x7;
	v9 =	vld.idx.msk [tilespmem:v10+s3+$0x0], $0xffff;
	v10 =	vor.u32 s19, v0  }
0xcb: {  	v15 =	vor.u32 s18, v15;
	v12 =	vor.u32 s18, v7;
	v6 =	vld.idx.msk [tilespmem:v6+s3+$0x0], $0xffff;
	v13 =	vor.u32 v10, v13  }
0xcc: {  	v17 =	vshll.u32 v15, $0x7;
	v7 =	vld.idx.msk [tilespmem:v14+s3+$0x0], $0xffff;
	v14 =	vor.u32 s18, v16;
	v16 =	vshll.u32 v12, $0x7  }
.LBB2_12:
0xcd: {  	s17 =	sadd.s32 $0x4, s17;
	v18 =	vshll.u32 v14, $0x7;
	v17 =	vor.u32 v10, v17;
	v16 =	vor.u32 v10, v16;
	[tilespmem:v11+s25+$0x0] =	vst.idx.msk $0xffff, v8  }
0xce: {  	v19 =	vor.u32 v4, v1;
	v20 =	vor.u32 v4, v3;
	v1 =	vmovc v15;
	s7 =	sand.u32 $0xC, s17;
	p2 =	slt.u32 s17, $0xFC;
	v18 =	vor.u32 v10, v18  }
0xcf: {  	v21 =	vor.u32 v4, v2;
	v3 =	vmovc v12;
	v2 =	vmovc v14;
	v22 =	vmov v9;
	v15 =	vadd.s32 s7, v0;
	s9 =	sor.u32 $0x1, s7;
	s10 =	sor.u32 $0x2, s7;
	s7 =	sor.u32 $0x3, s7  }
0xd0: {  	v4 =	vshll.u32 v10, $0x5;
	s11 =	sshrl.u32 s17, $0x3;
	v14 =	vmovc v6;
	v9 =	vadd.s32 s9, v0;
	v11 =	vadd.s32 s7, v0;
	v8 =	vld.idx.msk [tilespmem:v13+s3+$0x0], $0xffff  }
.Ltmp7:
0xd1: {  	s7 =	sand.u32 $0x10, s11;
	v6 =	vadd.s32 s10, v0;
	v23 =	vmovc v7;
	v10 =	vand.u32 $0xF, v11;
	v11 =	vor.u32 v4, v5;
	(pc) =	sbr.rel @p2 .LBB2_12-.Ltmp7, $4  }
0xd2: {  	s9 =	sand.u32 $0x70, s17;
	v7 =	vand.u32 $0xF, v9;
	v12 =	vand.u32 $0xF, v6;
	v5 =	vor.u32 s7, v10;
	v9 =	vld.idx.msk [tilespmem:v17+s3+$0x0], $0xffff  }
0xd3: {  	v17 =	vand.u32 $0xF, v15;
	v10 =	vor.u32 s9, v0;
	v13 =	vshll.u32 v5, $0x7;
	v6 =	vld.idx.msk [tilespmem:v16+s3+$0x0], $0xffff;
	[tilespmem:v19+s25+$0x0] =	vst.idx.msk $0xffff, v22  }
0xd4: {  	v15 =	vor.u32 s7, v7;
	v12 =	vor.u32 s7, v12;
	v13 =	vor.u32 v10, v13;
	v7 =	vld.idx.msk [tilespmem:v18+s3+$0x0], $0xffff;
	[tilespmem:v20+s25+$0x0] =	vst.idx.msk $0xffff, v14  }
0xd5: {  	v16 =	vshll.u32 v12, $0x7;
	v14 =	vor.u32 s7, v17;
	v17 =	vshll.u32 v15, $0x7;
	[tilespmem:v21+s25+$0x0] =	vst.idx.msk $0xffff, v23  }
0xd6: {  	v17 =	vor.u32 v10, v17  }
0xd7: {  	v18 =	vshll.u32 v14, $0x7;
	v16 =	vor.u32 v10, v16;
	v1 =	vor.u32 v4, v1  }
0xd8: {  	v3 =	vor.u32 v4, v3;
	v18 =	vor.u32 v10, v18  }
0xd9: {  	v2 =	vor.u32 v4, v2;
	v4 =	vshll.u32 v10, $0x5  }
0xda: {  	v10 =	vld.idx.msk [tilespmem:v13+s3+$0x0], $0xffff;
	v5 =	vor.u32 v4, v5  }
0xdb: {  	[tilespmem:v11+s25+$0x0] =	vst.idx.msk $0xffff, v8;
	v11 =	vor.u32 v4, v15;
	v8 =	vld.idx.msk [tilespmem:v17+s3+$0x0], $0xffff  }
0xdc: {  	v13 =	vld.idx.msk [tilespmem:v16+s3+$0x0], $0xffff;
	[tilespmem:v1+s25+$0x0] =	vst.idx.msk $0xffff, v9;
	v1 =	vor.u32 v4, v12  }
0xdd: {  	[tilespmem:v3+s25+$0x0] =	vst.idx.msk $0xffff, v6;
	v3 =	vor.u32 v4, v14;
	v9 =	vld.idx.msk [tilespmem:v18+s3+$0x0], $0xffff  }
0xde: {  	s7 =	simm.s32 $0x0;
	[tilespmem:v2+s25+$0x0] =	vst.idx.msk $0xffff, v7  }
0xdf: {  	s9 =	sand.u32 $0xC, s7;
	[tilespmem:v5+s25+$0x0] =	vst.idx.msk $0xffff, v10  }
0xe0: {  	s10 =	sor.u32 $0x1, s9;
	s11 =	sor.u32 $0x2, s9;
	v2 =	vadd.s32 s9, v0;
	s9 =	sor.u32 $0x3, s9;
	[tilespmem:v11+s25+$0x0] =	vst.idx.msk $0xffff, v8  }
0xe1: {  	s17 =	simm.s32 $0x0;
	v4 =	vadd.s32 s9, v0;
	[tilespmem:v1+s25+$0x0] =	vst.idx.msk $0xffff, v13  }
0xe2: {  	s19 =	sand.u32 $0x10, s17;
	s7 =	sand.u32 $0x70, s7;
	v5 =	vadd.s32 s11, v0;
	[tilespmem:v3+s25+$0x0] =	vst.idx.msk $0xffff, v9;
	v3 =	vand.u32 $0xF, v4  }
0xe3: {  	v1 =	vadd.s32 s10, v0;
	v4 =	vand.u32 $0xF, v5;
	[hbm4b:s14+s3] =	stream.linear.scatter [tilespmem:s25], [sflag:$0x3], $0x1000, $0x38;
	v5 =	vor.u32 s19, v3;
	[tilespmem:$0x5800] =	vst v63  }
0xe4: {  	v6 =	vor.u32 s7, v0;
	v1 =	vand.u32 $0xF, v1;
	_ =	swait.ge [sflag:s26], $0x1000;
	v7 =	vshll.u32 v5, $0x7  }
0xe5: {  	v2 =	vand.u32 $0xF, v2;
	v1 =	vor.u32 s19, v1;
	[sflag:s26] =	ssyncset.done $0x0;
	v7 =	vor.u32 v6, v7  }
0xe6: {  	s17 =	simm.s32 $0x4;
	v2 =	vor.u32 s19, v2;
	v3 =	vor.u32 s19, v4;
	v4 =	vshll.u32 v1, $0x7;
	[sflag:s26] =	ssyncadd.s32 $0xFFFFF000  }
0xe7: {  	s10 =	sand.u32 $0xC, s17;
	v9 =	vshll.u32 v2, $0x7;
	v8 =	vshll.u32 v3, $0x7;
	v10 =	vor.u32 v6, v4;
	_ =	swait.ge [sflag:s30], $0x1000  }
0xe8: {  	v13 =	vadd.s32 s10, v0;
	s11 =	sor.u32 $0x1, s10;
	s18 =	sor.u32 $0x3, s10;
	v14 =	vor.u32 v6, v9;
	v12 =	vor.u32 v6, v8;
	[sflag:s30] =	ssyncset.done $0x0  }
0xe9: {  	s7 =	sor.u32 $0x2, s10;
	s19 =	simm.s32 $0x0;
	v9 =	vadd.s32 s11, v0;
	v8 =	vadd.s32 s18, v0;
	v4 =	vshll.u32 v6, $0x5;
	[sflag:s30] =	ssyncadd.s32 $0xFFFFF000  }
0xea: {  	s18 =	sand.u32 $0x10, s19;
	v6 =	vadd.s32 s7, v0;
	v15 =	vand.u32 $0xF, v8;
	v11 =	vor.u32 v4, v5;
	v8 =	vld.idx.msk [tilespmem:v7+s23+$0x0], $0xffff  }
0xeb: {  	v17 =	vand.u32 $0xF, v13;
	s19 =	sand.u32 $0x70, s17;
	v16 =	vand.u32 $0xF, v6;
	v5 =	vor.u32 s18, v15  }
0xec: {  	v13 =	vshll.u32 v5, $0x7;
	v7 =	vand.u32 $0xF, v9;
	v9 =	vld.idx.msk [tilespmem:v10+s23+$0x0], $0xffff;
	v10 =	vor.u32 s19, v0  }
0xed: {  	v6 =	vld.idx.msk [tilespmem:v12+s23+$0x0], $0xffff;
	v12 =	vor.u32 s18, v16;
	v15 =	vor.u32 s18, v7;
	v13 =	vor.u32 v10, v13  }
0xee: {  	v7 =	vld.idx.msk [tilespmem:v14+s23+$0x0], $0xffff;
	v14 =	vor.u32 s18, v17;
	v16 =	vshll.u32 v12, $0x7;
	v17 =	vshll.u32 v15, $0x7  }
.LBB2_14:
0xef: {  	s17 =	sadd.s32 $0x4, s17;
	v18 =	vshll.u32 v14, $0x7;
	v17 =	vor.u32 v10, v17;
	v16 =	vor.u32 v10, v16;
	[tilespmem:v11+s28+$0x0] =	vst.idx.msk $0xffff, v8  }
0xf0: {  	v19 =	vor.u32 v4, v1;
	v20 =	vor.u32 v4, v3;
	v1 =	vmovc v15;
	s7 =	sand.u32 $0xC, s17;
	p2 =	slt.u32 s17, $0xFC;
	v18 =	vor.u32 v10, v18  }
0xf1: {  	v21 =	vor.u32 v4, v2;
	v3 =	vmovc v12;
	v2 =	vmovc v14;
	v22 =	vmov v9;
	v15 =	vadd.s32 s7, v0;
	s9 =	sor.u32 $0x1, s7;
	s10 =	sor.u32 $0x2, s7;
	s7 =	sor.u32 $0x3, s7  }
0xf2: {  	v4 =	vshll.u32 v10, $0x5;
	s11 =	sshrl.u32 s17, $0x3;
	v14 =	vmovc v6;
	v9 =	vadd.s32 s9, v0;
	v11 =	vadd.s32 s7, v0;
	v8 =	vld.idx.msk [tilespmem:v13+s23+$0x0], $0xffff  }
.Ltmp8:
0xf3: {  	s7 =	sand.u32 $0x10, s11;
	v6 =	vadd.s32 s10, v0;
	v23 =	vmovc v7;
	v10 =	vand.u32 $0xF, v11;
	v11 =	vor.u32 v4, v5;
	(pc) =	sbr.rel @p2 .LBB2_14-.Ltmp8, $4  }
0xf4: {  	s9 =	sand.u32 $0x70, s17;
	v7 =	vand.u32 $0xF, v9;
	v12 =	vand.u32 $0xF, v6;
	v5 =	vor.u32 s7, v10;
	v9 =	vld.idx.msk [tilespmem:v17+s23+$0x0], $0xffff  }
0xf5: {  	v17 =	vand.u32 $0xF, v15;
	v10 =	vor.u32 s9, v0;
	v13 =	vshll.u32 v5, $0x7;
	v6 =	vld.idx.msk [tilespmem:v16+s23+$0x0], $0xffff;
	[tilespmem:v19+s28+$0x0] =	vst.idx.msk $0xffff, v22  }
0xf6: {  	v15 =	vor.u32 s7, v7;
	v12 =	vor.u32 s7, v12;
	v13 =	vor.u32 v10, v13;
	v7 =	vld.idx.msk [tilespmem:v18+s23+$0x0], $0xffff;
	[tilespmem:v20+s28+$0x0] =	vst.idx.msk $0xffff, v14  }
0xf7: {  	v16 =	vshll.u32 v12, $0x7;
	v14 =	vor.u32 s7, v17;
	v17 =	vshll.u32 v15, $0x7;
	[tilespmem:v21+s28+$0x0] =	vst.idx.msk $0xffff, v23  }
0xf8: {  	v17 =	vor.u32 v10, v17  }
0xf9: {  	v18 =	vshll.u32 v14, $0x7;
	v16 =	vor.u32 v10, v16;
	v1 =	vor.u32 v4, v1  }
0xfa: {  	v3 =	vor.u32 v4, v3;
	v18 =	vor.u32 v10, v18  }
0xfb: {  	v2 =	vor.u32 v4, v2;
	v58 =	vshll.u32 v10, $0x5  }
0xfc: {  	v59 =	vld.idx.msk [tilespmem:v13+s23+$0x0], $0xffff;
	v5 =	vor.u32 v58, v5  }
0xfd: {  	[tilespmem:v11+s28+$0x0] =	vst.idx.msk $0xffff, v8;
	v61 =	vor.u32 v58, v15;
	v60 =	vld.idx.msk [tilespmem:v17+s23+$0x0], $0xffff  }
0xfe: {  	v62 =	vld.idx.msk [tilespmem:v16+s23+$0x0], $0xffff;
	[tilespmem:v1+s28+$0x0] =	vst.idx.msk $0xffff, v9;
	v1 =	vor.u32 v58, v12  }
0xff: {  	[tilespmem:v3+s28+$0x0] =	vst.idx.msk $0xffff, v6;
	v3 =	vor.u32 v58, v14;
	v63 =	vld.idx.msk [tilespmem:v18+s23+$0x0], $0xffff  }
0x100: {  	[tilespmem:v2+s28+$0x0] =	vst.idx.msk $0xffff, v7  }
0x101: {  	[tilespmem:v5+s28+$0x0] =	vst.idx.msk $0xffff, v59  }
0x102: {  	[tilespmem:v61+s28+$0x0] =	vst.idx.msk $0xffff, v60  }
0x103: {  	[tilespmem:v1+s28+$0x0] =	vst.idx.msk $0xffff, v62  }
0x104: {  	[tilespmem:v3+s28+$0x0] =	vst.idx.msk $0xffff, v63  }
0x105: {  	[hbm4b:s15+s3] =	stream.linear.scatter [tilespmem:s28], [sflag:$0x4], $0x1000, $0x38;
	[tilespmem:$0x5800] =	vst v63  }
0x106: {  	_ =	swait.ge [sflag:s29], $0x1000  }
.Ltmp9:
0x107: {  	[sflag:s29] =	ssyncset.done $0x0;
	(pc) =	sbr.rel @p0 .LBB2_19-.Ltmp9, $4  }
0x108: {  	[sflag:s29] =	ssyncadd.s32 $0xFFFFF000  }
0x109: {  	_ =	swait.ge [sflag:s30], $0x1000  }
0x10a: {  	[sflag:s30] =	ssyncset.done $0x0  }
0x10b: {  	[sflag:s30] =	ssyncadd.s32 $0xFFFFF000  }
0x10c: {  	s7 =	simm.s32 $0x0  }
0x10d: {  	s9 =	sand.u32 $0xC, s7  }
0x10e: {  	v1 =	vadd.s32 s9, v0;
	s10 =	sor.u32 $0x1, s9;
	s11 =	sor.u32 $0x2, s9;
	s9 =	sor.u32 $0x3, s9  }
0x10f: {  	s17 =	simm.s32 $0x0;
	s7 =	sand.u32 $0x70, s7;
	v3 =	vadd.s32 s9, v0  }
0x110: {  	s18 =	sand.u32 $0x10, s17;
	v7 =	vor.u32 s7, v0;
	v3 =	vand.u32 $0xF, v3  }
0x111: {  	v2 =	vadd.s32 s10, v0;
	v4 =	vadd.s32 s11, v0;
	v5 =	vor.u32 s18, v3  }
0x112: {  	s17 =	simm.s32 $0x4;
	v6 =	vand.u32 $0xF, v1;
	v2 =	vand.u32 $0xF, v2;
	v8 =	vshll.u32 v5, $0x7  }
0x113: {  	s19 =	rddreg [dreg:$0x7];
	s10 =	sand.u32 $0xC, s17;
	v4 =	vand.u32 $0xF, v4;
	v1 =	vor.u32 s18, v2;
	v8 =	vor.u32 v7, v8  }
0x114: {  	[tilespmem:s3], [sflag:$0x5] =	stream.strided.gather [hbm4b:s19+s21], $0x1000, s22, s21, $0x38;
	v12 =	vadd.s32 s10, v0;
	v3 =	vor.u32 s18, v4;
	v4 =	vshll.u32 v1, $0x7;
	[tilespmem:$0x5800] =	vst v63  }
0x115: {  	_ =	swait.ge [sflag:s31], $0x1000;
	v2 =	vor.u32 s18, v6;
	v6 =	vshll.u32 v3, $0x7;
	v10 =	vor.u32 v7, v4  }
0x116: {  	[sflag:s31] =	ssyncset.done $0x0;
	s18 =	sor.u32 $0x3, s10;
	v16 =	vand.u32 $0xF, v12;
	v9 =	vshll.u32 v2, $0x7;
	v6 =	vor.u32 v7, v6  }
0x117: {  	s19 =	simm.s32 $0x0;
	s11 =	sor.u32 $0x1, s10;
	[sflag:s31] =	ssyncadd.s32 $0xFFFFF000;
	v11 =	vadd.s32 s18, v0;
	v14 =	vor.u32 v7, v9;
	v4 =	vshll.u32 v7, $0x5  }
0x118: {  	s7 =	sor.u32 $0x2, s10;
	s18 =	sand.u32 $0x10, s19;
	v9 =	vadd.s32 s11, v0;
	v13 =	vand.u32 $0xF, v11;
	v11 =	vor.u32 v4, v5;
	v8 =	vld.idx.msk [tilespmem:v8+s3+$0x0], $0xffff  }
0x119: {  	s19 =	sand.u32 $0x70, s17;
	v7 =	vadd.s32 s7, v0;
	v15 =	vand.u32 $0xF, v9;
	v5 =	vor.u32 s18, v13  }
0x11a: {  	v7 =	vand.u32 $0xF, v7;
	v13 =	vshll.u32 v5, $0x7;
	v9 =	vld.idx.msk [tilespmem:v10+s3+$0x0], $0xffff;
	v10 =	vor.u32 s19, v0  }
0x11b: {  	v15 =	vor.u32 s18, v15;
	v12 =	vor.u32 s18, v7;
	v6 =	vld.idx.msk [tilespmem:v6+s3+$0x0], $0xffff;
	v13 =	vor.u32 v10, v13  }
0x11c: {  	v17 =	vshll.u32 v15, $0x7;
	v7 =	vld.idx.msk [tilespmem:v14+s3+$0x0], $0xffff;
	v14 =	vor.u32 s18, v16;
	v16 =	vshll.u32 v12, $0x7  }
.LBB2_17:
0x11d: {  	s17 =	sadd.s32 $0x4, s17;
	v18 =	vshll.u32 v14, $0x7;
	v17 =	vor.u32 v10, v17;
	v16 =	vor.u32 v10, v16;
	[tilespmem:v11+s25+$0x0] =	vst.idx.msk $0xffff, v8  }
0x11e: {  	v19 =	vor.u32 v4, v1;
	v20 =	vor.u32 v4, v3;
	v1 =	vmovc v15;
	s7 =	sand.u32 $0xC, s17;
	p2 =	slt.u32 s17, $0xFC;
	v18 =	vor.u32 v10, v18  }
0x11f: {  	v21 =	vor.u32 v4, v2;
	v3 =	vmovc v12;
	v2 =	vmovc v14;
	v22 =	vmov v9;
	v15 =	vadd.s32 s7, v0;
	s9 =	sor.u32 $0x1, s7;
	s10 =	sor.u32 $0x2, s7;
	s7 =	sor.u32 $0x3, s7  }
0x120: {  	v4 =	vshll.u32 v10, $0x5;
	s11 =	sshrl.u32 s17, $0x3;
	v14 =	vmovc v6;
	v9 =	vadd.s32 s9, v0;
	v11 =	vadd.s32 s7, v0;
	v8 =	vld.idx.msk [tilespmem:v13+s3+$0x0], $0xffff  }
.Ltmp10:
0x121: {  	s7 =	sand.u32 $0x10, s11;
	v6 =	vadd.s32 s10, v0;
	v23 =	vmovc v7;
	v10 =	vand.u32 $0xF, v11;
	v11 =	vor.u32 v4, v5;
	(pc) =	sbr.rel @p2 .LBB2_17-.Ltmp10, $4  }
0x122: {  	s9 =	sand.u32 $0x70, s17;
	v7 =	vand.u32 $0xF, v9;
	v12 =	vand.u32 $0xF, v6;
	v5 =	vor.u32 s7, v10;
	v9 =	vld.idx.msk [tilespmem:v17+s3+$0x0], $0xffff  }
0x123: {  	v17 =	vand.u32 $0xF, v15;
	v10 =	vor.u32 s9, v0;
	v13 =	vshll.u32 v5, $0x7;
	v6 =	vld.idx.msk [tilespmem:v16+s3+$0x0], $0xffff;
	[tilespmem:v19+s25+$0x0] =	vst.idx.msk $0xffff, v22  }
0x124: {  	v15 =	vor.u32 s7, v7;
	v12 =	vor.u32 s7, v12;
	v13 =	vor.u32 v10, v13;
	v7 =	vld.idx.msk [tilespmem:v18+s3+$0x0], $0xffff;
	[tilespmem:v20+s25+$0x0] =	vst.idx.msk $0xffff, v14  }
0x125: {  	v16 =	vshll.u32 v12, $0x7;
	v14 =	vor.u32 s7, v17;
	v17 =	vshll.u32 v15, $0x7;
	[tilespmem:v21+s25+$0x0] =	vst.idx.msk $0xffff, v23  }
0x126: {  	v17 =	vor.u32 v10, v17  }
0x127: {  	v18 =	vshll.u32 v14, $0x7;
	v16 =	vor.u32 v10, v16;
	v1 =	vor.u32 v4, v1  }
0x128: {  	v3 =	vor.u32 v4, v3;
	v18 =	vor.u32 v10, v18  }
0x129: {  	v2 =	vor.u32 v4, v2;
	v58 =	vshll.u32 v10, $0x5  }
0x12a: {  	v59 =	vld.idx.msk [tilespmem:v13+s3+$0x0], $0xffff;
	v5 =	vor.u32 v58, v5  }
0x12b: {  	[tilespmem:v11+s25+$0x0] =	vst.idx.msk $0xffff, v8;
	v61 =	vor.u32 v58, v15;
	v60 =	vld.idx.msk [tilespmem:v17+s3+$0x0], $0xffff  }
0x12c: {  	v62 =	vld.idx.msk [tilespmem:v16+s3+$0x0], $0xffff;
	[tilespmem:v1+s25+$0x0] =	vst.idx.msk $0xffff, v9;
	v1 =	vor.u32 v58, v12  }
0x12d: {  	[tilespmem:v3+s25+$0x0] =	vst.idx.msk $0xffff, v6;
	v3 =	vor.u32 v58, v14;
	v63 =	vld.idx.msk [tilespmem:v18+s3+$0x0], $0xffff  }
0x12e: {  	[tilespmem:v2+s25+$0x0] =	vst.idx.msk $0xffff, v7  }
0x12f: {  	[tilespmem:v5+s25+$0x0] =	vst.idx.msk $0xffff, v59  }
0x130: {  	[tilespmem:v61+s25+$0x0] =	vst.idx.msk $0xffff, v60  }
0x131: {  	[tilespmem:v1+s25+$0x0] =	vst.idx.msk $0xffff, v62  }
0x132: {  	[tilespmem:v3+s25+$0x0] =	vst.idx.msk $0xffff, v63  }
0x133: {  	s7 =	rddreg [dreg:$0x8]  }
0x134: {  	[hbm4b:s7+s3] =	stream.linear.scatter [tilespmem:s25], [sflag:$0x5], $0x1000, $0x38;
	[tilespmem:$0x5800] =	vst v63  }
0x135: {  	_ =	swait.ge [sflag:s31], $0x1000  }
0x136: {  	[sflag:s31] =	ssyncset.done $0x0  }
0x137: {  	[sflag:s31] =	ssyncadd.s32 $0xFFFFF000  }
.LBB2_19:
.Ltmp11:
0x138: {  	(pc) =	sbr.rel @p1 .LBB2_23-.Ltmp11, $1  }
0x139: {  	_ =	sdelay $0x3  }
0x13a: {  	s7 =	simm.s32 $0x0  }
0x13b: {  	s9 =	sand.u32 $0xC, s7  }
0x13c: {  	v1 =	vadd.s32 s9, v0;
	s10 =	sor.u32 $0x1, s9;
	s11 =	sor.u32 $0x2, s9;
	s9 =	sor.u32 $0x3, s9  }
0x13d: {  	s17 =	simm.s32 $0x0;
	s7 =	sand.u32 $0x30, s7;
	v3 =	vadd.s32 s9, v0  }
0x13e: {  	s19 =	sand.u32 $0x10, s17;
	v7 =	vor.u32 s7, v0;
	v3 =	vand.u32 $0xF, v3  }
0x13f: {  	v2 =	vadd.s32 s10, v0;
	v4 =	vadd.s32 s11, v0;
	v5 =	vor.u32 s19, v3  }
0x140: {  	s17 =	simm.s32 $0x4;
	v6 =	vand.u32 $0xF, v1;
	v2 =	vand.u32 $0xF, v2;
	v8 =	vshll.u32 v5, $0x7  }
0x141: {  	s10 =	rddreg [dreg:$0x9];
	s11 =	sand.u32 $0xC, s17;
	v4 =	vand.u32 $0xF, v4;
	v1 =	vor.u32 s19, v2;
	v8 =	vor.u32 v7, v8  }
0x142: {  	[tilespmem:s0], [sflag:$0x5] =	stream.strided.gather [hbm4b:s10+s21], $0x1000, s22, s21, $0x38;
	v12 =	vadd.s32 s11, v0;
	v3 =	vor.u32 s19, v4;
	v4 =	vshll.u32 v1, $0x7;
	[tilespmem:$0x5800] =	vst v63  }
0x143: {  	v2 =	vor.u32 s19, v6;
	_ =	swait.ge [sflag:s31], $0x1000;
	s19 =	sor.u32 $0x3, s11;
	v6 =	vshll.u32 v3, $0x7;
	v11 =	vor.u32 v7, v4  }
0x144: {  	s18 =	sor.u32 $0x1, s11;
	v9 =	vshll.u32 v2, $0x7;
	[sflag:s31] =	ssyncset.done $0x0;
	v10 =	vadd.s32 s19, v0;
	v6 =	vor.u32 v7, v6  }
0x145: {  	s7 =	sor.u32 $0x2, s11;
	v14 =	vor.u32 v7, v9;
	v9 =	vadd.s32 s18, v0;
	v4 =	vshll.u32 v7, $0x5;
	s18 =	simm.s32 $0x1;
	[sflag:s31] =	ssyncadd.s32 $0xFFFFF000  }
0x146: {  	v13 =	vadd.s32 s7, v0;
	v15 =	vand.u32 $0xF, v10;
	s11 =	sand.u32 $0x10, s18;
	v10 =	vor.u32 v4, v5;
	v7 =	vld.idx.msk [tilespmem:v8+s0+$0x0], $0xffff  }
0x147: {  	v16 =	vand.u32 $0xF, v12;
	s19 =	sand.u32 $0x30, s17;
	v13 =	vand.u32 $0xF, v13;
	v5 =	vor.u32 s11, v15  }
0x148: {  	v17 =	vshll.u32 v5, $0x7;
	v8 =	vand.u32 $0xF, v9;
	v9 =	vld.idx.msk [tilespmem:v11+s0+$0x0], $0xffff;
	v11 =	vor.u32 s19, v0  }
0x149: {  	v12 =	vor.u32 s11, v13;
	v6 =	vld.idx.msk [tilespmem:v6+s0+$0x0], $0xffff;
	v15 =	vor.u32 s11, v8;
	v13 =	vor.u32 v11, v17  }
0x14a: {  	v8 =	vld.idx.msk [tilespmem:v14+s0+$0x0], $0xffff;
	v14 =	vor.u32 s11, v16;
	v16 =	vshll.u32 v12, $0x7;
	v17 =	vshll.u32 v15, $0x7  }
.LBB2_21:
0x14b: {  	s17 =	sadd.s32 $0x4, s17;
	v18 =	vshll.u32 v14, $0x7;
	v17 =	vor.u32 v11, v17;
	v16 =	vor.u32 v11, v16;
	[tilespmem:v10+s2+$0x0] =	vst.idx.msk $0xffff, v7  }
0x14c: {  	v19 =	vor.u32 v4, v1;
	v20 =	vor.u32 v4, v3;
	v1 =	vmovc v15;
	s7 =	sand.u32 $0xC, s17;
	p2 =	slt.u32 s17, $0x7C;
	v18 =	vor.u32 v11, v18  }
0x14d: {  	v21 =	vor.u32 v4, v2;
	v3 =	vmovc v12;
	v2 =	vmovc v14;
	v22 =	vmov v9;
	v15 =	vadd.s32 s7, v0;
	s9 =	sor.u32 $0x1, s7;
	s10 =	sor.u32 $0x2, s7;
	s7 =	sor.u32 $0x3, s7  }
0x14e: {  	v4 =	vshll.u32 v11, $0x5;
	s18 =	sadd.s32 $0x1, s18;
	v14 =	vmovc v6;
	v9 =	vadd.s32 s9, v0;
	v10 =	vadd.s32 s7, v0;
	v7 =	vld.idx.msk [tilespmem:v13+s0+$0x0], $0xffff  }
.Ltmp12:
0x14f: {  	s7 =	sand.u32 $0x10, s18;
	v6 =	vadd.s32 s10, v0;
	v23 =	vmovc v8;
	v11 =	vand.u32 $0xF, v10;
	v10 =	vor.u32 v4, v5;
	(pc) =	sbr.rel @p2 .LBB2_21-.Ltmp12, $4  }
0x150: {  	s9 =	sand.u32 $0x30, s17;
	v8 =	vand.u32 $0xF, v9;
	v12 =	vand.u32 $0xF, v6;
	v5 =	vor.u32 s7, v11;
	v9 =	vld.idx.msk [tilespmem:v17+s0+$0x0], $0xffff  }
0x151: {  	v17 =	vand.u32 $0xF, v15;
	v11 =	vor.u32 s9, v0;
	v13 =	vshll.u32 v5, $0x7;
	v6 =	vld.idx.msk [tilespmem:v16+s0+$0x0], $0xffff;
	[tilespmem:v19+s2+$0x0] =	vst.idx.msk $0xffff, v22  }
0x152: {  	v15 =	vor.u32 s7, v8;
	v12 =	vor.u32 s7, v12;
	v13 =	vor.u32 v11, v13;
	v8 =	vld.idx.msk [tilespmem:v18+s0+$0x0], $0xffff;
	[tilespmem:v20+s2+$0x0] =	vst.idx.msk $0xffff, v14  }
0x153: {  	v16 =	vshll.u32 v12, $0x7;
	v14 =	vor.u32 s7, v17;
	v17 =	vshll.u32 v15, $0x7;
	[tilespmem:v21+s2+$0x0] =	vst.idx.msk $0xffff, v23  }
0x154: {  	v17 =	vor.u32 v11, v17  }
0x155: {  	v18 =	vshll.u32 v14, $0x7;
	v16 =	vor.u32 v11, v16;
	v1 =	vor.u32 v4, v1  }
0x156: {  	v3 =	vor.u32 v4, v3;
	v18 =	vor.u32 v11, v18  }
0x157: {  	v2 =	vor.u32 v4, v2;
	v58 =	vshll.u32 v11, $0x5  }
0x158: {  	v59 =	vld.idx.msk [tilespmem:v13+s0+$0x0], $0xffff;
	v5 =	vor.u32 v58, v5  }
0x159: {  	[tilespmem:v10+s2+$0x0] =	vst.idx.msk $0xffff, v7;
	v61 =	vor.u32 v58, v15;
	v60 =	vld.idx.msk [tilespmem:v17+s0+$0x0], $0xffff  }
0x15a: {  	v62 =	vld.idx.msk [tilespmem:v16+s0+$0x0], $0xffff;
	[tilespmem:v1+s2+$0x0] =	vst.idx.msk $0xffff, v9;
	v1 =	vor.u32 v58, v12  }
0x15b: {  	[tilespmem:v3+s2+$0x0] =	vst.idx.msk $0xffff, v6;
	v3 =	vor.u32 v58, v14;
	v63 =	vld.idx.msk [tilespmem:v18+s0+$0x0], $0xffff  }
0x15c: {  	[tilespmem:v2+s2+$0x0] =	vst.idx.msk $0xffff, v8  }
0x15d: {  	[tilespmem:v5+s2+$0x0] =	vst.idx.msk $0xffff, v59  }
0x15e: {  	[tilespmem:v61+s2+$0x0] =	vst.idx.msk $0xffff, v60  }
0x15f: {  	[tilespmem:v1+s2+$0x0] =	vst.idx.msk $0xffff, v62  }
0x160: {  	[tilespmem:v3+s2+$0x0] =	vst.idx.msk $0xffff, v63  }
.Ltmp13:
0x161: {  	s7 =	rddreg [dreg:$0xa];
	(pc) =	sbr.rel .LBB2_23-.Ltmp13, $4  }
0x162: {  	[hbm4b:s7+s3] =	stream.linear.scatter [tilespmem:s2], [sflag:$0x5], $0x800, $0x38;
	[tilespmem:$0x5800] =	vst v63  }
0x163: {  	_ =	swait.ge [sflag:s31], $0x800  }
0x164: {  	[sflag:s31] =	ssyncset.done $0x0  }
0x165: {  	[sflag:s31] =	ssyncadd.s32 $0xFFFFF800  }
.LBB2_24:
0x166: {  	_ =	sfence.sel $0x180000  }
0x167: {  	[bflag:$0x0] =	sbarrier.arrive $0xFFFF  }
0x168: {  	_ =	strace $0x90000047  }
0x169: {  	s0 =	stileid.u32;
	[bflag:$0x2] =	sbarrier.arrive $0xFFFF  }
0x16a: {  	p0 =	sne.s32 s0, $0x0;
	s0 =	rddreg [dreg:$0x2]  }
0x16b: {  	s0 =	sadd.s32 @!p0 $0x100000, s0  }
0x16c: {  	[sflag:s0] =	ssyncadd.tile.s32 @!p0 $0x1;
	_ =	shalt  }
.Lfunc_end2:
_tile_overlayer_lowered:
.L_overlay_start_2:
0x16d: {  	(tag) =	ssettag $0x2  }
0x16e: {  	s0 =	rddreg [dreg:$0x0];
	s2 =	stileid.u32  }
0x16f: {  	s1 =	rddreg [dreg:$0x1];
	p0 =	sne.s32 s2, $0x0  }
0x170: {  	s3 =	rddreg [dreg:$0x2];
	[bflag:$0x3] =	sbarrier.arrive $0xFFFF;
	s2 =	simm.s32 @!p0 $0x1C05  }
0x171: {  	[timem:s3], [sflag:s2] =	dma.local @!p0 [hbm:s0], s1  }
0x172: {  	s0 =	simm.s32 @!p0 $0x5  }
0x173: {  	_ =	swait.ge @!p0 [sflag:s0], s1  }
0x174: {  	s1 =	ssub.s32 @!p0 $0x0, s1;
	[sflag:s0] =	ssyncset.done @!p0 $0x0  }
0x175: {  	[sflag:s0] =	ssyncadd.s32 @!p0 s1  }
0x176: {  	[bflag:$0x3] =	sbarrier.arrive $0xFFFF  }
0x177: {  	_ =	shalt  }

// kernel: kernel.7.cloned.1.call-start
scs
__scs_entry_jumppad:
0x0: {  	(pc) =	sbr.rel $0x88, $3  }
0x1: {  	(tag) =	ssettag $0x0;
	lr =	simm.s32 $0x1  }
0x2: {  	[smem:$0x3F9F] =	sst lr;
	_ =	strace $0xD0000000  }
0x3: {  	_ = 	snop  }
0x4: {  	_ = 	snop  }
0x5: {  	_ = 	snop  }
0x6: {  	_ = 	snop  }
0x7: {  	_ = 	snop  }
__scs_overlays_trampoline_lowered:
0x8: {  	[smem:$0x3FAE] =	sst s0  }
0x9: {  	[smem:$0x3FAF] =	sst s1  }
0xa: {  	[smem:$0x3FB0] =	sst s2  }
0xb: {  	[smem:$0x3FB1] =	sst s3  }
0xc: {  	[smem:$0x3FB2] =	sst s4  }
0xd: {  	[smem:$0x3FB3] =	sst s5  }
0xe: {  	[smem:$0x3FB4] =	sst s6  }
0xf: {  	[smem:$0x3FB5] =	sst s7  }
0x10: {  	[smem:$0x3FB6] =	sst s8  }
0x11: {  	[smem:$0x3FB7] =	sst s9;
	s0 =	simm.s32 @!p0 $0x0  }
0x12: {  	s1 =	sld [smem:$0x3F9D];
	s0 =	simm.s32 @p0 $0x1  }
0x13: {  	[smem:$0x3FB8] =	sst s0;
	s0 =	simm.s32 @!p1 $0x0  }
0x14: {  	s2 =	sld [smem:$0x3F9C];
	s0 =	simm.s32 @p1 $0x1  }
0x15: {  	[smem:$0x3FB9] =	sst s0;
	s0 =	simm.s32 @!p2 $0x0  }
0x16: {  	s3 =	sld [smem:$0x3FDB];
	s0 =	simm.s32 @p2 $0x1  }
0x17: {  	s4 =	simm.s32 $0x1BF5;
	[smem:$0x3FBB] =	sst s0  }
0x18: {  	s0 =	sld [smem:$0x3F9E];
	_ =	swait.ge [sflag:s4], $0x0  }
0x19: {  	s7 =	sld [smem:$0x3F9F]  }
0x1a: {  	s8 =	sadd.s32 $0xFFFFE003, lr  }
0x1b: {  	s9 =	sadd.s32 $0xFFFFFEF7, lr;
	s5 =	simm.s32 $0xFFFFFFFF;
	p2 =	slt.u32 s8, $0xFFFFF086  }
0x1c: {  	p1 =	slt.u32 s9, $0xF7A;
	s5 =	simm.s32 @!p2 $0x0  }
0x1d: {  	s5 =	simm.s32 @p1 $0x1;
	p0 =	seq.s32 s7, s2  }
0x1e: {  	s7 =	smul.u32 @!p0 $0xF7A, s2;
	p2 =	seq.s32 @!p0 s5, $0x0  }
0x1f: {  	s9 =	smul.u32 $0xF7A, s1;
	s8 =	simm.s32 @!p0 $0x1BF5;
	p2 =	por !p2, p0  }
0x20: {  	[sflag:s8] =	ssyncset.s32 @!p0 $0xFFFFF086;
	s6 =	sadd.s32 @!p0 s3, s7;
	s7 =	simm.s32 @!p0 $0x108  }
0x21: {  	s3 =	sadd.s32 s3, s9;
	s6 =	sadd.s32 @!p0 $0x88, s6;
	s7 =	simm.s32 @p2 $0x1082  }
0x22: {  	[simem:s7], [sflag:s8] =	dma.local @!p0 [hbm:s6], $0xF7A  }
0x23: {  	s9 =	sor.u32 $0xD0000000, s2;
	s6 =	simm.s32 $0x108;
	_ =	swait.ge @!p0 [sflag:s8], $0x0  }
0x24: {  	s3 =	sadd.s32 $0x88, s3;
	s6 =	simm.s32 @!p1 $0x1082;
	[sflag:s4] =	ssyncset.s32 $0xFFFFF086  }
0x25: {  	[simem:s6], [sflag:s4] =	dma.local [hbm:s3], $0xF7A  }
0x26: {  	[smem:$0x3F9F] =	sst s1;
	(tag) =	ssettag s2;
	_ =	strace s9  }
0x27: {  	s1 =	sld [smem:$0x3FAF]  }
0x28: {  	s2 =	sld [smem:$0x3FB0]  }
0x29: {  	s4 =	sld [smem:$0x3FB2]  }
0x2a: {  	p0 =	seq.s32 s5, $0x0;
	s5 =	sld [smem:$0x3FB3]  }
0x2b: {  	s6 =	sld [smem:$0x3FB4]  }
0x2c: {  	s7 =	sld [smem:$0x3FB5]  }
0x2d: {  	s3 =	simm.s32 $0x108;
	s8 =	sld [smem:$0x3FB6]  }
0x2e: {  	s3 =	simm.s32 @!p0 $0x1082;
	s9 =	sld [smem:$0x3FB7]  }
0x2f: {  	lr =	sadd.s32 s0, s3;
	s0 =	sld [smem:$0x3FAE]  }
0x30: {  	s3 =	sld [smem:$0x3FB1]  }
0x31: {  	[smem:$0x3FBA] =	sst s10  }
0x32: {  	s10 =	sld [smem:$0x3FB8];
	_ =	sdelay $0x3  }
0x33: {  	p0 =	seq.s32 s10, $0x1;
	s10 =	sld [smem:$0x3FBA];
	_ =	sdelay $0x3  }
0x34: {  	[smem:$0x3FBA] =	sst s10  }
0x35: {  	s10 =	sld [smem:$0x3FB9];
	_ =	sdelay $0x3  }
0x36: {  	p1 =	seq.s32 s10, $0x1;
	s10 =	sld [smem:$0x3FBA];
	_ =	sdelay $0x3  }
0x37: {  	[smem:$0x3FBA] =	sst s10  }
0x38: {  	s10 =	sld [smem:$0x3FBB]  }
0x39: {  	_ = 	snop;
	(pc) =	sbr.ind lr, $3  }
0x3a: {  	_ = 	snop  }
0x3b: {  	_ = 	snop  }
0x3c: {  	p2 =	seq.s32 s10, $0x1;
	s10 =	sld [smem:$0x3FBA]  }
0x3d: {  	_ =	shalt  }
0x3e: {  	_ =	shalt  }
0x3f: {  	_ =	shalt  }
0x40: {  	_ =	shalt  }
0x41: {  	_ =	shalt  }
0x42: {  	_ =	shalt  }
0x43: {  	_ =	shalt  }
0x44: {  	_ =	shalt  }
0x45: {  	_ =	shalt  }
0x46: {  	_ =	shalt  }
0x47: {  	_ =	shalt  }
0x48: {  	_ =	shalt  }
0x49: {  	_ =	shalt  }
0x4a: {  	_ =	shalt  }
0x4b: {  	_ =	shalt  }
0x4c: {  	_ =	shalt  }
0x4d: {  	_ =	shalt  }
0x4e: {  	_ =	shalt  }
0x4f: {  	_ =	shalt  }
0x50: {  	_ =	shalt  }
0x51: {  	_ =	shalt  }
0x52: {  	_ =	shalt  }
0x53: {  	_ =	shalt  }
0x54: {  	_ =	shalt  }
0x55: {  	_ =	shalt  }
0x56: {  	_ =	shalt  }
0x57: {  	_ =	shalt  }
0x58: {  	_ =	shalt  }
0x59: {  	_ =	shalt  }
0x5a: {  	_ =	shalt  }
0x5b: {  	_ =	shalt  }
0x5c: {  	_ =	shalt  }
0x5d: {  	_ =	shalt  }
0x5e: {  	_ =	shalt  }
0x5f: {  	_ =	shalt  }
0x60: {  	_ =	shalt  }
0x61: {  	_ =	shalt  }
0x62: {  	_ =	shalt  }
0x63: {  	_ =	shalt  }
0x64: {  	_ =	shalt  }
0x65: {  	_ =	shalt  }
0x66: {  	_ =	shalt  }
0x67: {  	_ =	shalt  }
0x68: {  	_ =	shalt  }
0x69: {  	_ =	shalt  }
0x6a: {  	_ =	shalt  }
0x6b: {  	_ =	shalt  }
0x6c: {  	_ =	shalt  }
0x6d: {  	_ =	shalt  }
0x6e: {  	_ =	shalt  }
0x6f: {  	_ =	shalt  }
0x70: {  	_ =	shalt  }
0x71: {  	_ =	shalt  }
0x72: {  	_ =	shalt  }
0x73: {  	_ =	shalt  }
0x74: {  	_ =	shalt  }
0x75: {  	_ =	shalt  }
0x76: {  	_ =	shalt  }
0x77: {  	_ =	shalt  }
0x78: {  	_ =	shalt  }
0x79: {  	_ =	shalt  }
0x7a: {  	_ =	shalt  }
0x7b: {  	_ =	shalt  }
0x7c: {  	_ =	shalt  }
0x7d: {  	_ =	shalt  }
0x7e: {  	_ =	shalt  }
0x7f: {  	_ =	shalt  }
0x80: {  	_ =	shalt  }
0x81: {  	_ =	shalt  }
0x82: {  	_ =	shalt  }
0x83: {  	_ =	shalt  }
0x84: {  	_ =	shalt  }
0x85: {  	_ =	shalt  }
0x86: {  	_ =	shalt  }
0x87: {  	_ =	shalt  }
.Lfunc_end0:
.L_simem_size_0:
called_computation.1_lowered:
.L_overlay_start_0:
0x88: {  	s2 =	sld [smem:$0x3FD9]  }
0x89: {  	s3 =	sld [smem:$0x3FFE];
	_ =	sdelay $0x1  }
0x8a: {  	s1 =	srdreg.scid  }
0x8b: {  	s0 =	sand.u32 $0x1, s1  }
0x8c: {  	s17 =	sshll.u32 s0, $0xA;
	s2 =	sadd.s32 s3, s2  }
0x8d: {  	s2 =	sadd.s32 s2, s17  }
0x8e: {  	[smem:$0x3FC6] =	sst s2  }
0x8f: {  	_ = 	snop  }
0x90: {  	s2 =	sld [smem:$0x3FD0];
	(tm) =	ssettm $0x1  }
0x91: {  	s18 =	sld [smem:$0x3FFB];
	_ =	sdelay $0x3  }
0x92: {  	_ =	strace s18  }
0x93: {  	s3 =	sld [smem:$0x3FFC];
	_ =	sdelay $0x3  }
0x94: {  	_ =	strace s3  }
0x95: {  	s3 =	sld [smem:$0x3FFD];
	_ =	sdelay $0x3  }
0x96: {  	_ =	strace s3  }
0x97: {  	_ =	strace $0x8FFFFFFF  }
0x98: {  	s19 =	sld [smem:$0x3FDB];
	_ =	sdelay $0x1  }
0x99: {  	s4 =	simm.s32 $_scs_section_size  }
0x9a: {  	s5 =	simm.s32 $_size__tile_overlayer_lowered;
	s6 =	simm.s32 $_tile_overlayer_lowered  }
0x9b: {  	s22 =	simm.s32 $0x1BFF;
	s21 =	sshll.u32 s6, $0x1;
	s3 =	sadd.s32 s4, s19  }
0x9c: {  	s7 =	simm.s32 $0x0;
	s20 =	sshll.u32 s5, $0x1;
	s5 =	sadd.s32 s21, s3  }
0x9d: {  	[timem:s7], [sflag:s22] =	dma.local [hbm:s5], s20  }
0x9e: {  	_ =	swait.ge [sflag:s22], s20  }
0x9f: {  	s4 =	ssub.s32 $0x0, s20;
	[sflag:s22] =	ssyncset.done $0x0  }
0xa0: {  	[sflag:s22] =	ssyncadd.s32 s4;
	_ =	sdelay $0x1  }
0xa1: {  	s23 =	simm.s32 $0x1B8B  }
0xa2: {  	_ =	swait.ge [sflag:s23], $0x1  }
0xa3: {  	[sflag:s23] =	ssyncset.done $0x0  }
0xa4: {  	s25 =	simm.s32 $0x1B8E;
	s24 =	sld [smem:$0x3FFE];
	[sflag:s23] =	ssyncadd.s32 $0xFFFFFFFF  }
0xa5: {  	s26 =	simm.s32 $execute0_lowered;
	[smem:$0x3FD2] =	sst s25  }
0xa6: {  	s5 =	sshll.u32 s26, $0x1;
	_ =	strace $0x80000049;
	[dreg:$0x1] =	wrdreg $0xFFFFFFFF  }
0xa7: {  	s28 =	simm.s32 $_size_execute0_lowered;
	s3 =	sadd.s32 s3, s5;
	[dreg:$0x0] =	wrdreg $0x0  }
0xa8: {  	s5 =	sshll.u32 s28, $0x1;
	[dreg:$0x2] =	wrdreg s3  }
0xa9: {  	[dreg:$0x3] =	wrdreg s5  }
0xaa: {  	[dreg:$0x4] =	wrdreg $0xC0  }
0xab: {  	_ =	task [dreg:s7], $0x5FFFF  }
0xac: {  	[dreg:$0x1] =	wrdreg $0xFFFFFFFF  }
0xad: {  	[dreg:$0x0] =	wrdreg $0x60  }
0xae: {  	[dreg:$0x2] =	wrdreg s24  }
0xaf: {  	[dreg:$0x3] =	wrdreg s2  }
0xb0: {  	[dreg:$0x4] =	wrdreg $0x9  }
0xb1: {  	_ =	task.clear_ibuf [dreg:s7], $0x5FFFF;
	_ =	strace $0x90000049  }
0xb2: {  	s29 =	simm.s32 $0x9;
	_ =	strace $0x8000004B  }
0xb3: {  	_ =	swait.ge [sflag:s29], $0x1  }
0xb4: {  	[sflag:s29] =	ssyncadd.s32 $0xFFFFFFFF  }
0xb5: {  	_ =	strace $0x9000004B  }
0xb6: {  	_ =	sfence  }
0xb7: {  	s30 =	sld [smem:$0x0];
	_ =	sdelay $0x2  }
0xb8: {  	s31 =	sshll.u32 s1, $0xD;
	s1 =	sshrl.u32 s1, $0x2  }
0xb9: {  	s3 =	sand.u32 $0x4000, s31;
	s1 =	sadd.s32 s1, s30  }
0xba: {  	s0 =	sor.u32 s3, s0;
	s1 =	sshll.u32 s1, $0x11  }
0xbb: {  	s0 =	sor.u32 s1, s0  }
0xbc: {  	s0 =	sadd.s32 $0x8F2B, s0  }
0xbd: {  	[sflag:s0] =	ssyncadd.remote.s32 $0x1  }
0xbe: {  	_ =	sfence.sel $0xFFFF  }
0xbf: {  	[dreg:$0x0] =	wrdreg $0xFFFFFFFF;
	(pc) =	sbr.abs _section_cstart, $3  }
0xc0: {  	[dreg:$0x1] =	wrdreg $0xFFFFFFFF  }
0xc1: {  	_ =	task.clear_ibuf [dreg:s7], $0x2FFFF;
	_ =	strace $0x9FFFFFFF  }
0xc2: {  	(tm) =	ssettm $0x7FFFFFFF  }
0xc3: {  	_ =	shalt  }
tec
execute0_lowered:
.L_overlay_start_1:
0x0: {  	(tag) =	ssettag $0x1  }
0x1: {  	v0 =	vlaneseq.u32  }
0x2: {  	v1 =	vmul.u32 $0x68, v0;
	_ =	sdelay $0x1  }
0x3: {  	v2 =	vadd.s32 $0x680, v1  }
0x4: {  	[tilespmem:$0x1FE20] =	vst v2;
	v2 =	vor.u32 $0x10, v0  }
0x5: {  	[tilespmem:$0x1FE30] =	vst v2;
	v2 =	vadd.s32 $0xD00, v1  }
0x6: {  	[tilespmem:$0x1FE40] =	vst v2;
	v2 =	vor.u32 $0x20, v0  }
0x7: {  	s0 =	srdreg.scid;
	s2 =	stileid.u32;
	[tilespmem:$0x1FE50] =	vst v2;
	v2 =	vadd.s32 $0x1380, v1  }
0x8: {  	s0 =	sand.u32 $0x1, s0;
	s3 =	sshll.u32 s2, $0x1;
	[tilespmem:$0x1FE60] =	vst v2;
	v2 =	vor.u32 $0x30, v0  }
0x9: {  	s1 =	rddreg [dreg:$0x0];
	s5 =	sor.u32 s0, s3;
	[tilespmem:$0x1FE70] =	vst v2;
	v2 =	vadd.s32 $0x1A00, v1  }
0xa: {  	s2 =	rddreg [dreg:$0x1];
	s3 =	simm.s32 $0x0;
	s4 =	smul.u32 $0x1A00, s5;
	[tilespmem:$0x1FE80] =	vst v2;
	v2 =	vadd.s32 $0x2080, v1  }
0xb: {  	s0 =	ssub.s32 $0x2, s0;
	s8 =	sadd.s32 $0x4000, s2;
	s9 =	sadd.s32 $0x8000, s2;
	[tilespmem:$0x1FE90] =	vst v2;
	v2 =	vadd.s32 $0x2700, v1  }
0xc: {  	s12 =	sadd.s32 $0xC000, s2;
	[smem:$0x7FF] =	sst s3;
	s6 =	sadd.s32 s4, s1;
	[tilespmem:$0x1FEA0] =	vst v2;
	v2 =	vadd.s32 $0x2D80, v1  }
0xd: {  	s13 =	sshrl.u32 s0, $0x1;
	s14 =	sshll.u32 s5, $0x9;
	s6 =	sadd.s32 $0x3D1400, s6;
	[tilespmem:$0x1FEB0] =	vst v2;
	v2 =	vadd.s32 $0x3400, v1  }
0xe: {  	s7 =	sadd.s32 s14, s8;
	_ =	strace $0x8000004A;
	[tilespmem:$0x1FEC0] =	vst v2;
	v2 =	vadd.s32 $0x3A80, v1;
	[dreg:$0x3] =	wrdreg s6  }
0xf: {  	s0 =	ssub.s32 s0, s13;
	s15 =	sadd.s32 s14, s9;
	[dreg:$0x5] =	wrdreg s7;
	[tilespmem:$0x1FED0] =	vst v2;
	v2 =	vadd.s32 $0x4100, v1  }
0x10: {  	s4 =	sadd.s32 $0xA00, s1;
	s1 =	sadd.s32 s14, s12;
	[dreg:$0x6] =	wrdreg s15;
	[tilespmem:$0x1FEE0] =	vst v2;
	v2 =	vadd.s32 $0x4780, v1  }
0x11: {  	s0 =	smax.u32 s0, $0x1;
	[dreg:$0x7] =	wrdreg s1;
	[tilespmem:$0x1FEF0] =	vst v2;
	v2 =	vadd.s32 $0x4E00, v1  }
0x12: {  	v9 =	vor.u32 $0x40, v0;
	v11 =	vor.u32 $0x50, v0;
	s6 =	sshll.u32 s5, $0xC;
	s5 =	sadd.s32 s2, s14;
	[dreg:$0x13] =	wrdreg s0;
	[tilespmem:$0x1FF00] =	vst v2;
	v2 =	vadd.s32 $0x5480, v1  }
0x13: {  	v13 =	vor.u32 $0x60, v0;
	v15 =	vor.u32 $0x70, v0;
	s16 =	sadd.s32 $0x10000, s5;
	[dreg:$0x4] =	wrdreg s5;
	[tilespmem:$0x1FF10] =	vst v2;
	v2 =	vadd.s32 $0x5B00, v1  }
0x14: {  	v17 =	vor.u32 $0x80, v0;
	v19 =	vor.u32 $0x90, v0;
	s17 =	sadd.s32 $0x14000, s5;
	[dreg:$0x8] =	wrdreg s16;
	[tilespmem:$0x1FF20] =	vst v2;
	v2 =	vadd.s32 $0x6180, v1  }
0x15: {  	v21 =	vor.u32 $0xA0, v0;
	v23 =	vor.u32 $0xB0, v0;
	s18 =	sadd.s32 $0x18000, s5;
	[dreg:$0x9] =	wrdreg s17;
	[tilespmem:$0x1FF30] =	vst v2;
	v2 =	vor.u32 $0x6800, v1  }
0x16: {  	v25 =	vor.u32 $0xC0, v0;
	v27 =	vor.u32 $0xD0, v0;
	s19 =	sadd.s32 $0x1C000, s5;
	[dreg:$0xa] =	wrdreg s18;
	[tilespmem:$0x1FF40] =	vst v2;
	v2 =	vadd.s32 $0x6E80, v1  }
0x17: {  	v29 =	vor.u32 $0xE0, v0;
	v31 =	vor.u32 $0xF0, v0;
	s20 =	sadd.s32 $0x620000, s5;
	[dreg:$0xb] =	wrdreg s19;
	[tilespmem:$0x1FF50] =	vst v2;
	v2 =	vadd.s32 $0x7500, v1  }
0x18: {  	s29 =	simm.s32 $0xD000;
	v33 =	vor.u32 $0x100, v0;
	v35 =	vor.u32 $0x110, v0;
	s21 =	sadd.s32 $0x624000, s5;
	[dreg:$0xc] =	wrdreg s20;
	[tilespmem:$0x1FF60] =	vst v2;
	v2 =	vadd.s32 $0x7B80, v1  }
0x19: {  	s30 =	simm.s32 $0x200;
	v37 =	vor.u32 $0x120, v0;
	v39 =	vor.u32 $0x130, v0;
	s22 =	sadd.s32 $0x628000, s5;
	[dreg:$0xd] =	wrdreg s21;
	[tilespmem:$0x1FF70] =	vst v2;
	v2 =	vadd.s32 $0x8200, v1  }
0x1a: {  	s31 =	simm.s32 $0xD400;
	v41 =	vor.u32 $0x140, v0;
	v43 =	vor.u32 $0x150, v0;
	s23 =	sadd.s32 $0x62C000, s5;
	[dreg:$0xe] =	wrdreg s22;
	[tilespmem:$0x1FF80] =	vst v2;
	v2 =	vadd.s32 $0x8880, v1  }
0x1b: {  	s10 =	simm.s32 $0x15400;
	v45 =	vor.u32 $0x160, v0;
	v47 =	vor.u32 $0x170, v0;
	s24 =	sadd.s32 $0x630000, s5;
	[dreg:$0xf] =	wrdreg s23;
	[tilespmem:$0x1FF90] =	vst v2;
	v2 =	vadd.s32 $0x8F00, v1  }
0x1c: {  	s11 =	simm.s32 $0x0;
	v49 =	vor.u32 $0x180, v0;
	v51 =	vor.u32 $0x190, v0;
	s25 =	sadd.s32 $0x634000, s5;
	[dreg:$0x10] =	wrdreg s24;
	[tilespmem:$0x1FFA0] =	vst v2;
	v2 =	vadd.s32 $0x9580, v1  }
0x1d: {  	v53 =	vor.u32 $0x1A0, v0;
	v55 =	vor.u32 $0x1B0, v0;
	s1 =	simm.s32 $0xD200;
	s26 =	sadd.s32 $0x638000, s5;
	[dreg:$0x11] =	wrdreg s25;
	[tilespmem:$0x1FFB0] =	vst v2;
	v2 =	vadd.s32 $0x9C00, v1  }
0x1e: {  	v57 =	vor.u32 $0x1C0, v0;
	v59 =	vor.u32 $0x1D0, v0;
	s0 =	simm.s32 $0x11400;
	s28 =	sadd.s32 $0x63C000, s5;
	[dreg:$0x12] =	wrdreg s26;
	[tilespmem:$0x1FFC0] =	vst v2;
	v2 =	vadd.s32 $0xA280, v1  }
0x1f: {  	v61 =	vor.u32 $0x1E0, v0;
	v63 =	vor.u32 $0x1F0, v0;
	s15 =	simm.s32 $0x2;
	s5 =	simm.s32 $0x1;
	[dreg:$0x14] =	wrdreg s28;
	[tilespmem:$0x1FFD0] =	vst v2;
	v2 =	vadd.s32 $0xA900, v1  }
0x20: {  	v56 =	vadd.s32 $0xB600, v1;
	s16 =	simm.s32 $0x19400;
	s17 =	simm.s32 $0x1A400;
	s18 =	simm.s32 $0x1B400;
	[tilespmem:$0x1FFE0] =	vst v2;
	v2 =	vadd.s32 $0xAF80, v1  }
0x21: {  	v58 =	vadd.s32 $0xBC80, v1;
	v60 =	vadd.s32 $0xC300, v1;
	v62 =	vadd.s32 $0xC980, v1;
	s19 =	simm.s32 $0x1C400;
	s20 =	simm.s32 $0x3;
	s21 =	simm.s32 $0x4;
	[tilespmem:$0x1FFF0] =	vst v2  }
.LBB2_1:
0x22: {  	[dreg:$0x15] =	wrdreg s11  }
0x23: {  	s7 =	rddreg [dreg:$0x3];
	s13 =	simm.s32 $0x5  }
0x24: {  	[tilespmem:s3], [sflag:$0x5] =	stream.linear.gather [hbm4b:s7+s3], $0xD000, $0x38;
	[tilespmem:$0x1D400] =	vst v63  }
0x25: {  	_ =	swait.ge [sflag:s13], $0xD000  }
0x26: {  	[sflag:s13] =	ssyncset.done $0x0  }
0x27: {  	[sflag:s13] =	ssyncadd.s32 $0xFFFF3000  }
0x28: {  	v2 =	vld.idx.msk [tilespmem:v1+s3+$0x0], $0xffff;
	_ =	sdelay $0x4  }
0x29: {  	[tilespmem:v0+s29+$0x0] =	vst.idx.msk $0xffff, v2;
	v2 =	vld [tilespmem:$0x1FE20];
	_ =	sdelay $0x4  }
0x2a: {  	v3 =	vld [tilespmem:$0x1FE30];
	_ =	sdelay $0x2  }
0x2b: {  	v2 =	vld.idx.msk [tilespmem:v2+s3+$0x0], $0xffff;
	_ =	sdelay $0x4  }
0x2c: {  	[tilespmem:v3+s29+$0x0] =	vst.idx.msk $0xffff, v2;
	v2 =	vld [tilespmem:$0x1FE40];
	_ =	sdelay $0x4  }
0x2d: {  	v5 =	vld [tilespmem:$0x1FE50];
	_ =	sdelay $0x2  }
0x2e: {  	v2 =	vld.idx.msk [tilespmem:v2+s3+$0x0], $0xffff;
	_ =	sdelay $0x4  }
0x2f: {  	[tilespmem:v5+s29+$0x0] =	vst.idx.msk $0xffff, v2;
	v2 =	vld [tilespmem:$0x1FE60];
	_ =	sdelay $0x4  }
0x30: {  	v6 =	vld [tilespmem:$0x1FE70];
	_ =	sdelay $0x2  }
0x31: {  	v2 =	vld.idx.msk [tilespmem:v2+s3+$0x0], $0xffff;
	_ =	sdelay $0x4  }
0x32: {  	[tilespmem:v6+s29+$0x0] =	vst.idx.msk $0xffff, v2;
	v2 =	vld [tilespmem:$0x1FE80];
	_ =	sdelay $0x7  }
0x33: {  	v2 =	vld.idx.msk [tilespmem:v2+s3+$0x0], $0xffff;
	_ =	sdelay $0x4  }
0x34: {  	[tilespmem:v9+s29+$0x0] =	vst.idx.msk $0xffff, v2;
	v2 =	vld [tilespmem:$0x1FE90];
	_ =	sdelay $0x7  }
0x35: {  	v2 =	vld.idx.msk [tilespmem:v2+s3+$0x0], $0xffff;
	_ =	sdelay $0x4  }
0x36: {  	[tilespmem:v11+s29+$0x0] =	vst.idx.msk $0xffff, v2;
	v2 =	vld [tilespmem:$0x1FEA0];
	_ =	sdelay $0x7  }
0x37: {  	v2 =	vld.idx.msk [tilespmem:v2+s3+$0x0], $0xffff;
	_ =	sdelay $0x4  }
0x38: {  	[tilespmem:v13+s29+$0x0] =	vst.idx.msk $0xffff, v2;
	v2 =	vld [tilespmem:$0x1FEB0];
	_ =	sdelay $0x7  }
0x39: {  	v2 =	vld.idx.msk [tilespmem:v2+s3+$0x0], $0xffff;
	_ =	sdelay $0x4  }
0x3a: {  	[tilespmem:v15+s29+$0x0] =	vst.idx.msk $0xffff, v2;
	v2 =	vld [tilespmem:$0x1FEC0];
	_ =	sdelay $0x7  }
0x3b: {  	v2 =	vld.idx.msk [tilespmem:v2+s3+$0x0], $0xffff;
	_ =	sdelay $0x4  }
0x3c: {  	[tilespmem:v17+s29+$0x0] =	vst.idx.msk $0xffff, v2;
	v2 =	vld [tilespmem:$0x1FED0];
	_ =	sdelay $0x7  }
0x3d: {  	v2 =	vld.idx.msk [tilespmem:v2+s3+$0x0], $0xffff;
	_ =	sdelay $0x4  }
0x3e: {  	[tilespmem:v19+s29+$0x0] =	vst.idx.msk $0xffff, v2;
	v2 =	vld [tilespmem:$0x1FEE0];
	_ =	sdelay $0x7  }
0x3f: {  	v2 =	vld.idx.msk [tilespmem:v2+s3+$0x0], $0xffff;
	_ =	sdelay $0x4  }
0x40: {  	[tilespmem:v21+s29+$0x0] =	vst.idx.msk $0xffff, v2;
	v2 =	vld [tilespmem:$0x1FEF0];
	_ =	sdelay $0x7  }
0x41: {  	v2 =	vld.idx.msk [tilespmem:v2+s3+$0x0], $0xffff;
	_ =	sdelay $0x4  }
0x42: {  	[tilespmem:v23+s29+$0x0] =	vst.idx.msk $0xffff, v2;
	v2 =	vld [tilespmem:$0x1FF00];
	_ =	sdelay $0x7  }
0x43: {  	v2 =	vld.idx.msk [tilespmem:v2+s3+$0x0], $0xffff;
	_ =	sdelay $0x4  }
0x44: {  	[tilespmem:v25+s29+$0x0] =	vst.idx.msk $0xffff, v2;
	v2 =	vld [tilespmem:$0x1FF10];
	_ =	sdelay $0x7  }
0x45: {  	v2 =	vld.idx.msk [tilespmem:v2+s3+$0x0], $0xffff;
	_ =	sdelay $0x4  }
0x46: {  	[tilespmem:v27+s29+$0x0] =	vst.idx.msk $0xffff, v2;
	v2 =	vld [tilespmem:$0x1FF20];
	_ =	sdelay $0x7  }
0x47: {  	v2 =	vld.idx.msk [tilespmem:v2+s3+$0x0], $0xffff;
	_ =	sdelay $0x4  }
0x48: {  	[tilespmem:v29+s29+$0x0] =	vst.idx.msk $0xffff, v2;
	v2 =	vld [tilespmem:$0x1FF30];
	_ =	sdelay $0x7  }
0x49: {  	v2 =	vld.idx.msk [tilespmem:v2+s3+$0x0], $0xffff;
	_ =	sdelay $0x4  }
0x4a: {  	[tilespmem:v31+s29+$0x0] =	vst.idx.msk $0xffff, v2;
	v2 =	vld [tilespmem:$0x1FF40];
	_ =	sdelay $0x7  }
0x4b: {  	v2 =	vld.idx.msk [tilespmem:v2+s3+$0x0], $0xffff;
	_ =	sdelay $0x4  }
0x4c: {  	[tilespmem:v33+s29+$0x0] =	vst.idx.msk $0xffff, v2;
	v2 =	vld [tilespmem:$0x1FF50];
	_ =	sdelay $0x7  }
0x4d: {  	v2 =	vld.idx.msk [tilespmem:v2+s3+$0x0], $0xffff;
	_ =	sdelay $0x4  }
0x4e: {  	[tilespmem:v35+s29+$0x0] =	vst.idx.msk $0xffff, v2;
	v2 =	vld [tilespmem:$0x1FF60];
	_ =	sdelay $0x7  }
0x4f: {  	v2 =	vld.idx.msk [tilespmem:v2+s3+$0x0], $0xffff;
	_ =	sdelay $0x4  }
0x50: {  	[tilespmem:v37+s29+$0x0] =	vst.idx.msk $0xffff, v2;
	v2 =	vld [tilespmem:$0x1FF70];
	_ =	sdelay $0x7  }
0x51: {  	v2 =	vld.idx.msk [tilespmem:v2+s3+$0x0], $0xffff;
	_ =	sdelay $0x4  }
0x52: {  	[tilespmem:v39+s29+$0x0] =	vst.idx.msk $0xffff, v2;
	v2 =	vld [tilespmem:$0x1FF80];
	_ =	sdelay $0x7  }
0x53: {  	v2 =	vld.idx.msk [tilespmem:v2+s3+$0x0], $0xffff;
	_ =	sdelay $0x4  }
0x54: {  	[tilespmem:v41+s29+$0x0] =	vst.idx.msk $0xffff, v2;
	v2 =	vld [tilespmem:$0x1FF90];
	_ =	sdelay $0x7  }
0x55: {  	v2 =	vld.idx.msk [tilespmem:v2+s3+$0x0], $0xffff;
	_ =	sdelay $0x4  }
0x56: {  	[tilespmem:v43+s29+$0x0] =	vst.idx.msk $0xffff, v2;
	v2 =	vld [tilespmem:$0x1FFA0];
	_ =	sdelay $0x7  }
0x57: {  	v2 =	vld.idx.msk [tilespmem:v2+s3+$0x0], $0xffff;
	_ =	sdelay $0x4  }
0x58: {  	[tilespmem:v45+s29+$0x0] =	vst.idx.msk $0xffff, v2;
	v2 =	vld [tilespmem:$0x1FFB0];
	_ =	sdelay $0x7  }
0x59: {  	v2 =	vld.idx.msk [tilespmem:v2+s3+$0x0], $0xffff;
	_ =	sdelay $0x4  }
0x5a: {  	[tilespmem:v47+s29+$0x0] =	vst.idx.msk $0xffff, v2;
	v2 =	vld [tilespmem:$0x1FFC0];
	_ =	sdelay $0x7  }
0x5b: {  	v2 =	vld.idx.msk [tilespmem:v2+s3+$0x0], $0xffff;
	_ =	sdelay $0x4  }
0x5c: {  	[tilespmem:v49+s29+$0x0] =	vst.idx.msk $0xffff, v2;
	v2 =	vld [tilespmem:$0x1FFD0];
	_ =	sdelay $0x7  }
0x5d: {  	v2 =	vld.idx.msk [tilespmem:v2+s3+$0x0], $0xffff;
	_ =	sdelay $0x4  }
0x5e: {  	[tilespmem:v51+s29+$0x0] =	vst.idx.msk $0xffff, v2;
	v2 =	vld [tilespmem:$0x1FFE0];
	_ =	sdelay $0x7  }
0x5f: {  	v2 =	vld.idx.msk [tilespmem:v2+s3+$0x0], $0xffff;
	_ =	sdelay $0x4  }
0x60: {  	[tilespmem:v53+s29+$0x0] =	vst.idx.msk $0xffff, v2;
	v2 =	vld [tilespmem:$0x1FFF0];
	_ =	sdelay $0x7  }
0x61: {  	v2 =	vld.idx.msk [tilespmem:v2+s3+$0x0], $0xffff;
	_ =	sdelay $0x4  }
0x62: {  	[tilespmem:v55+s29+$0x0] =	vst.idx.msk $0xffff, v2  }
0x63: {  	v2 =	vld.idx.msk [tilespmem:v56+s3+$0x0], $0xffff;
	_ =	sdelay $0x4  }
0x64: {  	[tilespmem:v57+s29+$0x0] =	vst.idx.msk $0xffff, v2  }
0x65: {  	v2 =	vld.idx.msk [tilespmem:v58+s3+$0x0], $0xffff;
	_ =	sdelay $0x4  }
0x66: {  	[tilespmem:v59+s29+$0x0] =	vst.idx.msk $0xffff, v2  }
0x67: {  	v2 =	vld.idx.msk [tilespmem:v60+s3+$0x0], $0xffff;
	_ =	sdelay $0x4  }
0x68: {  	[tilespmem:v61+s29+$0x0] =	vst.idx.msk $0xffff, v2  }
0x69: {  	v2 =	vld.idx.msk [tilespmem:v62+s3+$0x0], $0xffff;
	_ =	sdelay $0x1  }
0x6a: {  	v4 =	vor.u32 $0x1, v1;
	_ =	sdelay $0x2  }
0x6b: {  	[tilespmem:v63+s29+$0x0] =	vst.idx.msk $0xffff, v2  }
0x6c: {  	[tilespmem:s31], [sflag:$0x1] =	stream.indirect.gather [hbm4b:s4+s30], $0x20, s29, s30, $0xb8;
	[tilespmem:$0x1D400] =	vst v63  }
0x6d: {  	v2 =	vld.idx.msk [tilespmem:v4+s3+$0x0], $0xffff  }
0x6e: {  	v4 =	vadd.s32 $0x681, v1;
	_ =	sdelay $0x3  }
0x6f: {  	[tilespmem:v0+s1+$0x0] =	vst.idx.msk $0xffff, v2  }
0x70: {  	v2 =	vld.idx.msk [tilespmem:v4+s3+$0x0], $0xffff  }
0x71: {  	v4 =	vadd.s32 $0xD01, v1;
	_ =	sdelay $0x3  }
0x72: {  	[tilespmem:v3+s1+$0x0] =	vst.idx.msk $0xffff, v2  }
0x73: {  	v2 =	vld.idx.msk [tilespmem:v4+s3+$0x0], $0xffff  }
0x74: {  	v4 =	vadd.s32 $0x1381, v1;
	_ =	sdelay $0x3  }
0x75: {  	[tilespmem:v5+s1+$0x0] =	vst.idx.msk $0xffff, v2  }
0x76: {  	v2 =	vld.idx.msk [tilespmem:v4+s3+$0x0], $0xffff  }
0x77: {  	v4 =	vadd.s32 $0x1A01, v1;
	_ =	sdelay $0x3  }
0x78: {  	[tilespmem:v6+s1+$0x0] =	vst.idx.msk $0xffff, v2  }
0x79: {  	v2 =	vld.idx.msk [tilespmem:v4+s3+$0x0], $0xffff  }
0x7a: {  	v4 =	vadd.s32 $0x2081, v1;
	_ =	sdelay $0x3  }
0x7b: {  	[tilespmem:v9+s1+$0x0] =	vst.idx.msk $0xffff, v2  }
0x7c: {  	v2 =	vld.idx.msk [tilespmem:v4+s3+$0x0], $0xffff  }
0x7d: {  	v4 =	vadd.s32 $0x2701, v1;
	_ =	sdelay $0x3  }
0x7e: {  	[tilespmem:v11+s1+$0x0] =	vst.idx.msk $0xffff, v2  }
0x7f: {  	v2 =	vld.idx.msk [tilespmem:v4+s3+$0x0], $0xffff  }
0x80: {  	v4 =	vadd.s32 $0x2D81, v1;
	_ =	sdelay $0x3  }
0x81: {  	[tilespmem:v13+s1+$0x0] =	vst.idx.msk $0xffff, v2  }
0x82: {  	v2 =	vld.idx.msk [tilespmem:v4+s3+$0x0], $0xffff  }
0x83: {  	v4 =	vadd.s32 $0x3401, v1;
	_ =	sdelay $0x3  }
0x84: {  	[tilespmem:v15+s1+$0x0] =	vst.idx.msk $0xffff, v2  }
0x85: {  	v2 =	vld.idx.msk [tilespmem:v4+s3+$0x0], $0xffff  }
0x86: {  	v4 =	vadd.s32 $0x3A81, v1;
	_ =	sdelay $0x3  }
0x87: {  	[tilespmem:v17+s1+$0x0] =	vst.idx.msk $0xffff, v2  }
0x88: {  	v2 =	vld.idx.msk [tilespmem:v4+s3+$0x0], $0xffff  }
0x89: {  	v4 =	vadd.s32 $0x4101, v1;
	_ =	sdelay $0x3  }
0x8a: {  	[tilespmem:v19+s1+$0x0] =	vst.idx.msk $0xffff, v2  }
0x8b: {  	v2 =	vld.idx.msk [tilespmem:v4+s3+$0x0], $0xffff  }
0x8c: {  	v4 =	vadd.s32 $0x4781, v1;
	_ =	sdelay $0x3  }
0x8d: {  	[tilespmem:v21+s1+$0x0] =	vst.idx.msk $0xffff, v2  }
0x8e: {  	v2 =	vld.idx.msk [tilespmem:v4+s3+$0x0], $0xffff  }
0x8f: {  	v4 =	vadd.s32 $0x4E01, v1;
	_ =	sdelay $0x3  }
0x90: {  	[tilespmem:v23+s1+$0x0] =	vst.idx.msk $0xffff, v2  }
0x91: {  	v2 =	vld.idx.msk [tilespmem:v4+s3+$0x0], $0xffff  }
0x92: {  	v4 =	vadd.s32 $0x5481, v1;
	_ =	sdelay $0x3  }
0x93: {  	[tilespmem:v25+s1+$0x0] =	vst.idx.msk $0xffff, v2  }
0x94: {  	v2 =	vld.idx.msk [tilespmem:v4+s3+$0x0], $0xffff  }
0x95: {  	v4 =	vadd.s32 $0x5B01, v1;
	_ =	sdelay $0x3  }
0x96: {  	[tilespmem:v27+s1+$0x0] =	vst.idx.msk $0xffff, v2  }
0x97: {  	v2 =	vld.idx.msk [tilespmem:v4+s3+$0x0], $0xffff  }
0x98: {  	v4 =	vadd.s32 $0x6181, v1;
	_ =	sdelay $0x3  }
0x99: {  	[tilespmem:v29+s1+$0x0] =	vst.idx.msk $0xffff, v2  }
0x9a: {  	v2 =	vld.idx.msk [tilespmem:v4+s3+$0x0], $0xffff  }
0x9b: {  	v4 =	vor.u32 $0x6801, v1;
	_ =	sdelay $0x3  }
0x9c: {  	[tilespmem:v31+s1+$0x0] =	vst.idx.msk $0xffff, v2  }
0x9d: {  	v2 =	vld.idx.msk [tilespmem:v4+s3+$0x0], $0xffff  }
0x9e: {  	v4 =	vadd.s32 $0x6E81, v1;
	_ =	sdelay $0x3  }
0x9f: {  	[tilespmem:v33+s1+$0x0] =	vst.idx.msk $0xffff, v2  }
0xa0: {  	v2 =	vld.idx.msk [tilespmem:v4+s3+$0x0], $0xffff  }
0xa1: {  	v4 =	vadd.s32 $0x7501, v1;
	_ =	sdelay $0x3  }
0xa2: {  	[tilespmem:v35+s1+$0x0] =	vst.idx.msk $0xffff, v2  }
0xa3: {  	v2 =	vld.idx.msk [tilespmem:v4+s3+$0x0], $0xffff  }
0xa4: {  	v4 =	vadd.s32 $0x7B81, v1;
	_ =	sdelay $0x3  }
0xa5: {  	[tilespmem:v37+s1+$0x0] =	vst.idx.msk $0xffff, v2  }
0xa6: {  	v2 =	vld.idx.msk [tilespmem:v4+s3+$0x0], $0xffff  }
0xa7: {  	v4 =	vadd.s32 $0x8201, v1;
	_ =	sdelay $0x3  }
0xa8: {  	[tilespmem:v39+s1+$0x0] =	vst.idx.msk $0xffff, v2  }
0xa9: {  	v2 =	vld.idx.msk [tilespmem:v4+s3+$0x0], $0xffff  }
0xaa: {  	v4 =	vadd.s32 $0x8881, v1;
	_ =	sdelay $0x3  }
0xab: {  	[tilespmem:v41+s1+$0x0] =	vst.idx.msk $0xffff, v2  }
0xac: {  	v2 =	vld.idx.msk [tilespmem:v4+s3+$0x0], $0xffff  }
0xad: {  	v4 =	vadd.s32 $0x8F01, v1;
	_ =	sdelay $0x3  }
0xae: {  	[tilespmem:v43+s1+$0x0] =	vst.idx.msk $0xffff, v2  }
0xaf: {  	v2 =	vld.idx.msk [tilespmem:v4+s3+$0x0], $0xffff  }
0xb0: {  	v4 =	vadd.s32 $0x9581, v1;
	_ =	sdelay $0x3  }
0xb1: {  	[tilespmem:v45+s1+$0x0] =	vst.idx.msk $0xffff, v2  }
0xb2: {  	v2 =	vld.idx.msk [tilespmem:v4+s3+$0x0], $0xffff  }
0xb3: {  	v4 =	vadd.s32 $0x9C01, v1;
	_ =	sdelay $0x3  }
0xb4: {  	[tilespmem:v47+s1+$0x0] =	vst.idx.msk $0xffff, v2  }
0xb5: {  	v2 =	vld.idx.msk [tilespmem:v4+s3+$0x0], $0xffff  }
0xb6: {  	v4 =	vadd.s32 $0xA281, v1;
	_ =	sdelay $0x3  }
0xb7: {  	[tilespmem:v49+s1+$0x0] =	vst.idx.msk $0xffff, v2  }
0xb8: {  	v2 =	vld.idx.msk [tilespmem:v4+s3+$0x0], $0xffff  }
0xb9: {  	v4 =	vadd.s32 $0xA901, v1;
	_ =	sdelay $0x3  }
0xba: {  	[tilespmem:v51+s1+$0x0] =	vst.idx.msk $0xffff, v2  }
0xbb: {  	v2 =	vld.idx.msk [tilespmem:v4+s3+$0x0], $0xffff  }
0xbc: {  	v4 =	vadd.s32 $0xAF81, v1;
	_ =	sdelay $0x3  }
0xbd: {  	[tilespmem:v53+s1+$0x0] =	vst.idx.msk $0xffff, v2  }
0xbe: {  	v2 =	vld.idx.msk [tilespmem:v4+s3+$0x0], $0xffff  }
0xbf: {  	v4 =	vadd.s32 $0xB601, v1;
	_ =	sdelay $0x3  }
0xc0: {  	[tilespmem:v55+s1+$0x0] =	vst.idx.msk $0xffff, v2  }
0xc1: {  	v2 =	vld.idx.msk [tilespmem:v4+s3+$0x0], $0xffff  }
0xc2: {  	v4 =	vadd.s32 $0xBC81, v1;
	_ =	sdelay $0x3  }
0xc3: {  	[tilespmem:v57+s1+$0x0] =	vst.idx.msk $0xffff, v2  }
0xc4: {  	v2 =	vld.idx.msk [tilespmem:v4+s3+$0x0], $0xffff  }
0xc5: {  	v4 =	vadd.s32 $0xC301, v1;
	_ =	sdelay $0x2  }
0xc6: {  	s23 =	simm.s32 $0x0  }
0xc7: {  	s14 =	sand.u32 $0xC, s23;
	[tilespmem:v59+s1+$0x0] =	vst.idx.msk $0xffff, v2  }
0xc8: {  	s24 =	sand.u32 $0x1F0, s23;
	v14 =	vadd.s32 s14, v0;
	v8 =	vld.idx.msk [tilespmem:v4+s3+$0x0], $0xffff  }
0xc9: {  	v10 =	vadd.s32 $0xC981, v1;
	v12 =	vmov s24;
	s22 =	sor.u32 $0x1, s14;
	s25 =	sor.u32 $0x3, s14;
	v16 =	vshll.u32 v14, $0x9  }
0xca: {  	s7 =	sor.u32 $0x2, s14;
	v12 =	vshll.u32 v12, $0x5;
	v18 =	vadd.s32 s22, v0;
	v28 =	vadd.s32 s25, v0  }
0xcb: {  	v22 =	vadd.s32 s7, v0;
	v16 =	vand.u32 $0x1000, v16;
	v30 =	vshll.u32 v18, $0x9  }
0xcc: {  	s26 =	sand.u32 $0xC00, s3;
	s28 =	sand.u32 $0x70, s23;
	v32 =	vand.u32 $0xF, v22;
	v38 =	vshll.u32 v28, $0x9;
	v40 =	vshll.u32 v28, $0x7  }
0xcd: {  	s7 =	sor.u32 s28, s26;
	v38 =	vand.u32 $0x1000, v38;
	v6 =	vand.u32 $0x7, v0;
	v4 =	vmul.u32 $0x20, v0;
	[tilespmem:v61+s1+$0x0] =	vst.idx.msk $0xffff, v8  }
0xce: {  	v40 =	vand.u32 $0x380, v40;
	v44 =	vand.u32 $0x1000, v30;
	v54 =	vor.u32 s7, v6;
	v24 =	vld.idx.msk [tilespmem:v10+s3+$0x0], $0xffff  }
0xcf: {  	v2 =	vshrl.u32 v0, $0x3;
	v20 =	vor.u32 v4, v12;
	v12 =	vand.u32 $0xF, v28  }
0xd0: {  	v2 =	vmul.u32 $0x8, v2;
	v34 =	vor.u32 $0x10, v20;
	v26 =	vor.u32 v20, v12  }
0xd1: {  	v30 =	vor.u32 v20, v32;
	v36 =	vor.u32 v18, v34;
	v8 =	vshll.u32 v14, $0x7  }
0xd2: {  	v42 =	vor.u32 v14, v34;
	v8 =	vand.u32 $0x380, v8;
	v10 =	vand.u32 $0xF, v18  }
0xd3: {  	s24 =	sor.u32 $0x2000, s7;
	v14 =	vand.u32 $0xF, v14;
	v16 =	vor.u32 v16, v8;
	v8 =	vor.u32 v20, v10;
	[tilespmem:v63+s1+$0x0] =	vst.idx.msk $0xffff, v24  }
0xd4: {  	v12 =	vor.u32 v22, v34;
	v32 =	vor.u32 v14, v20;
	v14 =	vshll.u32 v22, $0x9;
	[tilespmem:s0], [sflag:$0x2] =	stream.indirect.gather [hbm4b:s4+s30], $0x20, s1, s30, $0xb8;
	[tilespmem:$0x1D400] =	vst v63  }
0xd5: {  	v18 =	vshll.u32 v18, $0x7;
	v10 =	vor.u32 s24, v6;
	v20 =	vshll.u32 v22, $0x7;
	_ =	swait.ge [sflag:s5], $0x4000  }
0xd6: {  	v14 =	vand.u32 $0x1000, v14;
	v46 =	vand.u32 $0x380, v18;
	v20 =	vand.u32 $0x380, v20;
	[sflag:s5] =	ssyncset.done $0x0  }
0xd7: {  	v14 =	vor.u32 v14, v20;
	v20 =	vor.u32 v44, v46;
	v24 =	vor.u32 v38, v40;
	[sflag:s5] =	ssyncadd.s32 $0xFFFFC000  }
0xd8: {  	v14 =	vor.u32 v2, v14;
	v44 =	vor.u32 v2, v20;
	v24 =	vor.u32 v2, v24;
	v22 =	vld.idx.msk [tilespmem:v8+s31+$0x0], $0xffff  }
0xd9: {  	v38 =	vor.u32 v2, v16;
	v18 =	vor.u32 v24, v54;
	v8 =	vor.u32 v24, v10;
	v24 =	vld.idx.msk [tilespmem:v26+s31+$0x0], $0xffff  }
0xda: {  	v40 =	vor.u32 v44, v54;
	v16 =	vor.u32 v38, v54;
	v26 =	vld.idx.msk [tilespmem:v36+s31+$0x0], $0xffff;
	v36 =	vor.u32 v28, v34  }
0xdb: {  	s7 =	simm.s32 $0x20;
	v28 =	vor.u32 v14, v54;
	v14 =	vor.u32 v14, v10;
	v20 =	vld.idx.msk [tilespmem:v42+s31+$0x0], $0xffff;
	v34 =	vor.u32 v44, v10  }
.LBB2_2:
0xdc: {  	s23 =	sadd.s32 $0x4, s23;
	s24 =	sand.u32 $0xC00, s7;
	v38 =	vor.u32 v38, v10;
	v42 =	vld.idx.msk [tilespmem:v12+s31+$0x0], $0xffff  }
0xdd: {  	s25 =	sand.u32 $0xC, s23;
	s26 =	sand.u32 $0x1F0, s23;
	s28 =	sand.u32 $0x70, s23;
	v12 =	vld.idx.msk [tilespmem:v32+s31+$0x0], $0xffff  }
0xde: {  	v32 =	vadd.s32 s25, v0;
	v10 =	vmov s26;
	s24 =	sor.u32 s28, s24;
	s26 =	sor.u32 $0x1, s25;
	s28 =	sor.u32 $0x2, s25;
	v30 =	vld.idx.msk [tilespmem:v30+s31+$0x0], $0xffff  }
0xdf: {  	p0 =	slt.u32 s23, $0x1FC;
	s25 =	sor.u32 $0x3, s25;
	v44 =	vshll.u32 v32, $0x9;
	v10 =	vshll.u32 v10, $0x5;
	s22 =	sor.u32 $0x2000, s24;
	v46 =	vadd.s32 s26, v0  }
0xe0: {  	v3 =	vadd.s32 s25, v0;
	v44 =	vand.u32 $0x1000, v44;
	v48 =	vor.u32 v4, v10;
	[tilespmem:v40+s10+$0x0] =	vst.idx.msk $0xffff, v22;
	v22 =	vld.idx.msk [tilespmem:v36+s31+$0x0], $0xffff  }
0xe1: {  	v10 =	vshll.u32 v32, $0x7;
	v36 =	vadd.s32 s28, v0;
	v40 =	vand.u32 $0xF, v3;
	[tilespmem:v18+s10+$0x0] =	vst.idx.msk $0xffff, v24  }
0xe2: {  	v10 =	vand.u32 $0x380, v10;
	v50 =	vor.u32 $0x10, v48;
	v18 =	vand.u32 $0xF, v46;
	[tilespmem:v34+s10+$0x0] =	vst.idx.msk $0xffff, v26  }
0xe3: {  	v24 =	vor.u32 v48, v40;
	v34 =	vor.u32 v44, v10;
	v18 =	vor.u32 v48, v18  }
0xe4: {  	v26 =	vshll.u32 v46, $0x9;
	v40 =	vor.u32 v46, v50;
	v44 =	vand.u32 $0xF, v36;
	[tilespmem:v28+s10+$0x0] =	vst.idx.msk $0xffff, v30  }
0xe5: {  	v10 =	vor.u32 s22, v6;
	v28 =	vshll.u32 v3, $0x9;
	v30 =	vshll.u32 v3, $0x7;
	[tilespmem:v16+s10+$0x0] =	vst.idx.msk $0xffff, v12  }
0xe6: {  	v12 =	vor.u32 v36, v50;
	v16 =	vand.u32 $0x1000, v28;
	v28 =	vand.u32 $0x380, v30;
	[tilespmem:v8+s10+$0x0] =	vst.idx.msk $0xffff, v22  }
0xe7: {  	v5 =	vor.u32 v32, v50;
	v52 =	vand.u32 $0x1000, v26;
	v8 =	vor.u32 v16, v28;
	[tilespmem:v38+s10+$0x0] =	vst.idx.msk $0xffff, v20  }
0xe8: {  	v7 =	vor.u32 s24, v6;
	v16 =	vshll.u32 v46, $0x7;
	v8 =	vor.u32 v2, v8;
	v22 =	vld.idx.msk [tilespmem:v18+s31+$0x0], $0xffff;
	[tilespmem:v14+s10+$0x0] =	vst.idx.msk $0xffff, v42  }
0xe9: {  	v14 =	vand.u32 $0x380, v16;
	v18 =	vor.u32 v8, v7;
	v8 =	vor.u32 v8, v10;
	v24 =	vld.idx.msk [tilespmem:v24+s31+$0x0], $0xffff  }
0xea: {  	v28 =	vshll.u32 v36, $0x7;
	v20 =	vshll.u32 v36, $0x9;
	v16 =	vand.u32 $0xF, v32;
	v26 =	vld.idx.msk [tilespmem:v40+s31+$0x0], $0xffff  }
.Ltmp0:
0xeb: {  	v30 =	vor.u32 v48, v44;
	v28 =	vand.u32 $0x380, v28;
	v20 =	vand.u32 $0x1000, v20;
	(pc) =	sbr.rel @p0 .LBB2_2-.Ltmp0, $4  }
0xec: {  	v38 =	vor.u32 v2, v34;
	v32 =	vor.u32 v16, v48;
	v20 =	vor.u32 v20, v28  }
0xed: {  	v16 =	vor.u32 v38, v7;
	v14 =	vor.u32 v52, v14;
	v20 =	vor.u32 v2, v20  }
0xee: {  	v34 =	vor.u32 v2, v14;
	v28 =	vor.u32 v20, v7;
	v14 =	vor.u32 v20, v10  }
0xef: {  	s7 =	sadd.s32 $0x20, s7;
	v36 =	vor.u32 v3, v50;
	v40 =	vor.u32 v34, v7;
	v34 =	vor.u32 v34, v10;
	v20 =	vld.idx.msk [tilespmem:v5+s31+$0x0], $0xffff  }
0xf0: {  	_ =	sdelay $0x3  }
0xf1: {  	v3 =	vld.idx.msk [tilespmem:v30+s31+$0x0], $0xffff  }
0xf2: {  	v5 =	vld.idx.msk [tilespmem:v32+s31+$0x0], $0xffff  }
0xf3: {  	[tilespmem:v40+s10+$0x0] =	vst.idx.msk $0xffff, v22;
	v7 =	vld.idx.msk [tilespmem:v36+s31+$0x0], $0xffff  }
0xf4: {  	v10 =	vor.u32 v38, v10;
	[tilespmem:v18+s10+$0x0] =	vst.idx.msk $0xffff, v24  }
0xf5: {  	v12 =	vld.idx.msk [tilespmem:v12+s31+$0x0], $0xffff;
	[tilespmem:v34+s10+$0x0] =	vst.idx.msk $0xffff, v26  }
0xf6: {  	[tilespmem:v28+s10+$0x0] =	vst.idx.msk $0xffff, v3  }
0xf7: {  	[tilespmem:v16+s10+$0x0] =	vst.idx.msk $0xffff, v5  }
0xf8: {  	[tilespmem:v8+s10+$0x0] =	vst.idx.msk $0xffff, v7  }
0xf9: {  	[tilespmem:v10+s10+$0x0] =	vst.idx.msk $0xffff, v20  }
0xfa: {  	[tilespmem:v14+s10+$0x0] =	vst.idx.msk $0xffff, v12  }
0xfb: {  	s24 =	simm.s32 $0x0;
	s7 =	rddreg [dreg:$0x4]  }
0xfc: {  	[hbm4b:s7+s24] =	stream.linear.scatter [tilespmem:s10], [sflag:$0x3], $0x1000, $0x38;
	[tilespmem:$0x1D400] =	vst v63  }
0xfd: {  	s11 =	simm.s32 $0x16400;
	s22 =	rddreg [dreg:$0x5]  }
0xfe: {  	v3 =	vor.u32 $0x2, v1;
	[hbm4b:s22+s24] =	stream.linear.scatter [tilespmem:s11], [sflag:$0x3], $0x1000, $0x38;
	[tilespmem:$0x1D400] =	vst v63  }
0xff: {  	s25 =	simm.s32 $0x17400;
	s23 =	rddreg [dreg:$0x6]  }
0x100: {  	[hbm4b:s23+s24] =	stream.linear.scatter [tilespmem:s25], [sflag:$0x3], $0x1000, $0x38;
	[tilespmem:$0x1D400] =	vst v63  }
0x101: {  	s28 =	simm.s32 $0x18400;
	s26 =	rddreg [dreg:$0x7]  }
0x102: {  	[hbm4b:s26+s24] =	stream.linear.scatter [tilespmem:s28], [sflag:$0x3], $0x1000, $0x38;
	[tilespmem:$0x1D400] =	vst v63  }
0x103: {  	v3 =	vld.idx.msk [tilespmem:v3+s24+$0x0], $0xffff  }
0x104: {  	v5 =	vadd.s32 $0x682, v1;
	_ =	sdelay $0x1  }
0x105: {  	v7 =	vld [tilespmem:$0x1FE30];
	_ =	sdelay $0x1  }
0x106: {  	[tilespmem:v0+s29+$0x0] =	vst.idx.msk $0xffff, v3  }
0x107: {  	v3 =	vld.idx.msk [tilespmem:v5+s24+$0x0], $0xffff;
	_ =	sdelay $0x2  }
0x108: {  	v5 =	vadd.s32 $0xD02, v1;
	_ =	sdelay $0x1  }
0x109: {  	[tilespmem:v7+s29+$0x0] =	vst.idx.msk $0xffff, v3;
	v7 =	vld [tilespmem:$0x1FE50];
	_ =	sdelay $0x2  }
0x10a: {  	v3 =	vld.idx.msk [tilespmem:v5+s24+$0x0], $0xffff;
	_ =	sdelay $0x2  }
0x10b: {  	v5 =	vadd.s32 $0x1382, v1;
	_ =	sdelay $0x1  }
0x10c: {  	[tilespmem:v7+s29+$0x0] =	vst.idx.msk $0xffff, v3;
	v7 =	vld [tilespmem:$0x1FE70];
	_ =	sdelay $0x2  }
0x10d: {  	v3 =	vld.idx.msk [tilespmem:v5+s24+$0x0], $0xffff  }
0x10e: {  	v5 =	vadd.s32 $0x1A02, v1;
	_ =	sdelay $0x3  }
0x10f: {  	[tilespmem:v7+s29+$0x0] =	vst.idx.msk $0xffff, v3  }
0x110: {  	v3 =	vld.idx.msk [tilespmem:v5+s24+$0x0], $0xffff  }
0x111: {  	v5 =	vadd.s32 $0x2082, v1;
	_ =	sdelay $0x3  }
0x112: {  	[tilespmem:v9+s29+$0x0] =	vst.idx.msk $0xffff, v3  }
0x113: {  	v3 =	vld.idx.msk [tilespmem:v5+s24+$0x0], $0xffff  }
0x114: {  	v5 =	vadd.s32 $0x2702, v1;
	_ =	sdelay $0x3  }
0x115: {  	[tilespmem:v11+s29+$0x0] =	vst.idx.msk $0xffff, v3  }
0x116: {  	v3 =	vld.idx.msk [tilespmem:v5+s24+$0x0], $0xffff  }
0x117: {  	v5 =	vadd.s32 $0x2D82, v1;
	_ =	sdelay $0x3  }
0x118: {  	[tilespmem:v13+s29+$0x0] =	vst.idx.msk $0xffff, v3  }
0x119: {  	v3 =	vld.idx.msk [tilespmem:v5+s24+$0x0], $0xffff  }
0x11a: {  	v5 =	vadd.s32 $0x3402, v1;
	_ =	sdelay $0x3  }
0x11b: {  	[tilespmem:v15+s29+$0x0] =	vst.idx.msk $0xffff, v3  }
0x11c: {  	v3 =	vld.idx.msk [tilespmem:v5+s24+$0x0], $0xffff  }
0x11d: {  	v5 =	vadd.s32 $0x3A82, v1;
	_ =	sdelay $0x3  }
0x11e: {  	[tilespmem:v17+s29+$0x0] =	vst.idx.msk $0xffff, v3  }
0x11f: {  	v3 =	vld.idx.msk [tilespmem:v5+s24+$0x0], $0xffff  }
0x120: {  	v5 =	vadd.s32 $0x4102, v1;
	_ =	sdelay $0x3  }
0x121: {  	[tilespmem:v19+s29+$0x0] =	vst.idx.msk $0xffff, v3  }
0x122: {  	v3 =	vld.idx.msk [tilespmem:v5+s24+$0x0], $0xffff  }
0x123: {  	v5 =	vadd.s32 $0x4782, v1;
	_ =	sdelay $0x3  }
0x124: {  	[tilespmem:v21+s29+$0x0] =	vst.idx.msk $0xffff, v3  }
0x125: {  	v3 =	vld.idx.msk [tilespmem:v5+s24+$0x0], $0xffff  }
0x126: {  	v5 =	vadd.s32 $0x4E02, v1;
	_ =	sdelay $0x3  }
0x127: {  	[tilespmem:v23+s29+$0x0] =	vst.idx.msk $0xffff, v3  }
0x128: {  	v3 =	vld.idx.msk [tilespmem:v5+s24+$0x0], $0xffff  }
0x129: {  	v5 =	vadd.s32 $0x5482, v1;
	_ =	sdelay $0x3  }
0x12a: {  	[tilespmem:v25+s29+$0x0] =	vst.idx.msk $0xffff, v3  }
0x12b: {  	v3 =	vld.idx.msk [tilespmem:v5+s24+$0x0], $0xffff  }
0x12c: {  	v5 =	vadd.s32 $0x5B02, v1;
	_ =	sdelay $0x3  }
0x12d: {  	[tilespmem:v27+s29+$0x0] =	vst.idx.msk $0xffff, v3  }
0x12e: {  	v3 =	vld.idx.msk [tilespmem:v5+s24+$0x0], $0xffff  }
0x12f: {  	v5 =	vadd.s32 $0x6182, v1;
	_ =	sdelay $0x3  }
0x130: {  	[tilespmem:v29+s29+$0x0] =	vst.idx.msk $0xffff, v3  }
0x131: {  	v3 =	vld.idx.msk [tilespmem:v5+s24+$0x0], $0xffff  }
0x132: {  	v5 =	vor.u32 $0x6802, v1;
	_ =	sdelay $0x3  }
0x133: {  	[tilespmem:v31+s29+$0x0] =	vst.idx.msk $0xffff, v3  }
0x134: {  	v3 =	vld.idx.msk [tilespmem:v5+s24+$0x0], $0xffff  }
0x135: {  	v5 =	vadd.s32 $0x6E82, v1;
	_ =	sdelay $0x3  }
0x136: {  	[tilespmem:v33+s29+$0x0] =	vst.idx.msk $0xffff, v3  }
0x137: {  	v3 =	vld.idx.msk [tilespmem:v5+s24+$0x0], $0xffff  }
0x138: {  	v5 =	vadd.s32 $0x7502, v1;
	_ =	sdelay $0x3  }
0x139: {  	[tilespmem:v35+s29+$0x0] =	vst.idx.msk $0xffff, v3  }
0x13a: {  	v3 =	vld.idx.msk [tilespmem:v5+s24+$0x0], $0xffff  }
0x13b: {  	v5 =	vadd.s32 $0x7B82, v1;
	_ =	sdelay $0x3  }
0x13c: {  	[tilespmem:v37+s29+$0x0] =	vst.idx.msk $0xffff, v3  }
0x13d: {  	v3 =	vld.idx.msk [tilespmem:v5+s24+$0x0], $0xffff  }
0x13e: {  	v5 =	vadd.s32 $0x8202, v1;
	_ =	sdelay $0x3  }
0x13f: {  	[tilespmem:v39+s29+$0x0] =	vst.idx.msk $0xffff, v3  }
0x140: {  	v3 =	vld.idx.msk [tilespmem:v5+s24+$0x0], $0xffff  }
0x141: {  	v5 =	vadd.s32 $0x8882, v1;
	_ =	sdelay $0x3  }
0x142: {  	[tilespmem:v41+s29+$0x0] =	vst.idx.msk $0xffff, v3  }
0x143: {  	v3 =	vld.idx.msk [tilespmem:v5+s24+$0x0], $0xffff  }
0x144: {  	v5 =	vadd.s32 $0x8F02, v1;
	_ =	sdelay $0x3  }
0x145: {  	[tilespmem:v43+s29+$0x0] =	vst.idx.msk $0xffff, v3  }
0x146: {  	v3 =	vld.idx.msk [tilespmem:v5+s24+$0x0], $0xffff  }
0x147: {  	v5 =	vadd.s32 $0x9582, v1;
	_ =	sdelay $0x3  }
0x148: {  	[tilespmem:v45+s29+$0x0] =	vst.idx.msk $0xffff, v3  }
0x149: {  	v3 =	vld.idx.msk [tilespmem:v5+s24+$0x0], $0xffff  }
0x14a: {  	v5 =	vadd.s32 $0x9C02, v1;
	_ =	sdelay $0x3  }
0x14b: {  	[tilespmem:v47+s29+$0x0] =	vst.idx.msk $0xffff, v3  }
0x14c: {  	v3 =	vld.idx.msk [tilespmem:v5+s24+$0x0], $0xffff  }
0x14d: {  	v5 =	vadd.s32 $0xA282, v1;
	_ =	sdelay $0x3  }
0x14e: {  	[tilespmem:v49+s29+$0x0] =	vst.idx.msk $0xffff, v3  }
0x14f: {  	v3 =	vld.idx.msk [tilespmem:v5+s24+$0x0], $0xffff  }
0x150: {  	v5 =	vadd.s32 $0xA902, v1;
	_ =	sdelay $0x3  }
0x151: {  	[tilespmem:v51+s29+$0x0] =	vst.idx.msk $0xffff, v3  }
0x152: {  	v3 =	vld.idx.msk [tilespmem:v5+s24+$0x0], $0xffff  }
0x153: {  	v5 =	vadd.s32 $0xAF82, v1;
	_ =	sdelay $0x3  }
0x154: {  	[tilespmem:v53+s29+$0x0] =	vst.idx.msk $0xffff, v3  }
0x155: {  	v3 =	vld.idx.msk [tilespmem:v5+s24+$0x0], $0xffff  }
0x156: {  	v5 =	vadd.s32 $0xB602, v1;
	_ =	sdelay $0x3  }
0x157: {  	[tilespmem:v55+s29+$0x0] =	vst.idx.msk $0xffff, v3  }
0x158: {  	v3 =	vld.idx.msk [tilespmem:v5+s24+$0x0], $0xffff  }
0x159: {  	v5 =	vadd.s32 $0xBC82, v1;
	_ =	sdelay $0x3  }
0x15a: {  	[tilespmem:v57+s29+$0x0] =	vst.idx.msk $0xffff, v3  }
0x15b: {  	v3 =	vld.idx.msk [tilespmem:v5+s24+$0x0], $0xffff  }
0x15c: {  	v5 =	vadd.s32 $0xC302, v1;
	_ =	sdelay $0x3  }
0x15d: {  	[tilespmem:v59+s29+$0x0] =	vst.idx.msk $0xffff, v3  }
0x15e: {  	s23 =	simm.s32 $0x0;
	v3 =	vld.idx.msk [tilespmem:v5+s24+$0x0], $0xffff  }
0x15f: {  	s13 =	sand.u32 $0xC00, s24;
	s22 =	sand.u32 $0xC, s23;
	v5 =	vadd.s32 $0xC982, v1  }
0x160: {  	s26 =	sand.u32 $0x70, s23;
	s14 =	sor.u32 $0x1, s22;
	v16 =	vadd.s32 s22, v0;
	s28 =	sor.u32 $0x3, s22  }
0x161: {  	s7 =	sor.u32 s26, s13;
	v20 =	vadd.s32 s14, v0;
	v24 =	vadd.s32 s28, v0;
	v22 =	vshll.u32 v16, $0x7  }
0x162: {  	s25 =	sand.u32 $0x1F0, s23;
	v46 =	vand.u32 $0xF, v16;
	v10 =	vor.u32 s7, v6;
	v12 =	vand.u32 $0xF, v24  }
0x163: {  	v30 =	vand.u32 $0xF, v20;
	v14 =	vshll.u32 v20, $0x9;
	v7 =	vmov s25;
	[tilespmem:v61+s29+$0x0] =	vst.idx.msk $0xffff, v3  }
0x164: {  	s26 =	sor.u32 $0x2000, s7;
	v50 =	vshll.u32 v24, $0x9;
	v52 =	vand.u32 $0x380, v22;
	v7 =	vshll.u32 v7, $0x5;
	v5 =	vld.idx.msk [tilespmem:v5+s24+$0x0], $0xffff  }
0x165: {  	v8 =	vor.u32 s26, v6;
	v18 =	vand.u32 $0x1000, v14;
	v7 =	vor.u32 v4, v7  }
0x166: {  	v54 =	vand.u32 $0x1000, v50;
	v26 =	vor.u32 $0x10, v7;
	v48 =	vor.u32 v7, v12  }
0x167: {  	s22 =	sor.u32 $0x2, s22;
	v12 =	vor.u32 v16, v26;
	v14 =	vor.u32 v20, v26;
	v20 =	vshll.u32 v20, $0x7  }
0x168: {  	v16 =	vshll.u32 v16, $0x9;
	v42 =	vor.u32 v24, v26;
	v3 =	vadd.s32 s22, v0  }
0x169: {  	v24 =	vshll.u32 v24, $0x7;
	v36 =	vand.u32 $0x380, v20;
	v28 =	vand.u32 $0xF, v3;
	[tilespmem:v63+s29+$0x0] =	vst.idx.msk $0xffff, v5  }
0x16a: {  	v22 =	vor.u32 v3, v26;
	v26 =	vor.u32 v7, v30;
	v5 =	vand.u32 $0x1000, v16;
	[tilespmem:s31], [sflag:$0x1] =	stream.indirect.gather [hbm4b:s4+s30], $0x20, s29, s30, $0xb8;
	[tilespmem:$0x1D400] =	vst v63  }
0x16b: {  	v28 =	vor.u32 v7, v28;
	v16 =	vshll.u32 v3, $0x9;
	v5 =	vor.u32 v5, v52;
	_ =	swait.ge [sflag:s15], $0x4000  }
0x16c: {  	v3 =	vshll.u32 v3, $0x7;
	v32 =	vor.u32 v2, v5;
	v5 =	vand.u32 $0x380, v24;
	[sflag:s15] =	ssyncset.done $0x0  }
0x16d: {  	v16 =	vand.u32 $0x1000, v16;
	v3 =	vand.u32 $0x380, v3;
	v5 =	vor.u32 v54, v5;
	[sflag:s15] =	ssyncadd.s32 $0xFFFFC000  }
0x16e: {  	v30 =	vor.u32 v46, v7;
	v3 =	vor.u32 v16, v3;
	v40 =	vor.u32 v2, v5;
	v20 =	vld.idx.msk [tilespmem:v48+s0+$0x0], $0xffff  }
0x16f: {  	s7 =	simm.s32 $0x20;
	v16 =	vor.u32 v32, v10;
	v38 =	vor.u32 v2, v3;
	v24 =	vld.idx.msk [tilespmem:v42+s0+$0x0], $0xffff;
	v34 =	vor.u32 v40, v10  }
.LBB2_4:
0x170: {  	s23 =	sadd.s32 $0x4, s23;
	s22 =	sand.u32 $0xC00, s7;
	v3 =	vor.u32 v32, v8;
	v5 =	vor.u32 v18, v36;
	v7 =	vld.idx.msk [tilespmem:v28+s0+$0x0], $0xffff;
	v18 =	vor.u32 v40, v8  }
0x171: {  	v28 =	vor.u32 v38, v10;
	v32 =	vor.u32 v38, v8;
	s24 =	sand.u32 $0xC, s23;
	s25 =	sand.u32 $0x1F0, s23;
	s26 =	sand.u32 $0x70, s23;
	v5 =	vor.u32 v2, v5;
	v22 =	vld.idx.msk [tilespmem:v22+s0+$0x0], $0xffff  }
0x172: {  	v36 =	vadd.s32 s24, v0;
	v38 =	vmov s25;
	s22 =	sor.u32 s26, s22;
	s25 =	sor.u32 $0x1, s24;
	s26 =	sor.u32 $0x2, s24;
	v26 =	vld.idx.msk [tilespmem:v26+s0+$0x0], $0xffff;
	v40 =	vor.u32 v5, v8  }
0x173: {  	p0 =	slt.u32 s23, $0x1FC;
	s24 =	sor.u32 $0x3, s24;
	v5 =	vor.u32 v5, v10;
	v8 =	vshll.u32 v38, $0x5;
	s28 =	sor.u32 $0x2000, s22;
	v38 =	vadd.s32 s25, v0;
	v30 =	vld.idx.msk [tilespmem:v30+s0+$0x0], $0xffff  }
0x174: {  	v44 =	vadd.s32 s24, v0;
	v42 =	vor.u32 v4, v8;
	v8 =	vor.u32 s28, v6;
	v46 =	vld.idx.msk [tilespmem:v14+s0+$0x0], $0xffff;
	[tilespmem:v34+s16+$0x0] =	vst.idx.msk $0xffff, v20  }
0x175: {  	v10 =	vor.u32 s22, v6;
	v20 =	vadd.s32 s26, v0;
	v14 =	vand.u32 $0xF, v44;
	v34 =	vld.idx.msk [tilespmem:v12+s0+$0x0], $0xffff;
	[tilespmem:v18+s16+$0x0] =	vst.idx.msk $0xffff, v24  }
0x176: {  	v50 =	vand.u32 $0xF, v38;
	v24 =	vshll.u32 v36, $0x7;
	v48 =	vor.u32 $0x10, v42;
	[tilespmem:v28+s16+$0x0] =	vst.idx.msk $0xffff, v7  }
0x177: {  	v18 =	vshll.u32 v38, $0x9;
	v52 =	vor.u32 v42, v14;
	v7 =	vand.u32 $0xF, v36;
	[tilespmem:v32+s16+$0x0] =	vst.idx.msk $0xffff, v22  }
0x178: {  	v12 =	vor.u32 v36, v48;
	v18 =	vand.u32 $0x1000, v18;
	v14 =	vor.u32 v38, v48;
	[tilespmem:v5+s16+$0x0] =	vst.idx.msk $0xffff, v26  }
0x179: {  	v22 =	vand.u32 $0xF, v20;
	v5 =	vshll.u32 v38, $0x7;
	v26 =	vshll.u32 v44, $0x9;
	[tilespmem:v16+s16+$0x0] =	vst.idx.msk $0xffff, v30  }
0x17a: {  	v24 =	vand.u32 $0x380, v24;
	v54 =	vor.u32 v44, v48;
	v16 =	vshll.u32 v36, $0x9;
	[tilespmem:v40+s16+$0x0] =	vst.idx.msk $0xffff, v46  }
0x17b: {  	v30 =	vshll.u32 v20, $0x9;
	v38 =	vand.u32 $0x1000, v26;
	v16 =	vand.u32 $0x1000, v16;
	[tilespmem:v3+s16+$0x0] =	vst.idx.msk $0xffff, v34  }
0x17c: {  	v28 =	vor.u32 v42, v22;
	v22 =	vor.u32 v20, v48;
	v3 =	vshll.u32 v44, $0x7  }
.Ltmp1:
0x17d: {  	v16 =	vor.u32 v16, v24;
	v24 =	vand.u32 $0x1000, v30;
	v30 =	vshll.u32 v20, $0x7;
	(pc) =	sbr.rel @p0 .LBB2_4-.Ltmp1, $4  }
0x17e: {  	v26 =	vor.u32 v42, v50;
	v32 =	vor.u32 v2, v16;
	v3 =	vand.u32 $0x380, v3;
	v20 =	vld.idx.msk [tilespmem:v52+s0+$0x0], $0xffff  }
0x17f: {  	v36 =	vand.u32 $0x380, v5;
	v5 =	vand.u32 $0x380, v30;
	v3 =	vor.u32 v38, v3  }
0x180: {  	v30 =	vor.u32 v7, v42;
	v5 =	vor.u32 v24, v5;
	v40 =	vor.u32 v2, v3  }
0x181: {  	s7 =	sadd.s32 $0x20, s7;
	v16 =	vor.u32 v32, v10;
	v38 =	vor.u32 v2, v5;
	v34 =	vor.u32 v40, v10;
	v24 =	vld.idx.msk [tilespmem:v54+s0+$0x0], $0xffff  }
0x182: {  	_ =	sdelay $0x2  }
0x183: {  	v3 =	vor.u32 v40, v8  }
0x184: {  	v5 =	vor.u32 v18, v36;
	v7 =	vld.idx.msk [tilespmem:v28+s0+$0x0], $0xffff;
	v18 =	vor.u32 v38, v10  }
0x185: {  	v30 =	vld.idx.msk [tilespmem:v30+s0+$0x0], $0xffff  }
0x186: {  	v22 =	vld.idx.msk [tilespmem:v22+s0+$0x0], $0xffff;
	v28 =	vor.u32 v38, v8;
	v5 =	vor.u32 v2, v5  }
0x187: {  	v26 =	vld.idx.msk [tilespmem:v26+s0+$0x0], $0xffff;
	[tilespmem:v34+s16+$0x0] =	vst.idx.msk $0xffff, v20;
	v10 =	vor.u32 v5, v10  }
0x188: {  	v14 =	vld.idx.msk [tilespmem:v14+s0+$0x0], $0xffff;
	v5 =	vor.u32 v5, v8;
	[tilespmem:v3+s16+$0x0] =	vst.idx.msk $0xffff, v24  }
0x189: {  	v3 =	vor.u32 v32, v8;
	v8 =	vld.idx.msk [tilespmem:v12+s0+$0x0], $0xffff;
	[tilespmem:v18+s16+$0x0] =	vst.idx.msk $0xffff, v7  }
0x18a: {  	[tilespmem:v16+s16+$0x0] =	vst.idx.msk $0xffff, v30  }
0x18b: {  	[tilespmem:v28+s16+$0x0] =	vst.idx.msk $0xffff, v22  }
0x18c: {  	[tilespmem:v10+s16+$0x0] =	vst.idx.msk $0xffff, v26  }
0x18d: {  	[tilespmem:v5+s16+$0x0] =	vst.idx.msk $0xffff, v14  }
0x18e: {  	[tilespmem:v3+s16+$0x0] =	vst.idx.msk $0xffff, v8  }
0x18f: {  	s7 =	rddreg [dreg:$0x8]  }
0x190: {  	[hbm4b:s7+s3] =	stream.linear.scatter [tilespmem:s16], [sflag:$0x4], $0x1000, $0x38;
	[tilespmem:$0x1D400] =	vst v63  }
0x191: {  	s25 =	rddreg [dreg:$0x9]  }
0x192: {  	[hbm4b:s25+s3] =	stream.linear.scatter [tilespmem:s17], [sflag:$0x4], $0x1000, $0x38;
	[tilespmem:$0x1D400] =	vst v63  }
0x193: {  	s26 =	rddreg [dreg:$0xa]  }
0x194: {  	[hbm4b:s26+s3] =	stream.linear.scatter [tilespmem:s18], [sflag:$0x4], $0x1000, $0x38;
	[tilespmem:$0x1D400] =	vst v63  }
0x195: {  	s23 =	simm.s32 $0x1;
	s28 =	rddreg [dreg:$0xb]  }
0x196: {  	[hbm4b:s28+s3] =	stream.linear.scatter [tilespmem:s19], [sflag:$0x4], $0x1000, $0x38;
	[tilespmem:$0x1D400] =	vst v63  }
.LBB2_6:
0x197: {  	s24 =	sshllo.u32 s23, $0x1  }
0x198: {  	v3 =	vmov s24  }
0x199: {  	v3 =	vand.u32 $0x7F, v3  }
0x19a: {  	v5 =	vadd.s32 v1, v3  }
0x19b: {  	v7 =	vld [tilespmem:$0x1FE20];
	_ =	sdelay $0x2  }
0x19c: {  	s7 =	simm.s32 $0x0  }
0x19d: {  	v5 =	vld.idx.msk [tilespmem:v5+s7+$0x0], $0xffff  }
0x19e: {  	v7 =	vadd.s32 v7, v3;
	_ =	sdelay $0x3  }
0x19f: {  	[tilespmem:v0+s1+$0x0] =	vst.idx.msk $0xffff, v5  }
0x1a0: {  	v5 =	vld.idx.msk [tilespmem:v7+s7+$0x0], $0xffff  }
0x1a1: {  	v7 =	vld [tilespmem:$0x1FE40]  }
0x1a2: {  	v8 =	vld [tilespmem:$0x1FE30];
	_ =	sdelay $0x3  }
0x1a3: {  	v7 =	vadd.s32 v7, v3;
	_ =	sdelay $0x3  }
0x1a4: {  	[tilespmem:v8+s1+$0x0] =	vst.idx.msk $0xffff, v5  }
0x1a5: {  	v5 =	vld.idx.msk [tilespmem:v7+s7+$0x0], $0xffff  }
0x1a6: {  	v7 =	vld [tilespmem:$0x1FE60]  }
0x1a7: {  	v8 =	vld [tilespmem:$0x1FE50];
	_ =	sdelay $0x3  }
0x1a8: {  	v7 =	vadd.s32 v7, v3;
	_ =	sdelay $0x3  }
0x1a9: {  	[tilespmem:v8+s1+$0x0] =	vst.idx.msk $0xffff, v5  }
0x1aa: {  	v5 =	vld.idx.msk [tilespmem:v7+s7+$0x0], $0xffff  }
0x1ab: {  	v7 =	vld [tilespmem:$0x1FE80]  }
0x1ac: {  	v8 =	vld [tilespmem:$0x1FE70];
	_ =	sdelay $0x3  }
0x1ad: {  	v7 =	vadd.s32 v7, v3;
	_ =	sdelay $0x3  }
0x1ae: {  	[tilespmem:v8+s1+$0x0] =	vst.idx.msk $0xffff, v5  }
0x1af: {  	v5 =	vld.idx.msk [tilespmem:v7+s7+$0x0], $0xffff  }
0x1b0: {  	v7 =	vld [tilespmem:$0x1FE90];
	_ =	sdelay $0x4  }
0x1b1: {  	v7 =	vadd.s32 v7, v3;
	_ =	sdelay $0x3  }
0x1b2: {  	[tilespmem:v9+s1+$0x0] =	vst.idx.msk $0xffff, v5  }
0x1b3: {  	v5 =	vld.idx.msk [tilespmem:v7+s7+$0x0], $0xffff  }
0x1b4: {  	v7 =	vld [tilespmem:$0x1FEA0];
	_ =	sdelay $0x4  }
0x1b5: {  	v7 =	vadd.s32 v7, v3;
	_ =	sdelay $0x3  }
0x1b6: {  	[tilespmem:v11+s1+$0x0] =	vst.idx.msk $0xffff, v5  }
0x1b7: {  	v5 =	vld.idx.msk [tilespmem:v7+s7+$0x0], $0xffff  }
0x1b8: {  	v7 =	vld [tilespmem:$0x1FEB0];
	_ =	sdelay $0x4  }
0x1b9: {  	v7 =	vadd.s32 v7, v3;
	_ =	sdelay $0x3  }
0x1ba: {  	[tilespmem:v13+s1+$0x0] =	vst.idx.msk $0xffff, v5  }
0x1bb: {  	v5 =	vld.idx.msk [tilespmem:v7+s7+$0x0], $0xffff  }
0x1bc: {  	v7 =	vld [tilespmem:$0x1FEC0];
	_ =	sdelay $0x4  }
0x1bd: {  	v7 =	vadd.s32 v7, v3;
	_ =	sdelay $0x3  }
0x1be: {  	[tilespmem:v15+s1+$0x0] =	vst.idx.msk $0xffff, v5  }
0x1bf: {  	v5 =	vld.idx.msk [tilespmem:v7+s7+$0x0], $0xffff  }
0x1c0: {  	v7 =	vld [tilespmem:$0x1FED0];
	_ =	sdelay $0x4  }
0x1c1: {  	v7 =	vadd.s32 v7, v3;
	_ =	sdelay $0x3  }
0x1c2: {  	[tilespmem:v17+s1+$0x0] =	vst.idx.msk $0xffff, v5  }
0x1c3: {  	v5 =	vld.idx.msk [tilespmem:v7+s7+$0x0], $0xffff  }
0x1c4: {  	v7 =	vld [tilespmem:$0x1FEE0];
	_ =	sdelay $0x4  }
0x1c5: {  	v7 =	vadd.s32 v7, v3;
	_ =	sdelay $0x3  }
0x1c6: {  	[tilespmem:v19+s1+$0x0] =	vst.idx.msk $0xffff, v5  }
0x1c7: {  	v5 =	vld.idx.msk [tilespmem:v7+s7+$0x0], $0xffff  }
0x1c8: {  	v7 =	vld [tilespmem:$0x1FEF0];
	_ =	sdelay $0x4  }
0x1c9: {  	v7 =	vadd.s32 v7, v3;
	_ =	sdelay $0x3  }
0x1ca: {  	[tilespmem:v21+s1+$0x0] =	vst.idx.msk $0xffff, v5  }
0x1cb: {  	v5 =	vld.idx.msk [tilespmem:v7+s7+$0x0], $0xffff  }
0x1cc: {  	v7 =	vld [tilespmem:$0x1FF00];
	_ =	sdelay $0x4  }
0x1cd: {  	v7 =	vadd.s32 v7, v3;
	_ =	sdelay $0x3  }
0x1ce: {  	[tilespmem:v23+s1+$0x0] =	vst.idx.msk $0xffff, v5  }
0x1cf: {  	v5 =	vld.idx.msk [tilespmem:v7+s7+$0x0], $0xffff  }
0x1d0: {  	v7 =	vld [tilespmem:$0x1FF10];
	_ =	sdelay $0x4  }
0x1d1: {  	v7 =	vadd.s32 v7, v3;
	_ =	sdelay $0x3  }
0x1d2: {  	[tilespmem:v25+s1+$0x0] =	vst.idx.msk $0xffff, v5  }
0x1d3: {  	v5 =	vld.idx.msk [tilespmem:v7+s7+$0x0], $0xffff  }
0x1d4: {  	v7 =	vld [tilespmem:$0x1FF20];
	_ =	sdelay $0x4  }
0x1d5: {  	v7 =	vadd.s32 v7, v3;
	_ =	sdelay $0x3  }
0x1d6: {  	[tilespmem:v27+s1+$0x0] =	vst.idx.msk $0xffff, v5  }
0x1d7: {  	v5 =	vld.idx.msk [tilespmem:v7+s7+$0x0], $0xffff  }
0x1d8: {  	v7 =	vld [tilespmem:$0x1FF30];
	_ =	sdelay $0x4  }
0x1d9: {  	v7 =	vadd.s32 v7, v3;
	_ =	sdelay $0x3  }
0x1da: {  	[tilespmem:v29+s1+$0x0] =	vst.idx.msk $0xffff, v5  }
0x1db: {  	v5 =	vld.idx.msk [tilespmem:v7+s7+$0x0], $0xffff  }
0x1dc: {  	v7 =	vld [tilespmem:$0x1FF40];
	_ =	sdelay $0x4  }
0x1dd: {  	v7 =	vadd.s32 v7, v3;
	_ =	sdelay $0x3  }
0x1de: {  	[tilespmem:v31+s1+$0x0] =	vst.idx.msk $0xffff, v5  }
0x1df: {  	v5 =	vld.idx.msk [tilespmem:v7+s7+$0x0], $0xffff  }
0x1e0: {  	v7 =	vld [tilespmem:$0x1FF50];
	_ =	sdelay $0x4  }
0x1e1: {  	v7 =	vadd.s32 v7, v3;
	_ =	sdelay $0x3  }
0x1e2: {  	[tilespmem:v33+s1+$0x0] =	vst.idx.msk $0xffff, v5  }
0x1e3: {  	v5 =	vld.idx.msk [tilespmem:v7+s7+$0x0], $0xffff  }
0x1e4: {  	v7 =	vld [tilespmem:$0x1FF60];
	_ =	sdelay $0x4  }
0x1e5: {  	v7 =	vadd.s32 v7, v3;
	_ =	sdelay $0x3  }
0x1e6: {  	[tilespmem:v35+s1+$0x0] =	vst.idx.msk $0xffff, v5  }
0x1e7: {  	v5 =	vld.idx.msk [tilespmem:v7+s7+$0x0], $0xffff  }
0x1e8: {  	v7 =	vld [tilespmem:$0x1FF70];
	_ =	sdelay $0x4  }
0x1e9: {  	v7 =	vadd.s32 v7, v3;
	_ =	sdelay $0x3  }
0x1ea: {  	[tilespmem:v37+s1+$0x0] =	vst.idx.msk $0xffff, v5  }
0x1eb: {  	v5 =	vld.idx.msk [tilespmem:v7+s7+$0x0], $0xffff  }
0x1ec: {  	v7 =	vld [tilespmem:$0x1FF80];
	_ =	sdelay $0x4  }
0x1ed: {  	v7 =	vadd.s32 v7, v3;
	_ =	sdelay $0x3  }
0x1ee: {  	[tilespmem:v39+s1+$0x0] =	vst.idx.msk $0xffff, v5  }
0x1ef: {  	v5 =	vld.idx.msk [tilespmem:v7+s7+$0x0], $0xffff  }
0x1f0: {  	v7 =	vld [tilespmem:$0x1FF90];
	_ =	sdelay $0x4  }
0x1f1: {  	v7 =	vadd.s32 v7, v3;
	_ =	sdelay $0x3  }
0x1f2: {  	[tilespmem:v41+s1+$0x0] =	vst.idx.msk $0xffff, v5  }
0x1f3: {  	v5 =	vld.idx.msk [tilespmem:v7+s7+$0x0], $0xffff  }
0x1f4: {  	v7 =	vld [tilespmem:$0x1FFA0];
	_ =	sdelay $0x4  }
0x1f5: {  	v7 =	vadd.s32 v7, v3;
	_ =	sdelay $0x3  }
0x1f6: {  	[tilespmem:v43+s1+$0x0] =	vst.idx.msk $0xffff, v5  }
0x1f7: {  	v5 =	vld.idx.msk [tilespmem:v7+s7+$0x0], $0xffff  }
0x1f8: {  	v7 =	vld [tilespmem:$0x1FFB0];
	_ =	sdelay $0x4  }
0x1f9: {  	v7 =	vadd.s32 v7, v3;
	_ =	sdelay $0x3  }
0x1fa: {  	[tilespmem:v45+s1+$0x0] =	vst.idx.msk $0xffff, v5  }
0x1fb: {  	v5 =	vld.idx.msk [tilespmem:v7+s7+$0x0], $0xffff  }
0x1fc: {  	v7 =	vld [tilespmem:$0x1FFC0];
	_ =	sdelay $0x4  }
0x1fd: {  	v7 =	vadd.s32 v7, v3;
	_ =	sdelay $0x3  }
0x1fe: {  	[tilespmem:v47+s1+$0x0] =	vst.idx.msk $0xffff, v5  }
0x1ff: {  	v5 =	vld.idx.msk [tilespmem:v7+s7+$0x0], $0xffff  }
0x200: {  	v7 =	vld [tilespmem:$0x1FFD0];
	_ =	sdelay $0x4  }
0x201: {  	v7 =	vadd.s32 v7, v3;
	_ =	sdelay $0x3  }
0x202: {  	[tilespmem:v49+s1+$0x0] =	vst.idx.msk $0xffff, v5  }
0x203: {  	v5 =	vld.idx.msk [tilespmem:v7+s7+$0x0], $0xffff  }
0x204: {  	v7 =	vld [tilespmem:$0x1FFE0];
	_ =	sdelay $0x4  }
0x205: {  	v7 =	vadd.s32 v7, v3;
	_ =	sdelay $0x3  }
0x206: {  	[tilespmem:v51+s1+$0x0] =	vst.idx.msk $0xffff, v5  }
0x207: {  	v5 =	vld.idx.msk [tilespmem:v7+s7+$0x0], $0xffff  }
0x208: {  	v7 =	vld [tilespmem:$0x1FFF0];
	_ =	sdelay $0x4  }
0x209: {  	v7 =	vadd.s32 v7, v3;
	_ =	sdelay $0x3  }
0x20a: {  	[tilespmem:v53+s1+$0x0] =	vst.idx.msk $0xffff, v5  }
0x20b: {  	v5 =	vld.idx.msk [tilespmem:v7+s7+$0x0], $0xffff  }
0x20c: {  	v7 =	vadd.s32 v56, v3;
	_ =	sdelay $0x3  }
0x20d: {  	[tilespmem:v55+s1+$0x0] =	vst.idx.msk $0xffff, v5  }
0x20e: {  	v5 =	vld.idx.msk [tilespmem:v7+s7+$0x0], $0xffff  }
0x20f: {  	v7 =	vadd.s32 v58, v3;
	_ =	sdelay $0x3  }
0x210: {  	[tilespmem:v57+s1+$0x0] =	vst.idx.msk $0xffff, v5  }
0x211: {  	v5 =	vld.idx.msk [tilespmem:v7+s7+$0x0], $0xffff  }
0x212: {  	v7 =	vadd.s32 v60, v3;
	_ =	sdelay $0x3  }
0x213: {  	[tilespmem:v59+s1+$0x0] =	vst.idx.msk $0xffff, v5  }
0x214: {  	v5 =	vld.idx.msk [tilespmem:v7+s7+$0x0], $0xffff  }
0x215: {  	v3 =	vadd.s32 v62, v3;
	_ =	sdelay $0x3  }
0x216: {  	[tilespmem:v61+s1+$0x0] =	vst.idx.msk $0xffff, v5  }
0x217: {  	v3 =	vld.idx.msk [tilespmem:v3+s7+$0x0], $0xffff;
	_ =	sdelay $0x3  }
0x218: {  	s25 =	simm.s32 $0x0  }
0x219: {  	s22 =	sand.u32 $0xC, s25;
	[tilespmem:v63+s1+$0x0] =	vst.idx.msk $0xffff, v3  }
0x21a: {  	[tilespmem:s0], [sflag:$0x2] =	stream.indirect.gather [hbm4b:s4+s30], $0x20, s1, s30, $0xb8;
	[tilespmem:$0x1D400] =	vst v63  }
0x21b: {  	s14 =	sor.u32 $0x3, s22;
	_ =	swait.ge [sflag:s5], $0x4000  }
0x21c: {  	s13 =	sor.u32 $0x1, s22;
	v16 =	vadd.s32 s14, v0;
	[sflag:s5] =	ssyncset.done $0x0  }
0x21d: {  	v12 =	vand.u32 $0xF, v16;
	v30 =	vshll.u32 v16, $0x9;
	v7 =	vadd.s32 s13, v0;
	[sflag:s5] =	ssyncadd.s32 $0xFFFFC000  }
0x21e: {  	v32 =	vshll.u32 v16, $0x7;
	v30 =	vand.u32 $0x1000, v30;
	v14 =	vshll.u32 v7, $0x9;
	_ =	swait.ge [sflag:s20], $0x1000  }
0x21f: {  	s26 =	sand.u32 $0x1F0, s25;
	v26 =	vand.u32 $0xF, v7;
	v18 =	vand.u32 $0x1000, v14;
	v5 =	vadd.s32 s22, v0;
	s22 =	sor.u32 $0x2, s22;
	[sflag:s20] =	ssyncset.done $0x0  }
0x220: {  	s28 =	sand.u32 $0x70, s25;
	s7 =	sand.u32 $0xC00, s7;
	v20 =	vadd.s32 s22, v0;
	v22 =	vshll.u32 v5, $0x7;
	v3 =	vmov s26;
	[sflag:s20] =	ssyncadd.s32 $0xFFFFF000  }
0x221: {  	v28 =	vand.u32 $0xF, v5;
	s7 =	sor.u32 s28, s7;
	v22 =	vand.u32 $0x380, v22;
	v3 =	vshll.u32 v3, $0x5;
	_ =	swait.ge [sflag:s20], $0x1000  }
0x222: {  	v54 =	vand.u32 $0xF, v20;
	v36 =	vshll.u32 v20, $0x9;
	s28 =	sor.u32 $0x2000, s7;
	v3 =	vor.u32 v4, v3;
	[sflag:s20] =	ssyncset.done $0x0  }
0x223: {  	v10 =	vor.u32 s7, v6;
	v8 =	vor.u32 s28, v6;
	v24 =	vor.u32 $0x10, v3;
	[sflag:s20] =	ssyncadd.s32 $0xFFFFF000  }
0x224: {  	v34 =	vor.u32 v3, v12;
	v12 =	vor.u32 v5, v24;
	v5 =	vshll.u32 v5, $0x9;
	_ =	swait.ge [sflag:s20], $0x1000  }
0x225: {  	v26 =	vor.u32 v3, v26;
	v28 =	vor.u32 v28, v3;
	v5 =	vand.u32 $0x1000, v5;
	[sflag:s20] =	ssyncset.done $0x0  }
0x226: {  	v42 =	vor.u32 v16, v24;
	v5 =	vor.u32 v5, v22;
	v22 =	vand.u32 $0x380, v32;
	[sflag:s20] =	ssyncadd.s32 $0xFFFFF000  }
0x227: {  	v14 =	vor.u32 v7, v24;
	v16 =	vor.u32 v30, v22;
	v30 =	vor.u32 v3, v54;
	_ =	swait.ge [sflag:s20], $0x1000  }
0x228: {  	v7 =	vshll.u32 v7, $0x7;
	v22 =	vor.u32 v20, v24;
	v20 =	vshll.u32 v20, $0x7;
	[sflag:s20] =	ssyncset.done $0x0  }
0x229: {  	v24 =	vand.u32 $0x1000, v36;
	v32 =	vor.u32 v2, v5;
	v5 =	vand.u32 $0x380, v20;
	[sflag:s20] =	ssyncadd.s32 $0xFFFFF000  }
0x22a: {  	v36 =	vand.u32 $0x380, v7;
	v40 =	vor.u32 v2, v16;
	v3 =	vor.u32 v24, v5;
	v20 =	vld.idx.msk [tilespmem:v34+s31+$0x0], $0xffff  }
0x22b: {  	s7 =	simm.s32 $0x20;
	s26 =	sshll.u32 s23, $0x1;
	v16 =	vor.u32 v32, v10;
	v38 =	vor.u32 v2, v3;
	v24 =	vld.idx.msk [tilespmem:v42+s31+$0x0], $0xffff;
	v34 =	vor.u32 v40, v10  }
.LBB2_7:
0x22c: {  	s25 =	sadd.s32 $0x4, s25;
	s22 =	sand.u32 $0xC00, s7;
	v3 =	vor.u32 v32, v8;
	v5 =	vor.u32 v18, v36;
	v7 =	vld.idx.msk [tilespmem:v30+s31+$0x0], $0xffff;
	v18 =	vor.u32 v40, v8  }
0x22d: {  	v30 =	vor.u32 v38, v10;
	v32 =	vor.u32 v38, v8;
	s28 =	sand.u32 $0xC, s25;
	s11 =	sand.u32 $0x1F0, s25;
	s13 =	sand.u32 $0x70, s25;
	v5 =	vor.u32 v2, v5;
	v22 =	vld.idx.msk [tilespmem:v22+s31+$0x0], $0xffff  }
0x22e: {  	v36 =	vadd.s32 s28, v0;
	v38 =	vmov s11;
	s11 =	sor.u32 s13, s22;
	s13 =	sor.u32 $0x1, s28;
	s22 =	sor.u32 $0x2, s28;
	v26 =	vld.idx.msk [tilespmem:v26+s31+$0x0], $0xffff;
	v40 =	vor.u32 v5, v8  }
0x22f: {  	p0 =	slt.u32 s25, $0x1FC;
	v5 =	vor.u32 v5, v10;
	v8 =	vshll.u32 v38, $0x5;
	s14 =	sor.u32 $0x2000, s11;
	v38 =	vadd.s32 s13, v0;
	s13 =	sor.u32 $0x3, s28;
	v28 =	vld.idx.msk [tilespmem:v28+s31+$0x0], $0xffff  }
0x230: {  	v42 =	vor.u32 v4, v8;
	v8 =	vor.u32 s14, v6;
	v44 =	vadd.s32 s13, v0;
	v46 =	vld.idx.msk [tilespmem:v14+s31+$0x0], $0xffff;
	[tilespmem:v34+s10+$0x0] =	vst.idx.msk $0xffff, v20  }
0x231: {  	v10 =	vor.u32 s11, v6;
	v20 =	vadd.s32 s22, v0;
	v14 =	vand.u32 $0xF, v44;
	v34 =	vld.idx.msk [tilespmem:v12+s31+$0x0], $0xffff;
	[tilespmem:v18+s10+$0x0] =	vst.idx.msk $0xffff, v24  }
0x232: {  	v50 =	vand.u32 $0xF, v38;
	v24 =	vshll.u32 v36, $0x7;
	v48 =	vor.u32 $0x10, v42;
	[tilespmem:v30+s10+$0x0] =	vst.idx.msk $0xffff, v7  }
0x233: {  	v18 =	vshll.u32 v38, $0x9;
	v7 =	vand.u32 $0xF, v36;
	v52 =	vor.u32 v42, v14;
	[tilespmem:v32+s10+$0x0] =	vst.idx.msk $0xffff, v22  }
0x234: {  	v12 =	vor.u32 v36, v48;
	v18 =	vand.u32 $0x1000, v18;
	v14 =	vor.u32 v38, v48;
	[tilespmem:v5+s10+$0x0] =	vst.idx.msk $0xffff, v26  }
0x235: {  	v22 =	vand.u32 $0xF, v20;
	v5 =	vshll.u32 v38, $0x7;
	v26 =	vshll.u32 v44, $0x9;
	[tilespmem:v16+s10+$0x0] =	vst.idx.msk $0xffff, v28  }
0x236: {  	v24 =	vand.u32 $0x380, v24;
	v54 =	vor.u32 v44, v48;
	v16 =	vshll.u32 v36, $0x9;
	[tilespmem:v40+s10+$0x0] =	vst.idx.msk $0xffff, v46  }
0x237: {  	v28 =	vshll.u32 v20, $0x9;
	v38 =	vand.u32 $0x1000, v26;
	v16 =	vand.u32 $0x1000, v16;
	[tilespmem:v3+s10+$0x0] =	vst.idx.msk $0xffff, v34  }
0x238: {  	v30 =	vor.u32 v42, v22;
	v22 =	vor.u32 v20, v48;
	v3 =	vshll.u32 v44, $0x7  }
.Ltmp2:
0x239: {  	v16 =	vor.u32 v16, v24;
	v24 =	vand.u32 $0x1000, v28;
	v28 =	vshll.u32 v20, $0x7;
	(pc) =	sbr.rel @p0 .LBB2_7-.Ltmp2, $4  }
0x23a: {  	v26 =	vor.u32 v42, v50;
	v32 =	vor.u32 v2, v16;
	v3 =	vand.u32 $0x380, v3;
	v20 =	vld.idx.msk [tilespmem:v52+s31+$0x0], $0xffff  }
0x23b: {  	v36 =	vand.u32 $0x380, v5;
	v5 =	vand.u32 $0x380, v28;
	v3 =	vor.u32 v38, v3  }
0x23c: {  	v28 =	vor.u32 v7, v42;
	v5 =	vor.u32 v24, v5;
	v40 =	vor.u32 v2, v3  }
0x23d: {  	s7 =	sadd.s32 $0x20, s7;
	v16 =	vor.u32 v32, v10;
	v38 =	vor.u32 v2, v5;
	v34 =	vor.u32 v40, v10;
	v24 =	vld.idx.msk [tilespmem:v54+s31+$0x0], $0xffff  }
0x23e: {  	_ =	sdelay $0x2  }
0x23f: {  	v3 =	vor.u32 v40, v8  }
0x240: {  	v5 =	vor.u32 v18, v36;
	v7 =	vld.idx.msk [tilespmem:v30+s31+$0x0], $0xffff;
	v18 =	vor.u32 v38, v10  }
0x241: {  	v28 =	vld.idx.msk [tilespmem:v28+s31+$0x0], $0xffff  }
0x242: {  	v22 =	vld.idx.msk [tilespmem:v22+s31+$0x0], $0xffff;
	v30 =	vor.u32 v38, v8;
	v5 =	vor.u32 v2, v5  }
0x243: {  	v26 =	vld.idx.msk [tilespmem:v26+s31+$0x0], $0xffff;
	[tilespmem:v34+s10+$0x0] =	vst.idx.msk $0xffff, v20;
	v10 =	vor.u32 v5, v10  }
0x244: {  	v14 =	vld.idx.msk [tilespmem:v14+s31+$0x0], $0xffff;
	v5 =	vor.u32 v5, v8;
	[tilespmem:v3+s10+$0x0] =	vst.idx.msk $0xffff, v24  }
0x245: {  	v3 =	vor.u32 v32, v8;
	v8 =	vld.idx.msk [tilespmem:v12+s31+$0x0], $0xffff;
	[tilespmem:v18+s10+$0x0] =	vst.idx.msk $0xffff, v7  }
0x246: {  	[tilespmem:v16+s10+$0x0] =	vst.idx.msk $0xffff, v28  }
0x247: {  	s7 =	sshll.u32 s23, $0x14;
	[tilespmem:v30+s10+$0x0] =	vst.idx.msk $0xffff, v22  }
0x248: {  	s7 =	sor.u32 s6, s7;
	[tilespmem:v10+s10+$0x0] =	vst.idx.msk $0xffff, v26  }
0x249: {  	s11 =	sshrl.u32 s7, $0x3;
	[tilespmem:v5+s10+$0x0] =	vst.idx.msk $0xffff, v14  }
0x24a: {  	s14 =	sadd.s32 $0x2, s26;
	s7 =	simm.s32 $0x0;
	s13 =	sadd.s32 s2, s11;
	[tilespmem:v3+s10+$0x0] =	vst.idx.msk $0xffff, v8  }
0x24b: {  	v3 =	vmov s14;
	[hbm4b:s13+s7] =	stream.linear.scatter [tilespmem:s10], [sflag:$0x3], $0x1000, $0x38;
	[tilespmem:$0x1D400] =	vst v63  }
0x24c: {  	s22 =	simm.s32 $0x16400;
	s14 =	sadd.s32 s11, s8;
	v3 =	vand.u32 $0xFE, v3  }
0x24d: {  	v5 =	vadd.s32 v1, v3;
	[hbm4b:s14+s7] =	stream.linear.scatter [tilespmem:s22], [sflag:$0x3], $0x1000, $0x38;
	[tilespmem:$0x1D400] =	vst v63  }
0x24e: {  	s26 =	simm.s32 $0x17400;
	s25 =	sadd.s32 s11, s9;
	v7 =	vld [tilespmem:$0x1FE20]  }
0x24f: {  	[hbm4b:s25+s7] =	stream.linear.scatter [tilespmem:s26], [sflag:$0x3], $0x1000, $0x38;
	[tilespmem:$0x1D400] =	vst v63  }
0x250: {  	s28 =	simm.s32 $0x18400;
	s11 =	sadd.s32 s11, s12  }
0x251: {  	[hbm4b:s11+s7] =	stream.linear.scatter [tilespmem:s28], [sflag:$0x3], $0x1000, $0x38;
	[tilespmem:$0x1D400] =	vst v63  }
0x252: {  	v5 =	vld.idx.msk [tilespmem:v5+s7+$0x0], $0xffff  }
0x253: {  	v7 =	vadd.s32 v7, v3;
	_ =	sdelay $0x3  }
0x254: {  	[tilespmem:v0+s29+$0x0] =	vst.idx.msk $0xffff, v5  }
0x255: {  	v5 =	vld.idx.msk [tilespmem:v7+s7+$0x0], $0xffff  }
0x256: {  	v7 =	vld [tilespmem:$0x1FE40]  }
0x257: {  	v8 =	vld [tilespmem:$0x1FE30];
	_ =	sdelay $0x3  }
0x258: {  	v7 =	vadd.s32 v7, v3;
	_ =	sdelay $0x3  }
0x259: {  	[tilespmem:v8+s29+$0x0] =	vst.idx.msk $0xffff, v5  }
0x25a: {  	v5 =	vld.idx.msk [tilespmem:v7+s7+$0x0], $0xffff  }
0x25b: {  	v7 =	vld [tilespmem:$0x1FE60]  }
0x25c: {  	v8 =	vld [tilespmem:$0x1FE50];
	_ =	sdelay $0x3  }
0x25d: {  	v7 =	vadd.s32 v7, v3;
	_ =	sdelay $0x3  }
0x25e: {  	[tilespmem:v8+s29+$0x0] =	vst.idx.msk $0xffff, v5  }
0x25f: {  	v5 =	vld.idx.msk [tilespmem:v7+s7+$0x0], $0xffff  }
0x260: {  	v7 =	vld [tilespmem:$0x1FE80]  }
0x261: {  	v8 =	vld [tilespmem:$0x1FE70];
	_ =	sdelay $0x3  }
0x262: {  	v7 =	vadd.s32 v7, v3;
	_ =	sdelay $0x3  }
0x263: {  	[tilespmem:v8+s29+$0x0] =	vst.idx.msk $0xffff, v5  }
0x264: {  	v5 =	vld.idx.msk [tilespmem:v7+s7+$0x0], $0xffff  }
0x265: {  	v7 =	vld [tilespmem:$0x1FE90];
	_ =	sdelay $0x4  }
0x266: {  	v7 =	vadd.s32 v7, v3;
	_ =	sdelay $0x3  }
0x267: {  	[tilespmem:v9+s29+$0x0] =	vst.idx.msk $0xffff, v5  }
0x268: {  	v5 =	vld.idx.msk [tilespmem:v7+s7+$0x0], $0xffff  }
0x269: {  	v7 =	vld [tilespmem:$0x1FEA0];
	_ =	sdelay $0x4  }
0x26a: {  	v7 =	vadd.s32 v7, v3;
	_ =	sdelay $0x3  }
0x26b: {  	[tilespmem:v11+s29+$0x0] =	vst.idx.msk $0xffff, v5  }
0x26c: {  	v5 =	vld.idx.msk [tilespmem:v7+s7+$0x0], $0xffff  }
0x26d: {  	v7 =	vld [tilespmem:$0x1FEB0];
	_ =	sdelay $0x4  }
0x26e: {  	v7 =	vadd.s32 v7, v3;
	_ =	sdelay $0x3  }
0x26f: {  	[tilespmem:v13+s29+$0x0] =	vst.idx.msk $0xffff, v5  }
0x270: {  	v5 =	vld.idx.msk [tilespmem:v7+s7+$0x0], $0xffff  }
0x271: {  	v7 =	vld [tilespmem:$0x1FEC0];
	_ =	sdelay $0x4  }
0x272: {  	v7 =	vadd.s32 v7, v3;
	_ =	sdelay $0x3  }
0x273: {  	[tilespmem:v15+s29+$0x0] =	vst.idx.msk $0xffff, v5  }
0x274: {  	v5 =	vld.idx.msk [tilespmem:v7+s7+$0x0], $0xffff  }
0x275: {  	v7 =	vld [tilespmem:$0x1FED0];
	_ =	sdelay $0x4  }
0x276: {  	v7 =	vadd.s32 v7, v3;
	_ =	sdelay $0x3  }
0x277: {  	[tilespmem:v17+s29+$0x0] =	vst.idx.msk $0xffff, v5  }
0x278: {  	v5 =	vld.idx.msk [tilespmem:v7+s7+$0x0], $0xffff  }
0x279: {  	v7 =	vld [tilespmem:$0x1FEE0];
	_ =	sdelay $0x4  }
0x27a: {  	v7 =	vadd.s32 v7, v3;
	_ =	sdelay $0x3  }
0x27b: {  	[tilespmem:v19+s29+$0x0] =	vst.idx.msk $0xffff, v5  }
0x27c: {  	v5 =	vld.idx.msk [tilespmem:v7+s7+$0x0], $0xffff  }
0x27d: {  	v7 =	vld [tilespmem:$0x1FEF0];
	_ =	sdelay $0x4  }
0x27e: {  	v7 =	vadd.s32 v7, v3;
	_ =	sdelay $0x3  }
0x27f: {  	[tilespmem:v21+s29+$0x0] =	vst.idx.msk $0xffff, v5  }
0x280: {  	v5 =	vld.idx.msk [tilespmem:v7+s7+$0x0], $0xffff  }
0x281: {  	v7 =	vld [tilespmem:$0x1FF00];
	_ =	sdelay $0x4  }
0x282: {  	v7 =	vadd.s32 v7, v3;
	_ =	sdelay $0x3  }
0x283: {  	[tilespmem:v23+s29+$0x0] =	vst.idx.msk $0xffff, v5  }
0x284: {  	v5 =	vld.idx.msk [tilespmem:v7+s7+$0x0], $0xffff  }
0x285: {  	v7 =	vld [tilespmem:$0x1FF10];
	_ =	sdelay $0x4  }
0x286: {  	v7 =	vadd.s32 v7, v3;
	_ =	sdelay $0x3  }
0x287: {  	[tilespmem:v25+s29+$0x0] =	vst.idx.msk $0xffff, v5  }
0x288: {  	v5 =	vld.idx.msk [tilespmem:v7+s7+$0x0], $0xffff  }
0x289: {  	v7 =	vld [tilespmem:$0x1FF20];
	_ =	sdelay $0x4  }
0x28a: {  	v7 =	vadd.s32 v7, v3;
	_ =	sdelay $0x3  }
0x28b: {  	[tilespmem:v27+s29+$0x0] =	vst.idx.msk $0xffff, v5  }
0x28c: {  	v5 =	vld.idx.msk [tilespmem:v7+s7+$0x0], $0xffff  }
0x28d: {  	v7 =	vld [tilespmem:$0x1FF30];
	_ =	sdelay $0x4  }
0x28e: {  	v7 =	vadd.s32 v7, v3;
	_ =	sdelay $0x3  }
0x28f: {  	[tilespmem:v29+s29+$0x0] =	vst.idx.msk $0xffff, v5  }
0x290: {  	v5 =	vld.idx.msk [tilespmem:v7+s7+$0x0], $0xffff  }
0x291: {  	v7 =	vld [tilespmem:$0x1FF40];
	_ =	sdelay $0x4  }
0x292: {  	v7 =	vadd.s32 v7, v3;
	_ =	sdelay $0x3  }
0x293: {  	[tilespmem:v31+s29+$0x0] =	vst.idx.msk $0xffff, v5  }
0x294: {  	v5 =	vld.idx.msk [tilespmem:v7+s7+$0x0], $0xffff  }
0x295: {  	v7 =	vld [tilespmem:$0x1FF50];
	_ =	sdelay $0x4  }
0x296: {  	v7 =	vadd.s32 v7, v3;
	_ =	sdelay $0x3  }
0x297: {  	[tilespmem:v33+s29+$0x0] =	vst.idx.msk $0xffff, v5  }
0x298: {  	v5 =	vld.idx.msk [tilespmem:v7+s7+$0x0], $0xffff  }
0x299: {  	v7 =	vld [tilespmem:$0x1FF60];
	_ =	sdelay $0x4  }
0x29a: {  	v7 =	vadd.s32 v7, v3;
	_ =	sdelay $0x3  }
0x29b: {  	[tilespmem:v35+s29+$0x0] =	vst.idx.msk $0xffff, v5  }
0x29c: {  	v5 =	vld.idx.msk [tilespmem:v7+s7+$0x0], $0xffff  }
0x29d: {  	v7 =	vld [tilespmem:$0x1FF70];
	_ =	sdelay $0x4  }
0x29e: {  	v7 =	vadd.s32 v7, v3;
	_ =	sdelay $0x3  }
0x29f: {  	[tilespmem:v37+s29+$0x0] =	vst.idx.msk $0xffff, v5  }
0x2a0: {  	v5 =	vld.idx.msk [tilespmem:v7+s7+$0x0], $0xffff  }
0x2a1: {  	v7 =	vld [tilespmem:$0x1FF80];
	_ =	sdelay $0x4  }
0x2a2: {  	v7 =	vadd.s32 v7, v3;
	_ =	sdelay $0x3  }
0x2a3: {  	[tilespmem:v39+s29+$0x0] =	vst.idx.msk $0xffff, v5  }
0x2a4: {  	v5 =	vld.idx.msk [tilespmem:v7+s7+$0x0], $0xffff  }
0x2a5: {  	v7 =	vld [tilespmem:$0x1FF90];
	_ =	sdelay $0x4  }
0x2a6: {  	v7 =	vadd.s32 v7, v3;
	_ =	sdelay $0x3  }
0x2a7: {  	[tilespmem:v41+s29+$0x0] =	vst.idx.msk $0xffff, v5  }
0x2a8: {  	v5 =	vld.idx.msk [tilespmem:v7+s7+$0x0], $0xffff  }
0x2a9: {  	v7 =	vld [tilespmem:$0x1FFA0];
	_ =	sdelay $0x4  }
0x2aa: {  	v7 =	vadd.s32 v7, v3;
	_ =	sdelay $0x3  }
0x2ab: {  	[tilespmem:v43+s29+$0x0] =	vst.idx.msk $0xffff, v5  }
0x2ac: {  	v5 =	vld.idx.msk [tilespmem:v7+s7+$0x0], $0xffff  }
0x2ad: {  	v7 =	vld [tilespmem:$0x1FFB0];
	_ =	sdelay $0x4  }
0x2ae: {  	v7 =	vadd.s32 v7, v3;
	_ =	sdelay $0x3  }
0x2af: {  	[tilespmem:v45+s29+$0x0] =	vst.idx.msk $0xffff, v5  }
0x2b0: {  	v5 =	vld.idx.msk [tilespmem:v7+s7+$0x0], $0xffff  }
0x2b1: {  	v7 =	vld [tilespmem:$0x1FFC0];
	_ =	sdelay $0x4  }
0x2b2: {  	v7 =	vadd.s32 v7, v3;
	_ =	sdelay $0x3  }
0x2b3: {  	[tilespmem:v47+s29+$0x0] =	vst.idx.msk $0xffff, v5  }
0x2b4: {  	v5 =	vld.idx.msk [tilespmem:v7+s7+$0x0], $0xffff  }
0x2b5: {  	v7 =	vld [tilespmem:$0x1FFD0];
	_ =	sdelay $0x4  }
0x2b6: {  	v7 =	vadd.s32 v7, v3;
	_ =	sdelay $0x3  }
0x2b7: {  	[tilespmem:v49+s29+$0x0] =	vst.idx.msk $0xffff, v5  }
0x2b8: {  	v5 =	vld.idx.msk [tilespmem:v7+s7+$0x0], $0xffff  }
0x2b9: {  	v7 =	vld [tilespmem:$0x1FFE0];
	_ =	sdelay $0x4  }
0x2ba: {  	v7 =	vadd.s32 v7, v3;
	_ =	sdelay $0x3  }
0x2bb: {  	[tilespmem:v51+s29+$0x0] =	vst.idx.msk $0xffff, v5  }
0x2bc: {  	v5 =	vld.idx.msk [tilespmem:v7+s7+$0x0], $0xffff  }
0x2bd: {  	v7 =	vld [tilespmem:$0x1FFF0];
	_ =	sdelay $0x4  }
0x2be: {  	v7 =	vadd.s32 v7, v3;
	_ =	sdelay $0x3  }
0x2bf: {  	[tilespmem:v53+s29+$0x0] =	vst.idx.msk $0xffff, v5  }
0x2c0: {  	v5 =	vld.idx.msk [tilespmem:v7+s7+$0x0], $0xffff  }
0x2c1: {  	v7 =	vadd.s32 v56, v3;
	_ =	sdelay $0x3  }
0x2c2: {  	[tilespmem:v55+s29+$0x0] =	vst.idx.msk $0xffff, v5  }
0x2c3: {  	v5 =	vld.idx.msk [tilespmem:v7+s7+$0x0], $0xffff  }
0x2c4: {  	v7 =	vadd.s32 v58, v3;
	_ =	sdelay $0x3  }
0x2c5: {  	[tilespmem:v57+s29+$0x0] =	vst.idx.msk $0xffff, v5  }
0x2c6: {  	v5 =	vld.idx.msk [tilespmem:v7+s7+$0x0], $0xffff  }
0x2c7: {  	v7 =	vadd.s32 v60, v3;
	_ =	sdelay $0x3  }
0x2c8: {  	[tilespmem:v59+s29+$0x0] =	vst.idx.msk $0xffff, v5  }
0x2c9: {  	v5 =	vld.idx.msk [tilespmem:v7+s7+$0x0], $0xffff  }
0x2ca: {  	v3 =	vadd.s32 v62, v3;
	_ =	sdelay $0x3  }
0x2cb: {  	[tilespmem:v61+s29+$0x0] =	vst.idx.msk $0xffff, v5  }
0x2cc: {  	v3 =	vld.idx.msk [tilespmem:v3+s7+$0x0], $0xffff;
	_ =	sdelay $0x3  }
0x2cd: {  	s25 =	simm.s32 $0x0  }
0x2ce: {  	s11 =	sand.u32 $0xC, s25;
	[tilespmem:v63+s29+$0x0] =	vst.idx.msk $0xffff, v3  }
0x2cf: {  	[tilespmem:s31], [sflag:$0x1] =	stream.indirect.gather [hbm4b:s4+s30], $0x20, s29, s30, $0xb8;
	[tilespmem:$0x1D400] =	vst v63  }
0x2d0: {  	s28 =	sor.u32 $0x3, s11;
	_ =	swait.ge [sflag:s15], $0x4000  }
0x2d1: {  	s26 =	sor.u32 $0x1, s11;
	v16 =	vadd.s32 s28, v0;
	[sflag:s15] =	ssyncset.done $0x0  }
0x2d2: {  	v12 =	vand.u32 $0xF, v16;
	v30 =	vshll.u32 v16, $0x9;
	v7 =	vadd.s32 s26, v0;
	[sflag:s15] =	ssyncadd.s32 $0xFFFFC000  }
0x2d3: {  	v52 =	vshll.u32 v16, $0x7;
	v30 =	vand.u32 $0x1000, v30;
	v14 =	vshll.u32 v7, $0x9;
	_ =	swait.ge [sflag:s21], $0x1000  }
0x2d4: {  	s14 =	sand.u32 $0x1F0, s25;
	v26 =	vand.u32 $0xF, v7;
	v18 =	vand.u32 $0x1000, v14;
	v5 =	vadd.s32 s11, v0;
	s11 =	sor.u32 $0x2, s11;
	[sflag:s21] =	ssyncset.done $0x0  }
0x2d5: {  	s22 =	sand.u32 $0x70, s25;
	s7 =	sand.u32 $0xC00, s7;
	v20 =	vadd.s32 s11, v0;
	v22 =	vshll.u32 v5, $0x7;
	v3 =	vmov s14;
	[sflag:s21] =	ssyncadd.s32 $0xFFFFF000  }
0x2d6: {  	v28 =	vand.u32 $0xF, v5;
	s7 =	sor.u32 s22, s7;
	v22 =	vand.u32 $0x380, v22;
	v3 =	vshll.u32 v3, $0x5;
	_ =	swait.ge [sflag:s21], $0x1000  }
0x2d7: {  	v54 =	vand.u32 $0xF, v20;
	v10 =	vor.u32 s7, v6;
	s14 =	sor.u32 $0x2000, s7;
	v3 =	vor.u32 v4, v3;
	[sflag:s21] =	ssyncset.done $0x0  }
0x2d8: {  	v8 =	vor.u32 s14, v6;
	v24 =	vor.u32 $0x10, v3;
	v50 =	vor.u32 v3, v12;
	[sflag:s21] =	ssyncadd.s32 $0xFFFFF000  }
0x2d9: {  	v26 =	vor.u32 v3, v26;
	v12 =	vor.u32 v5, v24;
	v5 =	vshll.u32 v5, $0x9;
	_ =	swait.ge [sflag:s21], $0x1000  }
0x2da: {  	v28 =	vor.u32 v28, v3;
	v14 =	vor.u32 v7, v24;
	v5 =	vand.u32 $0x1000, v5;
	[sflag:s21] =	ssyncset.done $0x0  }
0x2db: {  	v42 =	vor.u32 v16, v24;
	v5 =	vor.u32 v5, v22;
	v22 =	vand.u32 $0x380, v52;
	[sflag:s21] =	ssyncadd.s32 $0xFFFFF000  }
0x2dc: {  	v7 =	vshll.u32 v7, $0x7;
	v16 =	vor.u32 v30, v22;
	v30 =	vor.u32 v3, v54;
	_ =	swait.ge [sflag:s21], $0x1000  }
0x2dd: {  	v24 =	vor.u32 v20, v24;
	v22 =	vshll.u32 v20, $0x9;
	v20 =	vshll.u32 v20, $0x7;
	[sflag:s21] =	ssyncset.done $0x0  }
0x2de: {  	v34 =	vor.u32 v2, v5;
	v22 =	vand.u32 $0x1000, v22;
	v5 =	vand.u32 $0x380, v20;
	[sflag:s21] =	ssyncadd.s32 $0xFFFFF000  }
0x2df: {  	v36 =	vand.u32 $0x380, v7;
	v40 =	vor.u32 v2, v16;
	v3 =	vor.u32 v22, v5;
	v20 =	vld.idx.msk [tilespmem:v50+s0+$0x0], $0xffff  }
0x2e0: {  	s7 =	simm.s32 $0x20;
	v16 =	vor.u32 v34, v10;
	v32 =	vor.u32 v40, v10;
	v38 =	vor.u32 v2, v3;
	v22 =	vld.idx.msk [tilespmem:v42+s0+$0x0], $0xffff  }
.LBB2_9:
0x2e1: {  	s25 =	sadd.s32 $0x4, s25;
	s11 =	sand.u32 $0xC00, s7;
	v3 =	vor.u32 v34, v8;
	v5 =	vor.u32 v18, v36;
	v7 =	vld.idx.msk [tilespmem:v30+s0+$0x0], $0xffff;
	v18 =	vor.u32 v40, v8  }
0x2e2: {  	v30 =	vor.u32 v38, v10;
	v34 =	vor.u32 v38, v8;
	s13 =	sand.u32 $0xC, s25;
	s14 =	sand.u32 $0x1F0, s25;
	s22 =	sand.u32 $0x70, s25;
	v5 =	vor.u32 v2, v5;
	v24 =	vld.idx.msk [tilespmem:v24+s0+$0x0], $0xffff  }
0x2e3: {  	v36 =	vadd.s32 s13, v0;
	v38 =	vmov s14;
	s11 =	sor.u32 s22, s11;
	s14 =	sor.u32 $0x1, s13;
	s22 =	sor.u32 $0x2, s13;
	v26 =	vld.idx.msk [tilespmem:v26+s0+$0x0], $0xffff;
	v40 =	vor.u32 v5, v8  }
0x2e4: {  	p0 =	slt.u32 s25, $0x1FC;
	s13 =	sor.u32 $0x3, s13;
	v5 =	vor.u32 v5, v10;
	v8 =	vshll.u32 v38, $0x5;
	s26 =	sor.u32 $0x2000, s11;
	v38 =	vadd.s32 s14, v0;
	v28 =	vld.idx.msk [tilespmem:v28+s0+$0x0], $0xffff  }
0x2e5: {  	v44 =	vadd.s32 s13, v0;
	v42 =	vor.u32 v4, v8;
	v8 =	vor.u32 s26, v6;
	v46 =	vld.idx.msk [tilespmem:v14+s0+$0x0], $0xffff;
	[tilespmem:v32+s16+$0x0] =	vst.idx.msk $0xffff, v20  }
0x2e6: {  	v10 =	vor.u32 s11, v6;
	v20 =	vadd.s32 s22, v0;
	v14 =	vand.u32 $0xF, v44;
	v32 =	vld.idx.msk [tilespmem:v12+s0+$0x0], $0xffff;
	[tilespmem:v18+s16+$0x0] =	vst.idx.msk $0xffff, v22  }
0x2e7: {  	v50 =	vand.u32 $0xF, v38;
	v22 =	vshll.u32 v36, $0x7;
	v48 =	vor.u32 $0x10, v42;
	[tilespmem:v30+s16+$0x0] =	vst.idx.msk $0xffff, v7  }
0x2e8: {  	v18 =	vshll.u32 v38, $0x9;
	v52 =	vor.u32 v42, v14;
	v7 =	vand.u32 $0xF, v36;
	[tilespmem:v34+s16+$0x0] =	vst.idx.msk $0xffff, v24  }
0x2e9: {  	v12 =	vor.u32 v36, v48;
	v18 =	vand.u32 $0x1000, v18;
	v14 =	vor.u32 v38, v48;
	[tilespmem:v5+s16+$0x0] =	vst.idx.msk $0xffff, v26  }
0x2ea: {  	v24 =	vand.u32 $0xF, v20;
	v5 =	vshll.u32 v38, $0x7;
	v26 =	vshll.u32 v44, $0x9;
	[tilespmem:v16+s16+$0x0] =	vst.idx.msk $0xffff, v28  }
0x2eb: {  	v22 =	vand.u32 $0x380, v22;
	v54 =	vor.u32 v44, v48;
	v16 =	vshll.u32 v36, $0x9;
	[tilespmem:v40+s16+$0x0] =	vst.idx.msk $0xffff, v46  }
0x2ec: {  	v28 =	vshll.u32 v20, $0x9;
	v38 =	vand.u32 $0x1000, v26;
	v16 =	vand.u32 $0x1000, v16;
	[tilespmem:v3+s16+$0x0] =	vst.idx.msk $0xffff, v32  }
0x2ed: {  	v30 =	vor.u32 v42, v24;
	v24 =	vor.u32 v20, v48;
	v3 =	vshll.u32 v44, $0x7  }
.Ltmp3:
0x2ee: {  	v16 =	vor.u32 v16, v22;
	v22 =	vand.u32 $0x1000, v28;
	v28 =	vshll.u32 v20, $0x7;
	(pc) =	sbr.rel @p0 .LBB2_9-.Ltmp3, $4  }
0x2ef: {  	v26 =	vor.u32 v42, v50;
	v34 =	vor.u32 v2, v16;
	v3 =	vand.u32 $0x380, v3;
	v20 =	vld.idx.msk [tilespmem:v52+s0+$0x0], $0xffff  }
0x2f0: {  	v36 =	vand.u32 $0x380, v5;
	v5 =	vand.u32 $0x380, v28;
	v3 =	vor.u32 v38, v3  }
0x2f1: {  	v28 =	vor.u32 v7, v42;
	v5 =	vor.u32 v22, v5;
	v40 =	vor.u32 v2, v3  }
0x2f2: {  	s7 =	sadd.s32 $0x20, s7;
	v16 =	vor.u32 v34, v10;
	v38 =	vor.u32 v2, v5;
	v32 =	vor.u32 v40, v10;
	v22 =	vld.idx.msk [tilespmem:v54+s0+$0x0], $0xffff  }
0x2f3: {  	_ =	sdelay $0x2  }
0x2f4: {  	v3 =	vor.u32 v40, v8  }
0x2f5: {  	v5 =	vor.u32 v18, v36;
	v7 =	vld.idx.msk [tilespmem:v30+s0+$0x0], $0xffff;
	v18 =	vor.u32 v38, v10  }
0x2f6: {  	v28 =	vld.idx.msk [tilespmem:v28+s0+$0x0], $0xffff  }
0x2f7: {  	v24 =	vld.idx.msk [tilespmem:v24+s0+$0x0], $0xffff;
	v30 =	vor.u32 v38, v8;
	v5 =	vor.u32 v2, v5  }
0x2f8: {  	v26 =	vld.idx.msk [tilespmem:v26+s0+$0x0], $0xffff;
	[tilespmem:v32+s16+$0x0] =	vst.idx.msk $0xffff, v20;
	v10 =	vor.u32 v5, v10  }
0x2f9: {  	v14 =	vld.idx.msk [tilespmem:v14+s0+$0x0], $0xffff;
	v5 =	vor.u32 v5, v8;
	[tilespmem:v3+s16+$0x0] =	vst.idx.msk $0xffff, v22  }
0x2fa: {  	v3 =	vor.u32 v34, v8;
	v8 =	vld.idx.msk [tilespmem:v12+s0+$0x0], $0xffff;
	[tilespmem:v18+s16+$0x0] =	vst.idx.msk $0xffff, v7  }
0x2fb: {  	[tilespmem:v16+s16+$0x0] =	vst.idx.msk $0xffff, v28  }
0x2fc: {  	s7 =	sshll.u32 s24, $0x13;
	[tilespmem:v30+s16+$0x0] =	vst.idx.msk $0xffff, v24  }
0x2fd: {  	s7 =	sor.u32 s6, s7;
	[tilespmem:v10+s16+$0x0] =	vst.idx.msk $0xffff, v26  }
0x2fe: {  	s7 =	sshrl.u32 s7, $0x3;
	[tilespmem:v5+s16+$0x0] =	vst.idx.msk $0xffff, v14  }
0x2ff: {  	s23 =	sadd.s32 $0x1, s23;
	s11 =	sadd.s32 s2, s7;
	[tilespmem:v3+s16+$0x0] =	vst.idx.msk $0xffff, v8  }
0x300: {  	[hbm4b:s11+s3] =	stream.linear.scatter [tilespmem:s16], [sflag:$0x4], $0x1000, $0x38;
	[tilespmem:$0x1D400] =	vst v63  }
0x301: {  	p0 =	sne.s32 s23, $0x31;
	s26 =	sadd.s32 s7, s8  }
0x302: {  	[hbm4b:s26+s3] =	stream.linear.scatter [tilespmem:s17], [sflag:$0x4], $0x1000, $0x38;
	[tilespmem:$0x1D400] =	vst v63  }
.Ltmp4:
0x303: {  	_ = 	snop;
	(pc) =	sbr.rel @p0 .LBB2_6-.Ltmp4, $4  }
0x304: {  	s28 =	sadd.s32 s7, s9  }
0x305: {  	[hbm4b:s28+s3] =	stream.linear.scatter [tilespmem:s18], [sflag:$0x4], $0x1000, $0x38;
	[tilespmem:$0x1D400] =	vst v63  }
0x306: {  	s7 =	sadd.s32 s7, s12  }
0x307: {  	[hbm4b:s7+s3] =	stream.linear.scatter [tilespmem:s19], [sflag:$0x4], $0x1000, $0x38;
	[tilespmem:$0x1D400] =	vst v63  }
0x308: {  	v3 =	vadd.s32 $0x63, v1;
	_ =	sdelay $0x3  }
0x309: {  	s7 =	simm.s32 $0x0  }
0x30a: {  	v3 =	vld.idx.msk [tilespmem:v3+s7+$0x0], $0xffff  }
0x30b: {  	v5 =	vadd.s32 $0x6E3, v1;
	_ =	sdelay $0x1  }
0x30c: {  	v7 =	vld [tilespmem:$0x1FE30];
	_ =	sdelay $0x1  }
0x30d: {  	[tilespmem:v0+s1+$0x0] =	vst.idx.msk $0xffff, v3  }
0x30e: {  	v3 =	vld.idx.msk [tilespmem:v5+s7+$0x0], $0xffff;
	_ =	sdelay $0x2  }
0x30f: {  	v5 =	vadd.s32 $0xD63, v1;
	_ =	sdelay $0x1  }
0x310: {  	[tilespmem:v7+s1+$0x0] =	vst.idx.msk $0xffff, v3;
	v7 =	vld [tilespmem:$0x1FE50];
	_ =	sdelay $0x2  }
0x311: {  	v3 =	vld.idx.msk [tilespmem:v5+s7+$0x0], $0xffff;
	_ =	sdelay $0x2  }
0x312: {  	v5 =	vadd.s32 $0x13E3, v1;
	_ =	sdelay $0x1  }
0x313: {  	[tilespmem:v7+s1+$0x0] =	vst.idx.msk $0xffff, v3;
	v7 =	vld [tilespmem:$0x1FE70];
	_ =	sdelay $0x2  }
0x314: {  	v3 =	vld.idx.msk [tilespmem:v5+s7+$0x0], $0xffff  }
0x315: {  	v5 =	vadd.s32 $0x1A63, v1;
	_ =	sdelay $0x3  }
0x316: {  	[tilespmem:v7+s1+$0x0] =	vst.idx.msk $0xffff, v3  }
0x317: {  	v3 =	vld.idx.msk [tilespmem:v5+s7+$0x0], $0xffff  }
0x318: {  	v5 =	vadd.s32 $0x20E3, v1;
	_ =	sdelay $0x3  }
0x319: {  	[tilespmem:v9+s1+$0x0] =	vst.idx.msk $0xffff, v3  }
0x31a: {  	v3 =	vld.idx.msk [tilespmem:v5+s7+$0x0], $0xffff  }
0x31b: {  	v5 =	vadd.s32 $0x2763, v1;
	_ =	sdelay $0x3  }
0x31c: {  	[tilespmem:v11+s1+$0x0] =	vst.idx.msk $0xffff, v3  }
0x31d: {  	v3 =	vld.idx.msk [tilespmem:v5+s7+$0x0], $0xffff  }
0x31e: {  	v5 =	vadd.s32 $0x2DE3, v1;
	_ =	sdelay $0x3  }
0x31f: {  	[tilespmem:v13+s1+$0x0] =	vst.idx.msk $0xffff, v3  }
0x320: {  	v3 =	vld.idx.msk [tilespmem:v5+s7+$0x0], $0xffff  }
0x321: {  	v5 =	vadd.s32 $0x3463, v1;
	_ =	sdelay $0x3  }
0x322: {  	[tilespmem:v15+s1+$0x0] =	vst.idx.msk $0xffff, v3  }
0x323: {  	v3 =	vld.idx.msk [tilespmem:v5+s7+$0x0], $0xffff  }
0x324: {  	v5 =	vadd.s32 $0x3AE3, v1;
	_ =	sdelay $0x3  }
0x325: {  	[tilespmem:v17+s1+$0x0] =	vst.idx.msk $0xffff, v3  }
0x326: {  	v3 =	vld.idx.msk [tilespmem:v5+s7+$0x0], $0xffff  }
0x327: {  	v5 =	vadd.s32 $0x4163, v1;
	_ =	sdelay $0x3  }
0x328: {  	[tilespmem:v19+s1+$0x0] =	vst.idx.msk $0xffff, v3  }
0x329: {  	v3 =	vld.idx.msk [tilespmem:v5+s7+$0x0], $0xffff  }
0x32a: {  	v5 =	vadd.s32 $0x47E3, v1;
	_ =	sdelay $0x3  }
0x32b: {  	[tilespmem:v21+s1+$0x0] =	vst.idx.msk $0xffff, v3  }
0x32c: {  	v3 =	vld.idx.msk [tilespmem:v5+s7+$0x0], $0xffff  }
0x32d: {  	v5 =	vadd.s32 $0x4E63, v1;
	_ =	sdelay $0x3  }
0x32e: {  	[tilespmem:v23+s1+$0x0] =	vst.idx.msk $0xffff, v3  }
0x32f: {  	v3 =	vld.idx.msk [tilespmem:v5+s7+$0x0], $0xffff  }
0x330: {  	v5 =	vadd.s32 $0x54E3, v1;
	_ =	sdelay $0x3  }
0x331: {  	[tilespmem:v25+s1+$0x0] =	vst.idx.msk $0xffff, v3  }
0x332: {  	v3 =	vld.idx.msk [tilespmem:v5+s7+$0x0], $0xffff  }
0x333: {  	v5 =	vadd.s32 $0x5B63, v1;
	_ =	sdelay $0x3  }
0x334: {  	[tilespmem:v27+s1+$0x0] =	vst.idx.msk $0xffff, v3  }
0x335: {  	v3 =	vld.idx.msk [tilespmem:v5+s7+$0x0], $0xffff  }
0x336: {  	v5 =	vadd.s32 $0x61E3, v1;
	_ =	sdelay $0x3  }
0x337: {  	[tilespmem:v29+s1+$0x0] =	vst.idx.msk $0xffff, v3  }
0x338: {  	v3 =	vld.idx.msk [tilespmem:v5+s7+$0x0], $0xffff  }
0x339: {  	v5 =	vadd.s32 $0x6863, v1;
	_ =	sdelay $0x3  }
0x33a: {  	[tilespmem:v31+s1+$0x0] =	vst.idx.msk $0xffff, v3  }
0x33b: {  	v3 =	vld.idx.msk [tilespmem:v5+s7+$0x0], $0xffff  }
0x33c: {  	v5 =	vadd.s32 $0x6EE3, v1;
	_ =	sdelay $0x3  }
0x33d: {  	[tilespmem:v33+s1+$0x0] =	vst.idx.msk $0xffff, v3  }
0x33e: {  	v3 =	vld.idx.msk [tilespmem:v5+s7+$0x0], $0xffff  }
0x33f: {  	v5 =	vadd.s32 $0x7563, v1;
	_ =	sdelay $0x3  }
0x340: {  	[tilespmem:v35+s1+$0x0] =	vst.idx.msk $0xffff, v3  }
0x341: {  	v3 =	vld.idx.msk [tilespmem:v5+s7+$0x0], $0xffff  }
0x342: {  	v5 =	vadd.s32 $0x7BE3, v1;
	_ =	sdelay $0x3  }
0x343: {  	[tilespmem:v37+s1+$0x0] =	vst.idx.msk $0xffff, v3  }
0x344: {  	v3 =	vld.idx.msk [tilespmem:v5+s7+$0x0], $0xffff  }
0x345: {  	v5 =	vadd.s32 $0x8263, v1;
	_ =	sdelay $0x3  }
0x346: {  	[tilespmem:v39+s1+$0x0] =	vst.idx.msk $0xffff, v3  }
0x347: {  	v3 =	vld.idx.msk [tilespmem:v5+s7+$0x0], $0xffff  }
0x348: {  	v5 =	vadd.s32 $0x88E3, v1;
	_ =	sdelay $0x3  }
0x349: {  	[tilespmem:v41+s1+$0x0] =	vst.idx.msk $0xffff, v3  }
0x34a: {  	v3 =	vld.idx.msk [tilespmem:v5+s7+$0x0], $0xffff  }
0x34b: {  	v5 =	vadd.s32 $0x8F63, v1;
	_ =	sdelay $0x3  }
0x34c: {  	[tilespmem:v43+s1+$0x0] =	vst.idx.msk $0xffff, v3  }
0x34d: {  	v3 =	vld.idx.msk [tilespmem:v5+s7+$0x0], $0xffff  }
0x34e: {  	v5 =	vadd.s32 $0x95E3, v1;
	_ =	sdelay $0x3  }
0x34f: {  	[tilespmem:v45+s1+$0x0] =	vst.idx.msk $0xffff, v3  }
0x350: {  	v3 =	vld.idx.msk [tilespmem:v5+s7+$0x0], $0xffff  }
0x351: {  	v5 =	vadd.s32 $0x9C63, v1;
	_ =	sdelay $0x3  }
0x352: {  	[tilespmem:v47+s1+$0x0] =	vst.idx.msk $0xffff, v3  }
0x353: {  	v3 =	vld.idx.msk [tilespmem:v5+s7+$0x0], $0xffff  }
0x354: {  	v5 =	vadd.s32 $0xA2E3, v1;
	_ =	sdelay $0x3  }
0x355: {  	[tilespmem:v49+s1+$0x0] =	vst.idx.msk $0xffff, v3  }
0x356: {  	v3 =	vld.idx.msk [tilespmem:v5+s7+$0x0], $0xffff  }
0x357: {  	v5 =	vadd.s32 $0xA963, v1;
	_ =	sdelay $0x3  }
0x358: {  	[tilespmem:v51+s1+$0x0] =	vst.idx.msk $0xffff, v3  }
0x359: {  	v3 =	vld.idx.msk [tilespmem:v5+s7+$0x0], $0xffff  }
0x35a: {  	v5 =	vadd.s32 $0xAFE3, v1;
	_ =	sdelay $0x3  }
0x35b: {  	[tilespmem:v53+s1+$0x0] =	vst.idx.msk $0xffff, v3  }
0x35c: {  	v3 =	vld.idx.msk [tilespmem:v5+s7+$0x0], $0xffff  }
0x35d: {  	v5 =	vadd.s32 $0xB663, v1;
	_ =	sdelay $0x3  }
0x35e: {  	[tilespmem:v55+s1+$0x0] =	vst.idx.msk $0xffff, v3  }
0x35f: {  	v3 =	vld.idx.msk [tilespmem:v5+s7+$0x0], $0xffff  }
0x360: {  	v5 =	vadd.s32 $0xBCE3, v1;
	_ =	sdelay $0x3  }
0x361: {  	[tilespmem:v57+s1+$0x0] =	vst.idx.msk $0xffff, v3  }
0x362: {  	v3 =	vld.idx.msk [tilespmem:v5+s7+$0x0], $0xffff  }
0x363: {  	v5 =	vadd.s32 $0xC363, v1;
	_ =	sdelay $0x3  }
0x364: {  	[tilespmem:v59+s1+$0x0] =	vst.idx.msk $0xffff, v3  }
0x365: {  	v3 =	vld.idx.msk [tilespmem:v5+s7+$0x0], $0xffff  }
0x366: {  	v5 =	vadd.s32 $0xC9E3, v1;
	_ =	sdelay $0x3  }
0x367: {  	[tilespmem:v61+s1+$0x0] =	vst.idx.msk $0xffff, v3  }
0x368: {  	v3 =	vld.idx.msk [tilespmem:v5+s7+$0x0], $0xffff;
	_ =	sdelay $0x3  }
0x369: {  	s23 =	simm.s32 $0x0  }
0x36a: {  	s11 =	sand.u32 $0xC, s23;
	[tilespmem:v63+s1+$0x0] =	vst.idx.msk $0xffff, v3  }
0x36b: {  	[tilespmem:s0], [sflag:$0x2] =	stream.indirect.gather [hbm4b:s4+s30], $0x20, s1, s30, $0xb8;
	[tilespmem:$0x1D400] =	vst v63  }
0x36c: {  	s28 =	sor.u32 $0x3, s11;
	_ =	swait.ge [sflag:s5], $0x4000  }
0x36d: {  	s26 =	sor.u32 $0x1, s11;
	v16 =	vadd.s32 s28, v0;
	[sflag:s5] =	ssyncset.done $0x0  }
0x36e: {  	v12 =	vand.u32 $0xF, v16;
	v32 =	vshll.u32 v16, $0x9;
	v7 =	vadd.s32 s26, v0;
	[sflag:s5] =	ssyncadd.s32 $0xFFFFC000  }
0x36f: {  	s13 =	sand.u32 $0x1F0, s23;
	v40 =	vand.u32 $0x1000, v32;
	v14 =	vshll.u32 v7, $0x9;
	v5 =	vadd.s32 s11, v0;
	s11 =	sor.u32 $0x2, s11;
	_ =	swait.ge [sflag:s20], $0x1000  }
0x370: {  	s14 =	sand.u32 $0x70, s23;
	v26 =	vand.u32 $0xF, v7;
	v18 =	vand.u32 $0x1000, v14;
	s7 =	sand.u32 $0xC00, s7;
	v20 =	vadd.s32 s11, v0;
	[sflag:s20] =	ssyncset.done $0x0  }
0x371: {  	s7 =	sor.u32 s14, s7;
	v22 =	vshll.u32 v5, $0x7;
	v30 =	vand.u32 $0xF, v5;
	v3 =	vmov s13;
	[sflag:s20] =	ssyncadd.s32 $0xFFFFF000  }
0x372: {  	v10 =	vor.u32 s7, v6;
	v28 =	vand.u32 $0xF, v20;
	v3 =	vshll.u32 v3, $0x5;
	_ =	swait.ge [sflag:s20], $0x1000  }
0x373: {  	s14 =	sor.u32 $0x2000, s7;
	v36 =	vand.u32 $0x380, v22;
	v38 =	vshll.u32 v20, $0x9;
	v3 =	vor.u32 v4, v3;
	[sflag:s20] =	ssyncset.done $0x0  }
0x374: {  	v8 =	vor.u32 s14, v6;
	v24 =	vor.u32 $0x10, v3;
	v34 =	vor.u32 v3, v12;
	[sflag:s20] =	ssyncadd.s32 $0xFFFFF000  }
0x375: {  	v28 =	vor.u32 v3, v28;
	v26 =	vor.u32 v3, v26;
	v12 =	vor.u32 v5, v24;
	_ =	swait.ge [sflag:s20], $0x1000  }
0x376: {  	v14 =	vor.u32 v7, v24;
	v7 =	vshll.u32 v7, $0x7;
	v5 =	vshll.u32 v5, $0x9;
	[sflag:s20] =	ssyncset.done $0x0  }
0x377: {  	v42 =	vor.u32 v16, v24;
	v22 =	vor.u32 v20, v24;
	v5 =	vand.u32 $0x1000, v5;
	[sflag:s20] =	ssyncadd.s32 $0xFFFFF000  }
0x378: {  	v16 =	vshll.u32 v16, $0x7;
	v24 =	vand.u32 $0x1000, v38;
	v5 =	vor.u32 v5, v36;
	_ =	swait.ge [sflag:s20], $0x1000  }
0x379: {  	v20 =	vshll.u32 v20, $0x7;
	v32 =	vor.u32 v2, v5;
	v5 =	vand.u32 $0x380, v16;
	[sflag:s20] =	ssyncset.done $0x0  }
0x37a: {  	v36 =	vand.u32 $0x380, v7;
	v7 =	vand.u32 $0x380, v20;
	v5 =	vor.u32 v40, v5;
	[sflag:s20] =	ssyncadd.s32 $0xFFFFF000  }
0x37b: {  	v30 =	vor.u32 v30, v3;
	v3 =	vor.u32 v24, v7;
	v40 =	vor.u32 v2, v5;
	v20 =	vld.idx.msk [tilespmem:v34+s31+$0x0], $0xffff  }
0x37c: {  	s7 =	simm.s32 $0x20;
	v16 =	vor.u32 v32, v10;
	v38 =	vor.u32 v2, v3;
	v24 =	vld.idx.msk [tilespmem:v42+s31+$0x0], $0xffff;
	v34 =	vor.u32 v40, v10  }
.LBB2_12:
0x37d: {  	s23 =	sadd.s32 $0x4, s23;
	s11 =	sand.u32 $0xC00, s7;
	v3 =	vor.u32 v32, v8;
	v5 =	vor.u32 v18, v36;
	v7 =	vld.idx.msk [tilespmem:v28+s31+$0x0], $0xffff;
	v18 =	vor.u32 v40, v8  }
0x37e: {  	v28 =	vor.u32 v38, v10;
	v32 =	vor.u32 v38, v8;
	s13 =	sand.u32 $0xC, s23;
	s14 =	sand.u32 $0x1F0, s23;
	s22 =	sand.u32 $0x70, s23;
	v5 =	vor.u32 v2, v5;
	v22 =	vld.idx.msk [tilespmem:v22+s31+$0x0], $0xffff  }
0x37f: {  	v36 =	vadd.s32 s13, v0;
	v38 =	vmov s14;
	s11 =	sor.u32 s22, s11;
	s14 =	sor.u32 $0x1, s13;
	s22 =	sor.u32 $0x2, s13;
	v26 =	vld.idx.msk [tilespmem:v26+s31+$0x0], $0xffff;
	v40 =	vor.u32 v5, v8  }
0x380: {  	p0 =	slt.u32 s23, $0x1FC;
	s13 =	sor.u32 $0x3, s13;
	v5 =	vor.u32 v5, v10;
	v8 =	vshll.u32 v38, $0x5;
	s24 =	sor.u32 $0x2000, s11;
	v38 =	vadd.s32 s14, v0;
	v30 =	vld.idx.msk [tilespmem:v30+s31+$0x0], $0xffff  }
0x381: {  	v44 =	vadd.s32 s13, v0;
	v42 =	vor.u32 v4, v8;
	v8 =	vor.u32 s24, v6;
	v46 =	vld.idx.msk [tilespmem:v14+s31+$0x0], $0xffff;
	[tilespmem:v34+s10+$0x0] =	vst.idx.msk $0xffff, v20  }
0x382: {  	v10 =	vor.u32 s11, v6;
	v20 =	vadd.s32 s22, v0;
	v14 =	vand.u32 $0xF, v44;
	v34 =	vld.idx.msk [tilespmem:v12+s31+$0x0], $0xffff;
	[tilespmem:v18+s10+$0x0] =	vst.idx.msk $0xffff, v24  }
0x383: {  	v50 =	vand.u32 $0xF, v38;
	v24 =	vshll.u32 v36, $0x7;
	v48 =	vor.u32 $0x10, v42;
	[tilespmem:v28+s10+$0x0] =	vst.idx.msk $0xffff, v7  }
0x384: {  	v18 =	vshll.u32 v38, $0x9;
	v52 =	vor.u32 v42, v14;
	v7 =	vand.u32 $0xF, v36;
	[tilespmem:v32+s10+$0x0] =	vst.idx.msk $0xffff, v22  }
0x385: {  	v12 =	vor.u32 v36, v48;
	v18 =	vand.u32 $0x1000, v18;
	v14 =	vor.u32 v38, v48;
	[tilespmem:v5+s10+$0x0] =	vst.idx.msk $0xffff, v26  }
0x386: {  	v22 =	vand.u32 $0xF, v20;
	v5 =	vshll.u32 v38, $0x7;
	v26 =	vshll.u32 v44, $0x9;
	[tilespmem:v16+s10+$0x0] =	vst.idx.msk $0xffff, v30  }
0x387: {  	v24 =	vand.u32 $0x380, v24;
	v54 =	vor.u32 v44, v48;
	v16 =	vshll.u32 v36, $0x9;
	[tilespmem:v40+s10+$0x0] =	vst.idx.msk $0xffff, v46  }
0x388: {  	v30 =	vshll.u32 v20, $0x9;
	v38 =	vand.u32 $0x1000, v26;
	v16 =	vand.u32 $0x1000, v16;
	[tilespmem:v3+s10+$0x0] =	vst.idx.msk $0xffff, v34  }
0x389: {  	v28 =	vor.u32 v42, v22;
	v22 =	vor.u32 v20, v48;
	v3 =	vshll.u32 v44, $0x7  }
.Ltmp5:
0x38a: {  	v16 =	vor.u32 v16, v24;
	v24 =	vand.u32 $0x1000, v30;
	v30 =	vshll.u32 v20, $0x7;
	(pc) =	sbr.rel @p0 .LBB2_12-.Ltmp5, $4  }
0x38b: {  	v26 =	vor.u32 v42, v50;
	v32 =	vor.u32 v2, v16;
	v3 =	vand.u32 $0x380, v3;
	v20 =	vld.idx.msk [tilespmem:v52+s31+$0x0], $0xffff  }
0x38c: {  	v36 =	vand.u32 $0x380, v5;
	v5 =	vand.u32 $0x380, v30;
	v3 =	vor.u32 v38, v3  }
0x38d: {  	v30 =	vor.u32 v7, v42;
	v5 =	vor.u32 v24, v5;
	v40 =	vor.u32 v2, v3  }
0x38e: {  	s7 =	sadd.s32 $0x20, s7;
	v16 =	vor.u32 v32, v10;
	v38 =	vor.u32 v2, v5;
	v34 =	vor.u32 v40, v10;
	v24 =	vld.idx.msk [tilespmem:v54+s31+$0x0], $0xffff  }
0x38f: {  	_ =	sdelay $0x2  }
0x390: {  	v3 =	vor.u32 v40, v8  }
0x391: {  	v5 =	vor.u32 v18, v36;
	v7 =	vld.idx.msk [tilespmem:v28+s31+$0x0], $0xffff;
	v18 =	vor.u32 v38, v10  }
0x392: {  	v30 =	vld.idx.msk [tilespmem:v30+s31+$0x0], $0xffff  }
0x393: {  	v22 =	vld.idx.msk [tilespmem:v22+s31+$0x0], $0xffff;
	v28 =	vor.u32 v38, v8;
	v5 =	vor.u32 v2, v5  }
0x394: {  	v26 =	vld.idx.msk [tilespmem:v26+s31+$0x0], $0xffff;
	[tilespmem:v34+s10+$0x0] =	vst.idx.msk $0xffff, v20;
	v10 =	vor.u32 v5, v10  }
0x395: {  	v14 =	vld.idx.msk [tilespmem:v14+s31+$0x0], $0xffff;
	v5 =	vor.u32 v5, v8;
	[tilespmem:v3+s10+$0x0] =	vst.idx.msk $0xffff, v24  }
0x396: {  	v3 =	vor.u32 v32, v8;
	v8 =	vld.idx.msk [tilespmem:v12+s31+$0x0], $0xffff;
	[tilespmem:v18+s10+$0x0] =	vst.idx.msk $0xffff, v7  }
0x397: {  	[tilespmem:v16+s10+$0x0] =	vst.idx.msk $0xffff, v30  }
0x398: {  	[tilespmem:v28+s10+$0x0] =	vst.idx.msk $0xffff, v22  }
0x399: {  	[tilespmem:v10+s10+$0x0] =	vst.idx.msk $0xffff, v26  }
0x39a: {  	[tilespmem:v5+s10+$0x0] =	vst.idx.msk $0xffff, v14  }
0x39b: {  	[tilespmem:v3+s10+$0x0] =	vst.idx.msk $0xffff, v8  }
0x39c: {  	s7 =	simm.s32 $0x0;
	s11 =	rddreg [dreg:$0xc]  }
0x39d: {  	[hbm4b:s11+s7] =	stream.linear.scatter [tilespmem:s10], [sflag:$0x3], $0x1000, $0x38;
	[tilespmem:$0x1D400] =	vst v63  }
0x39e: {  	s13 =	simm.s32 $0x16400;
	s28 =	rddreg [dreg:$0xd]  }
0x39f: {  	[hbm4b:s28+s7] =	stream.linear.scatter [tilespmem:s13], [sflag:$0x3], $0x1000, $0x38;
	[tilespmem:$0x1D400] =	vst v63  }
0x3a0: {  	s14 =	simm.s32 $0x17400;
	s13 =	rddreg [dreg:$0xe]  }
0x3a1: {  	[hbm4b:s13+s7] =	stream.linear.scatter [tilespmem:s14], [sflag:$0x3], $0x1000, $0x38;
	[tilespmem:$0x1D400] =	vst v63  }
0x3a2: {  	s23 =	simm.s32 $0x18400;
	s22 =	rddreg [dreg:$0xf]  }
0x3a3: {  	[hbm4b:s22+s7] =	stream.linear.scatter [tilespmem:s23], [sflag:$0x3], $0x1000, $0x38;
	[tilespmem:$0x1D400] =	vst v63  }
0x3a4: {  	s23 =	simm.s32 $0x0;
	s7 =	sand.u32 $0xC00, s7;
	_ =	swait.ge [sflag:s15], $0x4000  }
0x3a5: {  	s24 =	sand.u32 $0xC, s23;
	s25 =	sand.u32 $0x1F0, s23;
	s14 =	sand.u32 $0x70, s23  }
0x3a6: {  	[sflag:s15] =	ssyncset.done $0x0;
	v3 =	vmov s25;
	s7 =	sor.u32 s14, s7;
	s26 =	sor.u32 $0x1, s24  }
0x3a7: {  	v5 =	vadd.s32 s24, v0;
	s28 =	sor.u32 $0x3, s24;
	s11 =	sor.u32 $0x2, s24;
	[sflag:s15] =	ssyncadd.s32 $0xFFFFC000;
	v3 =	vshll.u32 v3, $0x5;
	v7 =	vadd.s32 s26, v0  }
0x3a8: {  	v16 =	vadd.s32 s28, v0;
	v10 =	vor.u32 s7, v6;
	v20 =	vadd.s32 s11, v0;
	_ =	swait.ge [sflag:s21], $0x1000  }
0x3a9: {  	s14 =	sor.u32 $0x2000, s7;
	v22 =	vshll.u32 v5, $0x7;
	v30 =	vand.u32 $0xF, v5;
	v3 =	vor.u32 v4, v3;
	[sflag:s21] =	ssyncset.done $0x0  }
0x3aa: {  	v8 =	vor.u32 s14, v6;
	v12 =	vand.u32 $0xF, v16;
	v26 =	vand.u32 $0xF, v7;
	[sflag:s21] =	ssyncadd.s32 $0xFFFFF000  }
0x3ab: {  	v14 =	vshll.u32 v7, $0x9;
	v28 =	vand.u32 $0xF, v20;
	v48 =	vshll.u32 v16, $0x9;
	_ =	swait.ge [sflag:s21], $0x1000  }
0x3ac: {  	v50 =	vand.u32 $0x380, v22;
	v52 =	vshll.u32 v20, $0x9;
	v24 =	vor.u32 $0x10, v3;
	[sflag:s21] =	ssyncset.done $0x0  }
0x3ad: {  	v46 =	vor.u32 v3, v12;
	v18 =	vand.u32 $0x1000, v14;
	v54 =	vand.u32 $0x1000, v48;
	[sflag:s21] =	ssyncadd.s32 $0xFFFFF000  }
0x3ae: {  	v28 =	vor.u32 v3, v28;
	v26 =	vor.u32 v3, v26;
	v12 =	vor.u32 v5, v24;
	_ =	swait.ge [sflag:s21], $0x1000  }
0x3af: {  	v14 =	vor.u32 v7, v24;
	v7 =	vshll.u32 v7, $0x7;
	v5 =	vshll.u32 v5, $0x9;
	[sflag:s21] =	ssyncset.done $0x0  }
0x3b0: {  	v42 =	vor.u32 v16, v24;
	v22 =	vor.u32 v20, v24;
	v5 =	vand.u32 $0x1000, v5;
	[sflag:s21] =	ssyncadd.s32 $0xFFFFF000  }
0x3b1: {  	v16 =	vshll.u32 v16, $0x7;
	v24 =	vand.u32 $0x1000, v52;
	v5 =	vor.u32 v5, v50;
	_ =	swait.ge [sflag:s21], $0x1000  }
0x3b2: {  	v20 =	vshll.u32 v20, $0x7;
	v32 =	vor.u32 v2, v5;
	v5 =	vand.u32 $0x380, v16;
	[sflag:s21] =	ssyncset.done $0x0  }
0x3b3: {  	v36 =	vand.u32 $0x380, v7;
	v7 =	vand.u32 $0x380, v20;
	v5 =	vor.u32 v54, v5;
	[sflag:s21] =	ssyncadd.s32 $0xFFFFF000  }
0x3b4: {  	v30 =	vor.u32 v30, v3;
	v3 =	vor.u32 v24, v7;
	v40 =	vor.u32 v2, v5;
	v20 =	vld.idx.msk [tilespmem:v46+s0+$0x0], $0xffff  }
0x3b5: {  	s7 =	simm.s32 $0x20;
	v38 =	vor.u32 v2, v3;
	v16 =	vor.u32 v32, v10;
	v34 =	vor.u32 v40, v10;
	v24 =	vld.idx.msk [tilespmem:v42+s0+$0x0], $0xffff  }
.LBB2_14:
0x3b6: {  	s23 =	sadd.s32 $0x4, s23;
	s11 =	sand.u32 $0xC00, s7;
	v3 =	vor.u32 v32, v8;
	v5 =	vor.u32 v18, v36;
	v7 =	vld.idx.msk [tilespmem:v28+s0+$0x0], $0xffff;
	v18 =	vor.u32 v40, v8  }
0x3b7: {  	v28 =	vor.u32 v38, v10;
	v32 =	vor.u32 v38, v8;
	s13 =	sand.u32 $0xC, s23;
	s14 =	sand.u32 $0x1F0, s23;
	s22 =	sand.u32 $0x70, s23;
	v5 =	vor.u32 v2, v5;
	v22 =	vld.idx.msk [tilespmem:v22+s0+$0x0], $0xffff  }
0x3b8: {  	v36 =	vadd.s32 s13, v0;
	v38 =	vmov s14;
	s11 =	sor.u32 s22, s11;
	s14 =	sor.u32 $0x1, s13;
	s22 =	sor.u32 $0x2, s13;
	v26 =	vld.idx.msk [tilespmem:v26+s0+$0x0], $0xffff;
	v40 =	vor.u32 v5, v8  }
0x3b9: {  	p0 =	slt.u32 s23, $0x1FC;
	s13 =	sor.u32 $0x3, s13;
	v5 =	vor.u32 v5, v10;
	v8 =	vshll.u32 v38, $0x5;
	s24 =	sor.u32 $0x2000, s11;
	v38 =	vadd.s32 s14, v0;
	v30 =	vld.idx.msk [tilespmem:v30+s0+$0x0], $0xffff  }
0x3ba: {  	v44 =	vadd.s32 s13, v0;
	v42 =	vor.u32 v4, v8;
	v8 =	vor.u32 s24, v6;
	v46 =	vld.idx.msk [tilespmem:v14+s0+$0x0], $0xffff;
	[tilespmem:v34+s16+$0x0] =	vst.idx.msk $0xffff, v20  }
0x3bb: {  	v10 =	vor.u32 s11, v6;
	v20 =	vadd.s32 s22, v0;
	v14 =	vand.u32 $0xF, v44;
	v34 =	vld.idx.msk [tilespmem:v12+s0+$0x0], $0xffff;
	[tilespmem:v18+s16+$0x0] =	vst.idx.msk $0xffff, v24  }
0x3bc: {  	v50 =	vand.u32 $0xF, v38;
	v24 =	vshll.u32 v36, $0x7;
	v48 =	vor.u32 $0x10, v42;
	[tilespmem:v28+s16+$0x0] =	vst.idx.msk $0xffff, v7  }
0x3bd: {  	v18 =	vshll.u32 v38, $0x9;
	v52 =	vor.u32 v42, v14;
	v7 =	vand.u32 $0xF, v36;
	[tilespmem:v32+s16+$0x0] =	vst.idx.msk $0xffff, v22  }
0x3be: {  	v12 =	vor.u32 v36, v48;
	v18 =	vand.u32 $0x1000, v18;
	v14 =	vor.u32 v38, v48;
	[tilespmem:v5+s16+$0x0] =	vst.idx.msk $0xffff, v26  }
0x3bf: {  	v22 =	vand.u32 $0xF, v20;
	v5 =	vshll.u32 v38, $0x7;
	v26 =	vshll.u32 v44, $0x9;
	[tilespmem:v16+s16+$0x0] =	vst.idx.msk $0xffff, v30  }
0x3c0: {  	v24 =	vand.u32 $0x380, v24;
	v54 =	vor.u32 v44, v48;
	v16 =	vshll.u32 v36, $0x9;
	[tilespmem:v40+s16+$0x0] =	vst.idx.msk $0xffff, v46  }
0x3c1: {  	v30 =	vshll.u32 v20, $0x9;
	v38 =	vand.u32 $0x1000, v26;
	v16 =	vand.u32 $0x1000, v16;
	[tilespmem:v3+s16+$0x0] =	vst.idx.msk $0xffff, v34  }
0x3c2: {  	v28 =	vor.u32 v42, v22;
	v22 =	vor.u32 v20, v48;
	v3 =	vshll.u32 v44, $0x7  }
.Ltmp6:
0x3c3: {  	v16 =	vor.u32 v16, v24;
	v24 =	vand.u32 $0x1000, v30;
	v30 =	vshll.u32 v20, $0x7;
	(pc) =	sbr.rel @p0 .LBB2_14-.Ltmp6, $4  }
0x3c4: {  	v26 =	vor.u32 v42, v50;
	v32 =	vor.u32 v2, v16;
	v3 =	vand.u32 $0x380, v3;
	v20 =	vld.idx.msk [tilespmem:v52+s0+$0x0], $0xffff  }
0x3c5: {  	v36 =	vand.u32 $0x380, v5;
	v5 =	vand.u32 $0x380, v30;
	v3 =	vor.u32 v38, v3  }
0x3c6: {  	v30 =	vor.u32 v7, v42;
	v5 =	vor.u32 v24, v5;
	v40 =	vor.u32 v2, v3  }
0x3c7: {  	s7 =	sadd.s32 $0x20, s7;
	v16 =	vor.u32 v32, v10;
	v38 =	vor.u32 v2, v5;
	v34 =	vor.u32 v40, v10;
	v24 =	vld.idx.msk [tilespmem:v54+s0+$0x0], $0xffff  }
0x3c8: {  	_ =	sdelay $0x3  }
0x3c9: {  	v3 =	vor.u32 v40, v8;
	v5 =	vld.idx.msk [tilespmem:v28+s0+$0x0], $0xffff  }
0x3ca: {  	v6 =	vor.u32 v38, v10;
	v54 =	vld.idx.msk [tilespmem:v22+s0+$0x0], $0xffff  }
0x3cb: {  	v4 =	vor.u32 v18, v36;
	v22 =	vld.idx.msk [tilespmem:v30+s0+$0x0], $0xffff  }
0x3cc: {  	v7 =	vor.u32 v38, v8;
	v2 =	vor.u32 v2, v4  }
0x3cd: {  	v18 =	vld.idx.msk [tilespmem:v26+s0+$0x0], $0xffff;
	[tilespmem:v34+s16+$0x0] =	vst.idx.msk $0xffff, v20;
	v10 =	vor.u32 v2, v10  }
0x3ce: {  	v14 =	vld.idx.msk [tilespmem:v14+s0+$0x0], $0xffff;
	v2 =	vor.u32 v2, v8;
	[tilespmem:v3+s16+$0x0] =	vst.idx.msk $0xffff, v24  }
0x3cf: {  	v3 =	vor.u32 v32, v8;
	v8 =	vld.idx.msk [tilespmem:v12+s0+$0x0], $0xffff;
	[tilespmem:v6+s16+$0x0] =	vst.idx.msk $0xffff, v5  }
0x3d0: {  	[tilespmem:v16+s16+$0x0] =	vst.idx.msk $0xffff, v22  }
0x3d1: {  	[tilespmem:v7+s16+$0x0] =	vst.idx.msk $0xffff, v54  }
0x3d2: {  	[tilespmem:v10+s16+$0x0] =	vst.idx.msk $0xffff, v18  }
0x3d3: {  	[tilespmem:v2+s16+$0x0] =	vst.idx.msk $0xffff, v14  }
0x3d4: {  	[tilespmem:v3+s16+$0x0] =	vst.idx.msk $0xffff, v8  }
0x3d5: {  	s7 =	rddreg [dreg:$0x10]  }
0x3d6: {  	[hbm4b:s7+s3] =	stream.linear.scatter [tilespmem:s16], [sflag:$0x4], $0x1000, $0x38;
	[tilespmem:$0x1D400] =	vst v63  }
0x3d7: {  	s24 =	rddreg [dreg:$0x11]  }
0x3d8: {  	[hbm4b:s24+s3] =	stream.linear.scatter [tilespmem:s17], [sflag:$0x4], $0x1000, $0x38;
	[tilespmem:$0x1D400] =	vst v63  }
0x3d9: {  	s25 =	rddreg [dreg:$0x12]  }
0x3da: {  	[hbm4b:s25+s3] =	stream.linear.scatter [tilespmem:s18], [sflag:$0x4], $0x1000, $0x38;
	[tilespmem:$0x1D400] =	vst v63  }
0x3db: {  	s26 =	rddreg [dreg:$0x14]  }
0x3dc: {  	[hbm4b:s26+s3] =	stream.linear.scatter [tilespmem:s19], [sflag:$0x4], $0x1000, $0x38;
	[tilespmem:$0x1D400] =	vst v63  }
0x3dd: {  	_ =	swait.ge [sflag:s20], $0x1000  }
0x3de: {  	[sflag:s20] =	ssyncset.done $0x0  }
0x3df: {  	[sflag:s20] =	ssyncadd.s32 $0xFFFFF000  }
0x3e0: {  	_ =	swait.ge [sflag:s20], $0x1000  }
0x3e1: {  	[sflag:s20] =	ssyncset.done $0x0  }
0x3e2: {  	[sflag:s20] =	ssyncadd.s32 $0xFFFFF000  }
0x3e3: {  	_ =	swait.ge [sflag:s20], $0x1000  }
0x3e4: {  	[sflag:s20] =	ssyncset.done $0x0  }
0x3e5: {  	[sflag:s20] =	ssyncadd.s32 $0xFFFFF000  }
0x3e6: {  	_ =	swait.ge [sflag:s20], $0x1000  }
0x3e7: {  	[sflag:s20] =	ssyncset.done $0x0  }
0x3e8: {  	[sflag:s20] =	ssyncadd.s32 $0xFFFFF000  }
0x3e9: {  	_ =	swait.ge [sflag:s21], $0x1000  }
0x3ea: {  	[sflag:s21] =	ssyncset.done $0x0  }
0x3eb: {  	[sflag:s21] =	ssyncadd.s32 $0xFFFFF000  }
0x3ec: {  	_ =	swait.ge [sflag:s21], $0x1000  }
0x3ed: {  	[sflag:s21] =	ssyncset.done $0x0  }
0x3ee: {  	[sflag:s21] =	ssyncadd.s32 $0xFFFFF000  }
0x3ef: {  	_ =	swait.ge [sflag:s21], $0x1000  }
0x3f0: {  	[sflag:s21] =	ssyncset.done $0x0  }
0x3f1: {  	[sflag:s21] =	ssyncadd.s32 $0xFFFFF000  }
0x3f2: {  	_ =	swait.ge [sflag:s21], $0x1000  }
0x3f3: {  	s11 =	rddreg [dreg:$0x15]  }
0x3f4: {  	s28 =	rddreg [dreg:$0x13];
	s11 =	sadd.s32 $0x1, s11  }
0x3f5: {  	p0 =	sne.s32 s11, s28  }
.Ltmp7:
0x3f6: {  	_ = 	snop;
	(pc) =	sbr.rel @p0 .LBB2_1-.Ltmp7, $3  }
0x3f7: {  	_ =	sdelay $0x1  }
0x3f8: {  	[sflag:s21] =	ssyncset.done $0x0  }
0x3f9: {  	[sflag:s21] =	ssyncadd.s32 $0xFFFFF000  }
0x3fa: {  	_ =	sfence.sel $0x180000  }
0x3fb: {  	[bflag:$0x0] =	sbarrier.arrive $0xFFFF  }
0x3fc: {  	_ =	strace $0x9000004A  }
0x3fd: {  	s0 =	stileid.u32;
	[bflag:$0x2] =	sbarrier.arrive $0xFFFF  }
0x3fe: {  	p0 =	sne.s32 s0, $0x0;
	s0 =	rddreg [dreg:$0x2]  }
0x3ff: {  	s0 =	sadd.s32 @!p0 $0x100000, s0  }
0x400: {  	[sflag:s0] =	ssyncadd.tile.s32 @!p0 $0x1;
	_ =	shalt  }
.Lfunc_end2:
_tile_overlayer_lowered:
.L_overlay_start_2:
0x401: {  	(tag) =	ssettag $0x2  }
0x402: {  	s0 =	rddreg [dreg:$0x0];
	s2 =	stileid.u32  }
0x403: {  	s1 =	rddreg [dreg:$0x1];
	p0 =	sne.s32 s2, $0x0  }
0x404: {  	s3 =	rddreg [dreg:$0x2];
	[bflag:$0x3] =	sbarrier.arrive $0xFFFF;
	s2 =	simm.s32 @!p0 $0x1C05  }
0x405: {  	[timem:s3], [sflag:s2] =	dma.local @!p0 [hbm:s0], s1  }
0x406: {  	s0 =	simm.s32 @!p0 $0x5  }
0x407: {  	_ =	swait.ge @!p0 [sflag:s0], s1  }
0x408: {  	s1 =	ssub.s32 @!p0 $0x0, s1;
	[sflag:s0] =	ssyncset.done @!p0 $0x0  }
0x409: {  	[sflag:s0] =	ssyncadd.s32 @!p0 s1  }
0x40a: {  	[bflag:$0x3] =	sbarrier.arrive $0xFFFF  }
0x40b: {  	_ =	shalt  }

</sc_bundles>
